<compile_context>
chip_gen: v7x
topology: tpu7x:2x2x1
jax: 0.10.2.dev20260603
libtpu: 0.0.44.dev20260713+nightly
codegen_flags: <defaults>
</compile_context>

<pallas_src>
import functools

import jax
import jax.numpy as jnp
from jax import lax
from jax.experimental import pallas as pl
from jax.experimental.pallas import tpu as pltpu
from jax.experimental.pallas import tpu_sc as plsc

_B = 4
_F = 128
_STEP = 2
_OUTF = _F // _STEP
_NROWS = _B * _OUTF
_NC, _NS = 2, 16
_NW = _NC * _NS
_RPW = _NROWS // _NW


def _make_sc_copy():
    mesh = plsc.VectorSubcoreMesh(
        core_axis_name="c", subcore_axis_name="s",
        num_cores=_NC, num_subcores=_NS)

    @functools.partial(
        pl.kernel,
        out_type=(
            jax.ShapeDtypeStruct((_B, _OUTF, 3, 112, 112), jnp.float32),
            jax.ShapeDtypeStruct((_B, _OUTF, 1024), jnp.float32),
        ),
        mesh=mesh,
        scratch_types=[
            pltpu.VMEM((4, 3, 56, 112), jnp.float32),
            pltpu.VMEM((_RPW, 1024), jnp.float32),
            pltpu.SemaphoreType.DMA((4,)),
            pltpu.SemaphoreType.DMA((4,)),
            pltpu.SemaphoreType.DMA,
            pltpu.SemaphoreType.DMA,
        ],
    )
    def sc_copy(vin, ain, vout, aout, vbuf, abuf, insems, outsems, asem_in, asem_out):
        wid = lax.axis_index("s") * _NC + lax.axis_index("c")
        base = wid * _RPW
        b = base // _OUTF
        i0 = base % _OUTF

        a_in = [
            pltpu.make_async_copy(ain.at[b, _STEP * (i0 + j)], abuf.at[j], asem_in)
            for j in range(_RPW)
        ]
        _NM = 2 * _RPW
        v_in = [
            pltpu.make_async_copy(
                vin.at[b, _STEP * (i0 + m // 2), :, pl.ds(56 * (m % 2), 56), :],
                vbuf.at[m % 4], insems.at[m % 4])
            for m in range(_NM)
        ]
        v_out = [
            pltpu.make_async_copy(
                vbuf.at[m % 4],
                vout.at[b, i0 + m // 2, :, pl.ds(56 * (m % 2), 56), :],
                outsems.at[m % 4])
            for m in range(_NM)
        ]
        a_out = pltpu.make_async_copy(abuf, aout.at[b, pl.ds(i0, _RPW)], asem_out)

        for c in a_in:
            c.start()
        for m in range(4):
            v_in[m].start()
        for m in range(_NM):
            if m >= 1:
                v_out[m - 1].wait()
                if m + 3 < _NM:
                    v_in[m + 3].start()
            v_in[m].wait()
            v_out[m].start()
        v_out[_NM - 1].wait()
        for c in a_in:
            c.wait()
        a_out.start()
        a_out.wait()

    return sc_copy


_sc_copy = _make_sc_copy()


def kernel(video, audio):
    return _sc_copy(video, audio)

# --- scband reference (transcript-rebuilt; emitter-appended) ---
"""Pipeline reference for scband-frames-range-extractor-with-random-step-395136991783 (READ-ONLY COPY).

The authoritative reference and input builder live on the scoring server;
editing this copy changes nothing except your own understanding.
"""

import jax, jax.numpy as jnp
import numpy as np

MIN_STEP = 2
MAX_STEP = 2


def setup_inputs(seed: int = 0) -> dict:
    key = jax.random.key(seed)
    k1, k2 = jax.random.split(key)
    video = jax.random.normal(k1, (4, 128, 3, 112, 112), dtype=jnp.float32)
    audio = jax.random.normal(k2, (4, 128, 1024), dtype=jnp.float32)
    return {"video": video, "audio": audio}


def reference(video, audio):
    # np.random.randint(min_step, max_step + 1) with min_step == max_step == 2
    # is deterministic: step = 2.
    step = MIN_STEP
    indices = jnp.arange(0, video.shape[1], step)
    v_out = jnp.take(video, indices, axis=1)
    a_out = jnp.take(audio, indices, axis=1)
    return (v_out, a_out)

if __name__ == "__main__":
    import jax
    _d = setup_inputs()
    print(jax.jit(kernel)(*tuple(_d.values())))

</pallas_src>

<mosaic_0001>
#map = affine_map<(d0, d1) -> (0, 0, 0, 0, 0)>
#map1 = affine_map<(d0, d1) -> (0, 0, 0)>
module attributes {stable_mosaic.version = 14 : i64} {
  func.func @sc_copy(%arg0: i32, %arg1: i32, %arg2: memref<4x128x3x112x112xf32, #tpu.memory_space<hbm>>, %arg3: memref<4x128x1024xf32, #tpu.memory_space<hbm>>, %arg4: memref<4x64x3x112x112xf32, #tpu.memory_space<hbm>>, %arg5: memref<4x64x1024xf32, #tpu.memory_space<hbm>>, %arg6: memref<4x3x56x112xf32, #tpu.memory_space<vmem>>, %arg7: memref<8x1024xf32, #tpu.memory_space<vmem>>, %arg8: memref<4x!tpu.dma_semaphore, #tpu.memory_space<semaphore_mem>>, %arg9: memref<4x!tpu.dma_semaphore, #tpu.memory_space<semaphore_mem>>, %arg10: memref<!tpu.dma_semaphore, #tpu.memory_space<semaphore_mem>>, %arg11: memref<!tpu.dma_semaphore, #tpu.memory_space<semaphore_mem>>) attributes {dimension_semantics = [#tpu.dimension_semantics<core_parallel>, #tpu.dimension_semantics<subcore_parallel>], iteration_bounds = array<i64: 2, 16>, scalar_prefetch = 0 : i64, scratch_operands = 6 : i64, tpu.core_type = #tpu.core_type<sc_vector_subcore>, window_params = [{transform_indices = #map}, {transform_indices = #map1}, {transform_indices = #map}, {transform_indices = #map1}]} {
    %mul3A = arith.constant 2 : i32
    %mul3A_0 = arith.muli %arg1, %mul3A : i32
    %add3A = arith.addi %mul3A_0, %arg0 : i32
    %mul3A_1 = arith.constant 8 : i32
    %mul3A_2 = arith.muli %add3A, %mul3A_1 : i32
    %jit3A = arith.constant 64 : i32
    %div3A = arith.divsi %mul3A_2, %jit3A : i32
    %sign3A = arith.constant 0 : i32
    %sign3A_3 = arith.cmpi sgt, %mul3A_2, %sign3A : i32
    %sign3A_4 = arith.extui %sign3A_3 : i1 to i32
    %sign3A_5 = arith.constant 0 : i32
    %sign3A_6 = arith.cmpi slt, %mul3A_2, %sign3A_5 : i32
    %sign3A_7 = arith.extui %sign3A_6 : i1 to i32
    %sign3A_8 = arith.subi %sign3A_4, %sign3A_7 : i32
    %sign3A_9 = arith.constant 0 : i32
    %sign3A_10 = arith.cmpi sgt, %jit3A, %sign3A_9 : i32
    %sign3A_11 = arith.extui %sign3A_10 : i1 to i32
    %sign3A_12 = arith.constant 0 : i32
    %sign3A_13 = arith.cmpi slt, %jit3A, %sign3A_12 : i32
    %sign3A_14 = arith.extui %sign3A_13 : i1 to i32
    %sign3A_15 = arith.subi %sign3A_11, %sign3A_14 : i32
    %ne3A = arith.cmpi ne, %sign3A_8, %sign3A_15 : i32
    %rem3A = arith.remsi %mul3A_2, %jit3A : i32
    %ne3A_16 = arith.constant 0 : i32
    %ne3A_17 = arith.cmpi ne, %rem3A, %ne3A_16 : i32
    %and3A = arith.andi %ne3A, %ne3A_17 : i1
    %sub3A = arith.constant 1 : i32
    %sub3A_18 = arith.subi %div3A, %sub3A : i32
    %select_n3A = arith.select %and3A, %sub3A_18, %div3A : i32
    %jit3A_19 = arith.constant 64 : i32
    %eq3A = arith.constant 0 : i32
    %eq3A_20 = arith.cmpi eq, %jit3A_19, %eq3A : i32
    %jit3A_21 = arith.constant 1 : i32
    %select_n3A_22 = arith.select %eq3A_20, %jit3A_21, %jit3A_19 : i32
    %rem3A_23 = arith.remsi %mul3A_2, %select_n3A_22 : i32
    %ne3A_24 = arith.constant 0 : i32
    %ne3A_25 = arith.cmpi ne, %rem3A_23, %ne3A_24 : i32
    %lt3A = arith.constant 0 : i32
    %lt3A_26 = arith.cmpi slt, %rem3A_23, %lt3A : i32
    %lt3A_27 = arith.constant 0 : i32
    %lt3A_28 = arith.cmpi slt, %select_n3A_22, %lt3A_27 : i32
    %ne3A_29 = arith.xori %lt3A_26, %lt3A_28 : i1
    %and3A_30 = arith.andi %ne3A_29, %ne3A_25 : i1
    %add3A_31 = arith.addi %rem3A_23, %select_n3A_22 : i32
    %select_n3A_32 = arith.select %and3A_30, %add3A_31, %rem3A_23 : i32
    %add3A_33 = arith.constant 0 : i32
    %add3A_34 = arith.addi %select_n3A_32, %add3A_33 : i32
    %mul3A_35 = arith.constant 2 : i32
    %mul3A_36 = arith.muli %mul3A_35, %add3A_34 : i32
    %add3A_37 = arith.constant 1 : i32
    %add3A_38 = arith.addi %select_n3A_32, %add3A_37 : i32
    %mul3A_39 = arith.constant 2 : i32
    %mul3A_40 = arith.muli %mul3A_39, %add3A_38 : i32
    %add3A_41 = arith.constant 2 : i32
    %add3A_42 = arith.addi %select_n3A_32, %add3A_41 : i32
    %mul3A_43 = arith.constant 2 : i32
    %mul3A_44 = arith.muli %mul3A_43, %add3A_42 : i32
    %add3A_45 = arith.constant 3 : i32
    %add3A_46 = arith.addi %select_n3A_32, %add3A_45 : i32
    %mul3A_47 = arith.constant 2 : i32
    %mul3A_48 = arith.muli %mul3A_47, %add3A_46 : i32
    %add3A_49 = arith.constant 4 : i32
    %add3A_50 = arith.addi %select_n3A_32, %add3A_49 : i32
    %mul3A_51 = arith.constant 2 : i32
    %mul3A_52 = arith.muli %mul3A_51, %add3A_50 : i32
    %add3A_53 = arith.constant 5 : i32
    %add3A_54 = arith.addi %select_n3A_32, %add3A_53 : i32
    %mul3A_55 = arith.constant 2 : i32
    %mul3A_56 = arith.muli %mul3A_55, %add3A_54 : i32
    %add3A_57 = arith.constant 6 : i32
    %add3A_58 = arith.addi %select_n3A_32, %add3A_57 : i32
    %mul3A_59 = arith.constant 2 : i32
    %mul3A_60 = arith.muli %mul3A_59, %add3A_58 : i32
    %add3A_61 = arith.constant 7 : i32
    %add3A_62 = arith.addi %select_n3A_32, %add3A_61 : i32
    %mul3A_63 = arith.constant 2 : i32
    %mul3A_64 = arith.muli %mul3A_63, %add3A_62 : i32
    %add3A_65 = arith.constant 0 : i32
    %add3A_66 = arith.addi %select_n3A_32, %add3A_65 : i32
    %mul3A_67 = arith.constant 2 : i32
    %mul3A_68 = arith.muli %mul3A_67, %add3A_66 : i32
    %add3A_69 = arith.constant 0 : i32
    %add3A_70 = arith.addi %select_n3A_32, %add3A_69 : i32
    %mul3A_71 = arith.constant 2 : i32
    %mul3A_72 = arith.muli %mul3A_71, %add3A_70 : i32
    %add3A_73 = arith.constant 1 : i32
    %add3A_74 = arith.addi %select_n3A_32, %add3A_73 : i32
    %mul3A_75 = arith.constant 2 : i32
    %mul3A_76 = arith.muli %mul3A_75, %add3A_74 : i32
    %add3A_77 = arith.constant 1 : i32
    %add3A_78 = arith.addi %select_n3A_32, %add3A_77 : i32
    %mul3A_79 = arith.constant 2 : i32
    %mul3A_80 = arith.muli %mul3A_79, %add3A_78 : i32
    %add3A_81 = arith.constant 2 : i32
    %add3A_82 = arith.addi %select_n3A_32, %add3A_81 : i32
    %mul3A_83 = arith.constant 2 : i32
    %mul3A_84 = arith.muli %mul3A_83, %add3A_82 : i32
    %add3A_85 = arith.constant 2 : i32
    %add3A_86 = arith.addi %select_n3A_32, %add3A_85 : i32
    %mul3A_87 = arith.constant 2 : i32
    %mul3A_88 = arith.muli %mul3A_87, %add3A_86 : i32
    %add3A_89 = arith.constant 3 : i32
    %add3A_90 = arith.addi %select_n3A_32, %add3A_89 : i32
    %mul3A_91 = arith.constant 2 : i32
    %mul3A_92 = arith.muli %mul3A_91, %add3A_90 : i32
    %add3A_93 = arith.constant 3 : i32
    %add3A_94 = arith.addi %select_n3A_32, %add3A_93 : i32
    %mul3A_95 = arith.constant 2 : i32
    %mul3A_96 = arith.muli %mul3A_95, %add3A_94 : i32
    %add3A_97 = arith.constant 4 : i32
    %add3A_98 = arith.addi %select_n3A_32, %add3A_97 : i32
    %mul3A_99 = arith.constant 2 : i32
    %mul3A_100 = arith.muli %mul3A_99, %add3A_98 : i32
    %add3A_101 = arith.constant 4 : i32
    %add3A_102 = arith.addi %select_n3A_32, %add3A_101 : i32
    %mul3A_103 = arith.constant 2 : i32
    %mul3A_104 = arith.muli %mul3A_103, %add3A_102 : i32
    %add3A_105 = arith.constant 5 : i32
    %add3A_106 = arith.addi %select_n3A_32, %add3A_105 : i32
    %mul3A_107 = arith.constant 2 : i32
    %mul3A_108 = arith.muli %mul3A_107, %add3A_106 : i32
    %add3A_109 = arith.constant 5 : i32
    %add3A_110 = arith.addi %select_n3A_32, %add3A_109 : i32
    %mul3A_111 = arith.constant 2 : i32
    %mul3A_112 = arith.muli %mul3A_111, %add3A_110 : i32
    %add3A_113 = arith.constant 6 : i32
    %add3A_114 = arith.addi %select_n3A_32, %add3A_113 : i32
    %mul3A_115 = arith.constant 2 : i32
    %mul3A_116 = arith.muli %mul3A_115, %add3A_114 : i32
    %add3A_117 = arith.constant 6 : i32
    %add3A_118 = arith.addi %select_n3A_32, %add3A_117 : i32
    %mul3A_119 = arith.constant 2 : i32
    %mul3A_120 = arith.muli %mul3A_119, %add3A_118 : i32
    %add3A_121 = arith.constant 7 : i32
    %add3A_122 = arith.addi %select_n3A_32, %add3A_121 : i32
    %mul3A_123 = arith.constant 2 : i32
    %mul3A_124 = arith.muli %mul3A_123, %add3A_122 : i32
    %add3A_125 = arith.constant 7 : i32
    %add3A_126 = arith.addi %select_n3A_32, %add3A_125 : i32
    %mul3A_127 = arith.constant 2 : i32
    %mul3A_128 = arith.muli %mul3A_127, %add3A_126 : i32
    %add3A_129 = arith.constant 0 : i32
    %add3A_130 = arith.addi %select_n3A_32, %add3A_129 : i32
    %add3A_131 = arith.constant 0 : i32
    %add3A_132 = arith.addi %select_n3A_32, %add3A_131 : i32
    %add3A_133 = arith.constant 1 : i32
    %add3A_134 = arith.addi %select_n3A_32, %add3A_133 : i32
    %add3A_135 = arith.constant 1 : i32
    %add3A_136 = arith.addi %select_n3A_32, %add3A_135 : i32
    %add3A_137 = arith.constant 2 : i32
    %add3A_138 = arith.addi %select_n3A_32, %add3A_137 : i32
    %add3A_139 = arith.constant 2 : i32
    %add3A_140 = arith.addi %select_n3A_32, %add3A_139 : i32
    %add3A_141 = arith.constant 3 : i32
    %add3A_142 = arith.addi %select_n3A_32, %add3A_141 : i32
    %add3A_143 = arith.constant 3 : i32
    %add3A_144 = arith.addi %select_n3A_32, %add3A_143 : i32
    %add3A_145 = arith.constant 4 : i32
    %add3A_146 = arith.addi %select_n3A_32, %add3A_145 : i32
    %add3A_147 = arith.constant 4 : i32
    %add3A_148 = arith.addi %select_n3A_32, %add3A_147 : i32
    %add3A_149 = arith.constant 5 : i32
    %add3A_150 = arith.addi %select_n3A_32, %add3A_149 : i32
    %add3A_151 = arith.constant 5 : i32
    %add3A_152 = arith.addi %select_n3A_32, %add3A_151 : i32
    %add3A_153 = arith.constant 6 : i32
    %add3A_154 = arith.addi %select_n3A_32, %add3A_153 : i32
    %add3A_155 = arith.constant 6 : i32
    %add3A_156 = arith.addi %select_n3A_32, %add3A_155 : i32
    %add3A_157 = arith.constant 7 : i32
    %add3A_158 = arith.addi %select_n3A_32, %add3A_157 : i32
    %add3A_159 = arith.constant 7 : i32
    %add3A_160 = arith.addi %select_n3A_32, %add3A_159 : i32
    %dma_start3A = arith.constant 0 : i32
    %dma_start3A_161 = arith.constant 0 : i32
    %dma_start3A_162 = tpu.memref_slice %arg7[%dma_start3A, %dma_start3A_161] : memref<8x1024xf32, #tpu.memory_space<vmem>> -> memref<1x1024xf32, #tpu.memory_space<vmem>>
    %dma_start3A_163 = tpu.memref_squeeze %dma_start3A_162 : memref<1x1024xf32, #tpu.memory_space<vmem>> -> memref<1024xf32, #tpu.memory_space<vmem>>
    %dma_start3A_164 = arith.constant 0 : i32
    %dma_start3A_165 = tpu.memref_slice %arg3[%select_n3A, %mul3A_36, %dma_start3A_164] : memref<4x128x1024xf32, #tpu.memory_space<hbm>> -> memref<1x1x1024xf32, #tpu.memory_space<hbm>>
    %dma_start3A_166 = tpu.memref_squeeze %dma_start3A_165 : memref<1x1x1024xf32, #tpu.memory_space<hbm>> -> memref<1024xf32, #tpu.memory_space<hbm>>
    %dma_start3A_167 = arith.constant 0 : i32
    %dma_start3A_168 = tpu.memref_slice %arg7[%dma_start3A, %dma_start3A_167] : memref<8x1024xf32, #tpu.memory_space<vmem>> -> memref<1x1024xf32, #tpu.memory_space<vmem>>
    %dma_start3A_169 = tpu.memref_squeeze %dma_start3A_168 : memref<1x1024xf32, #tpu.memory_space<vmem>> -> memref<1024xf32, #tpu.memory_space<vmem>>
    %dma_start3A_170 = arith.constant 0 : i32
    %dma_start3A_171 = tpu.memref_slice %arg3[%select_n3A, %mul3A_36, %dma_start3A_170] : memref<4x128x1024xf32, #tpu.memory_space<hbm>> -> memref<1x1x1024xf32, #tpu.memory_space<hbm>>
    %dma_start3A_172 = tpu.memref_squeeze %dma_start3A_171 : memref<1x1x1024xf32, #tpu.memory_space<hbm>> -> memref<1024xf32, #tpu.memory_space<hbm>>
    tpu.enqueue_dma source(%dma_start3A_172 : memref<1024xf32, #tpu.memory_space<hbm>>) target(%dma_start3A_169 : memref<1024xf32, #tpu.memory_space<vmem>>) target_semaphore(%arg10 : memref<!tpu.dma_semaphore, #tpu.memory_space<semaphore_mem>>)
    %dma_start3A_173 = arith.constant 1 : i32
    %dma_start3A_174 = arith.constant 0 : i32
    %dma_start3A_175 = tpu.memref_slice %arg7[%dma_start3A_173, %dma_start3A_174] : memref<8x1024xf32, #tpu.memory_space<vmem>> -> memref<1x1024xf32, #tpu.memory_space<vmem>>
    %dma_start3A_176 = tpu.memref_squeeze %dma_start3A_175 : memref<1x1024xf32, #tpu.memory_space<vmem>> -> memref<1024xf32, #tpu.memory_space<vmem>>
    %dma_start3A_177 = arith.constant 0 : i32
    %dma_start3A_178 = tpu.memref_slice %arg3[%select_n3A, %mul3A_40, %dma_start3A_177] : memref<4x128x1024xf32, #tpu.memory_space<hbm>> -> memref<1x1x1024xf32, #tpu.memory_space<hbm>>
    %dma_start3A_179 = tpu.memref_squeeze %dma_start3A_178 : memref<1x1x1024xf32, #tpu.memory_space<hbm>> -> memref<1024xf32, #tpu.memory_space<hbm>>
    %dma_start3A_180 = arith.constant 0 : i32
    %dma_start3A_181 = tpu.memref_slice %arg7[%dma_start3A_173, %dma_start3A_180] : memref<8x1024xf32, #tpu.memory_space<vmem>> -> memref<1x1024xf32, #tpu.memory_space<vmem>>
    %dma_start3A_182 = tpu.memref_squeeze %dma_start3A_181 : memref<1x1024xf32, #tpu.memory_space<vmem>> -> memref<1024xf32, #tpu.memory_space<vmem>>
    %dma_start3A_183 = arith.constant 0 : i32
    %dma_start3A_184 = tpu.memref_slice %arg3[%select_n3A, %mul3A_40, %dma_start3A_183] : memref<4x128x1024xf32, #tpu.memory_space<hbm>> -> memref<1x1x1024xf32, #tpu.memory_space<hbm>>
    %dma_start3A_185 = tpu.memref_squeeze %dma_start3A_184 : memref<1x1x1024xf32, #tpu.memory_space<hbm>> -> memref<1024xf32, #tpu.memory_space<hbm>>
    tpu.enqueue_dma source(%dma_start3A_185 : memref<1024xf32, #tpu.memory_space<hbm>>) target(%dma_start3A_182 : memref<1024xf32, #tpu.memory_space<vmem>>) target_semaphore(%arg10 : memref<!tpu.dma_semaphore, #tpu.memory_space<semaphore_mem>>)
    %dma_start3A_186 = arith.constant 2 : i32
    %dma_start3A_187 = arith.constant 0 : i32
    %dma_start3A_188 = tpu.memref_slice %arg7[%dma_start3A_186, %dma_start3A_187] : memref<8x1024xf32, #tpu.memory_space<vmem>> -> memref<1x1024xf32, #tpu.memory_space<vmem>>
    %dma_start3A_189 = tpu.memref_squeeze %dma_start3A_188 : memref<1x1024xf32, #tpu.memory_space<vmem>> -> memref<1024xf32, #tpu.memory_space<vmem>>
    %dma_start3A_190 = arith.constant 0 : i32
    %dma_start3A_191 = tpu.memref_slice %arg3[%select_n3A, %mul3A_44, %dma_start3A_190] : memref<4x128x1024xf32, #tpu.memory_space<hbm>> -> memref<1x1x1024xf32, #tpu.memory_space<hbm>>
    %dma_start3A_192 = tpu.memref_squeeze %dma_start3A_191 : memref<1x1x1024xf32, #tpu.memory_space<hbm>> -> memref<1024xf32, #tpu.memory_space<hbm>>
    %dma_start3A_193 = arith.constant 0 : i32
    %dma_start3A_194 = tpu.memref_slice %arg7[%dma_start3A_186, %dma_start3A_193] : memref<8x1024xf32, #tpu.memory_space<vmem>> -> memref<1x1024xf32, #tpu.memory_space<vmem>>
    %dma_start3A_195 = tpu.memref_squeeze %dma_start3A_194 : memref<1x1024xf32, #tpu.memory_space<vmem>> -> memref<1024xf32, #tpu.memory_space<vmem>>
    %dma_start3A_196 = arith.constant 0 : i32
    %dma_start3A_197 = tpu.memref_slice %arg3[%select_n3A, %mul3A_44, %dma_start3A_196] : memref<4x128x1024xf32, #tpu.memory_space<hbm>> -> memref<1x1x1024xf32, #tpu.memory_space<hbm>>
    %dma_start3A_198 = tpu.memref_squeeze %dma_start3A_197 : memref<1x1x1024xf32, #tpu.memory_space<hbm>> -> memref<1024xf32, #tpu.memory_space<hbm>>
    tpu.enqueue_dma source(%dma_start3A_198 : memref<1024xf32, #tpu.memory_space<hbm>>) target(%dma_start3A_195 : memref<1024xf32, #tpu.memory_space<vmem>>) target_semaphore(%arg10 : memref<!tpu.dma_semaphore, #tpu.memory_space<semaphore_mem>>)
    %dma_start3A_199 = arith.constant 3 : i32
    %dma_start3A_200 = arith.constant 0 : i32
    %dma_start3A_201 = tpu.memref_slice %arg7[%dma_start3A_199, %dma_start3A_200] : memref<8x1024xf32, #tpu.memory_space<vmem>> -> memref<1x1024xf32, #tpu.memory_space<vmem>>
    %dma_start3A_202 = tpu.memref_squeeze %dma_start3A_201 : memref<1x1024xf32, #tpu.memory_space<vmem>> -> memref<1024xf32, #tpu.memory_space<vmem>>
    %dma_start3A_203 = arith.constant 0 : i32
    %dma_start3A_204 = tpu.memref_slice %arg3[%select_n3A, %mul3A_48, %dma_start3A_203] : memref<4x128x1024xf32, #tpu.memory_space<hbm>> -> memref<1x1x1024xf32, #tpu.memory_space<hbm>>
    %dma_start3A_205 = tpu.memref_squeeze %dma_start3A_204 : memref<1x1x1024xf32, #tpu.memory_space<hbm>> -> memref<1024xf32, #tpu.memory_space<hbm>>
    %dma_start3A_206 = arith.constant 0 : i32
    %dma_start3A_207 = tpu.memref_slice %arg7[%dma_start3A_199, %dma_start3A_206] : memref<8x1024xf32, #tpu.memory_space<vmem>> -> memref<1x1024xf32, #tpu.memory_space<vmem>>
    %dma_start3A_208 = tpu.memref_squeeze %dma_start3A_207 : memref<1x1024xf32, #tpu.memory_space<vmem>> -> memref<1024xf32, #tpu.memory_space<vmem>>
    %dma_start3A_209 = arith.constant 0 : i32
    %dma_start3A_210 = tpu.memref_slice %arg3[%select_n3A, %mul3A_48, %dma_start3A_209] : memref<4x128x1024xf32, #tpu.memory_space<hbm>> -> memref<1x1x1024xf32, #tpu.memory_space<hbm>>
    %dma_start3A_211 = tpu.memref_squeeze %dma_start3A_210 : memref<1x1x1024xf32, #tpu.memory_space<hbm>> -> memref<1024xf32, #tpu.memory_space<hbm>>
    tpu.enqueue_dma source(%dma_start3A_211 : memref<1024xf32, #tpu.memory_space<hbm>>) target(%dma_start3A_208 : memref<1024xf32, #tpu.memory_space<vmem>>) target_semaphore(%arg10 : memref<!tpu.dma_semaphore, #tpu.memory_space<semaphore_mem>>)
    %dma_start3A_212 = arith.constant 4 : i32
    %dma_start3A_213 = arith.constant 0 : i32
    %dma_start3A_214 = tpu.memref_slice %arg7[%dma_start3A_212, %dma_start3A_213] : memref<8x1024xf32, #tpu.memory_space<vmem>> -> memref<1x1024xf32, #tpu.memory_space<vmem>>
    %dma_start3A_215 = tpu.memref_squeeze %dma_start3A_214 : memref<1x1024xf32, #tpu.memory_space<vmem>> -> memref<1024xf32, #tpu.memory_space<vmem>>
    %dma_start3A_216 = arith.constant 0 : i32
    %dma_start3A_217 = tpu.memref_slice %arg3[%select_n3A, %mul3A_52, %dma_start3A_216] : memref<4x128x1024xf32, #tpu.memory_space<hbm>> -> memref<1x1x1024xf32, #tpu.memory_space<hbm>>
    %dma_start3A_218 = tpu.memref_squeeze %dma_start3A_217 : memref<1x1x1024xf32, #tpu.memory_space<hbm>> -> memref<1024xf32, #tpu.memory_space<hbm>>
    %dma_start3A_219 = arith.constant 0 : i32
    %dma_start3A_220 = tpu.memref_slice %arg7[%dma_start3A_212, %dma_start3A_219] : memref<8x1024xf32, #tpu.memory_space<vmem>> -> memref<1x1024xf32, #tpu.memory_space<vmem>>
    %dma_start3A_221 = tpu.memref_squeeze %dma_start3A_220 : memref<1x1024xf32, #tpu.memory_space<vmem>> -> memref<1024xf32, #tpu.memory_space<vmem>>
    %dma_start3A_222 = arith.constant 0 : i32
    %dma_start3A_223 = tpu.memref_slice %arg3[%select_n3A, %mul3A_52, %dma_start3A_222] : memref<4x128x1024xf32, #tpu.memory_space<hbm>> -> memref<1x1x1024xf32, #tpu.memory_space<hbm>>
    %dma_start3A_224 = tpu.memref_squeeze %dma_start3A_223 : memref<1x1x1024xf32, #tpu.memory_space<hbm>> -> memref<1024xf32, #tpu.memory_space<hbm>>
    tpu.enqueue_dma source(%dma_start3A_224 : memref<1024xf32, #tpu.memory_space<hbm>>) target(%dma_start3A_221 : memref<1024xf32, #tpu.memory_space<vmem>>) target_semaphore(%arg10 : memref<!tpu.dma_semaphore, #tpu.memory_space<semaphore_mem>>)
    %dma_start3A_225 = arith.constant 5 : i32
    %dma_start3A_226 = arith.constant 0 : i32
    %dma_start3A_227 = tpu.memref_slice %arg7[%dma_start3A_225, %dma_start3A_226] : memref<8x1024xf32, #tpu.memory_space<vmem>> -> memref<1x1024xf32, #tpu.memory_space<vmem>>
    %dma_start3A_228 = tpu.memref_squeeze %dma_start3A_227 : memref<1x1024xf32, #tpu.memory_space<vmem>> -> memref<1024xf32, #tpu.memory_space<vmem>>
    %dma_start3A_229 = arith.constant 0 : i32
    %dma_start3A_230 = tpu.memref_slice %arg3[%select_n3A, %mul3A_56, %dma_start3A_229] : memref<4x128x1024xf32, #tpu.memory_space<hbm>> -> memref<1x1x1024xf32, #tpu.memory_space<hbm>>
    %dma_start3A_231 = tpu.memref_squeeze %dma_start3A_230 : memref<1x1x1024xf32, #tpu.memory_space<hbm>> -> memref<1024xf32, #tpu.memory_space<hbm>>
    %dma_start3A_232 = arith.constant 0 : i32
    %dma_start3A_233 = tpu.memref_slice %arg7[%dma_start3A_225, %dma_start3A_232] : memref<8x1024xf32, #tpu.memory_space<vmem>> -> memref<1x1024xf32, #tpu.memory_space<vmem>>
    %dma_start3A_234 = tpu.memref_squeeze %dma_start3A_233 : memref<1x1024xf32, #tpu.memory_space<vmem>> -> memref<1024xf32, #tpu.memory_space<vmem>>
    %dma_start3A_235 = arith.constant 0 : i32
    %dma_start3A_236 = tpu.memref_slice %arg3[%select_n3A, %mul3A_56, %dma_start3A_235] : memref<4x128x1024xf32, #tpu.memory_space<hbm>> -> memref<1x1x1024xf32, #tpu.memory_space<hbm>>
    %dma_start3A_237 = tpu.memref_squeeze %dma_start3A_236 : memref<1x1x1024xf32, #tpu.memory_space<hbm>> -> memref<1024xf32, #tpu.memory_space<hbm>>
    tpu.enqueue_dma source(%dma_start3A_237 : memref<1024xf32, #tpu.memory_space<hbm>>) target(%dma_start3A_234 : memref<1024xf32, #tpu.memory_space<vmem>>) target_semaphore(%arg10 : memref<!tpu.dma_semaphore, #tpu.memory_space<semaphore_mem>>)
    %dma_start3A_238 = arith.constant 6 : i32
    %dma_start3A_239 = arith.constant 0 : i32
    %dma_start3A_240 = tpu.memref_slice %arg7[%dma_start3A_238, %dma_start3A_239] : memref<8x1024xf32, #tpu.memory_space<vmem>> -> memref<1x1024xf32, #tpu.memory_space<vmem>>
    %dma_start3A_241 = tpu.memref_squeeze %dma_start3A_240 : memref<1x1024xf32, #tpu.memory_space<vmem>> -> memref<1024xf32, #tpu.memory_space<vmem>>
    %dma_start3A_242 = arith.constant 0 : i32
    %dma_start3A_243 = tpu.memref_slice %arg3[%select_n3A, %mul3A_60, %dma_start3A_242] : memref<4x128x1024xf32, #tpu.memory_space<hbm>> -> memref<1x1x1024xf32, #tpu.memory_space<hbm>>
    %dma_start3A_244 = tpu.memref_squeeze %dma_start3A_243 : memref<1x1x1024xf32, #tpu.memory_space<hbm>> -> memref<1024xf32, #tpu.memory_space<hbm>>
    %dma_start3A_245 = arith.constant 0 : i32
    %dma_start3A_246 = tpu.memref_slice %arg7[%dma_start3A_238, %dma_start3A_245] : memref<8x1024xf32, #tpu.memory_space<vmem>> -> memref<1x1024xf32, #tpu.memory_space<vmem>>
    %dma_start3A_247 = tpu.memref_squeeze %dma_start3A_246 : memref<1x1024xf32, #tpu.memory_space<vmem>> -> memref<1024xf32, #tpu.memory_space<vmem>>
    %dma_start3A_248 = arith.constant 0 : i32
    %dma_start3A_249 = tpu.memref_slice %arg3[%select_n3A, %mul3A_60, %dma_start3A_248] : memref<4x128x1024xf32, #tpu.memory_space<hbm>> -> memref<1x1x1024xf32, #tpu.memory_space<hbm>>
    %dma_start3A_250 = tpu.memref_squeeze %dma_start3A_249 : memref<1x1x1024xf32, #tpu.memory_space<hbm>> -> memref<1024xf32, #tpu.memory_space<hbm>>
    tpu.enqueue_dma source(%dma_start3A_250 : memref<1024xf32, #tpu.memory_space<hbm>>) target(%dma_start3A_247 : memref<1024xf32, #tpu.memory_space<vmem>>) target_semaphore(%arg10 : memref<!tpu.dma_semaphore, #tpu.memory_space<semaphore_mem>>)
    %dma_start3A_251 = arith.constant 7 : i32
    %dma_start3A_252 = arith.constant 0 : i32
    %dma_start3A_253 = tpu.memref_slice %arg7[%dma_start3A_251, %dma_start3A_252] : memref<8x1024xf32, #tpu.memory_space<vmem>> -> memref<1x1024xf32, #tpu.memory_space<vmem>>
    %dma_start3A_254 = tpu.memref_squeeze %dma_start3A_253 : memref<1x1024xf32, #tpu.memory_space<vmem>> -> memref<1024xf32, #tpu.memory_space<vmem>>
    %dma_start3A_255 = arith.constant 0 : i32
    %dma_start3A_256 = tpu.memref_slice %arg3[%select_n3A, %mul3A_64, %dma_start3A_255] : memref<4x128x1024xf32, #tpu.memory_space<hbm>> -> memref<1x1x1024xf32, #tpu.memory_space<hbm>>
    %dma_start3A_257 = tpu.memref_squeeze %dma_start3A_256 : memref<1x1x1024xf32, #tpu.memory_space<hbm>> -> memref<1024xf32, #tpu.memory_space<hbm>>
    %dma_start3A_258 = arith.constant 0 : i32
    %dma_start3A_259 = tpu.memref_slice %arg7[%dma_start3A_251, %dma_start3A_258] : memref<8x1024xf32, #tpu.memory_space<vmem>> -> memref<1x1024xf32, #tpu.memory_space<vmem>>
    %dma_start3A_260 = tpu.memref_squeeze %dma_start3A_259 : memref<1x1024xf32, #tpu.memory_space<vmem>> -> memref<1024xf32, #tpu.memory_space<vmem>>
    %dma_start3A_261 = arith.constant 0 : i32
    %dma_start3A_262 = tpu.memref_slice %arg3[%select_n3A, %mul3A_64, %dma_start3A_261] : memref<4x128x1024xf32, #tpu.memory_space<hbm>> -> memref<1x1x1024xf32, #tpu.memory_space<hbm>>
    %dma_start3A_263 = tpu.memref_squeeze %dma_start3A_262 : memref<1x1x1024xf32, #tpu.memory_space<hbm>> -> memref<1024xf32, #tpu.memory_space<hbm>>
    tpu.enqueue_dma source(%dma_start3A_263 : memref<1024xf32, #tpu.memory_space<hbm>>) target(%dma_start3A_260 : memref<1024xf32, #tpu.memory_space<vmem>>) target_semaphore(%arg10 : memref<!tpu.dma_semaphore, #tpu.memory_space<semaphore_mem>>)
    %dma_start3A_264 = arith.constant 0 : i32
    %dma_start3A_265 = arith.constant 0 : i32
    %dma_start3A_266 = arith.constant 0 : i32
    %dma_start3A_267 = arith.constant 0 : i32
    %dma_start3A_268 = arith.constant 0 : i32
    %dma_start3A_269 = tpu.memref_slice %arg6[%dma_start3A_264, %dma_start3A_266, %dma_start3A_267, %dma_start3A_268] : memref<4x3x56x112xf32, #tpu.memory_space<vmem>> -> memref<1x3x56x112xf32, #tpu.memory_space<vmem>>
    %dma_start3A_270 = tpu.memref_squeeze %dma_start3A_269 : memref<1x3x56x112xf32, #tpu.memory_space<vmem>> -> memref<3x56x112xf32, #tpu.memory_space<vmem>>
    %dma_start3A_271 = arith.constant 0 : i32
    %dma_start3A_272 = arith.constant 0 : i32
    %dma_start3A_273 = arith.constant 0 : i32
    %dma_start3A_274 = tpu.memref_slice %arg2[%select_n3A, %mul3A_68, %dma_start3A_271, %dma_start3A_272, %dma_start3A_273] : memref<4x128x3x112x112xf32, #tpu.memory_space<hbm>> -> memref<1x1x3x56x112xf32, #tpu.memory_space<hbm>>
    %dma_start3A_275 = tpu.memref_squeeze %dma_start3A_274 : memref<1x1x3x56x112xf32, #tpu.memory_space<hbm>> -> memref<3x56x112xf32, #tpu.memory_space<hbm>>
    %dma_start3A_276 = tpu.memref_slice %arg8[%dma_start3A_265] : memref<4x!tpu.dma_semaphore, #tpu.memory_space<semaphore_mem>> -> memref<1x!tpu.dma_semaphore, #tpu.memory_space<semaphore_mem>>
    %dma_start3A_277 = tpu.memref_squeeze %dma_start3A_276 : memref<1x!tpu.dma_semaphore, #tpu.memory_space<semaphore_mem>> -> memref<!tpu.dma_semaphore, #tpu.memory_space<semaphore_mem>>
    %dma_start3A_278 = arith.constant 0 : i32
    %dma_start3A_279 = arith.constant 0 : i32
    %dma_start3A_280 = arith.constant 0 : i32
    %dma_start3A_281 = tpu.memref_slice %arg6[%dma_start3A_264, %dma_start3A_278, %dma_start3A_279, %dma_start3A_280] : memref<4x3x56x112xf32, #tpu.memory_space<vmem>> -> memref<1x3x56x112xf32, #tpu.memory_space<vmem>>
    %dma_start3A_282 = tpu.memref_squeeze %dma_start3A_281 : memref<1x3x56x112xf32, #tpu.memory_space<vmem>> -> memref<3x56x112xf32, #tpu.memory_space<vmem>>
    %dma_start3A_283 = arith.constant 0 : i32
    %dma_start3A_284 = arith.constant 0 : i32
    %dma_start3A_285 = arith.constant 0 : i32
    %dma_start3A_286 = tpu.memref_slice %arg2[%select_n3A, %mul3A_68, %dma_start3A_283, %dma_start3A_284, %dma_start3A_285] : memref<4x128x3x112x112xf32, #tpu.memory_space<hbm>> -> memref<1x1x3x56x112xf32, #tpu.memory_space<hbm>>
    %dma_start3A_287 = tpu.memref_squeeze %dma_start3A_286 : memref<1x1x3x56x112xf32, #tpu.memory_space<hbm>> -> memref<3x56x112xf32, #tpu.memory_space<hbm>>
    tpu.enqueue_dma source(%dma_start3A_287 : memref<3x56x112xf32, #tpu.memory_space<hbm>>) target(%dma_start3A_282 : memref<3x56x112xf32, #tpu.memory_space<vmem>>) target_semaphore(%dma_start3A_277 : memref<!tpu.dma_semaphore, #tpu.memory_space<semaphore_mem>>)
    %dma_start3A_288 = arith.constant 1 : i32
    %dma_start3A_289 = arith.constant 1 : i32
    %dma_start3A_290 = arith.constant 0 : i32
    %dma_start3A_291 = arith.constant 0 : i32
    %dma_start3A_292 = arith.constant 0 : i32
    %dma_start3A_293 = tpu.memref_slice %arg6[%dma_start3A_288, %dma_start3A_290, %dma_start3A_291, %dma_start3A_292] : memref<4x3x56x112xf32, #tpu.memory_space<vmem>> -> memref<1x3x56x112xf32, #tpu.memory_space<vmem>>
    %dma_start3A_294 = tpu.memref_squeeze %dma_start3A_293 : memref<1x3x56x112xf32, #tpu.memory_space<vmem>> -> memref<3x56x112xf32, #tpu.memory_space<vmem>>
    %dma_start3A_295 = arith.constant 0 : i32
    %dma_start3A_296 = arith.constant 56 : i32
    %dma_start3A_297 = arith.constant 0 : i32
    %dma_start3A_298 = tpu.memref_slice %arg2[%select_n3A, %mul3A_72, %dma_start3A_295, %dma_start3A_296, %dma_start3A_297] : memref<4x128x3x112x112xf32, #tpu.memory_space<hbm>> -> memref<1x1x3x56x112xf32, #tpu.memory_space<hbm>>
    %dma_start3A_299 = tpu.memref_squeeze %dma_start3A_298 : memref<1x1x3x56x112xf32, #tpu.memory_space<hbm>> -> memref<3x56x112xf32, #tpu.memory_space<hbm>>
    %dma_start3A_300 = tpu.memref_slice %arg8[%dma_start3A_289] : memref<4x!tpu.dma_semaphore, #tpu.memory_space<semaphore_mem>> -> memref<1x!tpu.dma_semaphore, #tpu.memory_space<semaphore_mem>>
    %dma_start3A_301 = tpu.memref_squeeze %dma_start3A_300 : memref<1x!tpu.dma_semaphore, #tpu.memory_space<semaphore_mem>> -> memref<!tpu.dma_semaphore, #tpu.memory_space<semaphore_mem>>
    %dma_start3A_302 = arith.constant 0 : i32
    %dma_start3A_303 = arith.constant 0 : i32
    %dma_start3A_304 = arith.constant 0 : i32
    %dma_start3A_305 = tpu.memref_slice %arg6[%dma_start3A_288, %dma_start3A_302, %dma_start3A_303, %dma_start3A_304] : memref<4x3x56x112xf32, #tpu.memory_space<vmem>> -> memref<1x3x56x112xf32, #tpu.memory_space<vmem>>
    %dma_start3A_306 = tpu.memref_squeeze %dma_start3A_305 : memref<1x3x56x112xf32, #tpu.memory_space<vmem>> -> memref<3x56x112xf32, #tpu.memory_space<vmem>>
    %dma_start3A_307 = arith.constant 0 : i32
    %dma_start3A_308 = arith.constant 56 : i32
    %dma_start3A_309 = arith.constant 0 : i32
    %dma_start3A_310 = tpu.memref_slice %arg2[%select_n3A, %mul3A_72, %dma_start3A_307, %dma_start3A_308, %dma_start3A_309] : memref<4x128x3x112x112xf32, #tpu.memory_space<hbm>> -> memref<1x1x3x56x112xf32, #tpu.memory_space<hbm>>
    %dma_start3A_311 = tpu.memref_squeeze %dma_start3A_310 : memref<1x1x3x56x112xf32, #tpu.memory_space<hbm>> -> memref<3x56x112xf32, #tpu.memory_space<hbm>>
    tpu.enqueue_dma source(%dma_start3A_311 : memref<3x56x112xf32, #tpu.memory_space<hbm>>) target(%dma_start3A_306 : memref<3x56x112xf32, #tpu.memory_space<vmem>>) target_semaphore(%dma_start3A_301 : memref<!tpu.dma_semaphore, #tpu.memory_space<semaphore_mem>>)
    %dma_start3A_312 = arith.constant 2 : i32
    %dma_start3A_313 = arith.constant 2 : i32
    %dma_start3A_314 = arith.constant 0 : i32
    %dma_start3A_315 = arith.constant 0 : i32
    %dma_start3A_316 = arith.constant 0 : i32
    %dma_start3A_317 = tpu.memref_slice %arg6[%dma_start3A_312, %dma_start3A_314, %dma_start3A_315, %dma_start3A_316] : memref<4x3x56x112xf32, #tpu.memory_space<vmem>> -> memref<1x3x56x112xf32, #tpu.memory_space<vmem>>
    %dma_start3A_318 = tpu.memref_squeeze %dma_start3A_317 : memref<1x3x56x112xf32, #tpu.memory_space<vmem>> -> memref<3x56x112xf32, #tpu.memory_space<vmem>>
    %dma_start3A_319 = arith.constant 0 : i32
    %dma_start3A_320 = arith.constant 0 : i32
    %dma_start3A_321 = arith.constant 0 : i32
    %dma_start3A_322 = tpu.memref_slice %arg2[%select_n3A, %mul3A_76, %dma_start3A_319, %dma_start3A_320, %dma_start3A_321] : memref<4x128x3x112x112xf32, #tpu.memory_space<hbm>> -> memref<1x1x3x56x112xf32, #tpu.memory_space<hbm>>
    %dma_start3A_323 = tpu.memref_squeeze %dma_start3A_322 : memref<1x1x3x56x112xf32, #tpu.memory_space<hbm>> -> memref<3x56x112xf32, #tpu.memory_space<hbm>>
    %dma_start3A_324 = tpu.memref_slice %arg8[%dma_start3A_313] : memref<4x!tpu.dma_semaphore, #tpu.memory_space<semaphore_mem>> -> memref<1x!tpu.dma_semaphore, #tpu.memory_space<semaphore_mem>>
    %dma_start3A_325 = tpu.memref_squeeze %dma_start3A_324 : memref<1x!tpu.dma_semaphore, #tpu.memory_space<semaphore_mem>> -> memref<!tpu.dma_semaphore, #tpu.memory_space<semaphore_mem>>
    %dma_start3A_326 = arith.constant 0 : i32
    %dma_start3A_327 = arith.constant 0 : i32
    %dma_start3A_328 = arith.constant 0 : i32
    %dma_start3A_329 = tpu.memref_slice %arg6[%dma_start3A_312, %dma_start3A_326, %dma_start3A_327, %dma_start3A_328] : memref<4x3x56x112xf32, #tpu.memory_space<vmem>> -> memref<1x3x56x112xf32, #tpu.memory_space<vmem>>
    %dma_start3A_330 = tpu.memref_squeeze %dma_start3A_329 : memref<1x3x56x112xf32, #tpu.memory_space<vmem>> -> memref<3x56x112xf32, #tpu.memory_space<vmem>>
    %dma_start3A_331 = arith.constant 0 : i32
    %dma_start3A_332 = arith.constant 0 : i32
    %dma_start3A_333 = arith.constant 0 : i32
    %dma_start3A_334 = tpu.memref_slice %arg2[%select_n3A, %mul3A_76, %dma_start3A_331, %dma_start3A_332, %dma_start3A_333] : memref<4x128x3x112x112xf32, #tpu.memory_space<hbm>> -> memref<1x1x3x56x112xf32, #tpu.memory_space<hbm>>
    %dma_start3A_335 = tpu.memref_squeeze %dma_start3A_334 : memref<1x1x3x56x112xf32, #tpu.memory_space<hbm>> -> memref<3x56x112xf32, #tpu.memory_space<hbm>>
    tpu.enqueue_dma source(%dma_start3A_335 : memref<3x56x112xf32, #tpu.memory_space<hbm>>) target(%dma_start3A_330 : memref<3x56x112xf32, #tpu.memory_space<vmem>>) target_semaphore(%dma_start3A_325 : memref<!tpu.dma_semaphore, #tpu.memory_space<semaphore_mem>>)
    %dma_start3A_336 = arith.constant 3 : i32
    %dma_start3A_337 = arith.constant 3 : i32
    %dma_start3A_338 = arith.constant 0 : i32
    %dma_start3A_339 = arith.constant 0 : i32
    %dma_start3A_340 = arith.constant 0 : i32
    %dma_start3A_341 = tpu.memref_slice %arg6[%dma_start3A_336, %dma_start3A_338, %dma_start3A_339, %dma_start3A_340] : memref<4x3x56x112xf32, #tpu.memory_space<vmem>> -> memref<1x3x56x112xf32, #tpu.memory_space<vmem>>
    %dma_start3A_342 = tpu.memref_squeeze %dma_start3A_341 : memref<1x3x56x112xf32, #tpu.memory_space<vmem>> -> memref<3x56x112xf32, #tpu.memory_space<vmem>>
    %dma_start3A_343 = arith.constant 0 : i32
    %dma_start3A_344 = arith.constant 56 : i32
    %dma_start3A_345 = arith.constant 0 : i32
    %dma_start3A_346 = tpu.memref_slice %arg2[%select_n3A, %mul3A_80, %dma_start3A_343, %dma_start3A_344, %dma_start3A_345] : memref<4x128x3x112x112xf32, #tpu.memory_space<hbm>> -> memref<1x1x3x56x112xf32, #tpu.memory_space<hbm>>
    %dma_start3A_347 = tpu.memref_squeeze %dma_start3A_346 : memref<1x1x3x56x112xf32, #tpu.memory_space<hbm>> -> memref<3x56x112xf32, #tpu.memory_space<hbm>>
    %dma_start3A_348 = tpu.memref_slice %arg8[%dma_start3A_337] : memref<4x!tpu.dma_semaphore, #tpu.memory_space<semaphore_mem>> -> memref<1x!tpu.dma_semaphore, #tpu.memory_space<semaphore_mem>>
    %dma_start3A_349 = tpu.memref_squeeze %dma_start3A_348 : memref<1x!tpu.dma_semaphore, #tpu.memory_space<semaphore_mem>> -> memref<!tpu.dma_semaphore, #tpu.memory_space<semaphore_mem>>
    %dma_start3A_350 = arith.constant 0 : i32
    %dma_start3A_351 = arith.constant 0 : i32
    %dma_start3A_352 = arith.constant 0 : i32
    %dma_start3A_353 = tpu.memref_slice %arg6[%dma_start3A_336, %dma_start3A_350, %dma_start3A_351, %dma_start3A_352] : memref<4x3x56x112xf32, #tpu.memory_space<vmem>> -> memref<1x3x56x112xf32, #tpu.memory_space<vmem>>
    %dma_start3A_354 = tpu.memref_squeeze %dma_start3A_353 : memref<1x3x56x112xf32, #tpu.memory_space<vmem>> -> memref<3x56x112xf32, #tpu.memory_space<vmem>>
    %dma_start3A_355 = arith.constant 0 : i32
    %dma_start3A_356 = arith.constant 56 : i32
    %dma_start3A_357 = arith.constant 0 : i32
    %dma_start3A_358 = tpu.memref_slice %arg2[%select_n3A, %mul3A_80, %dma_start3A_355, %dma_start3A_356, %dma_start3A_357] : memref<4x128x3x112x112xf32, #tpu.memory_space<hbm>> -> memref<1x1x3x56x112xf32, #tpu.memory_space<hbm>>
    %dma_start3A_359 = tpu.memref_squeeze %dma_start3A_358 : memref<1x1x3x56x112xf32, #tpu.memory_space<hbm>> -> memref<3x56x112xf32, #tpu.memory_space<hbm>>
    tpu.enqueue_dma source(%dma_start3A_359 : memref<3x56x112xf32, #tpu.memory_space<hbm>>) target(%dma_start3A_354 : memref<3x56x112xf32, #tpu.memory_space<vmem>>) target_semaphore(%dma_start3A_349 : memref<!tpu.dma_semaphore, #tpu.memory_space<semaphore_mem>>)
    %dma_wait3A = arith.constant 0 : i32
    %dma_wait3A_360 = arith.constant 0 : i32
    %dma_wait3A_361 = arith.constant 0 : i32
    %dma_wait3A_362 = arith.constant 0 : i32
    %dma_wait3A_363 = arith.constant 0 : i32
    %dma_wait3A_364 = tpu.memref_slice %arg6[%dma_wait3A, %dma_wait3A_361, %dma_wait3A_362, %dma_wait3A_363] : memref<4x3x56x112xf32, #tpu.memory_space<vmem>> -> memref<1x3x56x112xf32, #tpu.memory_space<vmem>>
    %dma_wait3A_365 = tpu.memref_squeeze %dma_wait3A_364 : memref<1x3x56x112xf32, #tpu.memory_space<vmem>> -> memref<3x56x112xf32, #tpu.memory_space<vmem>>
    %dma_wait3A_366 = arith.constant 0 : i32
    %dma_wait3A_367 = arith.constant 0 : i32
    %dma_wait3A_368 = arith.constant 0 : i32
    %dma_wait3A_369 = tpu.memref_slice %arg2[%select_n3A, %mul3A_68, %dma_wait3A_366, %dma_wait3A_367, %dma_wait3A_368] : memref<4x128x3x112x112xf32, #tpu.memory_space<hbm>> -> memref<1x1x3x56x112xf32, #tpu.memory_space<hbm>>
    %dma_wait3A_370 = tpu.memref_squeeze %dma_wait3A_369 : memref<1x1x3x56x112xf32, #tpu.memory_space<hbm>> -> memref<3x56x112xf32, #tpu.memory_space<hbm>>
    %dma_wait3A_371 = tpu.memref_slice %arg8[%dma_wait3A_360] : memref<4x!tpu.dma_semaphore, #tpu.memory_space<semaphore_mem>> -> memref<1x!tpu.dma_semaphore, #tpu.memory_space<semaphore_mem>>
    %dma_wait3A_372 = tpu.memref_squeeze %dma_wait3A_371 : memref<1x!tpu.dma_semaphore, #tpu.memory_space<semaphore_mem>> -> memref<!tpu.dma_semaphore, #tpu.memory_space<semaphore_mem>>
    %dma_wait3A_373 = arith.constant 0 : i32
    %dma_wait3A_374 = arith.constant 0 : i32
    %dma_wait3A_375 = arith.constant 0 : i32
    %dma_wait3A_376 = tpu.memref_slice %arg6[%dma_wait3A, %dma_wait3A_373, %dma_wait3A_374, %dma_wait3A_375] : memref<4x3x56x112xf32, #tpu.memory_space<vmem>> -> memref<1x3x56x112xf32, #tpu.memory_space<vmem>>
    %dma_wait3A_377 = tpu.memref_squeeze %dma_wait3A_376 : memref<1x3x56x112xf32, #tpu.memory_space<vmem>> -> memref<3x56x112xf32, #tpu.memory_space<vmem>>
    %dma_wait3A_378 = arith.constant 0 : i32
    %dma_wait3A_379 = arith.constant 0 : i32
    %dma_wait3A_380 = arith.constant 0 : i32
    %dma_wait3A_381 = tpu.memref_slice %arg2[%select_n3A, %mul3A_68, %dma_wait3A_378, %dma_wait3A_379, %dma_wait3A_380] : memref<4x128x3x112x112xf32, #tpu.memory_space<hbm>> -> memref<1x1x3x56x112xf32, #tpu.memory_space<hbm>>
    %dma_wait3A_382 = tpu.memref_squeeze %dma_wait3A_381 : memref<1x1x3x56x112xf32, #tpu.memory_space<hbm>> -> memref<3x56x112xf32, #tpu.memory_space<hbm>>
    tpu.wait_dma2 semaphore(%dma_wait3A_372 : memref<!tpu.dma_semaphore, #tpu.memory_space<semaphore_mem>>) src(%dma_wait3A_382 : memref<3x56x112xf32, #tpu.memory_space<hbm>>) dst(%dma_wait3A_377 : memref<3x56x112xf32, #tpu.memory_space<vmem>>)
    %dma_start3A_383 = arith.constant 0 : i32
    %dma_start3A_384 = arith.constant 0 : i32
    %dma_start3A_385 = arith.constant 0 : i32
    %dma_start3A_386 = arith.constant 0 : i32
    %dma_start3A_387 = arith.constant 0 : i32
    %dma_start3A_388 = tpu.memref_slice %arg6[%dma_start3A_383, %dma_start3A_385, %dma_start3A_386, %dma_start3A_387] : memref<4x3x56x112xf32, #tpu.memory_space<vmem>> -> memref<1x3x56x112xf32, #tpu.memory_space<vmem>>
    %dma_start3A_389 = tpu.memref_squeeze %dma_start3A_388 : memref<1x3x56x112xf32, #tpu.memory_space<vmem>> -> memref<3x56x112xf32, #tpu.memory_space<vmem>>
    %dma_start3A_390 = arith.constant 0 : i32
    %dma_start3A_391 = arith.constant 0 : i32
    %dma_start3A_392 = arith.constant 0 : i32
    %dma_start3A_393 = tpu.memref_slice %arg4[%select_n3A, %add3A_130, %dma_start3A_390, %dma_start3A_391, %dma_start3A_392] : memref<4x64x3x112x112xf32, #tpu.memory_space<hbm>> -> memref<1x1x3x56x112xf32, #tpu.memory_space<hbm>>
    %dma_start3A_394 = tpu.memref_squeeze %dma_start3A_393 : memref<1x1x3x56x112xf32, #tpu.memory_space<hbm>> -> memref<3x56x112xf32, #tpu.memory_space<hbm>>
    %dma_start3A_395 = tpu.memref_slice %arg9[%dma_start3A_384] : memref<4x!tpu.dma_semaphore, #tpu.memory_space<semaphore_mem>> -> memref<1x!tpu.dma_semaphore, #tpu.memory_space<semaphore_mem>>
    %dma_start3A_396 = tpu.memref_squeeze %dma_start3A_395 : memref<1x!tpu.dma_semaphore, #tpu.memory_space<semaphore_mem>> -> memref<!tpu.dma_semaphore, #tpu.memory_space<semaphore_mem>>
    %dma_start3A_397 = arith.constant 0 : i32
    %dma_start3A_398 = arith.constant 0 : i32
    %dma_start3A_399 = arith.constant 0 : i32
    %dma_start3A_400 = tpu.memref_slice %arg4[%select_n3A, %add3A_130, %dma_start3A_397, %dma_start3A_398, %dma_start3A_399] : memref<4x64x3x112x112xf32, #tpu.memory_space<hbm>> -> memref<1x1x3x56x112xf32, #tpu.memory_space<hbm>>
    %dma_start3A_401 = tpu.memref_squeeze %dma_start3A_400 : memref<1x1x3x56x112xf32, #tpu.memory_space<hbm>> -> memref<3x56x112xf32, #tpu.memory_space<hbm>>
    %dma_start3A_402 = arith.constant 0 : i32
    %dma_start3A_403 = arith.constant 0 : i32
    %dma_start3A_404 = arith.constant 0 : i32
    %dma_start3A_405 = tpu.memref_slice %arg6[%dma_start3A_383, %dma_start3A_402, %dma_start3A_403, %dma_start3A_404] : memref<4x3x56x112xf32, #tpu.memory_space<vmem>> -> memref<1x3x56x112xf32, #tpu.memory_space<vmem>>
    %dma_start3A_406 = tpu.memref_squeeze %dma_start3A_405 : memref<1x3x56x112xf32, #tpu.memory_space<vmem>> -> memref<3x56x112xf32, #tpu.memory_space<vmem>>
    tpu.enqueue_dma source(%dma_start3A_406 : memref<3x56x112xf32, #tpu.memory_space<vmem>>) target(%dma_start3A_401 : memref<3x56x112xf32, #tpu.memory_space<hbm>>) target_semaphore(%dma_start3A_396 : memref<!tpu.dma_semaphore, #tpu.memory_space<semaphore_mem>>)
    %dma_wait3A_407 = arith.constant 0 : i32
    %dma_wait3A_408 = arith.constant 0 : i32
    %dma_wait3A_409 = arith.constant 0 : i32
    %dma_wait3A_410 = arith.constant 0 : i32
    %dma_wait3A_411 = arith.constant 0 : i32
    %dma_wait3A_412 = tpu.memref_slice %arg6[%dma_wait3A_407, %dma_wait3A_409, %dma_wait3A_410, %dma_wait3A_411] : memref<4x3x56x112xf32, #tpu.memory_space<vmem>> -> memref<1x3x56x112xf32, #tpu.memory_space<vmem>>
    %dma_wait3A_413 = tpu.memref_squeeze %dma_wait3A_412 : memref<1x3x56x112xf32, #tpu.memory_space<vmem>> -> memref<3x56x112xf32, #tpu.memory_space<vmem>>
    %dma_wait3A_414 = arith.constant 0 : i32
    %dma_wait3A_415 = arith.constant 0 : i32
    %dma_wait3A_416 = arith.constant 0 : i32
    %dma_wait3A_417 = tpu.memref_slice %arg4[%select_n3A, %add3A_130, %dma_wait3A_414, %dma_wait3A_415, %dma_wait3A_416] : memref<4x64x3x112x112xf32, #tpu.memory_space<hbm>> -> memref<1x1x3x56x112xf32, #tpu.memory_space<hbm>>
    %dma_wait3A_418 = tpu.memref_squeeze %dma_wait3A_417 : memref<1x1x3x56x112xf32, #tpu.memory_space<hbm>> -> memref<3x56x112xf32, #tpu.memory_space<hbm>>
    %dma_wait3A_419 = tpu.memref_slice %arg9[%dma_wait3A_408] : memref<4x!tpu.dma_semaphore, #tpu.memory_space<semaphore_mem>> -> memref<1x!tpu.dma_semaphore, #tpu.memory_space<semaphore_mem>>
    %dma_wait3A_420 = tpu.memref_squeeze %dma_wait3A_419 : memref<1x!tpu.dma_semaphore, #tpu.memory_space<semaphore_mem>> -> memref<!tpu.dma_semaphore, #tpu.memory_space<semaphore_mem>>
    %dma_wait3A_421 = arith.constant 0 : i32
    %dma_wait3A_422 = arith.constant 0 : i32
    %dma_wait3A_423 = arith.constant 0 : i32
    %dma_wait3A_424 = tpu.memref_slice %arg4[%select_n3A, %add3A_130, %dma_wait3A_421, %dma_wait3A_422, %dma_wait3A_423] : memref<4x64x3x112x112xf32, #tpu.memory_space<hbm>> -> memref<1x1x3x56x112xf32, #tpu.memory_space<hbm>>
    %dma_wait3A_425 = tpu.memref_squeeze %dma_wait3A_424 : memref<1x1x3x56x112xf32, #tpu.memory_space<hbm>> -> memref<3x56x112xf32, #tpu.memory_space<hbm>>
    %dma_wait3A_426 = arith.constant 0 : i32
    %dma_wait3A_427 = arith.constant 0 : i32
    %dma_wait3A_428 = arith.constant 0 : i32
    %dma_wait3A_429 = tpu.memref_slice %arg6[%dma_wait3A_407, %dma_wait3A_426, %dma_wait3A_427, %dma_wait3A_428] : memref<4x3x56x112xf32, #tpu.memory_space<vmem>> -> memref<1x3x56x112xf32, #tpu.memory_space<vmem>>
    %dma_wait3A_430 = tpu.memref_squeeze %dma_wait3A_429 : memref<1x3x56x112xf32, #tpu.memory_space<vmem>> -> memref<3x56x112xf32, #tpu.memory_space<vmem>>
    tpu.wait_dma2 semaphore(%dma_wait3A_420 : memref<!tpu.dma_semaphore, #tpu.memory_space<semaphore_mem>>) src(%dma_wait3A_430 : memref<3x56x112xf32, #tpu.memory_space<vmem>>) dst(%dma_wait3A_425 : memref<3x56x112xf32, #tpu.memory_space<hbm>>)
    %dma_start3A_431 = arith.constant 0 : i32
    %dma_start3A_432 = arith.constant 0 : i32
    %dma_start3A_433 = arith.constant 0 : i32
    %dma_start3A_434 = arith.constant 0 : i32
    %dma_start3A_435 = arith.constant 0 : i32
    %dma_start3A_436 = tpu.memref_slice %arg6[%dma_start3A_431, %dma_start3A_433, %dma_start3A_434, %dma_start3A_435] : memref<4x3x56x112xf32, #tpu.memory_space<vmem>> -> memref<1x3x56x112xf32, #tpu.memory_space<vmem>>
    %dma_start3A_437 = tpu.memref_squeeze %dma_start3A_436 : memref<1x3x56x112xf32, #tpu.memory_space<vmem>> -> memref<3x56x112xf32, #tpu.memory_space<vmem>>
    %dma_start3A_438 = arith.constant 0 : i32
    %dma_start3A_439 = arith.constant 0 : i32
    %dma_start3A_440 = arith.constant 0 : i32
    %dma_start3A_441 = tpu.memref_slice %arg2[%select_n3A, %mul3A_84, %dma_start3A_438, %dma_start3A_439, %dma_start3A_440] : memref<4x128x3x112x112xf32, #tpu.memory_space<hbm>> -> memref<1x1x3x56x112xf32, #tpu.memory_space<hbm>>
    %dma_start3A_442 = tpu.memref_squeeze %dma_start3A_441 : memref<1x1x3x56x112xf32, #tpu.memory_space<hbm>> -> memref<3x56x112xf32, #tpu.memory_space<hbm>>
    %dma_start3A_443 = tpu.memref_slice %arg8[%dma_start3A_432] : memref<4x!tpu.dma_semaphore, #tpu.memory_space<semaphore_mem>> -> memref<1x!tpu.dma_semaphore, #tpu.memory_space<semaphore_mem>>
    %dma_start3A_444 = tpu.memref_squeeze %dma_start3A_443 : memref<1x!tpu.dma_semaphore, #tpu.memory_space<semaphore_mem>> -> memref<!tpu.dma_semaphore, #tpu.memory_space<semaphore_mem>>
    %dma_start3A_445 = arith.constant 0 : i32
    %dma_start3A_446 = arith.constant 0 : i32
    %dma_start3A_447 = arith.constant 0 : i32
    %dma_start3A_448 = tpu.memref_slice %arg6[%dma_start3A_431, %dma_start3A_445, %dma_start3A_446, %dma_start3A_447] : memref<4x3x56x112xf32, #tpu.memory_space<vmem>> -> memref<1x3x56x112xf32, #tpu.memory_space<vmem>>
    %dma_start3A_449 = tpu.memref_squeeze %dma_start3A_448 : memref<1x3x56x112xf32, #tpu.memory_space<vmem>> -> memref<3x56x112xf32, #tpu.memory_space<vmem>>
    %dma_start3A_450 = arith.constant 0 : i32
    %dma_start3A_451 = arith.constant 0 : i32
    %dma_start3A_452 = arith.constant 0 : i32
    %dma_start3A_453 = tpu.memref_slice %arg2[%select_n3A, %mul3A_84, %dma_start3A_450, %dma_start3A_451, %dma_start3A_452] : memref<4x128x3x112x112xf32, #tpu.memory_space<hbm>> -> memref<1x1x3x56x112xf32, #tpu.memory_space<hbm>>
    %dma_start3A_454 = tpu.memref_squeeze %dma_start3A_453 : memref<1x1x3x56x112xf32, #tpu.memory_space<hbm>> -> memref<3x56x112xf32, #tpu.memory_space<hbm>>
    tpu.enqueue_dma source(%dma_start3A_454 : memref<3x56x112xf32, #tpu.memory_space<hbm>>) target(%dma_start3A_449 : memref<3x56x112xf32, #tpu.memory_space<vmem>>) target_semaphore(%dma_start3A_444 : memref<!tpu.dma_semaphore, #tpu.memory_space<semaphore_mem>>)
    %dma_wait3A_455 = arith.constant 1 : i32
    %dma_wait3A_456 = arith.constant 1 : i32
    %dma_wait3A_457 = arith.constant 0 : i32
    %dma_wait3A_458 = arith.constant 0 : i32
    %dma_wait3A_459 = arith.constant 0 : i32
    %dma_wait3A_460 = tpu.memref_slice %arg6[%dma_wait3A_455, %dma_wait3A_457, %dma_wait3A_458, %dma_wait3A_459] : memref<4x3x56x112xf32, #tpu.memory_space<vmem>> -> memref<1x3x56x112xf32, #tpu.memory_space<vmem>>
    %dma_wait3A_461 = tpu.memref_squeeze %dma_wait3A_460 : memref<1x3x56x112xf32, #tpu.memory_space<vmem>> -> memref<3x56x112xf32, #tpu.memory_space<vmem>>
    %dma_wait3A_462 = arith.constant 0 : i32
    %dma_wait3A_463 = arith.constant 56 : i32
    %dma_wait3A_464 = arith.constant 0 : i32
    %dma_wait3A_465 = tpu.memref_slice %arg2[%select_n3A, %mul3A_72, %dma_wait3A_462, %dma_wait3A_463, %dma_wait3A_464] : memref<4x128x3x112x112xf32, #tpu.memory_space<hbm>> -> memref<1x1x3x56x112xf32, #tpu.memory_space<hbm>>
    %dma_wait3A_466 = tpu.memref_squeeze %dma_wait3A_465 : memref<1x1x3x56x112xf32, #tpu.memory_space<hbm>> -> memref<3x56x112xf32, #tpu.memory_space<hbm>>
    %dma_wait3A_467 = tpu.memref_slice %arg8[%dma_wait3A_456] : memref<4x!tpu.dma_semaphore, #tpu.memory_space<semaphore_mem>> -> memref<1x!tpu.dma_semaphore, #tpu.memory_space<semaphore_mem>>
    %dma_wait3A_468 = tpu.memref_squeeze %dma_wait3A_467 : memref<1x!tpu.dma_semaphore, #tpu.memory_space<semaphore_mem>> -> memref<!tpu.dma_semaphore, #tpu.memory_space<semaphore_mem>>
    %dma_wait3A_469 = arith.constant 0 : i32
    %dma_wait3A_470 = arith.constant 0 : i32
    %dma_wait3A_471 = arith.constant 0 : i32
    %dma_wait3A_472 = tpu.memref_slice %arg6[%dma_wait3A_455, %dma_wait3A_469, %dma_wait3A_470, %dma_wait3A_471] : memref<4x3x56x112xf32, #tpu.memory_space<vmem>> -> memref<1x3x56x112xf32, #tpu.memory_space<vmem>>
    %dma_wait3A_473 = tpu.memref_squeeze %dma_wait3A_472 : memref<1x3x56x112xf32, #tpu.memory_space<vmem>> -> memref<3x56x112xf32, #tpu.memory_space<vmem>>
    %dma_wait3A_474 = arith.constant 0 : i32
    %dma_wait3A_475 = arith.constant 56 : i32
    %dma_wait3A_476 = arith.constant 0 : i32
    %dma_wait3A_477 = tpu.memref_slice %arg2[%select_n3A, %mul3A_72, %dma_wait3A_474, %dma_wait3A_475, %dma_wait3A_476] : memref<4x128x3x112x112xf32, #tpu.memory_space<hbm>> -> memref<1x1x3x56x112xf32, #tpu.memory_space<hbm>>
    %dma_wait3A_478 = tpu.memref_squeeze %dma_wait3A_477 : memref<1x1x3x56x112xf32, #tpu.memory_space<hbm>> -> memref<3x56x112xf32, #tpu.memory_space<hbm>>
    tpu.wait_dma2 semaphore(%dma_wait3A_468 : memref<!tpu.dma_semaphore, #tpu.memory_space<semaphore_mem>>) src(%dma_wait3A_478 : memref<3x56x112xf32, #tpu.memory_space<hbm>>) dst(%dma_wait3A_473 : memref<3x56x112xf32, #tpu.memory_space<vmem>>)
    %dma_start3A_479 = arith.constant 1 : i32
    %dma_start3A_480 = arith.constant 1 : i32
    %dma_start3A_481 = arith.constant 0 : i32
    %dma_start3A_482 = arith.constant 0 : i32
    %dma_start3A_483 = arith.constant 0 : i32
    %dma_start3A_484 = tpu.memref_slice %arg6[%dma_start3A_479, %dma_start3A_481, %dma_start3A_482, %dma_start3A_483] : memref<4x3x56x112xf32, #tpu.memory_space<vmem>> -> memref<1x3x56x112xf32, #tpu.memory_space<vmem>>
    %dma_start3A_485 = tpu.memref_squeeze %dma_start3A_484 : memref<1x3x56x112xf32, #tpu.memory_space<vmem>> -> memref<3x56x112xf32, #tpu.memory_space<vmem>>
    %dma_start3A_486 = arith.constant 0 : i32
    %dma_start3A_487 = arith.constant 56 : i32
    %dma_start3A_488 = arith.constant 0 : i32
    %dma_start3A_489 = tpu.memref_slice %arg4[%select_n3A, %add3A_132, %dma_start3A_486, %dma_start3A_487, %dma_start3A_488] : memref<4x64x3x112x112xf32, #tpu.memory_space<hbm>> -> memref<1x1x3x56x112xf32, #tpu.memory_space<hbm>>
    %dma_start3A_490 = tpu.memref_squeeze %dma_start3A_489 : memref<1x1x3x56x112xf32, #tpu.memory_space<hbm>> -> memref<3x56x112xf32, #tpu.memory_space<hbm>>
    %dma_start3A_491 = tpu.memref_slice %arg9[%dma_start3A_480] : memref<4x!tpu.dma_semaphore, #tpu.memory_space<semaphore_mem>> -> memref<1x!tpu.dma_semaphore, #tpu.memory_space<semaphore_mem>>
    %dma_start3A_492 = tpu.memref_squeeze %dma_start3A_491 : memref<1x!tpu.dma_semaphore, #tpu.memory_space<semaphore_mem>> -> memref<!tpu.dma_semaphore, #tpu.memory_space<semaphore_mem>>
    %dma_start3A_493 = arith.constant 0 : i32
    %dma_start3A_494 = arith.constant 56 : i32
    %dma_start3A_495 = arith.constant 0 : i32
    %dma_start3A_496 = tpu.memref_slice %arg4[%select_n3A, %add3A_132, %dma_start3A_493, %dma_start3A_494, %dma_start3A_495] : memref<4x64x3x112x112xf32, #tpu.memory_space<hbm>> -> memref<1x1x3x56x112xf32, #tpu.memory_space<hbm>>
    %dma_start3A_497 = tpu.memref_squeeze %dma_start3A_496 : memref<1x1x3x56x112xf32, #tpu.memory_space<hbm>> -> memref<3x56x112xf32, #tpu.memory_space<hbm>>
    %dma_start3A_498 = arith.constant 0 : i32
    %dma_start3A_499 = arith.constant 0 : i32
    %dma_start3A_500 = arith.constant 0 : i32
    %dma_start3A_501 = tpu.memref_slice %arg6[%dma_start3A_479, %dma_start3A_498, %dma_start3A_499, %dma_start3A_500] : memref<4x3x56x112xf32, #tpu.memory_space<vmem>> -> memref<1x3x56x112xf32, #tpu.memory_space<vmem>>
    %dma_start3A_502 = tpu.memref_squeeze %dma_start3A_501 : memref<1x3x56x112xf32, #tpu.memory_space<vmem>> -> memref<3x56x112xf32, #tpu.memory_space<vmem>>
    tpu.enqueue_dma source(%dma_start3A_502 : memref<3x56x112xf32, #tpu.memory_space<vmem>>) target(%dma_start3A_497 : memref<3x56x112xf32, #tpu.memory_space<hbm>>) target_semaphore(%dma_start3A_492 : memref<!tpu.dma_semaphore, #tpu.memory_space<semaphore_mem>>)
    %dma_wait3A_503 = arith.constant 1 : i32
    %dma_wait3A_504 = arith.constant 1 : i32
    %dma_wait3A_505 = arith.constant 0 : i32
    %dma_wait3A_506 = arith.constant 0 : i32
    %dma_wait3A_507 = arith.constant 0 : i32
    %dma_wait3A_508 = tpu.memref_slice %arg6[%dma_wait3A_503, %dma_wait3A_505, %dma_wait3A_506, %dma_wait3A_507] : memref<4x3x56x112xf32, #tpu.memory_space<vmem>> -> memref<1x3x56x112xf32, #tpu.memory_space<vmem>>
    %dma_wait3A_509 = tpu.memref_squeeze %dma_wait3A_508 : memref<1x3x56x112xf32, #tpu.memory_space<vmem>> -> memref<3x56x112xf32, #tpu.memory_space<vmem>>
    %dma_wait3A_510 = arith.constant 0 : i32
    %dma_wait3A_511 = arith.constant 56 : i32
    %dma_wait3A_512 = arith.constant 0 : i32
    %dma_wait3A_513 = tpu.memref_slice %arg4[%select_n3A, %add3A_132, %dma_wait3A_510, %dma_wait3A_511, %dma_wait3A_512] : memref<4x64x3x112x112xf32, #tpu.memory_space<hbm>> -> memref<1x1x3x56x112xf32, #tpu.memory_space<hbm>>
    %dma_wait3A_514 = tpu.memref_squeeze %dma_wait3A_513 : memref<1x1x3x56x112xf32, #tpu.memory_space<hbm>> -> memref<3x56x112xf32, #tpu.memory_space<hbm>>
    %dma_wait3A_515 = tpu.memref_slice %arg9[%dma_wait3A_504] : memref<4x!tpu.dma_semaphore, #tpu.memory_space<semaphore_mem>> -> memref<1x!tpu.dma_semaphore, #tpu.memory_space<semaphore_mem>>
    %dma_wait3A_516 = tpu.memref_squeeze %dma_wait3A_515 : memref<1x!tpu.dma_semaphore, #tpu.memory_space<semaphore_mem>> -> memref<!tpu.dma_semaphore, #tpu.memory_space<semaphore_mem>>
    %dma_wait3A_517 = arith.constant 0 : i32
    %dma_wait3A_518 = arith.constant 56 : i32
    %dma_wait3A_519 = arith.constant 0 : i32
    %dma_wait3A_520 = tpu.memref_slice %arg4[%select_n3A, %add3A_132, %dma_wait3A_517, %dma_wait3A_518, %dma_wait3A_519] : memref<4x64x3x112x112xf32, #tpu.memory_space<hbm>> -> memref<1x1x3x56x112xf32, #tpu.memory_space<hbm>>
    %dma_wait3A_521 = tpu.memref_squeeze %dma_wait3A_520 : memref<1x1x3x56x112xf32, #tpu.memory_space<hbm>> -> memref<3x56x112xf32, #tpu.memory_space<hbm>>
    %dma_wait3A_522 = arith.constant 0 : i32
    %dma_wait3A_523 = arith.constant 0 : i32
    %dma_wait3A_524 = arith.constant 0 : i32
    %dma_wait3A_525 = tpu.memref_slice %arg6[%dma_wait3A_503, %dma_wait3A_522, %dma_wait3A_523, %dma_wait3A_524] : memref<4x3x56x112xf32, #tpu.memory_space<vmem>> -> memref<1x3x56x112xf32, #tpu.memory_space<vmem>>
    %dma_wait3A_526 = tpu.memref_squeeze %dma_wait3A_525 : memref<1x3x56x112xf32, #tpu.memory_space<vmem>> -> memref<3x56x112xf32, #tpu.memory_space<vmem>>
    tpu.wait_dma2 semaphore(%dma_wait3A_516 : memref<!tpu.dma_semaphore, #tpu.memory_space<semaphore_mem>>) src(%dma_wait3A_526 : memref<3x56x112xf32, #tpu.memory_space<vmem>>) dst(%dma_wait3A_521 : memref<3x56x112xf32, #tpu.memory_space<hbm>>)
    %dma_start3A_527 = arith.constant 1 : i32
    %dma_start3A_528 = arith.constant 1 : i32
    %dma_start3A_529 = arith.constant 0 : i32
    %dma_start3A_530 = arith.constant 0 : i32
    %dma_start3A_531 = arith.constant 0 : i32
    %dma_start3A_532 = tpu.memref_slice %arg6[%dma_start3A_527, %dma_start3A_529, %dma_start3A_530, %dma_start3A_531] : memref<4x3x56x112xf32, #tpu.memory_space<vmem>> -> memref<1x3x56x112xf32, #tpu.memory_space<vmem>>
    %dma_start3A_533 = tpu.memref_squeeze %dma_start3A_532 : memref<1x3x56x112xf32, #tpu.memory_space<vmem>> -> memref<3x56x112xf32, #tpu.memory_space<vmem>>
    %dma_start3A_534 = arith.constant 0 : i32
    %dma_start3A_535 = arith.constant 56 : i32
    %dma_start3A_536 = arith.constant 0 : i32
    %dma_start3A_537 = tpu.memref_slice %arg2[%select_n3A, %mul3A_88, %dma_start3A_534, %dma_start3A_535, %dma_start3A_536] : memref<4x128x3x112x112xf32, #tpu.memory_space<hbm>> -> memref<1x1x3x56x112xf32, #tpu.memory_space<hbm>>
    %dma_start3A_538 = tpu.memref_squeeze %dma_start3A_537 : memref<1x1x3x56x112xf32, #tpu.memory_space<hbm>> -> memref<3x56x112xf32, #tpu.memory_space<hbm>>
    %dma_start3A_539 = tpu.memref_slice %arg8[%dma_start3A_528] : memref<4x!tpu.dma_semaphore, #tpu.memory_space<semaphore_mem>> -> memref<1x!tpu.dma_semaphore, #tpu.memory_space<semaphore_mem>>
    %dma_start3A_540 = tpu.memref_squeeze %dma_start3A_539 : memref<1x!tpu.dma_semaphore, #tpu.memory_space<semaphore_mem>> -> memref<!tpu.dma_semaphore, #tpu.memory_space<semaphore_mem>>
    %dma_start3A_541 = arith.constant 0 : i32
    %dma_start3A_542 = arith.constant 0 : i32
    %dma_start3A_543 = arith.constant 0 : i32
    %dma_start3A_544 = tpu.memref_slice %arg6[%dma_start3A_527, %dma_start3A_541, %dma_start3A_542, %dma_start3A_543] : memref<4x3x56x112xf32, #tpu.memory_space<vmem>> -> memref<1x3x56x112xf32, #tpu.memory_space<vmem>>
    %dma_start3A_545 = tpu.memref_squeeze %dma_start3A_544 : memref<1x3x56x112xf32, #tpu.memory_space<vmem>> -> memref<3x56x112xf32, #tpu.memory_space<vmem>>
    %dma_start3A_546 = arith.constant 0 : i32
    %dma_start3A_547 = arith.constant 56 : i32
    %dma_start3A_548 = arith.constant 0 : i32
    %dma_start3A_549 = tpu.memref_slice %arg2[%select_n3A, %mul3A_88, %dma_start3A_546, %dma_start3A_547, %dma_start3A_548] : memref<4x128x3x112x112xf32, #tpu.memory_space<hbm>> -> memref<1x1x3x56x112xf32, #tpu.memory_space<hbm>>
    %dma_start3A_550 = tpu.memref_squeeze %dma_start3A_549 : memref<1x1x3x56x112xf32, #tpu.memory_space<hbm>> -> memref<3x56x112xf32, #tpu.memory_space<hbm>>
    tpu.enqueue_dma source(%dma_start3A_550 : memref<3x56x112xf32, #tpu.memory_space<hbm>>) target(%dma_start3A_545 : memref<3x56x112xf32, #tpu.memory_space<vmem>>) target_semaphore(%dma_start3A_540 : memref<!tpu.dma_semaphore, #tpu.memory_space<semaphore_mem>>)
    %dma_wait3A_551 = arith.constant 2 : i32
    %dma_wait3A_552 = arith.constant 2 : i32
    %dma_wait3A_553 = arith.constant 0 : i32
    %dma_wait3A_554 = arith.constant 0 : i32
    %dma_wait3A_555 = arith.constant 0 : i32
    %dma_wait3A_556 = tpu.memref_slice %arg6[%dma_wait3A_551, %dma_wait3A_553, %dma_wait3A_554, %dma_wait3A_555] : memref<4x3x56x112xf32, #tpu.memory_space<vmem>> -> memref<1x3x56x112xf32, #tpu.memory_space<vmem>>
    %dma_wait3A_557 = tpu.memref_squeeze %dma_wait3A_556 : memref<1x3x56x112xf32, #tpu.memory_space<vmem>> -> memref<3x56x112xf32, #tpu.memory_space<vmem>>
    %dma_wait3A_558 = arith.constant 0 : i32
    %dma_wait3A_559 = arith.constant 0 : i32
    %dma_wait3A_560 = arith.constant 0 : i32
    %dma_wait3A_561 = tpu.memref_slice %arg2[%select_n3A, %mul3A_76, %dma_wait3A_558, %dma_wait3A_559, %dma_wait3A_560] : memref<4x128x3x112x112xf32, #tpu.memory_space<hbm>> -> memref<1x1x3x56x112xf32, #tpu.memory_space<hbm>>
    %dma_wait3A_562 = tpu.memref_squeeze %dma_wait3A_561 : memref<1x1x3x56x112xf32, #tpu.memory_space<hbm>> -> memref<3x56x112xf32, #tpu.memory_space<hbm>>
    %dma_wait3A_563 = tpu.memref_slice %arg8[%dma_wait3A_552] : memref<4x!tpu.dma_semaphore, #tpu.memory_space<semaphore_mem>> -> memref<1x!tpu.dma_semaphore, #tpu.memory_space<semaphore_mem>>
    %dma_wait3A_564 = tpu.memref_squeeze %dma_wait3A_563 : memref<1x!tpu.dma_semaphore, #tpu.memory_space<semaphore_mem>> -> memref<!tpu.dma_semaphore, #tpu.memory_space<semaphore_mem>>
    %dma_wait3A_565 = arith.constant 0 : i32
    %dma_wait3A_566 = arith.constant 0 : i32
    %dma_wait3A_567 = arith.constant 0 : i32
    %dma_wait3A_568 = tpu.memref_slice %arg6[%dma_wait3A_551, %dma_wait3A_565, %dma_wait3A_566, %dma_wait3A_567] : memref<4x3x56x112xf32, #tpu.memory_space<vmem>> -> memref<1x3x56x112xf32, #tpu.memory_space<vmem>>
    %dma_wait3A_569 = tpu.memref_squeeze %dma_wait3A_568 : memref<1x3x56x112xf32, #tpu.memory_space<vmem>> -> memref<3x56x112xf32, #tpu.memory_space<vmem>>
    %dma_wait3A_570 = arith.constant 0 : i32
    %dma_wait3A_571 = arith.constant 0 : i32
    %dma_wait3A_572 = arith.constant 0 : i32
    %dma_wait3A_573 = tpu.memref_slice %arg2[%select_n3A, %mul3A_76, %dma_wait3A_570, %dma_wait3A_571, %dma_wait3A_572] : memref<4x128x3x112x112xf32, #tpu.memory_space<hbm>> -> memref<1x1x3x56x112xf32, #tpu.memory_space<hbm>>
    %dma_wait3A_574 = tpu.memref_squeeze %dma_wait3A_573 : memref<1x1x3x56x112xf32, #tpu.memory_space<hbm>> -> memref<3x56x112xf32, #tpu.memory_space<hbm>>
    tpu.wait_dma2 semaphore(%dma_wait3A_564 : memref<!tpu.dma_semaphore, #tpu.memory_space<semaphore_mem>>) src(%dma_wait3A_574 : memref<3x56x112xf32, #tpu.memory_space<hbm>>) dst(%dma_wait3A_569 : memref<3x56x112xf32, #tpu.memory_space<vmem>>)
    %dma_start3A_575 = arith.constant 2 : i32
    %dma_start3A_576 = arith.constant 2 : i32
    %dma_start3A_577 = arith.constant 0 : i32
    %dma_start3A_578 = arith.constant 0 : i32
    %dma_start3A_579 = arith.constant 0 : i32
    %dma_start3A_580 = tpu.memref_slice %arg6[%dma_start3A_575, %dma_start3A_577, %dma_start3A_578, %dma_start3A_579] : memref<4x3x56x112xf32, #tpu.memory_space<vmem>> -> memref<1x3x56x112xf32, #tpu.memory_space<vmem>>
    %dma_start3A_581 = tpu.memref_squeeze %dma_start3A_580 : memref<1x3x56x112xf32, #tpu.memory_space<vmem>> -> memref<3x56x112xf32, #tpu.memory_space<vmem>>
    %dma_start3A_582 = arith.constant 0 : i32
    %dma_start3A_583 = arith.constant 0 : i32
    %dma_start3A_584 = arith.constant 0 : i32
    %dma_start3A_585 = tpu.memref_slice %arg4[%select_n3A, %add3A_134, %dma_start3A_582, %dma_start3A_583, %dma_start3A_584] : memref<4x64x3x112x112xf32, #tpu.memory_space<hbm>> -> memref<1x1x3x56x112xf32, #tpu.memory_space<hbm>>
    %dma_start3A_586 = tpu.memref_squeeze %dma_start3A_585 : memref<1x1x3x56x112xf32, #tpu.memory_space<hbm>> -> memref<3x56x112xf32, #tpu.memory_space<hbm>>
    %dma_start3A_587 = tpu.memref_slice %arg9[%dma_start3A_576] : memref<4x!tpu.dma_semaphore, #tpu.memory_space<semaphore_mem>> -> memref<1x!tpu.dma_semaphore, #tpu.memory_space<semaphore_mem>>
    %dma_start3A_588 = tpu.memref_squeeze %dma_start3A_587 : memref<1x!tpu.dma_semaphore, #tpu.memory_space<semaphore_mem>> -> memref<!tpu.dma_semaphore, #tpu.memory_space<semaphore_mem>>
    %dma_start3A_589 = arith.constant 0 : i32
    %dma_start3A_590 = arith.constant 0 : i32
    %dma_start3A_591 = arith.constant 0 : i32
    %dma_start3A_592 = tpu.memref_slice %arg4[%select_n3A, %add3A_134, %dma_start3A_589, %dma_start3A_590, %dma_start3A_591] : memref<4x64x3x112x112xf32, #tpu.memory_space<hbm>> -> memref<1x1x3x56x112xf32, #tpu.memory_space<hbm>>
    %dma_start3A_593 = tpu.memref_squeeze %dma_start3A_592 : memref<1x1x3x56x112xf32, #tpu.memory_space<hbm>> -> memref<3x56x112xf32, #tpu.memory_space<hbm>>
    %dma_start3A_594 = arith.constant 0 : i32
    %dma_start3A_595 = arith.constant 0 : i32
    %dma_start3A_596 = arith.constant 0 : i32
    %dma_start3A_597 = tpu.memref_slice %arg6[%dma_start3A_575, %dma_start3A_594, %dma_start3A_595, %dma_start3A_596] : memref<4x3x56x112xf32, #tpu.memory_space<vmem>> -> memref<1x3x56x112xf32, #tpu.memory_space<vmem>>
    %dma_start3A_598 = tpu.memref_squeeze %dma_start3A_597 : memref<1x3x56x112xf32, #tpu.memory_space<vmem>> -> memref<3x56x112xf32, #tpu.memory_space<vmem>>
    tpu.enqueue_dma source(%dma_start3A_598 : memref<3x56x112xf32, #tpu.memory_space<vmem>>) target(%dma_start3A_593 : memref<3x56x112xf32, #tpu.memory_space<hbm>>) target_semaphore(%dma_start3A_588 : memref<!tpu.dma_semaphore, #tpu.memory_space<semaphore_mem>>)
    %dma_wait3A_599 = arith.constant 2 : i32
    %dma_wait3A_600 = arith.constant 2 : i32
    %dma_wait3A_601 = arith.constant 0 : i32
    %dma_wait3A_602 = arith.constant 0 : i32
    %dma_wait3A_603 = arith.constant 0 : i32
    %dma_wait3A_604 = tpu.memref_slice %arg6[%dma_wait3A_599, %dma_wait3A_601, %dma_wait3A_602, %dma_wait3A_603] : memref<4x3x56x112xf32, #tpu.memory_space<vmem>> -> memref<1x3x56x112xf32, #tpu.memory_space<vmem>>
    %dma_wait3A_605 = tpu.memref_squeeze %dma_wait3A_604 : memref<1x3x56x112xf32, #tpu.memory_space<vmem>> -> memref<3x56x112xf32, #tpu.memory_space<vmem>>
    %dma_wait3A_606 = arith.constant 0 : i32
    %dma_wait3A_607 = arith.constant 0 : i32
    %dma_wait3A_608 = arith.constant 0 : i32
    %dma_wait3A_609 = tpu.memref_slice %arg4[%select_n3A, %add3A_134, %dma_wait3A_606, %dma_wait3A_607, %dma_wait3A_608] : memref<4x64x3x112x112xf32, #tpu.memory_space<hbm>> -> memref<1x1x3x56x112xf32, #tpu.memory_space<hbm>>
    %dma_wait3A_610 = tpu.memref_squeeze %dma_wait3A_609 : memref<1x1x3x56x112xf32, #tpu.memory_space<hbm>> -> memref<3x56x112xf32, #tpu.memory_space<hbm>>
    %dma_wait3A_611 = tpu.memref_slice %arg9[%dma_wait3A_600] : memref<4x!tpu.dma_semaphore, #tpu.memory_space<semaphore_mem>> -> memref<1x!tpu.dma_semaphore, #tpu.memory_space<semaphore_mem>>
    %dma_wait3A_612 = tpu.memref_squeeze %dma_wait3A_611 : memref<1x!tpu.dma_semaphore, #tpu.memory_space<semaphore_mem>> -> memref<!tpu.dma_semaphore, #tpu.memory_space<semaphore_mem>>
    %dma_wait3A_613 = arith.constant 0 : i32
    %dma_wait3A_614 = arith.constant 0 : i32
    %dma_wait3A_615 = arith.constant 0 : i32
    %dma_wait3A_616 = tpu.memref_slice %arg4[%select_n3A, %add3A_134, %dma_wait3A_613, %dma_wait3A_614, %dma_wait3A_615] : memref<4x64x3x112x112xf32, #tpu.memory_space<hbm>> -> memref<1x1x3x56x112xf32, #tpu.memory_space<hbm>>
    %dma_wait3A_617 = tpu.memref_squeeze %dma_wait3A_616 : memref<1x1x3x56x112xf32, #tpu.memory_space<hbm>> -> memref<3x56x112xf32, #tpu.memory_space<hbm>>
    %dma_wait3A_618 = arith.constant 0 : i32
    %dma_wait3A_619 = arith.constant 0 : i32
    %dma_wait3A_620 = arith.constant 0 : i32
    %dma_wait3A_621 = tpu.memref_slice %arg6[%dma_wait3A_599, %dma_wait3A_618, %dma_wait3A_619, %dma_wait3A_620] : memref<4x3x56x112xf32, #tpu.memory_space<vmem>> -> memref<1x3x56x112xf32, #tpu.memory_space<vmem>>
    %dma_wait3A_622 = tpu.memref_squeeze %dma_wait3A_621 : memref<1x3x56x112xf32, #tpu.memory_space<vmem>> -> memref<3x56x112xf32, #tpu.memory_space<vmem>>
    tpu.wait_dma2 semaphore(%dma_wait3A_612 : memref<!tpu.dma_semaphore, #tpu.memory_space<semaphore_mem>>) src(%dma_wait3A_622 : memref<3x56x112xf32, #tpu.memory_space<vmem>>) dst(%dma_wait3A_617 : memref<3x56x112xf32, #tpu.memory_space<hbm>>)
    %dma_start3A_623 = arith.constant 2 : i32
    %dma_start3A_624 = arith.constant 2 : i32
    %dma_start3A_625 = arith.constant 0 : i32
    %dma_start3A_626 = arith.constant 0 : i32
    %dma_start3A_627 = arith.constant 0 : i32
    %dma_start3A_628 = tpu.memref_slice %arg6[%dma_start3A_623, %dma_start3A_625, %dma_start3A_626, %dma_start3A_627] : memref<4x3x56x112xf32, #tpu.memory_space<vmem>> -> memref<1x3x56x112xf32, #tpu.memory_space<vmem>>
    %dma_start3A_629 = tpu.memref_squeeze %dma_start3A_628 : memref<1x3x56x112xf32, #tpu.memory_space<vmem>> -> memref<3x56x112xf32, #tpu.memory_space<vmem>>
    %dma_start3A_630 = arith.constant 0 : i32
    %dma_start3A_631 = arith.constant 0 : i32
    %dma_start3A_632 = arith.constant 0 : i32
    %dma_start3A_633 = tpu.memref_slice %arg2[%select_n3A, %mul3A_92, %dma_start3A_630, %dma_start3A_631, %dma_start3A_632] : memref<4x128x3x112x112xf32, #tpu.memory_space<hbm>> -> memref<1x1x3x56x112xf32, #tpu.memory_space<hbm>>
    %dma_start3A_634 = tpu.memref_squeeze %dma_start3A_633 : memref<1x1x3x56x112xf32, #tpu.memory_space<hbm>> -> memref<3x56x112xf32, #tpu.memory_space<hbm>>
    %dma_start3A_635 = tpu.memref_slice %arg8[%dma_start3A_624] : memref<4x!tpu.dma_semaphore, #tpu.memory_space<semaphore_mem>> -> memref<1x!tpu.dma_semaphore, #tpu.memory_space<semaphore_mem>>
    %dma_start3A_636 = tpu.memref_squeeze %dma_start3A_635 : memref<1x!tpu.dma_semaphore, #tpu.memory_space<semaphore_mem>> -> memref<!tpu.dma_semaphore, #tpu.memory_space<semaphore_mem>>
    %dma_start3A_637 = arith.constant 0 : i32
    %dma_start3A_638 = arith.constant 0 : i32
    %dma_start3A_639 = arith.constant 0 : i32
    %dma_start3A_640 = tpu.memref_slice %arg6[%dma_start3A_623, %dma_start3A_637, %dma_start3A_638, %dma_start3A_639] : memref<4x3x56x112xf32, #tpu.memory_space<vmem>> -> memref<1x3x56x112xf32, #tpu.memory_space<vmem>>
    %dma_start3A_641 = tpu.memref_squeeze %dma_start3A_640 : memref<1x3x56x112xf32, #tpu.memory_space<vmem>> -> memref<3x56x112xf32, #tpu.memory_space<vmem>>
    %dma_start3A_642 = arith.constant 0 : i32
    %dma_start3A_643 = arith.constant 0 : i32
    %dma_start3A_644 = arith.constant 0 : i32
    %dma_start3A_645 = tpu.memref_slice %arg2[%select_n3A, %mul3A_92, %dma_start3A_642, %dma_start3A_643, %dma_start3A_644] : memref<4x128x3x112x112xf32, #tpu.memory_space<hbm>> -> memref<1x1x3x56x112xf32, #tpu.memory_space<hbm>>
    %dma_start3A_646 = tpu.memref_squeeze %dma_start3A_645 : memref<1x1x3x56x112xf32, #tpu.memory_space<hbm>> -> memref<3x56x112xf32, #tpu.memory_space<hbm>>
    tpu.enqueue_dma source(%dma_start3A_646 : memref<3x56x112xf32, #tpu.memory_space<hbm>>) target(%dma_start3A_641 : memref<3x56x112xf32, #tpu.memory_space<vmem>>) target_semaphore(%dma_start3A_636 : memref<!tpu.dma_semaphore, #tpu.memory_space<semaphore_mem>>)
    %dma_wait3A_647 = arith.constant 3 : i32
    %dma_wait3A_648 = arith.constant 3 : i32
    %dma_wait3A_649 = arith.constant 0 : i32
    %dma_wait3A_650 = arith.constant 0 : i32
    %dma_wait3A_651 = arith.constant 0 : i32
    %dma_wait3A_652 = tpu.memref_slice %arg6[%dma_wait3A_647, %dma_wait3A_649, %dma_wait3A_650, %dma_wait3A_651] : memref<4x3x56x112xf32, #tpu.memory_space<vmem>> -> memref<1x3x56x112xf32, #tpu.memory_space<vmem>>
    %dma_wait3A_653 = tpu.memref_squeeze %dma_wait3A_652 : memref<1x3x56x112xf32, #tpu.memory_space<vmem>> -> memref<3x56x112xf32, #tpu.memory_space<vmem>>
    %dma_wait3A_654 = arith.constant 0 : i32
    %dma_wait3A_655 = arith.constant 56 : i32
    %dma_wait3A_656 = arith.constant 0 : i32
    %dma_wait3A_657 = tpu.memref_slice %arg2[%select_n3A, %mul3A_80, %dma_wait3A_654, %dma_wait3A_655, %dma_wait3A_656] : memref<4x128x3x112x112xf32, #tpu.memory_space<hbm>> -> memref<1x1x3x56x112xf32, #tpu.memory_space<hbm>>
    %dma_wait3A_658 = tpu.memref_squeeze %dma_wait3A_657 : memref<1x1x3x56x112xf32, #tpu.memory_space<hbm>> -> memref<3x56x112xf32, #tpu.memory_space<hbm>>
    %dma_wait3A_659 = tpu.memref_slice %arg8[%dma_wait3A_648] : memref<4x!tpu.dma_semaphore, #tpu.memory_space<semaphore_mem>> -> memref<1x!tpu.dma_semaphore, #tpu.memory_space<semaphore_mem>>
    %dma_wait3A_660 = tpu.memref_squeeze %dma_wait3A_659 : memref<1x!tpu.dma_semaphore, #tpu.memory_space<semaphore_mem>> -> memref<!tpu.dma_semaphore, #tpu.memory_space<semaphore_mem>>
    %dma_wait3A_661 = arith.constant 0 : i32
    %dma_wait3A_662 = arith.constant 0 : i32
    %dma_wait3A_663 = arith.constant 0 : i32
    %dma_wait3A_664 = tpu.memref_slice %arg6[%dma_wait3A_647, %dma_wait3A_661, %dma_wait3A_662, %dma_wait3A_663] : memref<4x3x56x112xf32, #tpu.memory_space<vmem>> -> memref<1x3x56x112xf32, #tpu.memory_space<vmem>>
    %dma_wait3A_665 = tpu.memref_squeeze %dma_wait3A_664 : memref<1x3x56x112xf32, #tpu.memory_space<vmem>> -> memref<3x56x112xf32, #tpu.memory_space<vmem>>
    %dma_wait3A_666 = arith.constant 0 : i32
    %dma_wait3A_667 = arith.constant 56 : i32
    %dma_wait3A_668 = arith.constant 0 : i32
    %dma_wait3A_669 = tpu.memref_slice %arg2[%select_n3A, %mul3A_80, %dma_wait3A_666, %dma_wait3A_667, %dma_wait3A_668] : memref<4x128x3x112x112xf32, #tpu.memory_space<hbm>> -> memref<1x1x3x56x112xf32, #tpu.memory_space<hbm>>
    %dma_wait3A_670 = tpu.memref_squeeze %dma_wait3A_669 : memref<1x1x3x56x112xf32, #tpu.memory_space<hbm>> -> memref<3x56x112xf32, #tpu.memory_space<hbm>>
    tpu.wait_dma2 semaphore(%dma_wait3A_660 : memref<!tpu.dma_semaphore, #tpu.memory_space<semaphore_mem>>) src(%dma_wait3A_670 : memref<3x56x112xf32, #tpu.memory_space<hbm>>) dst(%dma_wait3A_665 : memref<3x56x112xf32, #tpu.memory_space<vmem>>)
    %dma_start3A_671 = arith.constant 3 : i32
    %dma_start3A_672 = arith.constant 3 : i32
    %dma_start3A_673 = arith.constant 0 : i32
    %dma_start3A_674 = arith.constant 0 : i32
    %dma_start3A_675 = arith.constant 0 : i32
    %dma_start3A_676 = tpu.memref_slice %arg6[%dma_start3A_671, %dma_start3A_673, %dma_start3A_674, %dma_start3A_675] : memref<4x3x56x112xf32, #tpu.memory_space<vmem>> -> memref<1x3x56x112xf32, #tpu.memory_space<vmem>>
    %dma_start3A_677 = tpu.memref_squeeze %dma_start3A_676 : memref<1x3x56x112xf32, #tpu.memory_space<vmem>> -> memref<3x56x112xf32, #tpu.memory_space<vmem>>
    %dma_start3A_678 = arith.constant 0 : i32
    %dma_start3A_679 = arith.constant 56 : i32
    %dma_start3A_680 = arith.constant 0 : i32
    %dma_start3A_681 = tpu.memref_slice %arg4[%select_n3A, %add3A_136, %dma_start3A_678, %dma_start3A_679, %dma_start3A_680] : memref<4x64x3x112x112xf32, #tpu.memory_space<hbm>> -> memref<1x1x3x56x112xf32, #tpu.memory_space<hbm>>
    %dma_start3A_682 = tpu.memref_squeeze %dma_start3A_681 : memref<1x1x3x56x112xf32, #tpu.memory_space<hbm>> -> memref<3x56x112xf32, #tpu.memory_space<hbm>>
    %dma_start3A_683 = tpu.memref_slice %arg9[%dma_start3A_672] : memref<4x!tpu.dma_semaphore, #tpu.memory_space<semaphore_mem>> -> memref<1x!tpu.dma_semaphore, #tpu.memory_space<semaphore_mem>>
    %dma_start3A_684 = tpu.memref_squeeze %dma_start3A_683 : memref<1x!tpu.dma_semaphore, #tpu.memory_space<semaphore_mem>> -> memref<!tpu.dma_semaphore, #tpu.memory_space<semaphore_mem>>
    %dma_start3A_685 = arith.constant 0 : i32
    %dma_start3A_686 = arith.constant 56 : i32
    %dma_start3A_687 = arith.constant 0 : i32
    %dma_start3A_688 = tpu.memref_slice %arg4[%select_n3A, %add3A_136, %dma_start3A_685, %dma_start3A_686, %dma_start3A_687] : memref<4x64x3x112x112xf32, #tpu.memory_space<hbm>> -> memref<1x1x3x56x112xf32, #tpu.memory_space<hbm>>
    %dma_start3A_689 = tpu.memref_squeeze %dma_start3A_688 : memref<1x1x3x56x112xf32, #tpu.memory_space<hbm>> -> memref<3x56x112xf32, #tpu.memory_space<hbm>>
    %dma_start3A_690 = arith.constant 0 : i32
    %dma_start3A_691 = arith.constant 0 : i32
    %dma_start3A_692 = arith.constant 0 : i32
    %dma_start3A_693 = tpu.memref_slice %arg6[%dma_start3A_671, %dma_start3A_690, %dma_start3A_691, %dma_start3A_692] : memref<4x3x56x112xf32, #tpu.memory_space<vmem>> -> memref<1x3x56x112xf32, #tpu.memory_space<vmem>>
    %dma_start3A_694 = tpu.memref_squeeze %dma_start3A_693 : memref<1x3x56x112xf32, #tpu.memory_space<vmem>> -> memref<3x56x112xf32, #tpu.memory_space<vmem>>
    tpu.enqueue_dma source(%dma_start3A_694 : memref<3x56x112xf32, #tpu.memory_space<vmem>>) target(%dma_start3A_689 : memref<3x56x112xf32, #tpu.memory_space<hbm>>) target_semaphore(%dma_start3A_684 : memref<!tpu.dma_semaphore, #tpu.memory_space<semaphore_mem>>)
    %dma_wait3A_695 = arith.constant 3 : i32
    %dma_wait3A_696 = arith.constant 3 : i32
    %dma_wait3A_697 = arith.constant 0 : i32
    %dma_wait3A_698 = arith.constant 0 : i32
    %dma_wait3A_699 = arith.constant 0 : i32
    %dma_wait3A_700 = tpu.memref_slice %arg6[%dma_wait3A_695, %dma_wait3A_697, %dma_wait3A_698, %dma_wait3A_699] : memref<4x3x56x112xf32, #tpu.memory_space<vmem>> -> memref<1x3x56x112xf32, #tpu.memory_space<vmem>>
    %dma_wait3A_701 = tpu.memref_squeeze %dma_wait3A_700 : memref<1x3x56x112xf32, #tpu.memory_space<vmem>> -> memref<3x56x112xf32, #tpu.memory_space<vmem>>
    %dma_wait3A_702 = arith.constant 0 : i32
    %dma_wait3A_703 = arith.constant 56 : i32
    %dma_wait3A_704 = arith.constant 0 : i32
    %dma_wait3A_705 = tpu.memref_slice %arg4[%select_n3A, %add3A_136, %dma_wait3A_702, %dma_wait3A_703, %dma_wait3A_704] : memref<4x64x3x112x112xf32, #tpu.memory_space<hbm>> -> memref<1x1x3x56x112xf32, #tpu.memory_space<hbm>>
    %dma_wait3A_706 = tpu.memref_squeeze %dma_wait3A_705 : memref<1x1x3x56x112xf32, #tpu.memory_space<hbm>> -> memref<3x56x112xf32, #tpu.memory_space<hbm>>
    %dma_wait3A_707 = tpu.memref_slice %arg9[%dma_wait3A_696] : memref<4x!tpu.dma_semaphore, #tpu.memory_space<semaphore_mem>> -> memref<1x!tpu.dma_semaphore, #tpu.memory_space<semaphore_mem>>
    %dma_wait3A_708 = tpu.memref_squeeze %dma_wait3A_707 : memref<1x!tpu.dma_semaphore, #tpu.memory_space<semaphore_mem>> -> memref<!tpu.dma_semaphore, #tpu.memory_space<semaphore_mem>>
    %dma_wait3A_709 = arith.constant 0 : i32
    %dma_wait3A_710 = arith.constant 56 : i32
    %dma_wait3A_711 = arith.constant 0 : i32
    %dma_wait3A_712 = tpu.memref_slice %arg4[%select_n3A, %add3A_136, %dma_wait3A_709, %dma_wait3A_710, %dma_wait3A_711] : memref<4x64x3x112x112xf32, #tpu.memory_space<hbm>> -> memref<1x1x3x56x112xf32, #tpu.memory_space<hbm>>
    %dma_wait3A_713 = tpu.memref_squeeze %dma_wait3A_712 : memref<1x1x3x56x112xf32, #tpu.memory_space<hbm>> -> memref<3x56x112xf32, #tpu.memory_space<hbm>>
    %dma_wait3A_714 = arith.constant 0 : i32
    %dma_wait3A_715 = arith.constant 0 : i32
    %dma_wait3A_716 = arith.constant 0 : i32
    %dma_wait3A_717 = tpu.memref_slice %arg6[%dma_wait3A_695, %dma_wait3A_714, %dma_wait3A_715, %dma_wait3A_716] : memref<4x3x56x112xf32, #tpu.memory_space<vmem>> -> memref<1x3x56x112xf32, #tpu.memory_space<vmem>>
    %dma_wait3A_718 = tpu.memref_squeeze %dma_wait3A_717 : memref<1x3x56x112xf32, #tpu.memory_space<vmem>> -> memref<3x56x112xf32, #tpu.memory_space<vmem>>
    tpu.wait_dma2 semaphore(%dma_wait3A_708 : memref<!tpu.dma_semaphore, #tpu.memory_space<semaphore_mem>>) src(%dma_wait3A_718 : memref<3x56x112xf32, #tpu.memory_space<vmem>>) dst(%dma_wait3A_713 : memref<3x56x112xf32, #tpu.memory_space<hbm>>)
    %dma_start3A_719 = arith.constant 3 : i32
    %dma_start3A_720 = arith.constant 3 : i32
    %dma_start3A_721 = arith.constant 0 : i32
    %dma_start3A_722 = arith.constant 0 : i32
    %dma_start3A_723 = arith.constant 0 : i32
    %dma_start3A_724 = tpu.memref_slice %arg6[%dma_start3A_719, %dma_start3A_721, %dma_start3A_722, %dma_start3A_723] : memref<4x3x56x112xf32, #tpu.memory_space<vmem>> -> memref<1x3x56x112xf32, #tpu.memory_space<vmem>>
    %dma_start3A_725 = tpu.memref_squeeze %dma_start3A_724 : memref<1x3x56x112xf32, #tpu.memory_space<vmem>> -> memref<3x56x112xf32, #tpu.memory_space<vmem>>
    %dma_start3A_726 = arith.constant 0 : i32
    %dma_start3A_727 = arith.constant 56 : i32
    %dma_start3A_728 = arith.constant 0 : i32
    %dma_start3A_729 = tpu.memref_slice %arg2[%select_n3A, %mul3A_96, %dma_start3A_726, %dma_start3A_727, %dma_start3A_728] : memref<4x128x3x112x112xf32, #tpu.memory_space<hbm>> -> memref<1x1x3x56x112xf32, #tpu.memory_space<hbm>>
    %dma_start3A_730 = tpu.memref_squeeze %dma_start3A_729 : memref<1x1x3x56x112xf32, #tpu.memory_space<hbm>> -> memref<3x56x112xf32, #tpu.memory_space<hbm>>
    %dma_start3A_731 = tpu.memref_slice %arg8[%dma_start3A_720] : memref<4x!tpu.dma_semaphore, #tpu.memory_space<semaphore_mem>> -> memref<1x!tpu.dma_semaphore, #tpu.memory_space<semaphore_mem>>
    %dma_start3A_732 = tpu.memref_squeeze %dma_start3A_731 : memref<1x!tpu.dma_semaphore, #tpu.memory_space<semaphore_mem>> -> memref<!tpu.dma_semaphore, #tpu.memory_space<semaphore_mem>>
    %dma_start3A_733 = arith.constant 0 : i32
    %dma_start3A_734 = arith.constant 0 : i32
    %dma_start3A_735 = arith.constant 0 : i32
    %dma_start3A_736 = tpu.memref_slice %arg6[%dma_start3A_719, %dma_start3A_733, %dma_start3A_734, %dma_start3A_735] : memref<4x3x56x112xf32, #tpu.memory_space<vmem>> -> memref<1x3x56x112xf32, #tpu.memory_space<vmem>>
    %dma_start3A_737 = tpu.memref_squeeze %dma_start3A_736 : memref<1x3x56x112xf32, #tpu.memory_space<vmem>> -> memref<3x56x112xf32, #tpu.memory_space<vmem>>
    %dma_start3A_738 = arith.constant 0 : i32
    %dma_start3A_739 = arith.constant 56 : i32
    %dma_start3A_740 = arith.constant 0 : i32
    %dma_start3A_741 = tpu.memref_slice %arg2[%select_n3A, %mul3A_96, %dma_start3A_738, %dma_start3A_739, %dma_start3A_740] : memref<4x128x3x112x112xf32, #tpu.memory_space<hbm>> -> memref<1x1x3x56x112xf32, #tpu.memory_space<hbm>>
    %dma_start3A_742 = tpu.memref_squeeze %dma_start3A_741 : memref<1x1x3x56x112xf32, #tpu.memory_space<hbm>> -> memref<3x56x112xf32, #tpu.memory_space<hbm>>
    tpu.enqueue_dma source(%dma_start3A_742 : memref<3x56x112xf32, #tpu.memory_space<hbm>>) target(%dma_start3A_737 : memref<3x56x112xf32, #tpu.memory_space<vmem>>) target_semaphore(%dma_start3A_732 : memref<!tpu.dma_semaphore, #tpu.memory_space<semaphore_mem>>)
    %dma_wait3A_743 = arith.constant 0 : i32
    %dma_wait3A_744 = arith.constant 0 : i32
    %dma_wait3A_745 = arith.constant 0 : i32
    %dma_wait3A_746 = arith.constant 0 : i32
    %dma_wait3A_747 = arith.constant 0 : i32
    %dma_wait3A_748 = tpu.memref_slice %arg6[%dma_wait3A_743, %dma_wait3A_745, %dma_wait3A_746, %dma_wait3A_747] : memref<4x3x56x112xf32, #tpu.memory_space<vmem>> -> memref<1x3x56x112xf32, #tpu.memory_space<vmem>>
    %dma_wait3A_749 = tpu.memref_squeeze %dma_wait3A_748 : memref<1x3x56x112xf32, #tpu.memory_space<vmem>> -> memref<3x56x112xf32, #tpu.memory_space<vmem>>
    %dma_wait3A_750 = arith.constant 0 : i32
    %dma_wait3A_751 = arith.constant 0 : i32
    %dma_wait3A_752 = arith.constant 0 : i32
    %dma_wait3A_753 = tpu.memref_slice %arg2[%select_n3A, %mul3A_84, %dma_wait3A_750, %dma_wait3A_751, %dma_wait3A_752] : memref<4x128x3x112x112xf32, #tpu.memory_space<hbm>> -> memref<1x1x3x56x112xf32, #tpu.memory_space<hbm>>
    %dma_wait3A_754 = tpu.memref_squeeze %dma_wait3A_753 : memref<1x1x3x56x112xf32, #tpu.memory_space<hbm>> -> memref<3x56x112xf32, #tpu.memory_space<hbm>>
    %dma_wait3A_755 = tpu.memref_slice %arg8[%dma_wait3A_744] : memref<4x!tpu.dma_semaphore, #tpu.memory_space<semaphore_mem>> -> memref<1x!tpu.dma_semaphore, #tpu.memory_space<semaphore_mem>>
    %dma_wait3A_756 = tpu.memref_squeeze %dma_wait3A_755 : memref<1x!tpu.dma_semaphore, #tpu.memory_space<semaphore_mem>> -> memref<!tpu.dma_semaphore, #tpu.memory_space<semaphore_mem>>
    %dma_wait3A_757 = arith.constant 0 : i32
    %dma_wait3A_758 = arith.constant 0 : i32
    %dma_wait3A_759 = arith.constant 0 : i32
    %dma_wait3A_760 = tpu.memref_slice %arg6[%dma_wait3A_743, %dma_wait3A_757, %dma_wait3A_758, %dma_wait3A_759] : memref<4x3x56x112xf32, #tpu.memory_space<vmem>> -> memref<1x3x56x112xf32, #tpu.memory_space<vmem>>
    %dma_wait3A_761 = tpu.memref_squeeze %dma_wait3A_760 : memref<1x3x56x112xf32, #tpu.memory_space<vmem>> -> memref<3x56x112xf32, #tpu.memory_space<vmem>>
    %dma_wait3A_762 = arith.constant 0 : i32
    %dma_wait3A_763 = arith.constant 0 : i32
    %dma_wait3A_764 = arith.constant 0 : i32
    %dma_wait3A_765 = tpu.memref_slice %arg2[%select_n3A, %mul3A_84, %dma_wait3A_762, %dma_wait3A_763, %dma_wait3A_764] : memref<4x128x3x112x112xf32, #tpu.memory_space<hbm>> -> memref<1x1x3x56x112xf32, #tpu.memory_space<hbm>>
    %dma_wait3A_766 = tpu.memref_squeeze %dma_wait3A_765 : memref<1x1x3x56x112xf32, #tpu.memory_space<hbm>> -> memref<3x56x112xf32, #tpu.memory_space<hbm>>
    tpu.wait_dma2 semaphore(%dma_wait3A_756 : memref<!tpu.dma_semaphore, #tpu.memory_space<semaphore_mem>>) src(%dma_wait3A_766 : memref<3x56x112xf32, #tpu.memory_space<hbm>>) dst(%dma_wait3A_761 : memref<3x56x112xf32, #tpu.memory_space<vmem>>)
    %dma_start3A_767 = arith.constant 0 : i32
    %dma_start3A_768 = arith.constant 0 : i32
    %dma_start3A_769 = arith.constant 0 : i32
    %dma_start3A_770 = arith.constant 0 : i32
    %dma_start3A_771 = arith.constant 0 : i32
    %dma_start3A_772 = tpu.memref_slice %arg6[%dma_start3A_767, %dma_start3A_769, %dma_start3A_770, %dma_start3A_771] : memref<4x3x56x112xf32, #tpu.memory_space<vmem>> -> memref<1x3x56x112xf32, #tpu.memory_space<vmem>>
    %dma_start3A_773 = tpu.memref_squeeze %dma_start3A_772 : memref<1x3x56x112xf32, #tpu.memory_space<vmem>> -> memref<3x56x112xf32, #tpu.memory_space<vmem>>
    %dma_start3A_774 = arith.constant 0 : i32
    %dma_start3A_775 = arith.constant 0 : i32
    %dma_start3A_776 = arith.constant 0 : i32
    %dma_start3A_777 = tpu.memref_slice %arg4[%select_n3A, %add3A_138, %dma_start3A_774, %dma_start3A_775, %dma_start3A_776] : memref<4x64x3x112x112xf32, #tpu.memory_space<hbm>> -> memref<1x1x3x56x112xf32, #tpu.memory_space<hbm>>
    %dma_start3A_778 = tpu.memref_squeeze %dma_start3A_777 : memref<1x1x3x56x112xf32, #tpu.memory_space<hbm>> -> memref<3x56x112xf32, #tpu.memory_space<hbm>>
    %dma_start3A_779 = tpu.memref_slice %arg9[%dma_start3A_768] : memref<4x!tpu.dma_semaphore, #tpu.memory_space<semaphore_mem>> -> memref<1x!tpu.dma_semaphore, #tpu.memory_space<semaphore_mem>>
    %dma_start3A_780 = tpu.memref_squeeze %dma_start3A_779 : memref<1x!tpu.dma_semaphore, #tpu.memory_space<semaphore_mem>> -> memref<!tpu.dma_semaphore, #tpu.memory_space<semaphore_mem>>
    %dma_start3A_781 = arith.constant 0 : i32
    %dma_start3A_782 = arith.constant 0 : i32
    %dma_start3A_783 = arith.constant 0 : i32
    %dma_start3A_784 = tpu.memref_slice %arg4[%select_n3A, %add3A_138, %dma_start3A_781, %dma_start3A_782, %dma_start3A_783] : memref<4x64x3x112x112xf32, #tpu.memory_space<hbm>> -> memref<1x1x3x56x112xf32, #tpu.memory_space<hbm>>
    %dma_start3A_785 = tpu.memref_squeeze %dma_start3A_784 : memref<1x1x3x56x112xf32, #tpu.memory_space<hbm>> -> memref<3x56x112xf32, #tpu.memory_space<hbm>>
    %dma_start3A_786 = arith.constant 0 : i32
    %dma_start3A_787 = arith.constant 0 : i32
    %dma_start3A_788 = arith.constant 0 : i32
    %dma_start3A_789 = tpu.memref_slice %arg6[%dma_start3A_767, %dma_start3A_786, %dma_start3A_787, %dma_start3A_788] : memref<4x3x56x112xf32, #tpu.memory_space<vmem>> -> memref<1x3x56x112xf32, #tpu.memory_space<vmem>>
    %dma_start3A_790 = tpu.memref_squeeze %dma_start3A_789 : memref<1x3x56x112xf32, #tpu.memory_space<vmem>> -> memref<3x56x112xf32, #tpu.memory_space<vmem>>
    tpu.enqueue_dma source(%dma_start3A_790 : memref<3x56x112xf32, #tpu.memory_space<vmem>>) target(%dma_start3A_785 : memref<3x56x112xf32, #tpu.memory_space<hbm>>) target_semaphore(%dma_start3A_780 : memref<!tpu.dma_semaphore, #tpu.memory_space<semaphore_mem>>)
    %dma_wait3A_791 = arith.constant 0 : i32
    %dma_wait3A_792 = arith.constant 0 : i32
    %dma_wait3A_793 = arith.constant 0 : i32
    %dma_wait3A_794 = arith.constant 0 : i32
    %dma_wait3A_795 = arith.constant 0 : i32
    %dma_wait3A_796 = tpu.memref_slice %arg6[%dma_wait3A_791, %dma_wait3A_793, %dma_wait3A_794, %dma_wait3A_795] : memref<4x3x56x112xf32, #tpu.memory_space<vmem>> -> memref<1x3x56x112xf32, #tpu.memory_space<vmem>>
    %dma_wait3A_797 = tpu.memref_squeeze %dma_wait3A_796 : memref<1x3x56x112xf32, #tpu.memory_space<vmem>> -> memref<3x56x112xf32, #tpu.memory_space<vmem>>
    %dma_wait3A_798 = arith.constant 0 : i32
    %dma_wait3A_799 = arith.constant 0 : i32
    %dma_wait3A_800 = arith.constant 0 : i32
    %dma_wait3A_801 = tpu.memref_slice %arg4[%select_n3A, %add3A_138, %dma_wait3A_798, %dma_wait3A_799, %dma_wait3A_800] : memref<4x64x3x112x112xf32, #tpu.memory_space<hbm>> -> memref<1x1x3x56x112xf32, #tpu.memory_space<hbm>>
    %dma_wait3A_802 = tpu.memref_squeeze %dma_wait3A_801 : memref<1x1x3x56x112xf32, #tpu.memory_space<hbm>> -> memref<3x56x112xf32, #tpu.memory_space<hbm>>
    %dma_wait3A_803 = tpu.memref_slice %arg9[%dma_wait3A_792] : memref<4x!tpu.dma_semaphore, #tpu.memory_space<semaphore_mem>> -> memref<1x!tpu.dma_semaphore, #tpu.memory_space<semaphore_mem>>
    %dma_wait3A_804 = tpu.memref_squeeze %dma_wait3A_803 : memref<1x!tpu.dma_semaphore, #tpu.memory_space<semaphore_mem>> -> memref<!tpu.dma_semaphore, #tpu.memory_space<semaphore_mem>>
    %dma_wait3A_805 = arith.constant 0 : i32
    %dma_wait3A_806 = arith.constant 0 : i32
    %dma_wait3A_807 = arith.constant 0 : i32
    %dma_wait3A_808 = tpu.memref_slice %arg4[%select_n3A, %add3A_138, %dma_wait3A_805, %dma_wait3A_806, %dma_wait3A_807] : memref<4x64x3x112x112xf32, #tpu.memory_space<hbm>> -> memref<1x1x3x56x112xf32, #tpu.memory_space<hbm>>
    %dma_wait3A_809 = tpu.memref_squeeze %dma_wait3A_808 : memref<1x1x3x56x112xf32, #tpu.memory_space<hbm>> -> memref<3x56x112xf32, #tpu.memory_space<hbm>>
    %dma_wait3A_810 = arith.constant 0 : i32
    %dma_wait3A_811 = arith.constant 0 : i32
    %dma_wait3A_812 = arith.constant 0 : i32
    %dma_wait3A_813 = tpu.memref_slice %arg6[%dma_wait3A_791, %dma_wait3A_810, %dma_wait3A_811, %dma_wait3A_812] : memref<4x3x56x112xf32, #tpu.memory_space<vmem>> -> memref<1x3x56x112xf32, #tpu.memory_space<vmem>>
    %dma_wait3A_814 = tpu.memref_squeeze %dma_wait3A_813 : memref<1x3x56x112xf32, #tpu.memory_space<vmem>> -> memref<3x56x112xf32, #tpu.memory_space<vmem>>
    tpu.wait_dma2 semaphore(%dma_wait3A_804 : memref<!tpu.dma_semaphore, #tpu.memory_space<semaphore_mem>>) src(%dma_wait3A_814 : memref<3x56x112xf32, #tpu.memory_space<vmem>>) dst(%dma_wait3A_809 : memref<3x56x112xf32, #tpu.memory_space<hbm>>)
    %dma_start3A_815 = arith.constant 0 : i32
    %dma_start3A_816 = arith.constant 0 : i32
    %dma_start3A_817 = arith.constant 0 : i32
    %dma_start3A_818 = arith.constant 0 : i32
    %dma_start3A_819 = arith.constant 0 : i32
    %dma_start3A_820 = tpu.memref_slice %arg6[%dma_start3A_815, %dma_start3A_817, %dma_start3A_818, %dma_start3A_819] : memref<4x3x56x112xf32, #tpu.memory_space<vmem>> -> memref<1x3x56x112xf32, #tpu.memory_space<vmem>>
    %dma_start3A_821 = tpu.memref_squeeze %dma_start3A_820 : memref<1x3x56x112xf32, #tpu.memory_space<vmem>> -> memref<3x56x112xf32, #tpu.memory_space<vmem>>
    %dma_start3A_822 = arith.constant 0 : i32
    %dma_start3A_823 = arith.constant 0 : i32
    %dma_start3A_824 = arith.constant 0 : i32
    %dma_start3A_825 = tpu.memref_slice %arg2[%select_n3A, %mul3A_100, %dma_start3A_822, %dma_start3A_823, %dma_start3A_824] : memref<4x128x3x112x112xf32, #tpu.memory_space<hbm>> -> memref<1x1x3x56x112xf32, #tpu.memory_space<hbm>>
    %dma_start3A_826 = tpu.memref_squeeze %dma_start3A_825 : memref<1x1x3x56x112xf32, #tpu.memory_space<hbm>> -> memref<3x56x112xf32, #tpu.memory_space<hbm>>
    %dma_start3A_827 = tpu.memref_slice %arg8[%dma_start3A_816] : memref<4x!tpu.dma_semaphore, #tpu.memory_space<semaphore_mem>> -> memref<1x!tpu.dma_semaphore, #tpu.memory_space<semaphore_mem>>
    %dma_start3A_828 = tpu.memref_squeeze %dma_start3A_827 : memref<1x!tpu.dma_semaphore, #tpu.memory_space<semaphore_mem>> -> memref<!tpu.dma_semaphore, #tpu.memory_space<semaphore_mem>>
    %dma_start3A_829 = arith.constant 0 : i32
    %dma_start3A_830 = arith.constant 0 : i32
    %dma_start3A_831 = arith.constant 0 : i32
    %dma_start3A_832 = tpu.memref_slice %arg6[%dma_start3A_815, %dma_start3A_829, %dma_start3A_830, %dma_start3A_831] : memref<4x3x56x112xf32, #tpu.memory_space<vmem>> -> memref<1x3x56x112xf32, #tpu.memory_space<vmem>>
    %dma_start3A_833 = tpu.memref_squeeze %dma_start3A_832 : memref<1x3x56x112xf32, #tpu.memory_space<vmem>> -> memref<3x56x112xf32, #tpu.memory_space<vmem>>
    %dma_start3A_834 = arith.constant 0 : i32
    %dma_start3A_835 = arith.constant 0 : i32
    %dma_start3A_836 = arith.constant 0 : i32
    %dma_start3A_837 = tpu.memref_slice %arg2[%select_n3A, %mul3A_100, %dma_start3A_834, %dma_start3A_835, %dma_start3A_836] : memref<4x128x3x112x112xf32, #tpu.memory_space<hbm>> -> memref<1x1x3x56x112xf32, #tpu.memory_space<hbm>>
    %dma_start3A_838 = tpu.memref_squeeze %dma_start3A_837 : memref<1x1x3x56x112xf32, #tpu.memory_space<hbm>> -> memref<3x56x112xf32, #tpu.memory_space<hbm>>
    tpu.enqueue_dma source(%dma_start3A_838 : memref<3x56x112xf32, #tpu.memory_space<hbm>>) target(%dma_start3A_833 : memref<3x56x112xf32, #tpu.memory_space<vmem>>) target_semaphore(%dma_start3A_828 : memref<!tpu.dma_semaphore, #tpu.memory_space<semaphore_mem>>)
    %dma_wait3A_839 = arith.constant 1 : i32
    %dma_wait3A_840 = arith.constant 1 : i32
    %dma_wait3A_841 = arith.constant 0 : i32
    %dma_wait3A_842 = arith.constant 0 : i32
    %dma_wait3A_843 = arith.constant 0 : i32
    %dma_wait3A_844 = tpu.memref_slice %arg6[%dma_wait3A_839, %dma_wait3A_841, %dma_wait3A_842, %dma_wait3A_843] : memref<4x3x56x112xf32, #tpu.memory_space<vmem>> -> memref<1x3x56x112xf32, #tpu.memory_space<vmem>>
    %dma_wait3A_845 = tpu.memref_squeeze %dma_wait3A_844 : memref<1x3x56x112xf32, #tpu.memory_space<vmem>> -> memref<3x56x112xf32, #tpu.memory_space<vmem>>
    %dma_wait3A_846 = arith.constant 0 : i32
    %dma_wait3A_847 = arith.constant 56 : i32
    %dma_wait3A_848 = arith.constant 0 : i32
    %dma_wait3A_849 = tpu.memref_slice %arg2[%select_n3A, %mul3A_88, %dma_wait3A_846, %dma_wait3A_847, %dma_wait3A_848] : memref<4x128x3x112x112xf32, #tpu.memory_space<hbm>> -> memref<1x1x3x56x112xf32, #tpu.memory_space<hbm>>
    %dma_wait3A_850 = tpu.memref_squeeze %dma_wait3A_849 : memref<1x1x3x56x112xf32, #tpu.memory_space<hbm>> -> memref<3x56x112xf32, #tpu.memory_space<hbm>>
    %dma_wait3A_851 = tpu.memref_slice %arg8[%dma_wait3A_840] : memref<4x!tpu.dma_semaphore, #tpu.memory_space<semaphore_mem>> -> memref<1x!tpu.dma_semaphore, #tpu.memory_space<semaphore_mem>>
    %dma_wait3A_852 = tpu.memref_squeeze %dma_wait3A_851 : memref<1x!tpu.dma_semaphore, #tpu.memory_space<semaphore_mem>> -> memref<!tpu.dma_semaphore, #tpu.memory_space<semaphore_mem>>
    %dma_wait3A_853 = arith.constant 0 : i32
    %dma_wait3A_854 = arith.constant 0 : i32
    %dma_wait3A_855 = arith.constant 0 : i32
    %dma_wait3A_856 = tpu.memref_slice %arg6[%dma_wait3A_839, %dma_wait3A_853, %dma_wait3A_854, %dma_wait3A_855] : memref<4x3x56x112xf32, #tpu.memory_space<vmem>> -> memref<1x3x56x112xf32, #tpu.memory_space<vmem>>
    %dma_wait3A_857 = tpu.memref_squeeze %dma_wait3A_856 : memref<1x3x56x112xf32, #tpu.memory_space<vmem>> -> memref<3x56x112xf32, #tpu.memory_space<vmem>>
    %dma_wait3A_858 = arith.constant 0 : i32
    %dma_wait3A_859 = arith.constant 56 : i32
    %dma_wait3A_860 = arith.constant 0 : i32
    %dma_wait3A_861 = tpu.memref_slice %arg2[%select_n3A, %mul3A_88, %dma_wait3A_858, %dma_wait3A_859, %dma_wait3A_860] : memref<4x128x3x112x112xf32, #tpu.memory_space<hbm>> -> memref<1x1x3x56x112xf32, #tpu.memory_space<hbm>>
    %dma_wait3A_862 = tpu.memref_squeeze %dma_wait3A_861 : memref<1x1x3x56x112xf32, #tpu.memory_space<hbm>> -> memref<3x56x112xf32, #tpu.memory_space<hbm>>
    tpu.wait_dma2 semaphore(%dma_wait3A_852 : memref<!tpu.dma_semaphore, #tpu.memory_space<semaphore_mem>>) src(%dma_wait3A_862 : memref<3x56x112xf32, #tpu.memory_space<hbm>>) dst(%dma_wait3A_857 : memref<3x56x112xf32, #tpu.memory_space<vmem>>)
    %dma_start3A_863 = arith.constant 1 : i32
    %dma_start3A_864 = arith.constant 1 : i32
    %dma_start3A_865 = arith.constant 0 : i32
    %dma_start3A_866 = arith.constant 0 : i32
    %dma_start3A_867 = arith.constant 0 : i32
    %dma_start3A_868 = tpu.memref_slice %arg6[%dma_start3A_863, %dma_start3A_865, %dma_start3A_866, %dma_start3A_867] : memref<4x3x56x112xf32, #tpu.memory_space<vmem>> -> memref<1x3x56x112xf32, #tpu.memory_space<vmem>>
    %dma_start3A_869 = tpu.memref_squeeze %dma_start3A_868 : memref<1x3x56x112xf32, #tpu.memory_space<vmem>> -> memref<3x56x112xf32, #tpu.memory_space<vmem>>
    %dma_start3A_870 = arith.constant 0 : i32
    %dma_start3A_871 = arith.constant 56 : i32
    %dma_start3A_872 = arith.constant 0 : i32
    %dma_start3A_873 = tpu.memref_slice %arg4[%select_n3A, %add3A_140, %dma_start3A_870, %dma_start3A_871, %dma_start3A_872] : memref<4x64x3x112x112xf32, #tpu.memory_space<hbm>> -> memref<1x1x3x56x112xf32, #tpu.memory_space<hbm>>
    %dma_start3A_874 = tpu.memref_squeeze %dma_start3A_873 : memref<1x1x3x56x112xf32, #tpu.memory_space<hbm>> -> memref<3x56x112xf32, #tpu.memory_space<hbm>>
    %dma_start3A_875 = tpu.memref_slice %arg9[%dma_start3A_864] : memref<4x!tpu.dma_semaphore, #tpu.memory_space<semaphore_mem>> -> memref<1x!tpu.dma_semaphore, #tpu.memory_space<semaphore_mem>>
    %dma_start3A_876 = tpu.memref_squeeze %dma_start3A_875 : memref<1x!tpu.dma_semaphore, #tpu.memory_space<semaphore_mem>> -> memref<!tpu.dma_semaphore, #tpu.memory_space<semaphore_mem>>
    %dma_start3A_877 = arith.constant 0 : i32
    %dma_start3A_878 = arith.constant 56 : i32
    %dma_start3A_879 = arith.constant 0 : i32
    %dma_start3A_880 = tpu.memref_slice %arg4[%select_n3A, %add3A_140, %dma_start3A_877, %dma_start3A_878, %dma_start3A_879] : memref<4x64x3x112x112xf32, #tpu.memory_space<hbm>> -> memref<1x1x3x56x112xf32, #tpu.memory_space<hbm>>
    %dma_start3A_881 = tpu.memref_squeeze %dma_start3A_880 : memref<1x1x3x56x112xf32, #tpu.memory_space<hbm>> -> memref<3x56x112xf32, #tpu.memory_space<hbm>>
    %dma_start3A_882 = arith.constant 0 : i32
    %dma_start3A_883 = arith.constant 0 : i32
    %dma_start3A_884 = arith.constant 0 : i32
    %dma_start3A_885 = tpu.memref_slice %arg6[%dma_start3A_863, %dma_start3A_882, %dma_start3A_883, %dma_start3A_884] : memref<4x3x56x112xf32, #tpu.memory_space<vmem>> -> memref<1x3x56x112xf32, #tpu.memory_space<vmem>>
    %dma_start3A_886 = tpu.memref_squeeze %dma_start3A_885 : memref<1x3x56x112xf32, #tpu.memory_space<vmem>> -> memref<3x56x112xf32, #tpu.memory_space<vmem>>
    tpu.enqueue_dma source(%dma_start3A_886 : memref<3x56x112xf32, #tpu.memory_space<vmem>>) target(%dma_start3A_881 : memref<3x56x112xf32, #tpu.memory_space<hbm>>) target_semaphore(%dma_start3A_876 : memref<!tpu.dma_semaphore, #tpu.memory_space<semaphore_mem>>)
    %dma_wait3A_887 = arith.constant 1 : i32
    %dma_wait3A_888 = arith.constant 1 : i32
    %dma_wait3A_889 = arith.constant 0 : i32
    %dma_wait3A_890 = arith.constant 0 : i32
    %dma_wait3A_891 = arith.constant 0 : i32
    %dma_wait3A_892 = tpu.memref_slice %arg6[%dma_wait3A_887, %dma_wait3A_889, %dma_wait3A_890, %dma_wait3A_891] : memref<4x3x56x112xf32, #tpu.memory_space<vmem>> -> memref<1x3x56x112xf32, #tpu.memory_space<vmem>>
    %dma_wait3A_893 = tpu.memref_squeeze %dma_wait3A_892 : memref<1x3x56x112xf32, #tpu.memory_space<vmem>> -> memref<3x56x112xf32, #tpu.memory_space<vmem>>
    %dma_wait3A_894 = arith.constant 0 : i32
    %dma_wait3A_895 = arith.constant 56 : i32
    %dma_wait3A_896 = arith.constant 0 : i32
    %dma_wait3A_897 = tpu.memref_slice %arg4[%select_n3A, %add3A_140, %dma_wait3A_894, %dma_wait3A_895, %dma_wait3A_896] : memref<4x64x3x112x112xf32, #tpu.memory_space<hbm>> -> memref<1x1x3x56x112xf32, #tpu.memory_space<hbm>>
    %dma_wait3A_898 = tpu.memref_squeeze %dma_wait3A_897 : memref<1x1x3x56x112xf32, #tpu.memory_space<hbm>> -> memref<3x56x112xf32, #tpu.memory_space<hbm>>
    %dma_wait3A_899 = tpu.memref_slice %arg9[%dma_wait3A_888] : memref<4x!tpu.dma_semaphore, #tpu.memory_space<semaphore_mem>> -> memref<1x!tpu.dma_semaphore, #tpu.memory_space<semaphore_mem>>
    %dma_wait3A_900 = tpu.memref_squeeze %dma_wait3A_899 : memref<1x!tpu.dma_semaphore, #tpu.memory_space<semaphore_mem>> -> memref<!tpu.dma_semaphore, #tpu.memory_space<semaphore_mem>>
    %dma_wait3A_901 = arith.constant 0 : i32
    %dma_wait3A_902 = arith.constant 56 : i32
    %dma_wait3A_903 = arith.constant 0 : i32
    %dma_wait3A_904 = tpu.memref_slice %arg4[%select_n3A, %add3A_140, %dma_wait3A_901, %dma_wait3A_902, %dma_wait3A_903] : memref<4x64x3x112x112xf32, #tpu.memory_space<hbm>> -> memref<1x1x3x56x112xf32, #tpu.memory_space<hbm>>
    %dma_wait3A_905 = tpu.memref_squeeze %dma_wait3A_904 : memref<1x1x3x56x112xf32, #tpu.memory_space<hbm>> -> memref<3x56x112xf32, #tpu.memory_space<hbm>>
    %dma_wait3A_906 = arith.constant 0 : i32
    %dma_wait3A_907 = arith.constant 0 : i32
    %dma_wait3A_908 = arith.constant 0 : i32
    %dma_wait3A_909 = tpu.memref_slice %arg6[%dma_wait3A_887, %dma_wait3A_906, %dma_wait3A_907, %dma_wait3A_908] : memref<4x3x56x112xf32, #tpu.memory_space<vmem>> -> memref<1x3x56x112xf32, #tpu.memory_space<vmem>>
    %dma_wait3A_910 = tpu.memref_squeeze %dma_wait3A_909 : memref<1x3x56x112xf32, #tpu.memory_space<vmem>> -> memref<3x56x112xf32, #tpu.memory_space<vmem>>
    tpu.wait_dma2 semaphore(%dma_wait3A_900 : memref<!tpu.dma_semaphore, #tpu.memory_space<semaphore_mem>>) src(%dma_wait3A_910 : memref<3x56x112xf32, #tpu.memory_space<vmem>>) dst(%dma_wait3A_905 : memref<3x56x112xf32, #tpu.memory_space<hbm>>)
    %dma_start3A_911 = arith.constant 1 : i32
    %dma_start3A_912 = arith.constant 1 : i32
    %dma_start3A_913 = arith.constant 0 : i32
    %dma_start3A_914 = arith.constant 0 : i32
    %dma_start3A_915 = arith.constant 0 : i32
    %dma_start3A_916 = tpu.memref_slice %arg6[%dma_start3A_911, %dma_start3A_913, %dma_start3A_914, %dma_start3A_915] : memref<4x3x56x112xf32, #tpu.memory_space<vmem>> -> memref<1x3x56x112xf32, #tpu.memory_space<vmem>>
    %dma_start3A_917 = tpu.memref_squeeze %dma_start3A_916 : memref<1x3x56x112xf32, #tpu.memory_space<vmem>> -> memref<3x56x112xf32, #tpu.memory_space<vmem>>
    %dma_start3A_918 = arith.constant 0 : i32
    %dma_start3A_919 = arith.constant 56 : i32
    %dma_start3A_920 = arith.constant 0 : i32
    %dma_start3A_921 = tpu.memref_slice %arg2[%select_n3A, %mul3A_104, %dma_start3A_918, %dma_start3A_919, %dma_start3A_920] : memref<4x128x3x112x112xf32, #tpu.memory_space<hbm>> -> memref<1x1x3x56x112xf32, #tpu.memory_space<hbm>>
    %dma_start3A_922 = tpu.memref_squeeze %dma_start3A_921 : memref<1x1x3x56x112xf32, #tpu.memory_space<hbm>> -> memref<3x56x112xf32, #tpu.memory_space<hbm>>
    %dma_start3A_923 = tpu.memref_slice %arg8[%dma_start3A_912] : memref<4x!tpu.dma_semaphore, #tpu.memory_space<semaphore_mem>> -> memref<1x!tpu.dma_semaphore, #tpu.memory_space<semaphore_mem>>
    %dma_start3A_924 = tpu.memref_squeeze %dma_start3A_923 : memref<1x!tpu.dma_semaphore, #tpu.memory_space<semaphore_mem>> -> memref<!tpu.dma_semaphore, #tpu.memory_space<semaphore_mem>>
    %dma_start3A_925 = arith.constant 0 : i32
    %dma_start3A_926 = arith.constant 0 : i32
    %dma_start3A_927 = arith.constant 0 : i32
    %dma_start3A_928 = tpu.memref_slice %arg6[%dma_start3A_911, %dma_start3A_925, %dma_start3A_926, %dma_start3A_927] : memref<4x3x56x112xf32, #tpu.memory_space<vmem>> -> memref<1x3x56x112xf32, #tpu.memory_space<vmem>>
    %dma_start3A_929 = tpu.memref_squeeze %dma_start3A_928 : memref<1x3x56x112xf32, #tpu.memory_space<vmem>> -> memref<3x56x112xf32, #tpu.memory_space<vmem>>
    %dma_start3A_930 = arith.constant 0 : i32
    %dma_start3A_931 = arith.constant 56 : i32
    %dma_start3A_932 = arith.constant 0 : i32
    %dma_start3A_933 = tpu.memref_slice %arg2[%select_n3A, %mul3A_104, %dma_start3A_930, %dma_start3A_931, %dma_start3A_932] : memref<4x128x3x112x112xf32, #tpu.memory_space<hbm>> -> memref<1x1x3x56x112xf32, #tpu.memory_space<hbm>>
    %dma_start3A_934 = tpu.memref_squeeze %dma_start3A_933 : memref<1x1x3x56x112xf32, #tpu.memory_space<hbm>> -> memref<3x56x112xf32, #tpu.memory_space<hbm>>
    tpu.enqueue_dma source(%dma_start3A_934 : memref<3x56x112xf32, #tpu.memory_space<hbm>>) target(%dma_start3A_929 : memref<3x56x112xf32, #tpu.memory_space<vmem>>) target_semaphore(%dma_start3A_924 : memref<!tpu.dma_semaphore, #tpu.memory_space<semaphore_mem>>)
    %dma_wait3A_935 = arith.constant 2 : i32
    %dma_wait3A_936 = arith.constant 2 : i32
    %dma_wait3A_937 = arith.constant 0 : i32
    %dma_wait3A_938 = arith.constant 0 : i32
    %dma_wait3A_939 = arith.constant 0 : i32
    %dma_wait3A_940 = tpu.memref_slice %arg6[%dma_wait3A_935, %dma_wait3A_937, %dma_wait3A_938, %dma_wait3A_939] : memref<4x3x56x112xf32, #tpu.memory_space<vmem>> -> memref<1x3x56x112xf32, #tpu.memory_space<vmem>>
    %dma_wait3A_941 = tpu.memref_squeeze %dma_wait3A_940 : memref<1x3x56x112xf32, #tpu.memory_space<vmem>> -> memref<3x56x112xf32, #tpu.memory_space<vmem>>
    %dma_wait3A_942 = arith.constant 0 : i32
    %dma_wait3A_943 = arith.constant 0 : i32
    %dma_wait3A_944 = arith.constant 0 : i32
    %dma_wait3A_945 = tpu.memref_slice %arg2[%select_n3A, %mul3A_92, %dma_wait3A_942, %dma_wait3A_943, %dma_wait3A_944] : memref<4x128x3x112x112xf32, #tpu.memory_space<hbm>> -> memref<1x1x3x56x112xf32, #tpu.memory_space<hbm>>
    %dma_wait3A_946 = tpu.memref_squeeze %dma_wait3A_945 : memref<1x1x3x56x112xf32, #tpu.memory_space<hbm>> -> memref<3x56x112xf32, #tpu.memory_space<hbm>>
    %dma_wait3A_947 = tpu.memref_slice %arg8[%dma_wait3A_936] : memref<4x!tpu.dma_semaphore, #tpu.memory_space<semaphore_mem>> -> memref<1x!tpu.dma_semaphore, #tpu.memory_space<semaphore_mem>>
    %dma_wait3A_948 = tpu.memref_squeeze %dma_wait3A_947 : memref<1x!tpu.dma_semaphore, #tpu.memory_space<semaphore_mem>> -> memref<!tpu.dma_semaphore, #tpu.memory_space<semaphore_mem>>
    %dma_wait3A_949 = arith.constant 0 : i32
    %dma_wait3A_950 = arith.constant 0 : i32
    %dma_wait3A_951 = arith.constant 0 : i32
    %dma_wait3A_952 = tpu.memref_slice %arg6[%dma_wait3A_935, %dma_wait3A_949, %dma_wait3A_950, %dma_wait3A_951] : memref<4x3x56x112xf32, #tpu.memory_space<vmem>> -> memref<1x3x56x112xf32, #tpu.memory_space<vmem>>
    %dma_wait3A_953 = tpu.memref_squeeze %dma_wait3A_952 : memref<1x3x56x112xf32, #tpu.memory_space<vmem>> -> memref<3x56x112xf32, #tpu.memory_space<vmem>>
    %dma_wait3A_954 = arith.constant 0 : i32
    %dma_wait3A_955 = arith.constant 0 : i32
    %dma_wait3A_956 = arith.constant 0 : i32
    %dma_wait3A_957 = tpu.memref_slice %arg2[%select_n3A, %mul3A_92, %dma_wait3A_954, %dma_wait3A_955, %dma_wait3A_956] : memref<4x128x3x112x112xf32, #tpu.memory_space<hbm>> -> memref<1x1x3x56x112xf32, #tpu.memory_space<hbm>>
    %dma_wait3A_958 = tpu.memref_squeeze %dma_wait3A_957 : memref<1x1x3x56x112xf32, #tpu.memory_space<hbm>> -> memref<3x56x112xf32, #tpu.memory_space<hbm>>
    tpu.wait_dma2 semaphore(%dma_wait3A_948 : memref<!tpu.dma_semaphore, #tpu.memory_space<semaphore_mem>>) src(%dma_wait3A_958 : memref<3x56x112xf32, #tpu.memory_space<hbm>>) dst(%dma_wait3A_953 : memref<3x56x112xf32, #tpu.memory_space<vmem>>)
    %dma_start3A_959 = arith.constant 2 : i32
    %dma_start3A_960 = arith.constant 2 : i32
    %dma_start3A_961 = arith.constant 0 : i32
    %dma_start3A_962 = arith.constant 0 : i32
    %dma_start3A_963 = arith.constant 0 : i32
    %dma_start3A_964 = tpu.memref_slice %arg6[%dma_start3A_959, %dma_start3A_961, %dma_start3A_962, %dma_start3A_963] : memref<4x3x56x112xf32, #tpu.memory_space<vmem>> -> memref<1x3x56x112xf32, #tpu.memory_space<vmem>>
    %dma_start3A_965 = tpu.memref_squeeze %dma_start3A_964 : memref<1x3x56x112xf32, #tpu.memory_space<vmem>> -> memref<3x56x112xf32, #tpu.memory_space<vmem>>
    %dma_start3A_966 = arith.constant 0 : i32
    %dma_start3A_967 = arith.constant 0 : i32
    %dma_start3A_968 = arith.constant 0 : i32
    %dma_start3A_969 = tpu.memref_slice %arg4[%select_n3A, %add3A_142, %dma_start3A_966, %dma_start3A_967, %dma_start3A_968] : memref<4x64x3x112x112xf32, #tpu.memory_space<hbm>> -> memref<1x1x3x56x112xf32, #tpu.memory_space<hbm>>
    %dma_start3A_970 = tpu.memref_squeeze %dma_start3A_969 : memref<1x1x3x56x112xf32, #tpu.memory_space<hbm>> -> memref<3x56x112xf32, #tpu.memory_space<hbm>>
    %dma_start3A_971 = tpu.memref_slice %arg9[%dma_start3A_960] : memref<4x!tpu.dma_semaphore, #tpu.memory_space<semaphore_mem>> -> memref<1x!tpu.dma_semaphore, #tpu.memory_space<semaphore_mem>>
    %dma_start3A_972 = tpu.memref_squeeze %dma_start3A_971 : memref<1x!tpu.dma_semaphore, #tpu.memory_space<semaphore_mem>> -> memref<!tpu.dma_semaphore, #tpu.memory_space<semaphore_mem>>
    %dma_start3A_973 = arith.constant 0 : i32
    %dma_start3A_974 = arith.constant 0 : i32
    %dma_start3A_975 = arith.constant 0 : i32
    %dma_start3A_976 = tpu.memref_slice %arg4[%select_n3A, %add3A_142, %dma_start3A_973, %dma_start3A_974, %dma_start3A_975] : memref<4x64x3x112x112xf32, #tpu.memory_space<hbm>> -> memref<1x1x3x56x112xf32, #tpu.memory_space<hbm>>
    %dma_start3A_977 = tpu.memref_squeeze %dma_start3A_976 : memref<1x1x3x56x112xf32, #tpu.memory_space<hbm>> -> memref<3x56x112xf32, #tpu.memory_space<hbm>>
    %dma_start3A_978 = arith.constant 0 : i32
    %dma_start3A_979 = arith.constant 0 : i32
    %dma_start3A_980 = arith.constant 0 : i32
    %dma_start3A_981 = tpu.memref_slice %arg6[%dma_start3A_959, %dma_start3A_978, %dma_start3A_979, %dma_start3A_980] : memref<4x3x56x112xf32, #tpu.memory_space<vmem>> -> memref<1x3x56x112xf32, #tpu.memory_space<vmem>>
    %dma_start3A_982 = tpu.memref_squeeze %dma_start3A_981 : memref<1x3x56x112xf32, #tpu.memory_space<vmem>> -> memref<3x56x112xf32, #tpu.memory_space<vmem>>
    tpu.enqueue_dma source(%dma_start3A_982 : memref<3x56x112xf32, #tpu.memory_space<vmem>>) target(%dma_start3A_977 : memref<3x56x112xf32, #tpu.memory_space<hbm>>) target_semaphore(%dma_start3A_972 : memref<!tpu.dma_semaphore, #tpu.memory_space<semaphore_mem>>)
    %dma_wait3A_983 = arith.constant 2 : i32
    %dma_wait3A_984 = arith.constant 2 : i32
    %dma_wait3A_985 = arith.constant 0 : i32
    %dma_wait3A_986 = arith.constant 0 : i32
    %dma_wait3A_987 = arith.constant 0 : i32
    %dma_wait3A_988 = tpu.memref_slice %arg6[%dma_wait3A_983, %dma_wait3A_985, %dma_wait3A_986, %dma_wait3A_987] : memref<4x3x56x112xf32, #tpu.memory_space<vmem>> -> memref<1x3x56x112xf32, #tpu.memory_space<vmem>>
    %dma_wait3A_989 = tpu.memref_squeeze %dma_wait3A_988 : memref<1x3x56x112xf32, #tpu.memory_space<vmem>> -> memref<3x56x112xf32, #tpu.memory_space<vmem>>
    %dma_wait3A_990 = arith.constant 0 : i32
    %dma_wait3A_991 = arith.constant 0 : i32
    %dma_wait3A_992 = arith.constant 0 : i32
    %dma_wait3A_993 = tpu.memref_slice %arg4[%select_n3A, %add3A_142, %dma_wait3A_990, %dma_wait3A_991, %dma_wait3A_992] : memref<4x64x3x112x112xf32, #tpu.memory_space<hbm>> -> memref<1x1x3x56x112xf32, #tpu.memory_space<hbm>>
    %dma_wait3A_994 = tpu.memref_squeeze %dma_wait3A_993 : memref<1x1x3x56x112xf32, #tpu.memory_space<hbm>> -> memref<3x56x112xf32, #tpu.memory_space<hbm>>
    %dma_wait3A_995 = tpu.memref_slice %arg9[%dma_wait3A_984] : memref<4x!tpu.dma_semaphore, #tpu.memory_space<semaphore_mem>> -> memref<1x!tpu.dma_semaphore, #tpu.memory_space<semaphore_mem>>
    %dma_wait3A_996 = tpu.memref_squeeze %dma_wait3A_995 : memref<1x!tpu.dma_semaphore, #tpu.memory_space<semaphore_mem>> -> memref<!tpu.dma_semaphore, #tpu.memory_space<semaphore_mem>>
    %dma_wait3A_997 = arith.constant 0 : i32
    %dma_wait3A_998 = arith.constant 0 : i32
    %dma_wait3A_999 = arith.constant 0 : i32
    %dma_wait3A_1000 = tpu.memref_slice %arg4[%select_n3A, %add3A_142, %dma_wait3A_997, %dma_wait3A_998, %dma_wait3A_999] : memref<4x64x3x112x112xf32, #tpu.memory_space<hbm>> -> memref<1x1x3x56x112xf32, #tpu.memory_space<hbm>>
    %dma_wait3A_1001 = tpu.memref_squeeze %dma_wait3A_1000 : memref<1x1x3x56x112xf32, #tpu.memory_space<hbm>> -> memref<3x56x112xf32, #tpu.memory_space<hbm>>
    %dma_wait3A_1002 = arith.constant 0 : i32
    %dma_wait3A_1003 = arith.constant 0 : i32
    %dma_wait3A_1004 = arith.constant 0 : i32
    %dma_wait3A_1005 = tpu.memref_slice %arg6[%dma_wait3A_983, %dma_wait3A_1002, %dma_wait3A_1003, %dma_wait3A_1004] : memref<4x3x56x112xf32, #tpu.memory_space<vmem>> -> memref<1x3x56x112xf32, #tpu.memory_space<vmem>>
    %dma_wait3A_1006 = tpu.memref_squeeze %dma_wait3A_1005 : memref<1x3x56x112xf32, #tpu.memory_space<vmem>> -> memref<3x56x112xf32, #tpu.memory_space<vmem>>
    tpu.wait_dma2 semaphore(%dma_wait3A_996 : memref<!tpu.dma_semaphore, #tpu.memory_space<semaphore_mem>>) src(%dma_wait3A_1006 : memref<3x56x112xf32, #tpu.memory_space<vmem>>) dst(%dma_wait3A_1001 : memref<3x56x112xf32, #tpu.memory_space<hbm>>)
    %dma_start3A_1007 = arith.constant 2 : i32
    %dma_start3A_1008 = arith.constant 2 : i32
    %dma_start3A_1009 = arith.constant 0 : i32
    %dma_start3A_1010 = arith.constant 0 : i32
    %dma_start3A_1011 = arith.constant 0 : i32
    %dma_start3A_1012 = tpu.memref_slice %arg6[%dma_start3A_1007, %dma_start3A_1009, %dma_start3A_1010, %dma_start3A_1011] : memref<4x3x56x112xf32, #tpu.memory_space<vmem>> -> memref<1x3x56x112xf32, #tpu.memory_space<vmem>>
    %dma_start3A_1013 = tpu.memref_squeeze %dma_start3A_1012 : memref<1x3x56x112xf32, #tpu.memory_space<vmem>> -> memref<3x56x112xf32, #tpu.memory_space<vmem>>
    %dma_start3A_1014 = arith.constant 0 : i32
    %dma_start3A_1015 = arith.constant 0 : i32
    %dma_start3A_1016 = arith.constant 0 : i32
    %dma_start3A_1017 = tpu.memref_slice %arg2[%select_n3A, %mul3A_108, %dma_start3A_1014, %dma_start3A_1015, %dma_start3A_1016] : memref<4x128x3x112x112xf32, #tpu.memory_space<hbm>> -> memref<1x1x3x56x112xf32, #tpu.memory_space<hbm>>
    %dma_start3A_1018 = tpu.memref_squeeze %dma_start3A_1017 : memref<1x1x3x56x112xf32, #tpu.memory_space<hbm>> -> memref<3x56x112xf32, #tpu.memory_space<hbm>>
    %dma_start3A_1019 = tpu.memref_slice %arg8[%dma_start3A_1008] : memref<4x!tpu.dma_semaphore, #tpu.memory_space<semaphore_mem>> -> memref<1x!tpu.dma_semaphore, #tpu.memory_space<semaphore_mem>>
    %dma_start3A_1020 = tpu.memref_squeeze %dma_start3A_1019 : memref<1x!tpu.dma_semaphore, #tpu.memory_space<semaphore_mem>> -> memref<!tpu.dma_semaphore, #tpu.memory_space<semaphore_mem>>
    %dma_start3A_1021 = arith.constant 0 : i32
    %dma_start3A_1022 = arith.constant 0 : i32
    %dma_start3A_1023 = arith.constant 0 : i32
    %dma_start3A_1024 = tpu.memref_slice %arg6[%dma_start3A_1007, %dma_start3A_1021, %dma_start3A_1022, %dma_start3A_1023] : memref<4x3x56x112xf32, #tpu.memory_space<vmem>> -> memref<1x3x56x112xf32, #tpu.memory_space<vmem>>
    %dma_start3A_1025 = tpu.memref_squeeze %dma_start3A_1024 : memref<1x3x56x112xf32, #tpu.memory_space<vmem>> -> memref<3x56x112xf32, #tpu.memory_space<vmem>>
    %dma_start3A_1026 = arith.constant 0 : i32
    %dma_start3A_1027 = arith.constant 0 : i32
    %dma_start3A_1028 = arith.constant 0 : i32
    %dma_start3A_1029 = tpu.memref_slice %arg2[%select_n3A, %mul3A_108, %dma_start3A_1026, %dma_start3A_1027, %dma_start3A_1028] : memref<4x128x3x112x112xf32, #tpu.memory_space<hbm>> -> memref<1x1x3x56x112xf32, #tpu.memory_space<hbm>>
    %dma_start3A_1030 = tpu.memref_squeeze %dma_start3A_1029 : memref<1x1x3x56x112xf32, #tpu.memory_space<hbm>> -> memref<3x56x112xf32, #tpu.memory_space<hbm>>
    tpu.enqueue_dma source(%dma_start3A_1030 : memref<3x56x112xf32, #tpu.memory_space<hbm>>) target(%dma_start3A_1025 : memref<3x56x112xf32, #tpu.memory_space<vmem>>) target_semaphore(%dma_start3A_1020 : memref<!tpu.dma_semaphore, #tpu.memory_space<semaphore_mem>>)
    %dma_wait3A_1031 = arith.constant 3 : i32
    %dma_wait3A_1032 = arith.constant 3 : i32
    %dma_wait3A_1033 = arith.constant 0 : i32
    %dma_wait3A_1034 = arith.constant 0 : i32
    %dma_wait3A_1035 = arith.constant 0 : i32
    %dma_wait3A_1036 = tpu.memref_slice %arg6[%dma_wait3A_1031, %dma_wait3A_1033, %dma_wait3A_1034, %dma_wait3A_1035] : memref<4x3x56x112xf32, #tpu.memory_space<vmem>> -> memref<1x3x56x112xf32, #tpu.memory_space<vmem>>
    %dma_wait3A_1037 = tpu.memref_squeeze %dma_wait3A_1036 : memref<1x3x56x112xf32, #tpu.memory_space<vmem>> -> memref<3x56x112xf32, #tpu.memory_space<vmem>>
    %dma_wait3A_1038 = arith.constant 0 : i32
    %dma_wait3A_1039 = arith.constant 56 : i32
    %dma_wait3A_1040 = arith.constant 0 : i32
    %dma_wait3A_1041 = tpu.memref_slice %arg2[%select_n3A, %mul3A_96, %dma_wait3A_1038, %dma_wait3A_1039, %dma_wait3A_1040] : memref<4x128x3x112x112xf32, #tpu.memory_space<hbm>> -> memref<1x1x3x56x112xf32, #tpu.memory_space<hbm>>
    %dma_wait3A_1042 = tpu.memref_squeeze %dma_wait3A_1041 : memref<1x1x3x56x112xf32, #tpu.memory_space<hbm>> -> memref<3x56x112xf32, #tpu.memory_space<hbm>>
    %dma_wait3A_1043 = tpu.memref_slice %arg8[%dma_wait3A_1032] : memref<4x!tpu.dma_semaphore, #tpu.memory_space<semaphore_mem>> -> memref<1x!tpu.dma_semaphore, #tpu.memory_space<semaphore_mem>>
    %dma_wait3A_1044 = tpu.memref_squeeze %dma_wait3A_1043 : memref<1x!tpu.dma_semaphore, #tpu.memory_space<semaphore_mem>> -> memref<!tpu.dma_semaphore, #tpu.memory_space<semaphore_mem>>
    %dma_wait3A_1045 = arith.constant 0 : i32
    %dma_wait3A_1046 = arith.constant 0 : i32
    %dma_wait3A_1047 = arith.constant 0 : i32
    %dma_wait3A_1048 = tpu.memref_slice %arg6[%dma_wait3A_1031, %dma_wait3A_1045, %dma_wait3A_1046, %dma_wait3A_1047] : memref<4x3x56x112xf32, #tpu.memory_space<vmem>> -> memref<1x3x56x112xf32, #tpu.memory_space<vmem>>
    %dma_wait3A_1049 = tpu.memref_squeeze %dma_wait3A_1048 : memref<1x3x56x112xf32, #tpu.memory_space<vmem>> -> memref<3x56x112xf32, #tpu.memory_space<vmem>>
    %dma_wait3A_1050 = arith.constant 0 : i32
    %dma_wait3A_1051 = arith.constant 56 : i32
    %dma_wait3A_1052 = arith.constant 0 : i32
    %dma_wait3A_1053 = tpu.memref_slice %arg2[%select_n3A, %mul3A_96, %dma_wait3A_1050, %dma_wait3A_1051, %dma_wait3A_1052] : memref<4x128x3x112x112xf32, #tpu.memory_space<hbm>> -> memref<1x1x3x56x112xf32, #tpu.memory_space<hbm>>
    %dma_wait3A_1054 = tpu.memref_squeeze %dma_wait3A_1053 : memref<1x1x3x56x112xf32, #tpu.memory_space<hbm>> -> memref<3x56x112xf32, #tpu.memory_space<hbm>>
    tpu.wait_dma2 semaphore(%dma_wait3A_1044 : memref<!tpu.dma_semaphore, #tpu.memory_space<semaphore_mem>>) src(%dma_wait3A_1054 : memref<3x56x112xf32, #tpu.memory_space<hbm>>) dst(%dma_wait3A_1049 : memref<3x56x112xf32, #tpu.memory_space<vmem>>)
    %dma_start3A_1055 = arith.constant 3 : i32
    %dma_start3A_1056 = arith.constant 3 : i32
    %dma_start3A_1057 = arith.constant 0 : i32
    %dma_start3A_1058 = arith.constant 0 : i32
    %dma_start3A_1059 = arith.constant 0 : i32
    %dma_start3A_1060 = tpu.memref_slice %arg6[%dma_start3A_1055, %dma_start3A_1057, %dma_start3A_1058, %dma_start3A_1059] : memref<4x3x56x112xf32, #tpu.memory_space<vmem>> -> memref<1x3x56x112xf32, #tpu.memory_space<vmem>>
    %dma_start3A_1061 = tpu.memref_squeeze %dma_start3A_1060 : memref<1x3x56x112xf32, #tpu.memory_space<vmem>> -> memref<3x56x112xf32, #tpu.memory_space<vmem>>
    %dma_start3A_1062 = arith.constant 0 : i32
    %dma_start3A_1063 = arith.constant 56 : i32
    %dma_start3A_1064 = arith.constant 0 : i32
    %dma_start3A_1065 = tpu.memref_slice %arg4[%select_n3A, %add3A_144, %dma_start3A_1062, %dma_start3A_1063, %dma_start3A_1064] : memref<4x64x3x112x112xf32, #tpu.memory_space<hbm>> -> memref<1x1x3x56x112xf32, #tpu.memory_space<hbm>>
    %dma_start3A_1066 = tpu.memref_squeeze %dma_start3A_1065 : memref<1x1x3x56x112xf32, #tpu.memory_space<hbm>> -> memref<3x56x112xf32, #tpu.memory_space<hbm>>
    %dma_start3A_1067 = tpu.memref_slice %arg9[%dma_start3A_1056] : memref<4x!tpu.dma_semaphore, #tpu.memory_space<semaphore_mem>> -> memref<1x!tpu.dma_semaphore, #tpu.memory_space<semaphore_mem>>
    %dma_start3A_1068 = tpu.memref_squeeze %dma_start3A_1067 : memref<1x!tpu.dma_semaphore, #tpu.memory_space<semaphore_mem>> -> memref<!tpu.dma_semaphore, #tpu.memory_space<semaphore_mem>>
    %dma_start3A_1069 = arith.constant 0 : i32
    %dma_start3A_1070 = arith.constant 56 : i32
    %dma_start3A_1071 = arith.constant 0 : i32
    %dma_start3A_1072 = tpu.memref_slice %arg4[%select_n3A, %add3A_144, %dma_start3A_1069, %dma_start3A_1070, %dma_start3A_1071] : memref<4x64x3x112x112xf32, #tpu.memory_space<hbm>> -> memref<1x1x3x56x112xf32, #tpu.memory_space<hbm>>
    %dma_start3A_1073 = tpu.memref_squeeze %dma_start3A_1072 : memref<1x1x3x56x112xf32, #tpu.memory_space<hbm>> -> memref<3x56x112xf32, #tpu.memory_space<hbm>>
    %dma_start3A_1074 = arith.constant 0 : i32
    %dma_start3A_1075 = arith.constant 0 : i32
    %dma_start3A_1076 = arith.constant 0 : i32
    %dma_start3A_1077 = tpu.memref_slice %arg6[%dma_start3A_1055, %dma_start3A_1074, %dma_start3A_1075, %dma_start3A_1076] : memref<4x3x56x112xf32, #tpu.memory_space<vmem>> -> memref<1x3x56x112xf32, #tpu.memory_space<vmem>>
    %dma_start3A_1078 = tpu.memref_squeeze %dma_start3A_1077 : memref<1x3x56x112xf32, #tpu.memory_space<vmem>> -> memref<3x56x112xf32, #tpu.memory_space<vmem>>
    tpu.enqueue_dma source(%dma_start3A_1078 : memref<3x56x112xf32, #tpu.memory_space<vmem>>) target(%dma_start3A_1073 : memref<3x56x112xf32, #tpu.memory_space<hbm>>) target_semaphore(%dma_start3A_1068 : memref<!tpu.dma_semaphore, #tpu.memory_space<semaphore_mem>>)
    %dma_wait3A_1079 = arith.constant 3 : i32
    %dma_wait3A_1080 = arith.constant 3 : i32
    %dma_wait3A_1081 = arith.constant 0 : i32
    %dma_wait3A_1082 = arith.constant 0 : i32
    %dma_wait3A_1083 = arith.constant 0 : i32
    %dma_wait3A_1084 = tpu.memref_slice %arg6[%dma_wait3A_1079, %dma_wait3A_1081, %dma_wait3A_1082, %dma_wait3A_1083] : memref<4x3x56x112xf32, #tpu.memory_space<vmem>> -> memref<1x3x56x112xf32, #tpu.memory_space<vmem>>
    %dma_wait3A_1085 = tpu.memref_squeeze %dma_wait3A_1084 : memref<1x3x56x112xf32, #tpu.memory_space<vmem>> -> memref<3x56x112xf32, #tpu.memory_space<vmem>>
    %dma_wait3A_1086 = arith.constant 0 : i32
    %dma_wait3A_1087 = arith.constant 56 : i32
    %dma_wait3A_1088 = arith.constant 0 : i32
    %dma_wait3A_1089 = tpu.memref_slice %arg4[%select_n3A, %add3A_144, %dma_wait3A_1086, %dma_wait3A_1087, %dma_wait3A_1088] : memref<4x64x3x112x112xf32, #tpu.memory_space<hbm>> -> memref<1x1x3x56x112xf32, #tpu.memory_space<hbm>>
    %dma_wait3A_1090 = tpu.memref_squeeze %dma_wait3A_1089 : memref<1x1x3x56x112xf32, #tpu.memory_space<hbm>> -> memref<3x56x112xf32, #tpu.memory_space<hbm>>
    %dma_wait3A_1091 = tpu.memref_slice %arg9[%dma_wait3A_1080] : memref<4x!tpu.dma_semaphore, #tpu.memory_space<semaphore_mem>> -> memref<1x!tpu.dma_semaphore, #tpu.memory_space<semaphore_mem>>
    %dma_wait3A_1092 = tpu.memref_squeeze %dma_wait3A_1091 : memref<1x!tpu.dma_semaphore, #tpu.memory_space<semaphore_mem>> -> memref<!tpu.dma_semaphore, #tpu.memory_space<semaphore_mem>>
    %dma_wait3A_1093 = arith.constant 0 : i32
    %dma_wait3A_1094 = arith.constant 56 : i32
    %dma_wait3A_1095 = arith.constant 0 : i32
    %dma_wait3A_1096 = tpu.memref_slice %arg4[%select_n3A, %add3A_144, %dma_wait3A_1093, %dma_wait3A_1094, %dma_wait3A_1095] : memref<4x64x3x112x112xf32, #tpu.memory_space<hbm>> -> memref<1x1x3x56x112xf32, #tpu.memory_space<hbm>>
    %dma_wait3A_1097 = tpu.memref_squeeze %dma_wait3A_1096 : memref<1x1x3x56x112xf32, #tpu.memory_space<hbm>> -> memref<3x56x112xf32, #tpu.memory_space<hbm>>
    %dma_wait3A_1098 = arith.constant 0 : i32
    %dma_wait3A_1099 = arith.constant 0 : i32
    %dma_wait3A_1100 = arith.constant 0 : i32
    %dma_wait3A_1101 = tpu.memref_slice %arg6[%dma_wait3A_1079, %dma_wait3A_1098, %dma_wait3A_1099, %dma_wait3A_1100] : memref<4x3x56x112xf32, #tpu.memory_space<vmem>> -> memref<1x3x56x112xf32, #tpu.memory_space<vmem>>
    %dma_wait3A_1102 = tpu.memref_squeeze %dma_wait3A_1101 : memref<1x3x56x112xf32, #tpu.memory_space<vmem>> -> memref<3x56x112xf32, #tpu.memory_space<vmem>>
    tpu.wait_dma2 semaphore(%dma_wait3A_1092 : memref<!tpu.dma_semaphore, #tpu.memory_space<semaphore_mem>>) src(%dma_wait3A_1102 : memref<3x56x112xf32, #tpu.memory_space<vmem>>) dst(%dma_wait3A_1097 : memref<3x56x112xf32, #tpu.memory_space<hbm>>)
    %dma_start3A_1103 = arith.constant 3 : i32
    %dma_start3A_1104 = arith.constant 3 : i32
    %dma_start3A_1105 = arith.constant 0 : i32
    %dma_start3A_1106 = arith.constant 0 : i32
    %dma_start3A_1107 = arith.constant 0 : i32
    %dma_start3A_1108 = tpu.memref_slice %arg6[%dma_start3A_1103, %dma_start3A_1105, %dma_start3A_1106, %dma_start3A_1107] : memref<4x3x56x112xf32, #tpu.memory_space<vmem>> -> memref<1x3x56x112xf32, #tpu.memory_space<vmem>>
    %dma_start3A_1109 = tpu.memref_squeeze %dma_start3A_1108 : memref<1x3x56x112xf32, #tpu.memory_space<vmem>> -> memref<3x56x112xf32, #tpu.memory_space<vmem>>
    %dma_start3A_1110 = arith.constant 0 : i32
    %dma_start3A_1111 = arith.constant 56 : i32
    %dma_start3A_1112 = arith.constant 0 : i32
    %dma_start3A_1113 = tpu.memref_slice %arg2[%select_n3A, %mul3A_112, %dma_start3A_1110, %dma_start3A_1111, %dma_start3A_1112] : memref<4x128x3x112x112xf32, #tpu.memory_space<hbm>> -> memref<1x1x3x56x112xf32, #tpu.memory_space<hbm>>
    %dma_start3A_1114 = tpu.memref_squeeze %dma_start3A_1113 : memref<1x1x3x56x112xf32, #tpu.memory_space<hbm>> -> memref<3x56x112xf32, #tpu.memory_space<hbm>>
    %dma_start3A_1115 = tpu.memref_slice %arg8[%dma_start3A_1104] : memref<4x!tpu.dma_semaphore, #tpu.memory_space<semaphore_mem>> -> memref<1x!tpu.dma_semaphore, #tpu.memory_space<semaphore_mem>>
    %dma_start3A_1116 = tpu.memref_squeeze %dma_start3A_1115 : memref<1x!tpu.dma_semaphore, #tpu.memory_space<semaphore_mem>> -> memref<!tpu.dma_semaphore, #tpu.memory_space<semaphore_mem>>
    %dma_start3A_1117 = arith.constant 0 : i32
    %dma_start3A_1118 = arith.constant 0 : i32
    %dma_start3A_1119 = arith.constant 0 : i32
    %dma_start3A_1120 = tpu.memref_slice %arg6[%dma_start3A_1103, %dma_start3A_1117, %dma_start3A_1118, %dma_start3A_1119] : memref<4x3x56x112xf32, #tpu.memory_space<vmem>> -> memref<1x3x56x112xf32, #tpu.memory_space<vmem>>
    %dma_start3A_1121 = tpu.memref_squeeze %dma_start3A_1120 : memref<1x3x56x112xf32, #tpu.memory_space<vmem>> -> memref<3x56x112xf32, #tpu.memory_space<vmem>>
    %dma_start3A_1122 = arith.constant 0 : i32
    %dma_start3A_1123 = arith.constant 56 : i32
    %dma_start3A_1124 = arith.constant 0 : i32
    %dma_start3A_1125 = tpu.memref_slice %arg2[%select_n3A, %mul3A_112, %dma_start3A_1122, %dma_start3A_1123, %dma_start3A_1124] : memref<4x128x3x112x112xf32, #tpu.memory_space<hbm>> -> memref<1x1x3x56x112xf32, #tpu.memory_space<hbm>>
    %dma_start3A_1126 = tpu.memref_squeeze %dma_start3A_1125 : memref<1x1x3x56x112xf32, #tpu.memory_space<hbm>> -> memref<3x56x112xf32, #tpu.memory_space<hbm>>
    tpu.enqueue_dma source(%dma_start3A_1126 : memref<3x56x112xf32, #tpu.memory_space<hbm>>) target(%dma_start3A_1121 : memref<3x56x112xf32, #tpu.memory_space<vmem>>) target_semaphore(%dma_start3A_1116 : memref<!tpu.dma_semaphore, #tpu.memory_space<semaphore_mem>>)
    %dma_wait3A_1127 = arith.constant 0 : i32
    %dma_wait3A_1128 = arith.constant 0 : i32
    %dma_wait3A_1129 = arith.constant 0 : i32
    %dma_wait3A_1130 = arith.constant 0 : i32
    %dma_wait3A_1131 = arith.constant 0 : i32
    %dma_wait3A_1132 = tpu.memref_slice %arg6[%dma_wait3A_1127, %dma_wait3A_1129, %dma_wait3A_1130, %dma_wait3A_1131] : memref<4x3x56x112xf32, #tpu.memory_space<vmem>> -> memref<1x3x56x112xf32, #tpu.memory_space<vmem>>
    %dma_wait3A_1133 = tpu.memref_squeeze %dma_wait3A_1132 : memref<1x3x56x112xf32, #tpu.memory_space<vmem>> -> memref<3x56x112xf32, #tpu.memory_space<vmem>>
    %dma_wait3A_1134 = arith.constant 0 : i32
    %dma_wait3A_1135 = arith.constant 0 : i32
    %dma_wait3A_1136 = arith.constant 0 : i32
    %dma_wait3A_1137 = tpu.memref_slice %arg2[%select_n3A, %mul3A_100, %dma_wait3A_1134, %dma_wait3A_1135, %dma_wait3A_1136] : memref<4x128x3x112x112xf32, #tpu.memory_space<hbm>> -> memref<1x1x3x56x112xf32, #tpu.memory_space<hbm>>
    %dma_wait3A_1138 = tpu.memref_squeeze %dma_wait3A_1137 : memref<1x1x3x56x112xf32, #tpu.memory_space<hbm>> -> memref<3x56x112xf32, #tpu.memory_space<hbm>>
    %dma_wait3A_1139 = tpu.memref_slice %arg8[%dma_wait3A_1128] : memref<4x!tpu.dma_semaphore, #tpu.memory_space<semaphore_mem>> -> memref<1x!tpu.dma_semaphore, #tpu.memory_space<semaphore_mem>>
    %dma_wait3A_1140 = tpu.memref_squeeze %dma_wait3A_1139 : memref<1x!tpu.dma_semaphore, #tpu.memory_space<semaphore_mem>> -> memref<!tpu.dma_semaphore, #tpu.memory_space<semaphore_mem>>
    %dma_wait3A_1141 = arith.constant 0 : i32
    %dma_wait3A_1142 = arith.constant 0 : i32
    %dma_wait3A_1143 = arith.constant 0 : i32
    %dma_wait3A_1144 = tpu.memref_slice %arg6[%dma_wait3A_1127, %dma_wait3A_1141, %dma_wait3A_1142, %dma_wait3A_1143] : memref<4x3x56x112xf32, #tpu.memory_space<vmem>> -> memref<1x3x56x112xf32, #tpu.memory_space<vmem>>
    %dma_wait3A_1145 = tpu.memref_squeeze %dma_wait3A_1144 : memref<1x3x56x112xf32, #tpu.memory_space<vmem>> -> memref<3x56x112xf32, #tpu.memory_space<vmem>>
    %dma_wait3A_1146 = arith.constant 0 : i32
    %dma_wait3A_1147 = arith.constant 0 : i32
    %dma_wait3A_1148 = arith.constant 0 : i32
    %dma_wait3A_1149 = tpu.memref_slice %arg2[%select_n3A, %mul3A_100, %dma_wait3A_1146, %dma_wait3A_1147, %dma_wait3A_1148] : memref<4x128x3x112x112xf32, #tpu.memory_space<hbm>> -> memref<1x1x3x56x112xf32, #tpu.memory_space<hbm>>
    %dma_wait3A_1150 = tpu.memref_squeeze %dma_wait3A_1149 : memref<1x1x3x56x112xf32, #tpu.memory_space<hbm>> -> memref<3x56x112xf32, #tpu.memory_space<hbm>>
    tpu.wait_dma2 semaphore(%dma_wait3A_1140 : memref<!tpu.dma_semaphore, #tpu.memory_space<semaphore_mem>>) src(%dma_wait3A_1150 : memref<3x56x112xf32, #tpu.memory_space<hbm>>) dst(%dma_wait3A_1145 : memref<3x56x112xf32, #tpu.memory_space<vmem>>)
    %dma_start3A_1151 = arith.constant 0 : i32
    %dma_start3A_1152 = arith.constant 0 : i32
    %dma_start3A_1153 = arith.constant 0 : i32
    %dma_start3A_1154 = arith.constant 0 : i32
    %dma_start3A_1155 = arith.constant 0 : i32
    %dma_start3A_1156 = tpu.memref_slice %arg6[%dma_start3A_1151, %dma_start3A_1153, %dma_start3A_1154, %dma_start3A_1155] : memref<4x3x56x112xf32, #tpu.memory_space<vmem>> -> memref<1x3x56x112xf32, #tpu.memory_space<vmem>>
    %dma_start3A_1157 = tpu.memref_squeeze %dma_start3A_1156 : memref<1x3x56x112xf32, #tpu.memory_space<vmem>> -> memref<3x56x112xf32, #tpu.memory_space<vmem>>
    %dma_start3A_1158 = arith.constant 0 : i32
    %dma_start3A_1159 = arith.constant 0 : i32
    %dma_start3A_1160 = arith.constant 0 : i32
    %dma_start3A_1161 = tpu.memref_slice %arg4[%select_n3A, %add3A_146, %dma_start3A_1158, %dma_start3A_1159, %dma_start3A_1160] : memref<4x64x3x112x112xf32, #tpu.memory_space<hbm>> -> memref<1x1x3x56x112xf32, #tpu.memory_space<hbm>>
    %dma_start3A_1162 = tpu.memref_squeeze %dma_start3A_1161 : memref<1x1x3x56x112xf32, #tpu.memory_space<hbm>> -> memref<3x56x112xf32, #tpu.memory_space<hbm>>
    %dma_start3A_1163 = tpu.memref_slice %arg9[%dma_start3A_1152] : memref<4x!tpu.dma_semaphore, #tpu.memory_space<semaphore_mem>> -> memref<1x!tpu.dma_semaphore, #tpu.memory_space<semaphore_mem>>
    %dma_start3A_1164 = tpu.memref_squeeze %dma_start3A_1163 : memref<1x!tpu.dma_semaphore, #tpu.memory_space<semaphore_mem>> -> memref<!tpu.dma_semaphore, #tpu.memory_space<semaphore_mem>>
    %dma_start3A_1165 = arith.constant 0 : i32
    %dma_start3A_1166 = arith.constant 0 : i32
    %dma_start3A_1167 = arith.constant 0 : i32
    %dma_start3A_1168 = tpu.memref_slice %arg4[%select_n3A, %add3A_146, %dma_start3A_1165, %dma_start3A_1166, %dma_start3A_1167] : memref<4x64x3x112x112xf32, #tpu.memory_space<hbm>> -> memref<1x1x3x56x112xf32, #tpu.memory_space<hbm>>
    %dma_start3A_1169 = tpu.memref_squeeze %dma_start3A_1168 : memref<1x1x3x56x112xf32, #tpu.memory_space<hbm>> -> memref<3x56x112xf32, #tpu.memory_space<hbm>>
    %dma_start3A_1170 = arith.constant 0 : i32
    %dma_start3A_1171 = arith.constant 0 : i32
    %dma_start3A_1172 = arith.constant 0 : i32
    %dma_start3A_1173 = tpu.memref_slice %arg6[%dma_start3A_1151, %dma_start3A_1170, %dma_start3A_1171, %dma_start3A_1172] : memref<4x3x56x112xf32, #tpu.memory_space<vmem>> -> memref<1x3x56x112xf32, #tpu.memory_space<vmem>>
    %dma_start3A_1174 = tpu.memref_squeeze %dma_start3A_1173 : memref<1x3x56x112xf32, #tpu.memory_space<vmem>> -> memref<3x56x112xf32, #tpu.memory_space<vmem>>
    tpu.enqueue_dma source(%dma_start3A_1174 : memref<3x56x112xf32, #tpu.memory_space<vmem>>) target(%dma_start3A_1169 : memref<3x56x112xf32, #tpu.memory_space<hbm>>) target_semaphore(%dma_start3A_1164 : memref<!tpu.dma_semaphore, #tpu.memory_space<semaphore_mem>>)
    %dma_wait3A_1175 = arith.constant 0 : i32
    %dma_wait3A_1176 = arith.constant 0 : i32
    %dma_wait3A_1177 = arith.constant 0 : i32
    %dma_wait3A_1178 = arith.constant 0 : i32
    %dma_wait3A_1179 = arith.constant 0 : i32
    %dma_wait3A_1180 = tpu.memref_slice %arg6[%dma_wait3A_1175, %dma_wait3A_1177, %dma_wait3A_1178, %dma_wait3A_1179] : memref<4x3x56x112xf32, #tpu.memory_space<vmem>> -> memref<1x3x56x112xf32, #tpu.memory_space<vmem>>
    %dma_wait3A_1181 = tpu.memref_squeeze %dma_wait3A_1180 : memref<1x3x56x112xf32, #tpu.memory_space<vmem>> -> memref<3x56x112xf32, #tpu.memory_space<vmem>>
    %dma_wait3A_1182 = arith.constant 0 : i32
    %dma_wait3A_1183 = arith.constant 0 : i32
    %dma_wait3A_1184 = arith.constant 0 : i32
    %dma_wait3A_1185 = tpu.memref_slice %arg4[%select_n3A, %add3A_146, %dma_wait3A_1182, %dma_wait3A_1183, %dma_wait3A_1184] : memref<4x64x3x112x112xf32, #tpu.memory_space<hbm>> -> memref<1x1x3x56x112xf32, #tpu.memory_space<hbm>>
    %dma_wait3A_1186 = tpu.memref_squeeze %dma_wait3A_1185 : memref<1x1x3x56x112xf32, #tpu.memory_space<hbm>> -> memref<3x56x112xf32, #tpu.memory_space<hbm>>
    %dma_wait3A_1187 = tpu.memref_slice %arg9[%dma_wait3A_1176] : memref<4x!tpu.dma_semaphore, #tpu.memory_space<semaphore_mem>> -> memref<1x!tpu.dma_semaphore, #tpu.memory_space<semaphore_mem>>
    %dma_wait3A_1188 = tpu.memref_squeeze %dma_wait3A_1187 : memref<1x!tpu.dma_semaphore, #tpu.memory_space<semaphore_mem>> -> memref<!tpu.dma_semaphore, #tpu.memory_space<semaphore_mem>>
    %dma_wait3A_1189 = arith.constant 0 : i32
    %dma_wait3A_1190 = arith.constant 0 : i32
    %dma_wait3A_1191 = arith.constant 0 : i32
    %dma_wait3A_1192 = tpu.memref_slice %arg4[%select_n3A, %add3A_146, %dma_wait3A_1189, %dma_wait3A_1190, %dma_wait3A_1191] : memref<4x64x3x112x112xf32, #tpu.memory_space<hbm>> -> memref<1x1x3x56x112xf32, #tpu.memory_space<hbm>>
    %dma_wait3A_1193 = tpu.memref_squeeze %dma_wait3A_1192 : memref<1x1x3x56x112xf32, #tpu.memory_space<hbm>> -> memref<3x56x112xf32, #tpu.memory_space<hbm>>
    %dma_wait3A_1194 = arith.constant 0 : i32
    %dma_wait3A_1195 = arith.constant 0 : i32
    %dma_wait3A_1196 = arith.constant 0 : i32
    %dma_wait3A_1197 = tpu.memref_slice %arg6[%dma_wait3A_1175, %dma_wait3A_1194, %dma_wait3A_1195, %dma_wait3A_1196] : memref<4x3x56x112xf32, #tpu.memory_space<vmem>> -> memref<1x3x56x112xf32, #tpu.memory_space<vmem>>
    %dma_wait3A_1198 = tpu.memref_squeeze %dma_wait3A_1197 : memref<1x3x56x112xf32, #tpu.memory_space<vmem>> -> memref<3x56x112xf32, #tpu.memory_space<vmem>>
    tpu.wait_dma2 semaphore(%dma_wait3A_1188 : memref<!tpu.dma_semaphore, #tpu.memory_space<semaphore_mem>>) src(%dma_wait3A_1198 : memref<3x56x112xf32, #tpu.memory_space<vmem>>) dst(%dma_wait3A_1193 : memref<3x56x112xf32, #tpu.memory_space<hbm>>)
    %dma_start3A_1199 = arith.constant 0 : i32
    %dma_start3A_1200 = arith.constant 0 : i32
    %dma_start3A_1201 = arith.constant 0 : i32
    %dma_start3A_1202 = arith.constant 0 : i32
    %dma_start3A_1203 = arith.constant 0 : i32
    %dma_start3A_1204 = tpu.memref_slice %arg6[%dma_start3A_1199, %dma_start3A_1201, %dma_start3A_1202, %dma_start3A_1203] : memref<4x3x56x112xf32, #tpu.memory_space<vmem>> -> memref<1x3x56x112xf32, #tpu.memory_space<vmem>>
    %dma_start3A_1205 = tpu.memref_squeeze %dma_start3A_1204 : memref<1x3x56x112xf32, #tpu.memory_space<vmem>> -> memref<3x56x112xf32, #tpu.memory_space<vmem>>
    %dma_start3A_1206 = arith.constant 0 : i32
    %dma_start3A_1207 = arith.constant 0 : i32
    %dma_start3A_1208 = arith.constant 0 : i32
    %dma_start3A_1209 = tpu.memref_slice %arg2[%select_n3A, %mul3A_116, %dma_start3A_1206, %dma_start3A_1207, %dma_start3A_1208] : memref<4x128x3x112x112xf32, #tpu.memory_space<hbm>> -> memref<1x1x3x56x112xf32, #tpu.memory_space<hbm>>
    %dma_start3A_1210 = tpu.memref_squeeze %dma_start3A_1209 : memref<1x1x3x56x112xf32, #tpu.memory_space<hbm>> -> memref<3x56x112xf32, #tpu.memory_space<hbm>>
    %dma_start3A_1211 = tpu.memref_slice %arg8[%dma_start3A_1200] : memref<4x!tpu.dma_semaphore, #tpu.memory_space<semaphore_mem>> -> memref<1x!tpu.dma_semaphore, #tpu.memory_space<semaphore_mem>>
    %dma_start3A_1212 = tpu.memref_squeeze %dma_start3A_1211 : memref<1x!tpu.dma_semaphore, #tpu.memory_space<semaphore_mem>> -> memref<!tpu.dma_semaphore, #tpu.memory_space<semaphore_mem>>
    %dma_start3A_1213 = arith.constant 0 : i32
    %dma_start3A_1214 = arith.constant 0 : i32
    %dma_start3A_1215 = arith.constant 0 : i32
    %dma_start3A_1216 = tpu.memref_slice %arg6[%dma_start3A_1199, %dma_start3A_1213, %dma_start3A_1214, %dma_start3A_1215] : memref<4x3x56x112xf32, #tpu.memory_space<vmem>> -> memref<1x3x56x112xf32, #tpu.memory_space<vmem>>
    %dma_start3A_1217 = tpu.memref_squeeze %dma_start3A_1216 : memref<1x3x56x112xf32, #tpu.memory_space<vmem>> -> memref<3x56x112xf32, #tpu.memory_space<vmem>>
    %dma_start3A_1218 = arith.constant 0 : i32
    %dma_start3A_1219 = arith.constant 0 : i32
    %dma_start3A_1220 = arith.constant 0 : i32
    %dma_start3A_1221 = tpu.memref_slice %arg2[%select_n3A, %mul3A_116, %dma_start3A_1218, %dma_start3A_1219, %dma_start3A_1220] : memref<4x128x3x112x112xf32, #tpu.memory_space<hbm>> -> memref<1x1x3x56x112xf32, #tpu.memory_space<hbm>>
    %dma_start3A_1222 = tpu.memref_squeeze %dma_start3A_1221 : memref<1x1x3x56x112xf32, #tpu.memory_space<hbm>> -> memref<3x56x112xf32, #tpu.memory_space<hbm>>
    tpu.enqueue_dma source(%dma_start3A_1222 : memref<3x56x112xf32, #tpu.memory_space<hbm>>) target(%dma_start3A_1217 : memref<3x56x112xf32, #tpu.memory_space<vmem>>) target_semaphore(%dma_start3A_1212 : memref<!tpu.dma_semaphore, #tpu.memory_space<semaphore_mem>>)
    %dma_wait3A_1223 = arith.constant 1 : i32
    %dma_wait3A_1224 = arith.constant 1 : i32
    %dma_wait3A_1225 = arith.constant 0 : i32
    %dma_wait3A_1226 = arith.constant 0 : i32
    %dma_wait3A_1227 = arith.constant 0 : i32
    %dma_wait3A_1228 = tpu.memref_slice %arg6[%dma_wait3A_1223, %dma_wait3A_1225, %dma_wait3A_1226, %dma_wait3A_1227] : memref<4x3x56x112xf32, #tpu.memory_space<vmem>> -> memref<1x3x56x112xf32, #tpu.memory_space<vmem>>
    %dma_wait3A_1229 = tpu.memref_squeeze %dma_wait3A_1228 : memref<1x3x56x112xf32, #tpu.memory_space<vmem>> -> memref<3x56x112xf32, #tpu.memory_space<vmem>>
    %dma_wait3A_1230 = arith.constant 0 : i32
    %dma_wait3A_1231 = arith.constant 56 : i32
    %dma_wait3A_1232 = arith.constant 0 : i32
    %dma_wait3A_1233 = tpu.memref_slice %arg2[%select_n3A, %mul3A_104, %dma_wait3A_1230, %dma_wait3A_1231, %dma_wait3A_1232] : memref<4x128x3x112x112xf32, #tpu.memory_space<hbm>> -> memref<1x1x3x56x112xf32, #tpu.memory_space<hbm>>
    %dma_wait3A_1234 = tpu.memref_squeeze %dma_wait3A_1233 : memref<1x1x3x56x112xf32, #tpu.memory_space<hbm>> -> memref<3x56x112xf32, #tpu.memory_space<hbm>>
    %dma_wait3A_1235 = tpu.memref_slice %arg8[%dma_wait3A_1224] : memref<4x!tpu.dma_semaphore, #tpu.memory_space<semaphore_mem>> -> memref<1x!tpu.dma_semaphore, #tpu.memory_space<semaphore_mem>>
    %dma_wait3A_1236 = tpu.memref_squeeze %dma_wait3A_1235 : memref<1x!tpu.dma_semaphore, #tpu.memory_space<semaphore_mem>> -> memref<!tpu.dma_semaphore, #tpu.memory_space<semaphore_mem>>
    %dma_wait3A_1237 = arith.constant 0 : i32
    %dma_wait3A_1238 = arith.constant 0 : i32
    %dma_wait3A_1239 = arith.constant 0 : i32
    %dma_wait3A_1240 = tpu.memref_slice %arg6[%dma_wait3A_1223, %dma_wait3A_1237, %dma_wait3A_1238, %dma_wait3A_1239] : memref<4x3x56x112xf32, #tpu.memory_space<vmem>> -> memref<1x3x56x112xf32, #tpu.memory_space<vmem>>
    %dma_wait3A_1241 = tpu.memref_squeeze %dma_wait3A_1240 : memref<1x3x56x112xf32, #tpu.memory_space<vmem>> -> memref<3x56x112xf32, #tpu.memory_space<vmem>>
    %dma_wait3A_1242 = arith.constant 0 : i32
    %dma_wait3A_1243 = arith.constant 56 : i32
    %dma_wait3A_1244 = arith.constant 0 : i32
    %dma_wait3A_1245 = tpu.memref_slice %arg2[%select_n3A, %mul3A_104, %dma_wait3A_1242, %dma_wait3A_1243, %dma_wait3A_1244] : memref<4x128x3x112x112xf32, #tpu.memory_space<hbm>> -> memref<1x1x3x56x112xf32, #tpu.memory_space<hbm>>
    %dma_wait3A_1246 = tpu.memref_squeeze %dma_wait3A_1245 : memref<1x1x3x56x112xf32, #tpu.memory_space<hbm>> -> memref<3x56x112xf32, #tpu.memory_space<hbm>>
    tpu.wait_dma2 semaphore(%dma_wait3A_1236 : memref<!tpu.dma_semaphore, #tpu.memory_space<semaphore_mem>>) src(%dma_wait3A_1246 : memref<3x56x112xf32, #tpu.memory_space<hbm>>) dst(%dma_wait3A_1241 : memref<3x56x112xf32, #tpu.memory_space<vmem>>)
    %dma_start3A_1247 = arith.constant 1 : i32
    %dma_start3A_1248 = arith.constant 1 : i32
    %dma_start3A_1249 = arith.constant 0 : i32
    %dma_start3A_1250 = arith.constant 0 : i32
    %dma_start3A_1251 = arith.constant 0 : i32
    %dma_start3A_1252 = tpu.memref_slice %arg6[%dma_start3A_1247, %dma_start3A_1249, %dma_start3A_1250, %dma_start3A_1251] : memref<4x3x56x112xf32, #tpu.memory_space<vmem>> -> memref<1x3x56x112xf32, #tpu.memory_space<vmem>>
    %dma_start3A_1253 = tpu.memref_squeeze %dma_start3A_1252 : memref<1x3x56x112xf32, #tpu.memory_space<vmem>> -> memref<3x56x112xf32, #tpu.memory_space<vmem>>
    %dma_start3A_1254 = arith.constant 0 : i32
    %dma_start3A_1255 = arith.constant 56 : i32
    %dma_start3A_1256 = arith.constant 0 : i32
    %dma_start3A_1257 = tpu.memref_slice %arg4[%select_n3A, %add3A_148, %dma_start3A_1254, %dma_start3A_1255, %dma_start3A_1256] : memref<4x64x3x112x112xf32, #tpu.memory_space<hbm>> -> memref<1x1x3x56x112xf32, #tpu.memory_space<hbm>>
    %dma_start3A_1258 = tpu.memref_squeeze %dma_start3A_1257 : memref<1x1x3x56x112xf32, #tpu.memory_space<hbm>> -> memref<3x56x112xf32, #tpu.memory_space<hbm>>
    %dma_start3A_1259 = tpu.memref_slice %arg9[%dma_start3A_1248] : memref<4x!tpu.dma_semaphore, #tpu.memory_space<semaphore_mem>> -> memref<1x!tpu.dma_semaphore, #tpu.memory_space<semaphore_mem>>
    %dma_start3A_1260 = tpu.memref_squeeze %dma_start3A_1259 : memref<1x!tpu.dma_semaphore, #tpu.memory_space<semaphore_mem>> -> memref<!tpu.dma_semaphore, #tpu.memory_space<semaphore_mem>>
    %dma_start3A_1261 = arith.constant 0 : i32
    %dma_start3A_1262 = arith.constant 56 : i32
    %dma_start3A_1263 = arith.constant 0 : i32
    %dma_start3A_1264 = tpu.memref_slice %arg4[%select_n3A, %add3A_148, %dma_start3A_1261, %dma_start3A_1262, %dma_start3A_1263] : memref<4x64x3x112x112xf32, #tpu.memory_space<hbm>> -> memref<1x1x3x56x112xf32, #tpu.memory_space<hbm>>
    %dma_start3A_1265 = tpu.memref_squeeze %dma_start3A_1264 : memref<1x1x3x56x112xf32, #tpu.memory_space<hbm>> -> memref<3x56x112xf32, #tpu.memory_space<hbm>>
    %dma_start3A_1266 = arith.constant 0 : i32
    %dma_start3A_1267 = arith.constant 0 : i32
    %dma_start3A_1268 = arith.constant 0 : i32
    %dma_start3A_1269 = tpu.memref_slice %arg6[%dma_start3A_1247, %dma_start3A_1266, %dma_start3A_1267, %dma_start3A_1268] : memref<4x3x56x112xf32, #tpu.memory_space<vmem>> -> memref<1x3x56x112xf32, #tpu.memory_space<vmem>>
    %dma_start3A_1270 = tpu.memref_squeeze %dma_start3A_1269 : memref<1x3x56x112xf32, #tpu.memory_space<vmem>> -> memref<3x56x112xf32, #tpu.memory_space<vmem>>
    tpu.enqueue_dma source(%dma_start3A_1270 : memref<3x56x112xf32, #tpu.memory_space<vmem>>) target(%dma_start3A_1265 : memref<3x56x112xf32, #tpu.memory_space<hbm>>) target_semaphore(%dma_start3A_1260 : memref<!tpu.dma_semaphore, #tpu.memory_space<semaphore_mem>>)
    %dma_wait3A_1271 = arith.constant 1 : i32
    %dma_wait3A_1272 = arith.constant 1 : i32
    %dma_wait3A_1273 = arith.constant 0 : i32
    %dma_wait3A_1274 = arith.constant 0 : i32
    %dma_wait3A_1275 = arith.constant 0 : i32
    %dma_wait3A_1276 = tpu.memref_slice %arg6[%dma_wait3A_1271, %dma_wait3A_1273, %dma_wait3A_1274, %dma_wait3A_1275] : memref<4x3x56x112xf32, #tpu.memory_space<vmem>> -> memref<1x3x56x112xf32, #tpu.memory_space<vmem>>
    %dma_wait3A_1277 = tpu.memref_squeeze %dma_wait3A_1276 : memref<1x3x56x112xf32, #tpu.memory_space<vmem>> -> memref<3x56x112xf32, #tpu.memory_space<vmem>>
    %dma_wait3A_1278 = arith.constant 0 : i32
    %dma_wait3A_1279 = arith.constant 56 : i32
    %dma_wait3A_1280 = arith.constant 0 : i32
    %dma_wait3A_1281 = tpu.memref_slice %arg4[%select_n3A, %add3A_148, %dma_wait3A_1278, %dma_wait3A_1279, %dma_wait3A_1280] : memref<4x64x3x112x112xf32, #tpu.memory_space<hbm>> -> memref<1x1x3x56x112xf32, #tpu.memory_space<hbm>>
    %dma_wait3A_1282 = tpu.memref_squeeze %dma_wait3A_1281 : memref<1x1x3x56x112xf32, #tpu.memory_space<hbm>> -> memref<3x56x112xf32, #tpu.memory_space<hbm>>
    %dma_wait3A_1283 = tpu.memref_slice %arg9[%dma_wait3A_1272] : memref<4x!tpu.dma_semaphore, #tpu.memory_space<semaphore_mem>> -> memref<1x!tpu.dma_semaphore, #tpu.memory_space<semaphore_mem>>
    %dma_wait3A_1284 = tpu.memref_squeeze %dma_wait3A_1283 : memref<1x!tpu.dma_semaphore, #tpu.memory_space<semaphore_mem>> -> memref<!tpu.dma_semaphore, #tpu.memory_space<semaphore_mem>>
    %dma_wait3A_1285 = arith.constant 0 : i32
    %dma_wait3A_1286 = arith.constant 56 : i32
    %dma_wait3A_1287 = arith.constant 0 : i32
    %dma_wait3A_1288 = tpu.memref_slice %arg4[%select_n3A, %add3A_148, %dma_wait3A_1285, %dma_wait3A_1286, %dma_wait3A_1287] : memref<4x64x3x112x112xf32, #tpu.memory_space<hbm>> -> memref<1x1x3x56x112xf32, #tpu.memory_space<hbm>>
    %dma_wait3A_1289 = tpu.memref_squeeze %dma_wait3A_1288 : memref<1x1x3x56x112xf32, #tpu.memory_space<hbm>> -> memref<3x56x112xf32, #tpu.memory_space<hbm>>
    %dma_wait3A_1290 = arith.constant 0 : i32
    %dma_wait3A_1291 = arith.constant 0 : i32
    %dma_wait3A_1292 = arith.constant 0 : i32
    %dma_wait3A_1293 = tpu.memref_slice %arg6[%dma_wait3A_1271, %dma_wait3A_1290, %dma_wait3A_1291, %dma_wait3A_1292] : memref<4x3x56x112xf32, #tpu.memory_space<vmem>> -> memref<1x3x56x112xf32, #tpu.memory_space<vmem>>
    %dma_wait3A_1294 = tpu.memref_squeeze %dma_wait3A_1293 : memref<1x3x56x112xf32, #tpu.memory_space<vmem>> -> memref<3x56x112xf32, #tpu.memory_space<vmem>>
    tpu.wait_dma2 semaphore(%dma_wait3A_1284 : memref<!tpu.dma_semaphore, #tpu.memory_space<semaphore_mem>>) src(%dma_wait3A_1294 : memref<3x56x112xf32, #tpu.memory_space<vmem>>) dst(%dma_wait3A_1289 : memref<3x56x112xf32, #tpu.memory_space<hbm>>)
    %dma_start3A_1295 = arith.constant 1 : i32
    %dma_start3A_1296 = arith.constant 1 : i32
    %dma_start3A_1297 = arith.constant 0 : i32
    %dma_start3A_1298 = arith.constant 0 : i32
    %dma_start3A_1299 = arith.constant 0 : i32
    %dma_start3A_1300 = tpu.memref_slice %arg6[%dma_start3A_1295, %dma_start3A_1297, %dma_start3A_1298, %dma_start3A_1299] : memref<4x3x56x112xf32, #tpu.memory_space<vmem>> -> memref<1x3x56x112xf32, #tpu.memory_space<vmem>>
    %dma_start3A_1301 = tpu.memref_squeeze %dma_start3A_1300 : memref<1x3x56x112xf32, #tpu.memory_space<vmem>> -> memref<3x56x112xf32, #tpu.memory_space<vmem>>
    %dma_start3A_1302 = arith.constant 0 : i32
    %dma_start3A_1303 = arith.constant 56 : i32
    %dma_start3A_1304 = arith.constant 0 : i32
    %dma_start3A_1305 = tpu.memref_slice %arg2[%select_n3A, %mul3A_120, %dma_start3A_1302, %dma_start3A_1303, %dma_start3A_1304] : memref<4x128x3x112x112xf32, #tpu.memory_space<hbm>> -> memref<1x1x3x56x112xf32, #tpu.memory_space<hbm>>
    %dma_start3A_1306 = tpu.memref_squeeze %dma_start3A_1305 : memref<1x1x3x56x112xf32, #tpu.memory_space<hbm>> -> memref<3x56x112xf32, #tpu.memory_space<hbm>>
    %dma_start3A_1307 = tpu.memref_slice %arg8[%dma_start3A_1296] : memref<4x!tpu.dma_semaphore, #tpu.memory_space<semaphore_mem>> -> memref<1x!tpu.dma_semaphore, #tpu.memory_space<semaphore_mem>>
    %dma_start3A_1308 = tpu.memref_squeeze %dma_start3A_1307 : memref<1x!tpu.dma_semaphore, #tpu.memory_space<semaphore_mem>> -> memref<!tpu.dma_semaphore, #tpu.memory_space<semaphore_mem>>
    %dma_start3A_1309 = arith.constant 0 : i32
    %dma_start3A_1310 = arith.constant 0 : i32
    %dma_start3A_1311 = arith.constant 0 : i32
    %dma_start3A_1312 = tpu.memref_slice %arg6[%dma_start3A_1295, %dma_start3A_1309, %dma_start3A_1310, %dma_start3A_1311] : memref<4x3x56x112xf32, #tpu.memory_space<vmem>> -> memref<1x3x56x112xf32, #tpu.memory_space<vmem>>
    %dma_start3A_1313 = tpu.memref_squeeze %dma_start3A_1312 : memref<1x3x56x112xf32, #tpu.memory_space<vmem>> -> memref<3x56x112xf32, #tpu.memory_space<vmem>>
    %dma_start3A_1314 = arith.constant 0 : i32
    %dma_start3A_1315 = arith.constant 56 : i32
    %dma_start3A_1316 = arith.constant 0 : i32
    %dma_start3A_1317 = tpu.memref_slice %arg2[%select_n3A, %mul3A_120, %dma_start3A_1314, %dma_start3A_1315, %dma_start3A_1316] : memref<4x128x3x112x112xf32, #tpu.memory_space<hbm>> -> memref<1x1x3x56x112xf32, #tpu.memory_space<hbm>>
    %dma_start3A_1318 = tpu.memref_squeeze %dma_start3A_1317 : memref<1x1x3x56x112xf32, #tpu.memory_space<hbm>> -> memref<3x56x112xf32, #tpu.memory_space<hbm>>
    tpu.enqueue_dma source(%dma_start3A_1318 : memref<3x56x112xf32, #tpu.memory_space<hbm>>) target(%dma_start3A_1313 : memref<3x56x112xf32, #tpu.memory_space<vmem>>) target_semaphore(%dma_start3A_1308 : memref<!tpu.dma_semaphore, #tpu.memory_space<semaphore_mem>>)
    %dma_wait3A_1319 = arith.constant 2 : i32
    %dma_wait3A_1320 = arith.constant 2 : i32
    %dma_wait3A_1321 = arith.constant 0 : i32
    %dma_wait3A_1322 = arith.constant 0 : i32
    %dma_wait3A_1323 = arith.constant 0 : i32
    %dma_wait3A_1324 = tpu.memref_slice %arg6[%dma_wait3A_1319, %dma_wait3A_1321, %dma_wait3A_1322, %dma_wait3A_1323] : memref<4x3x56x112xf32, #tpu.memory_space<vmem>> -> memref<1x3x56x112xf32, #tpu.memory_space<vmem>>
    %dma_wait3A_1325 = tpu.memref_squeeze %dma_wait3A_1324 : memref<1x3x56x112xf32, #tpu.memory_space<vmem>> -> memref<3x56x112xf32, #tpu.memory_space<vmem>>
    %dma_wait3A_1326 = arith.constant 0 : i32
    %dma_wait3A_1327 = arith.constant 0 : i32
    %dma_wait3A_1328 = arith.constant 0 : i32
    %dma_wait3A_1329 = tpu.memref_slice %arg2[%select_n3A, %mul3A_108, %dma_wait3A_1326, %dma_wait3A_1327, %dma_wait3A_1328] : memref<4x128x3x112x112xf32, #tpu.memory_space<hbm>> -> memref<1x1x3x56x112xf32, #tpu.memory_space<hbm>>
    %dma_wait3A_1330 = tpu.memref_squeeze %dma_wait3A_1329 : memref<1x1x3x56x112xf32, #tpu.memory_space<hbm>> -> memref<3x56x112xf32, #tpu.memory_space<hbm>>
    %dma_wait3A_1331 = tpu.memref_slice %arg8[%dma_wait3A_1320] : memref<4x!tpu.dma_semaphore, #tpu.memory_space<semaphore_mem>> -> memref<1x!tpu.dma_semaphore, #tpu.memory_space<semaphore_mem>>
    %dma_wait3A_1332 = tpu.memref_squeeze %dma_wait3A_1331 : memref<1x!tpu.dma_semaphore, #tpu.memory_space<semaphore_mem>> -> memref<!tpu.dma_semaphore, #tpu.memory_space<semaphore_mem>>
    %dma_wait3A_1333 = arith.constant 0 : i32
    %dma_wait3A_1334 = arith.constant 0 : i32
    %dma_wait3A_1335 = arith.constant 0 : i32
    %dma_wait3A_1336 = tpu.memref_slice %arg6[%dma_wait3A_1319, %dma_wait3A_1333, %dma_wait3A_1334, %dma_wait3A_1335] : memref<4x3x56x112xf32, #tpu.memory_space<vmem>> -> memref<1x3x56x112xf32, #tpu.memory_space<vmem>>
    %dma_wait3A_1337 = tpu.memref_squeeze %dma_wait3A_1336 : memref<1x3x56x112xf32, #tpu.memory_space<vmem>> -> memref<3x56x112xf32, #tpu.memory_space<vmem>>
    %dma_wait3A_1338 = arith.constant 0 : i32
    %dma_wait3A_1339 = arith.constant 0 : i32
    %dma_wait3A_1340 = arith.constant 0 : i32
    %dma_wait3A_1341 = tpu.memref_slice %arg2[%select_n3A, %mul3A_108, %dma_wait3A_1338, %dma_wait3A_1339, %dma_wait3A_1340] : memref<4x128x3x112x112xf32, #tpu.memory_space<hbm>> -> memref<1x1x3x56x112xf32, #tpu.memory_space<hbm>>
    %dma_wait3A_1342 = tpu.memref_squeeze %dma_wait3A_1341 : memref<1x1x3x56x112xf32, #tpu.memory_space<hbm>> -> memref<3x56x112xf32, #tpu.memory_space<hbm>>
    tpu.wait_dma2 semaphore(%dma_wait3A_1332 : memref<!tpu.dma_semaphore, #tpu.memory_space<semaphore_mem>>) src(%dma_wait3A_1342 : memref<3x56x112xf32, #tpu.memory_space<hbm>>) dst(%dma_wait3A_1337 : memref<3x56x112xf32, #tpu.memory_space<vmem>>)
    %dma_start3A_1343 = arith.constant 2 : i32
    %dma_start3A_1344 = arith.constant 2 : i32
    %dma_start3A_1345 = arith.constant 0 : i32
    %dma_start3A_1346 = arith.constant 0 : i32
    %dma_start3A_1347 = arith.constant 0 : i32
    %dma_start3A_1348 = tpu.memref_slice %arg6[%dma_start3A_1343, %dma_start3A_1345, %dma_start3A_1346, %dma_start3A_1347] : memref<4x3x56x112xf32, #tpu.memory_space<vmem>> -> memref<1x3x56x112xf32, #tpu.memory_space<vmem>>
    %dma_start3A_1349 = tpu.memref_squeeze %dma_start3A_1348 : memref<1x3x56x112xf32, #tpu.memory_space<vmem>> -> memref<3x56x112xf32, #tpu.memory_space<vmem>>
    %dma_start3A_1350 = arith.constant 0 : i32
    %dma_start3A_1351 = arith.constant 0 : i32
    %dma_start3A_1352 = arith.constant 0 : i32
    %dma_start3A_1353 = tpu.memref_slice %arg4[%select_n3A, %add3A_150, %dma_start3A_1350, %dma_start3A_1351, %dma_start3A_1352] : memref<4x64x3x112x112xf32, #tpu.memory_space<hbm>> -> memref<1x1x3x56x112xf32, #tpu.memory_space<hbm>>
    %dma_start3A_1354 = tpu.memref_squeeze %dma_start3A_1353 : memref<1x1x3x56x112xf32, #tpu.memory_space<hbm>> -> memref<3x56x112xf32, #tpu.memory_space<hbm>>
    %dma_start3A_1355 = tpu.memref_slice %arg9[%dma_start3A_1344] : memref<4x!tpu.dma_semaphore, #tpu.memory_space<semaphore_mem>> -> memref<1x!tpu.dma_semaphore, #tpu.memory_space<semaphore_mem>>
    %dma_start3A_1356 = tpu.memref_squeeze %dma_start3A_1355 : memref<1x!tpu.dma_semaphore, #tpu.memory_space<semaphore_mem>> -> memref<!tpu.dma_semaphore, #tpu.memory_space<semaphore_mem>>
    %dma_start3A_1357 = arith.constant 0 : i32
    %dma_start3A_1358 = arith.constant 0 : i32
    %dma_start3A_1359 = arith.constant 0 : i32
    %dma_start3A_1360 = tpu.memref_slice %arg4[%select_n3A, %add3A_150, %dma_start3A_1357, %dma_start3A_1358, %dma_start3A_1359] : memref<4x64x3x112x112xf32, #tpu.memory_space<hbm>> -> memref<1x1x3x56x112xf32, #tpu.memory_space<hbm>>
    %dma_start3A_1361 = tpu.memref_squeeze %dma_start3A_1360 : memref<1x1x3x56x112xf32, #tpu.memory_space<hbm>> -> memref<3x56x112xf32, #tpu.memory_space<hbm>>
    %dma_start3A_1362 = arith.constant 0 : i32
    %dma_start3A_1363 = arith.constant 0 : i32
    %dma_start3A_1364 = arith.constant 0 : i32
    %dma_start3A_1365 = tpu.memref_slice %arg6[%dma_start3A_1343, %dma_start3A_1362, %dma_start3A_1363, %dma_start3A_1364] : memref<4x3x56x112xf32, #tpu.memory_space<vmem>> -> memref<1x3x56x112xf32, #tpu.memory_space<vmem>>
    %dma_start3A_1366 = tpu.memref_squeeze %dma_start3A_1365 : memref<1x3x56x112xf32, #tpu.memory_space<vmem>> -> memref<3x56x112xf32, #tpu.memory_space<vmem>>
    tpu.enqueue_dma source(%dma_start3A_1366 : memref<3x56x112xf32, #tpu.memory_space<vmem>>) target(%dma_start3A_1361 : memref<3x56x112xf32, #tpu.memory_space<hbm>>) target_semaphore(%dma_start3A_1356 : memref<!tpu.dma_semaphore, #tpu.memory_space<semaphore_mem>>)
    %dma_wait3A_1367 = arith.constant 2 : i32
    %dma_wait3A_1368 = arith.constant 2 : i32
    %dma_wait3A_1369 = arith.constant 0 : i32
    %dma_wait3A_1370 = arith.constant 0 : i32
    %dma_wait3A_1371 = arith.constant 0 : i32
    %dma_wait3A_1372 = tpu.memref_slice %arg6[%dma_wait3A_1367, %dma_wait3A_1369, %dma_wait3A_1370, %dma_wait3A_1371] : memref<4x3x56x112xf32, #tpu.memory_space<vmem>> -> memref<1x3x56x112xf32, #tpu.memory_space<vmem>>
    %dma_wait3A_1373 = tpu.memref_squeeze %dma_wait3A_1372 : memref<1x3x56x112xf32, #tpu.memory_space<vmem>> -> memref<3x56x112xf32, #tpu.memory_space<vmem>>
    %dma_wait3A_1374 = arith.constant 0 : i32
    %dma_wait3A_1375 = arith.constant 0 : i32
    %dma_wait3A_1376 = arith.constant 0 : i32
    %dma_wait3A_1377 = tpu.memref_slice %arg4[%select_n3A, %add3A_150, %dma_wait3A_1374, %dma_wait3A_1375, %dma_wait3A_1376] : memref<4x64x3x112x112xf32, #tpu.memory_space<hbm>> -> memref<1x1x3x56x112xf32, #tpu.memory_space<hbm>>
    %dma_wait3A_1378 = tpu.memref_squeeze %dma_wait3A_1377 : memref<1x1x3x56x112xf32, #tpu.memory_space<hbm>> -> memref<3x56x112xf32, #tpu.memory_space<hbm>>
    %dma_wait3A_1379 = tpu.memref_slice %arg9[%dma_wait3A_1368] : memref<4x!tpu.dma_semaphore, #tpu.memory_space<semaphore_mem>> -> memref<1x!tpu.dma_semaphore, #tpu.memory_space<semaphore_mem>>
    %dma_wait3A_1380 = tpu.memref_squeeze %dma_wait3A_1379 : memref<1x!tpu.dma_semaphore, #tpu.memory_space<semaphore_mem>> -> memref<!tpu.dma_semaphore, #tpu.memory_space<semaphore_mem>>
    %dma_wait3A_1381 = arith.constant 0 : i32
    %dma_wait3A_1382 = arith.constant 0 : i32
    %dma_wait3A_1383 = arith.constant 0 : i32
    %dma_wait3A_1384 = tpu.memref_slice %arg4[%select_n3A, %add3A_150, %dma_wait3A_1381, %dma_wait3A_1382, %dma_wait3A_1383] : memref<4x64x3x112x112xf32, #tpu.memory_space<hbm>> -> memref<1x1x3x56x112xf32, #tpu.memory_space<hbm>>
    %dma_wait3A_1385 = tpu.memref_squeeze %dma_wait3A_1384 : memref<1x1x3x56x112xf32, #tpu.memory_space<hbm>> -> memref<3x56x112xf32, #tpu.memory_space<hbm>>
    %dma_wait3A_1386 = arith.constant 0 : i32
    %dma_wait3A_1387 = arith.constant 0 : i32
    %dma_wait3A_1388 = arith.constant 0 : i32
    %dma_wait3A_1389 = tpu.memref_slice %arg6[%dma_wait3A_1367, %dma_wait3A_1386, %dma_wait3A_1387, %dma_wait3A_1388] : memref<4x3x56x112xf32, #tpu.memory_space<vmem>> -> memref<1x3x56x112xf32, #tpu.memory_space<vmem>>
    %dma_wait3A_1390 = tpu.memref_squeeze %dma_wait3A_1389 : memref<1x3x56x112xf32, #tpu.memory_space<vmem>> -> memref<3x56x112xf32, #tpu.memory_space<vmem>>
    tpu.wait_dma2 semaphore(%dma_wait3A_1380 : memref<!tpu.dma_semaphore, #tpu.memory_space<semaphore_mem>>) src(%dma_wait3A_1390 : memref<3x56x112xf32, #tpu.memory_space<vmem>>) dst(%dma_wait3A_1385 : memref<3x56x112xf32, #tpu.memory_space<hbm>>)
    %dma_start3A_1391 = arith.constant 2 : i32
    %dma_start3A_1392 = arith.constant 2 : i32
    %dma_start3A_1393 = arith.constant 0 : i32
    %dma_start3A_1394 = arith.constant 0 : i32
    %dma_start3A_1395 = arith.constant 0 : i32
    %dma_start3A_1396 = tpu.memref_slice %arg6[%dma_start3A_1391, %dma_start3A_1393, %dma_start3A_1394, %dma_start3A_1395] : memref<4x3x56x112xf32, #tpu.memory_space<vmem>> -> memref<1x3x56x112xf32, #tpu.memory_space<vmem>>
    %dma_start3A_1397 = tpu.memref_squeeze %dma_start3A_1396 : memref<1x3x56x112xf32, #tpu.memory_space<vmem>> -> memref<3x56x112xf32, #tpu.memory_space<vmem>>
    %dma_start3A_1398 = arith.constant 0 : i32
    %dma_start3A_1399 = arith.constant 0 : i32
    %dma_start3A_1400 = arith.constant 0 : i32
    %dma_start3A_1401 = tpu.memref_slice %arg2[%select_n3A, %mul3A_124, %dma_start3A_1398, %dma_start3A_1399, %dma_start3A_1400] : memref<4x128x3x112x112xf32, #tpu.memory_space<hbm>> -> memref<1x1x3x56x112xf32, #tpu.memory_space<hbm>>
    %dma_start3A_1402 = tpu.memref_squeeze %dma_start3A_1401 : memref<1x1x3x56x112xf32, #tpu.memory_space<hbm>> -> memref<3x56x112xf32, #tpu.memory_space<hbm>>
    %dma_start3A_1403 = tpu.memref_slice %arg8[%dma_start3A_1392] : memref<4x!tpu.dma_semaphore, #tpu.memory_space<semaphore_mem>> -> memref<1x!tpu.dma_semaphore, #tpu.memory_space<semaphore_mem>>
    %dma_start3A_1404 = tpu.memref_squeeze %dma_start3A_1403 : memref<1x!tpu.dma_semaphore, #tpu.memory_space<semaphore_mem>> -> memref<!tpu.dma_semaphore, #tpu.memory_space<semaphore_mem>>
    %dma_start3A_1405 = arith.constant 0 : i32
    %dma_start3A_1406 = arith.constant 0 : i32
    %dma_start3A_1407 = arith.constant 0 : i32
    %dma_start3A_1408 = tpu.memref_slice %arg6[%dma_start3A_1391, %dma_start3A_1405, %dma_start3A_1406, %dma_start3A_1407] : memref<4x3x56x112xf32, #tpu.memory_space<vmem>> -> memref<1x3x56x112xf32, #tpu.memory_space<vmem>>
    %dma_start3A_1409 = tpu.memref_squeeze %dma_start3A_1408 : memref<1x3x56x112xf32, #tpu.memory_space<vmem>> -> memref<3x56x112xf32, #tpu.memory_space<vmem>>
    %dma_start3A_1410 = arith.constant 0 : i32
    %dma_start3A_1411 = arith.constant 0 : i32
    %dma_start3A_1412 = arith.constant 0 : i32
    %dma_start3A_1413 = tpu.memref_slice %arg2[%select_n3A, %mul3A_124, %dma_start3A_1410, %dma_start3A_1411, %dma_start3A_1412] : memref<4x128x3x112x112xf32, #tpu.memory_space<hbm>> -> memref<1x1x3x56x112xf32, #tpu.memory_space<hbm>>
    %dma_start3A_1414 = tpu.memref_squeeze %dma_start3A_1413 : memref<1x1x3x56x112xf32, #tpu.memory_space<hbm>> -> memref<3x56x112xf32, #tpu.memory_space<hbm>>
    tpu.enqueue_dma source(%dma_start3A_1414 : memref<3x56x112xf32, #tpu.memory_space<hbm>>) target(%dma_start3A_1409 : memref<3x56x112xf32, #tpu.memory_space<vmem>>) target_semaphore(%dma_start3A_1404 : memref<!tpu.dma_semaphore, #tpu.memory_space<semaphore_mem>>)
    %dma_wait3A_1415 = arith.constant 3 : i32
    %dma_wait3A_1416 = arith.constant 3 : i32
    %dma_wait3A_1417 = arith.constant 0 : i32
    %dma_wait3A_1418 = arith.constant 0 : i32
    %dma_wait3A_1419 = arith.constant 0 : i32
    %dma_wait3A_1420 = tpu.memref_slice %arg6[%dma_wait3A_1415, %dma_wait3A_1417, %dma_wait3A_1418, %dma_wait3A_1419] : memref<4x3x56x112xf32, #tpu.memory_space<vmem>> -> memref<1x3x56x112xf32, #tpu.memory_space<vmem>>
    %dma_wait3A_1421 = tpu.memref_squeeze %dma_wait3A_1420 : memref<1x3x56x112xf32, #tpu.memory_space<vmem>> -> memref<3x56x112xf32, #tpu.memory_space<vmem>>
    %dma_wait3A_1422 = arith.constant 0 : i32
    %dma_wait3A_1423 = arith.constant 56 : i32
    %dma_wait3A_1424 = arith.constant 0 : i32
    %dma_wait3A_1425 = tpu.memref_slice %arg2[%select_n3A, %mul3A_112, %dma_wait3A_1422, %dma_wait3A_1423, %dma_wait3A_1424] : memref<4x128x3x112x112xf32, #tpu.memory_space<hbm>> -> memref<1x1x3x56x112xf32, #tpu.memory_space<hbm>>
    %dma_wait3A_1426 = tpu.memref_squeeze %dma_wait3A_1425 : memref<1x1x3x56x112xf32, #tpu.memory_space<hbm>> -> memref<3x56x112xf32, #tpu.memory_space<hbm>>
    %dma_wait3A_1427 = tpu.memref_slice %arg8[%dma_wait3A_1416] : memref<4x!tpu.dma_semaphore, #tpu.memory_space<semaphore_mem>> -> memref<1x!tpu.dma_semaphore, #tpu.memory_space<semaphore_mem>>
    %dma_wait3A_1428 = tpu.memref_squeeze %dma_wait3A_1427 : memref<1x!tpu.dma_semaphore, #tpu.memory_space<semaphore_mem>> -> memref<!tpu.dma_semaphore, #tpu.memory_space<semaphore_mem>>
    %dma_wait3A_1429 = arith.constant 0 : i32
    %dma_wait3A_1430 = arith.constant 0 : i32
    %dma_wait3A_1431 = arith.constant 0 : i32
    %dma_wait3A_1432 = tpu.memref_slice %arg6[%dma_wait3A_1415, %dma_wait3A_1429, %dma_wait3A_1430, %dma_wait3A_1431] : memref<4x3x56x112xf32, #tpu.memory_space<vmem>> -> memref<1x3x56x112xf32, #tpu.memory_space<vmem>>
    %dma_wait3A_1433 = tpu.memref_squeeze %dma_wait3A_1432 : memref<1x3x56x112xf32, #tpu.memory_space<vmem>> -> memref<3x56x112xf32, #tpu.memory_space<vmem>>
    %dma_wait3A_1434 = arith.constant 0 : i32
    %dma_wait3A_1435 = arith.constant 56 : i32
    %dma_wait3A_1436 = arith.constant 0 : i32
    %dma_wait3A_1437 = tpu.memref_slice %arg2[%select_n3A, %mul3A_112, %dma_wait3A_1434, %dma_wait3A_1435, %dma_wait3A_1436] : memref<4x128x3x112x112xf32, #tpu.memory_space<hbm>> -> memref<1x1x3x56x112xf32, #tpu.memory_space<hbm>>
    %dma_wait3A_1438 = tpu.memref_squeeze %dma_wait3A_1437 : memref<1x1x3x56x112xf32, #tpu.memory_space<hbm>> -> memref<3x56x112xf32, #tpu.memory_space<hbm>>
    tpu.wait_dma2 semaphore(%dma_wait3A_1428 : memref<!tpu.dma_semaphore, #tpu.memory_space<semaphore_mem>>) src(%dma_wait3A_1438 : memref<3x56x112xf32, #tpu.memory_space<hbm>>) dst(%dma_wait3A_1433 : memref<3x56x112xf32, #tpu.memory_space<vmem>>)
    %dma_start3A_1439 = arith.constant 3 : i32
    %dma_start3A_1440 = arith.constant 3 : i32
    %dma_start3A_1441 = arith.constant 0 : i32
    %dma_start3A_1442 = arith.constant 0 : i32
    %dma_start3A_1443 = arith.constant 0 : i32
    %dma_start3A_1444 = tpu.memref_slice %arg6[%dma_start3A_1439, %dma_start3A_1441, %dma_start3A_1442, %dma_start3A_1443] : memref<4x3x56x112xf32, #tpu.memory_space<vmem>> -> memref<1x3x56x112xf32, #tpu.memory_space<vmem>>
    %dma_start3A_1445 = tpu.memref_squeeze %dma_start3A_1444 : memref<1x3x56x112xf32, #tpu.memory_space<vmem>> -> memref<3x56x112xf32, #tpu.memory_space<vmem>>
    %dma_start3A_1446 = arith.constant 0 : i32
    %dma_start3A_1447 = arith.constant 56 : i32
    %dma_start3A_1448 = arith.constant 0 : i32
    %dma_start3A_1449 = tpu.memref_slice %arg4[%select_n3A, %add3A_152, %dma_start3A_1446, %dma_start3A_1447, %dma_start3A_1448] : memref<4x64x3x112x112xf32, #tpu.memory_space<hbm>> -> memref<1x1x3x56x112xf32, #tpu.memory_space<hbm>>
    %dma_start3A_1450 = tpu.memref_squeeze %dma_start3A_1449 : memref<1x1x3x56x112xf32, #tpu.memory_space<hbm>> -> memref<3x56x112xf32, #tpu.memory_space<hbm>>
    %dma_start3A_1451 = tpu.memref_slice %arg9[%dma_start3A_1440] : memref<4x!tpu.dma_semaphore, #tpu.memory_space<semaphore_mem>> -> memref<1x!tpu.dma_semaphore, #tpu.memory_space<semaphore_mem>>
    %dma_start3A_1452 = tpu.memref_squeeze %dma_start3A_1451 : memref<1x!tpu.dma_semaphore, #tpu.memory_space<semaphore_mem>> -> memref<!tpu.dma_semaphore, #tpu.memory_space<semaphore_mem>>
    %dma_start3A_1453 = arith.constant 0 : i32
    %dma_start3A_1454 = arith.constant 56 : i32
    %dma_start3A_1455 = arith.constant 0 : i32
    %dma_start3A_1456 = tpu.memref_slice %arg4[%select_n3A, %add3A_152, %dma_start3A_1453, %dma_start3A_1454, %dma_start3A_1455] : memref<4x64x3x112x112xf32, #tpu.memory_space<hbm>> -> memref<1x1x3x56x112xf32, #tpu.memory_space<hbm>>
    %dma_start3A_1457 = tpu.memref_squeeze %dma_start3A_1456 : memref<1x1x3x56x112xf32, #tpu.memory_space<hbm>> -> memref<3x56x112xf32, #tpu.memory_space<hbm>>
    %dma_start3A_1458 = arith.constant 0 : i32
    %dma_start3A_1459 = arith.constant 0 : i32
    %dma_start3A_1460 = arith.constant 0 : i32
    %dma_start3A_1461 = tpu.memref_slice %arg6[%dma_start3A_1439, %dma_start3A_1458, %dma_start3A_1459, %dma_start3A_1460] : memref<4x3x56x112xf32, #tpu.memory_space<vmem>> -> memref<1x3x56x112xf32, #tpu.memory_space<vmem>>
    %dma_start3A_1462 = tpu.memref_squeeze %dma_start3A_1461 : memref<1x3x56x112xf32, #tpu.memory_space<vmem>> -> memref<3x56x112xf32, #tpu.memory_space<vmem>>
    tpu.enqueue_dma source(%dma_start3A_1462 : memref<3x56x112xf32, #tpu.memory_space<vmem>>) target(%dma_start3A_1457 : memref<3x56x112xf32, #tpu.memory_space<hbm>>) target_semaphore(%dma_start3A_1452 : memref<!tpu.dma_semaphore, #tpu.memory_space<semaphore_mem>>)
    %dma_wait3A_1463 = arith.constant 3 : i32
    %dma_wait3A_1464 = arith.constant 3 : i32
    %dma_wait3A_1465 = arith.constant 0 : i32
    %dma_wait3A_1466 = arith.constant 0 : i32
    %dma_wait3A_1467 = arith.constant 0 : i32
    %dma_wait3A_1468 = tpu.memref_slice %arg6[%dma_wait3A_1463, %dma_wait3A_1465, %dma_wait3A_1466, %dma_wait3A_1467] : memref<4x3x56x112xf32, #tpu.memory_space<vmem>> -> memref<1x3x56x112xf32, #tpu.memory_space<vmem>>
    %dma_wait3A_1469 = tpu.memref_squeeze %dma_wait3A_1468 : memref<1x3x56x112xf32, #tpu.memory_space<vmem>> -> memref<3x56x112xf32, #tpu.memory_space<vmem>>
    %dma_wait3A_1470 = arith.constant 0 : i32
    %dma_wait3A_1471 = arith.constant 56 : i32
    %dma_wait3A_1472 = arith.constant 0 : i32
    %dma_wait3A_1473 = tpu.memref_slice %arg4[%select_n3A, %add3A_152, %dma_wait3A_1470, %dma_wait3A_1471, %dma_wait3A_1472] : memref<4x64x3x112x112xf32, #tpu.memory_space<hbm>> -> memref<1x1x3x56x112xf32, #tpu.memory_space<hbm>>
    %dma_wait3A_1474 = tpu.memref_squeeze %dma_wait3A_1473 : memref<1x1x3x56x112xf32, #tpu.memory_space<hbm>> -> memref<3x56x112xf32, #tpu.memory_space<hbm>>
    %dma_wait3A_1475 = tpu.memref_slice %arg9[%dma_wait3A_1464] : memref<4x!tpu.dma_semaphore, #tpu.memory_space<semaphore_mem>> -> memref<1x!tpu.dma_semaphore, #tpu.memory_space<semaphore_mem>>
    %dma_wait3A_1476 = tpu.memref_squeeze %dma_wait3A_1475 : memref<1x!tpu.dma_semaphore, #tpu.memory_space<semaphore_mem>> -> memref<!tpu.dma_semaphore, #tpu.memory_space<semaphore_mem>>
    %dma_wait3A_1477 = arith.constant 0 : i32
    %dma_wait3A_1478 = arith.constant 56 : i32
    %dma_wait3A_1479 = arith.constant 0 : i32
    %dma_wait3A_1480 = tpu.memref_slice %arg4[%select_n3A, %add3A_152, %dma_wait3A_1477, %dma_wait3A_1478, %dma_wait3A_1479] : memref<4x64x3x112x112xf32, #tpu.memory_space<hbm>> -> memref<1x1x3x56x112xf32, #tpu.memory_space<hbm>>
    %dma_wait3A_1481 = tpu.memref_squeeze %dma_wait3A_1480 : memref<1x1x3x56x112xf32, #tpu.memory_space<hbm>> -> memref<3x56x112xf32, #tpu.memory_space<hbm>>
    %dma_wait3A_1482 = arith.constant 0 : i32
    %dma_wait3A_1483 = arith.constant 0 : i32
    %dma_wait3A_1484 = arith.constant 0 : i32
    %dma_wait3A_1485 = tpu.memref_slice %arg6[%dma_wait3A_1463, %dma_wait3A_1482, %dma_wait3A_1483, %dma_wait3A_1484] : memref<4x3x56x112xf32, #tpu.memory_space<vmem>> -> memref<1x3x56x112xf32, #tpu.memory_space<vmem>>
    %dma_wait3A_1486 = tpu.memref_squeeze %dma_wait3A_1485 : memref<1x3x56x112xf32, #tpu.memory_space<vmem>> -> memref<3x56x112xf32, #tpu.memory_space<vmem>>
    tpu.wait_dma2 semaphore(%dma_wait3A_1476 : memref<!tpu.dma_semaphore, #tpu.memory_space<semaphore_mem>>) src(%dma_wait3A_1486 : memref<3x56x112xf32, #tpu.memory_space<vmem>>) dst(%dma_wait3A_1481 : memref<3x56x112xf32, #tpu.memory_space<hbm>>)
    %dma_start3A_1487 = arith.constant 3 : i32
    %dma_start3A_1488 = arith.constant 3 : i32
    %dma_start3A_1489 = arith.constant 0 : i32
    %dma_start3A_1490 = arith.constant 0 : i32
    %dma_start3A_1491 = arith.constant 0 : i32
    %dma_start3A_1492 = tpu.memref_slice %arg6[%dma_start3A_1487, %dma_start3A_1489, %dma_start3A_1490, %dma_start3A_1491] : memref<4x3x56x112xf32, #tpu.memory_space<vmem>> -> memref<1x3x56x112xf32, #tpu.memory_space<vmem>>
    %dma_start3A_1493 = tpu.memref_squeeze %dma_start3A_1492 : memref<1x3x56x112xf32, #tpu.memory_space<vmem>> -> memref<3x56x112xf32, #tpu.memory_space<vmem>>
    %dma_start3A_1494 = arith.constant 0 : i32
    %dma_start3A_1495 = arith.constant 56 : i32
    %dma_start3A_1496 = arith.constant 0 : i32
    %dma_start3A_1497 = tpu.memref_slice %arg2[%select_n3A, %mul3A_128, %dma_start3A_1494, %dma_start3A_1495, %dma_start3A_1496] : memref<4x128x3x112x112xf32, #tpu.memory_space<hbm>> -> memref<1x1x3x56x112xf32, #tpu.memory_space<hbm>>
    %dma_start3A_1498 = tpu.memref_squeeze %dma_start3A_1497 : memref<1x1x3x56x112xf32, #tpu.memory_space<hbm>> -> memref<3x56x112xf32, #tpu.memory_space<hbm>>
    %dma_start3A_1499 = tpu.memref_slice %arg8[%dma_start3A_1488] : memref<4x!tpu.dma_semaphore, #tpu.memory_space<semaphore_mem>> -> memref<1x!tpu.dma_semaphore, #tpu.memory_space<semaphore_mem>>
    %dma_start3A_1500 = tpu.memref_squeeze %dma_start3A_1499 : memref<1x!tpu.dma_semaphore, #tpu.memory_space<semaphore_mem>> -> memref<!tpu.dma_semaphore, #tpu.memory_space<semaphore_mem>>
    %dma_start3A_1501 = arith.constant 0 : i32
    %dma_start3A_1502 = arith.constant 0 : i32
    %dma_start3A_1503 = arith.constant 0 : i32
    %dma_start3A_1504 = tpu.memref_slice %arg6[%dma_start3A_1487, %dma_start3A_1501, %dma_start3A_1502, %dma_start3A_1503] : memref<4x3x56x112xf32, #tpu.memory_space<vmem>> -> memref<1x3x56x112xf32, #tpu.memory_space<vmem>>
    %dma_start3A_1505 = tpu.memref_squeeze %dma_start3A_1504 : memref<1x3x56x112xf32, #tpu.memory_space<vmem>> -> memref<3x56x112xf32, #tpu.memory_space<vmem>>
    %dma_start3A_1506 = arith.constant 0 : i32
    %dma_start3A_1507 = arith.constant 56 : i32
    %dma_start3A_1508 = arith.constant 0 : i32
    %dma_start3A_1509 = tpu.memref_slice %arg2[%select_n3A, %mul3A_128, %dma_start3A_1506, %dma_start3A_1507, %dma_start3A_1508] : memref<4x128x3x112x112xf32, #tpu.memory_space<hbm>> -> memref<1x1x3x56x112xf32, #tpu.memory_space<hbm>>
    %dma_start3A_1510 = tpu.memref_squeeze %dma_start3A_1509 : memref<1x1x3x56x112xf32, #tpu.memory_space<hbm>> -> memref<3x56x112xf32, #tpu.memory_space<hbm>>
    tpu.enqueue_dma source(%dma_start3A_1510 : memref<3x56x112xf32, #tpu.memory_space<hbm>>) target(%dma_start3A_1505 : memref<3x56x112xf32, #tpu.memory_space<vmem>>) target_semaphore(%dma_start3A_1500 : memref<!tpu.dma_semaphore, #tpu.memory_space<semaphore_mem>>)
    %dma_wait3A_1511 = arith.constant 0 : i32
    %dma_wait3A_1512 = arith.constant 0 : i32
    %dma_wait3A_1513 = arith.constant 0 : i32
    %dma_wait3A_1514 = arith.constant 0 : i32
    %dma_wait3A_1515 = arith.constant 0 : i32
    %dma_wait3A_1516 = tpu.memref_slice %arg6[%dma_wait3A_1511, %dma_wait3A_1513, %dma_wait3A_1514, %dma_wait3A_1515] : memref<4x3x56x112xf32, #tpu.memory_space<vmem>> -> memref<1x3x56x112xf32, #tpu.memory_space<vmem>>
    %dma_wait3A_1517 = tpu.memref_squeeze %dma_wait3A_1516 : memref<1x3x56x112xf32, #tpu.memory_space<vmem>> -> memref<3x56x112xf32, #tpu.memory_space<vmem>>
    %dma_wait3A_1518 = arith.constant 0 : i32
    %dma_wait3A_1519 = arith.constant 0 : i32
    %dma_wait3A_1520 = arith.constant 0 : i32
    %dma_wait3A_1521 = tpu.memref_slice %arg2[%select_n3A, %mul3A_116, %dma_wait3A_1518, %dma_wait3A_1519, %dma_wait3A_1520] : memref<4x128x3x112x112xf32, #tpu.memory_space<hbm>> -> memref<1x1x3x56x112xf32, #tpu.memory_space<hbm>>
    %dma_wait3A_1522 = tpu.memref_squeeze %dma_wait3A_1521 : memref<1x1x3x56x112xf32, #tpu.memory_space<hbm>> -> memref<3x56x112xf32, #tpu.memory_space<hbm>>
    %dma_wait3A_1523 = tpu.memref_slice %arg8[%dma_wait3A_1512] : memref<4x!tpu.dma_semaphore, #tpu.memory_space<semaphore_mem>> -> memref<1x!tpu.dma_semaphore, #tpu.memory_space<semaphore_mem>>
    %dma_wait3A_1524 = tpu.memref_squeeze %dma_wait3A_1523 : memref<1x!tpu.dma_semaphore, #tpu.memory_space<semaphore_mem>> -> memref<!tpu.dma_semaphore, #tpu.memory_space<semaphore_mem>>
    %dma_wait3A_1525 = arith.constant 0 : i32
    %dma_wait3A_1526 = arith.constant 0 : i32
    %dma_wait3A_1527 = arith.constant 0 : i32
    %dma_wait3A_1528 = tpu.memref_slice %arg6[%dma_wait3A_1511, %dma_wait3A_1525, %dma_wait3A_1526, %dma_wait3A_1527] : memref<4x3x56x112xf32, #tpu.memory_space<vmem>> -> memref<1x3x56x112xf32, #tpu.memory_space<vmem>>
    %dma_wait3A_1529 = tpu.memref_squeeze %dma_wait3A_1528 : memref<1x3x56x112xf32, #tpu.memory_space<vmem>> -> memref<3x56x112xf32, #tpu.memory_space<vmem>>
    %dma_wait3A_1530 = arith.constant 0 : i32
    %dma_wait3A_1531 = arith.constant 0 : i32
    %dma_wait3A_1532 = arith.constant 0 : i32
    %dma_wait3A_1533 = tpu.memref_slice %arg2[%select_n3A, %mul3A_116, %dma_wait3A_1530, %dma_wait3A_1531, %dma_wait3A_1532] : memref<4x128x3x112x112xf32, #tpu.memory_space<hbm>> -> memref<1x1x3x56x112xf32, #tpu.memory_space<hbm>>
    %dma_wait3A_1534 = tpu.memref_squeeze %dma_wait3A_1533 : memref<1x1x3x56x112xf32, #tpu.memory_space<hbm>> -> memref<3x56x112xf32, #tpu.memory_space<hbm>>
    tpu.wait_dma2 semaphore(%dma_wait3A_1524 : memref<!tpu.dma_semaphore, #tpu.memory_space<semaphore_mem>>) src(%dma_wait3A_1534 : memref<3x56x112xf32, #tpu.memory_space<hbm>>) dst(%dma_wait3A_1529 : memref<3x56x112xf32, #tpu.memory_space<vmem>>)
    %dma_start3A_1535 = arith.constant 0 : i32
    %dma_start3A_1536 = arith.constant 0 : i32
    %dma_start3A_1537 = arith.constant 0 : i32
    %dma_start3A_1538 = arith.constant 0 : i32
    %dma_start3A_1539 = arith.constant 0 : i32
    %dma_start3A_1540 = tpu.memref_slice %arg6[%dma_start3A_1535, %dma_start3A_1537, %dma_start3A_1538, %dma_start3A_1539] : memref<4x3x56x112xf32, #tpu.memory_space<vmem>> -> memref<1x3x56x112xf32, #tpu.memory_space<vmem>>
    %dma_start3A_1541 = tpu.memref_squeeze %dma_start3A_1540 : memref<1x3x56x112xf32, #tpu.memory_space<vmem>> -> memref<3x56x112xf32, #tpu.memory_space<vmem>>
    %dma_start3A_1542 = arith.constant 0 : i32
    %dma_start3A_1543 = arith.constant 0 : i32
    %dma_start3A_1544 = arith.constant 0 : i32
    %dma_start3A_1545 = tpu.memref_slice %arg4[%select_n3A, %add3A_154, %dma_start3A_1542, %dma_start3A_1543, %dma_start3A_1544] : memref<4x64x3x112x112xf32, #tpu.memory_space<hbm>> -> memref<1x1x3x56x112xf32, #tpu.memory_space<hbm>>
    %dma_start3A_1546 = tpu.memref_squeeze %dma_start3A_1545 : memref<1x1x3x56x112xf32, #tpu.memory_space<hbm>> -> memref<3x56x112xf32, #tpu.memory_space<hbm>>
    %dma_start3A_1547 = tpu.memref_slice %arg9[%dma_start3A_1536] : memref<4x!tpu.dma_semaphore, #tpu.memory_space<semaphore_mem>> -> memref<1x!tpu.dma_semaphore, #tpu.memory_space<semaphore_mem>>
    %dma_start3A_1548 = tpu.memref_squeeze %dma_start3A_1547 : memref<1x!tpu.dma_semaphore, #tpu.memory_space<semaphore_mem>> -> memref<!tpu.dma_semaphore, #tpu.memory_space<semaphore_mem>>
    %dma_start3A_1549 = arith.constant 0 : i32
    %dma_start3A_1550 = arith.constant 0 : i32
    %dma_start3A_1551 = arith.constant 0 : i32
    %dma_start3A_1552 = tpu.memref_slice %arg4[%select_n3A, %add3A_154, %dma_start3A_1549, %dma_start3A_1550, %dma_start3A_1551] : memref<4x64x3x112x112xf32, #tpu.memory_space<hbm>> -> memref<1x1x3x56x112xf32, #tpu.memory_space<hbm>>
    %dma_start3A_1553 = tpu.memref_squeeze %dma_start3A_1552 : memref<1x1x3x56x112xf32, #tpu.memory_space<hbm>> -> memref<3x56x112xf32, #tpu.memory_space<hbm>>
    %dma_start3A_1554 = arith.constant 0 : i32
    %dma_start3A_1555 = arith.constant 0 : i32
    %dma_start3A_1556 = arith.constant 0 : i32
    %dma_start3A_1557 = tpu.memref_slice %arg6[%dma_start3A_1535, %dma_start3A_1554, %dma_start3A_1555, %dma_start3A_1556] : memref<4x3x56x112xf32, #tpu.memory_space<vmem>> -> memref<1x3x56x112xf32, #tpu.memory_space<vmem>>
    %dma_start3A_1558 = tpu.memref_squeeze %dma_start3A_1557 : memref<1x3x56x112xf32, #tpu.memory_space<vmem>> -> memref<3x56x112xf32, #tpu.memory_space<vmem>>
    tpu.enqueue_dma source(%dma_start3A_1558 : memref<3x56x112xf32, #tpu.memory_space<vmem>>) target(%dma_start3A_1553 : memref<3x56x112xf32, #tpu.memory_space<hbm>>) target_semaphore(%dma_start3A_1548 : memref<!tpu.dma_semaphore, #tpu.memory_space<semaphore_mem>>)
    %dma_wait3A_1559 = arith.constant 0 : i32
    %dma_wait3A_1560 = arith.constant 0 : i32
    %dma_wait3A_1561 = arith.constant 0 : i32
    %dma_wait3A_1562 = arith.constant 0 : i32
    %dma_wait3A_1563 = arith.constant 0 : i32
    %dma_wait3A_1564 = tpu.memref_slice %arg6[%dma_wait3A_1559, %dma_wait3A_1561, %dma_wait3A_1562, %dma_wait3A_1563] : memref<4x3x56x112xf32, #tpu.memory_space<vmem>> -> memref<1x3x56x112xf32, #tpu.memory_space<vmem>>
    %dma_wait3A_1565 = tpu.memref_squeeze %dma_wait3A_1564 : memref<1x3x56x112xf32, #tpu.memory_space<vmem>> -> memref<3x56x112xf32, #tpu.memory_space<vmem>>
    %dma_wait3A_1566 = arith.constant 0 : i32
    %dma_wait3A_1567 = arith.constant 0 : i32
    %dma_wait3A_1568 = arith.constant 0 : i32
    %dma_wait3A_1569 = tpu.memref_slice %arg4[%select_n3A, %add3A_154, %dma_wait3A_1566, %dma_wait3A_1567, %dma_wait3A_1568] : memref<4x64x3x112x112xf32, #tpu.memory_space<hbm>> -> memref<1x1x3x56x112xf32, #tpu.memory_space<hbm>>
    %dma_wait3A_1570 = tpu.memref_squeeze %dma_wait3A_1569 : memref<1x1x3x56x112xf32, #tpu.memory_space<hbm>> -> memref<3x56x112xf32, #tpu.memory_space<hbm>>
    %dma_wait3A_1571 = tpu.memref_slice %arg9[%dma_wait3A_1560] : memref<4x!tpu.dma_semaphore, #tpu.memory_space<semaphore_mem>> -> memref<1x!tpu.dma_semaphore, #tpu.memory_space<semaphore_mem>>
    %dma_wait3A_1572 = tpu.memref_squeeze %dma_wait3A_1571 : memref<1x!tpu.dma_semaphore, #tpu.memory_space<semaphore_mem>> -> memref<!tpu.dma_semaphore, #tpu.memory_space<semaphore_mem>>
    %dma_wait3A_1573 = arith.constant 0 : i32
    %dma_wait3A_1574 = arith.constant 0 : i32
    %dma_wait3A_1575 = arith.constant 0 : i32
    %dma_wait3A_1576 = tpu.memref_slice %arg4[%select_n3A, %add3A_154, %dma_wait3A_1573, %dma_wait3A_1574, %dma_wait3A_1575] : memref<4x64x3x112x112xf32, #tpu.memory_space<hbm>> -> memref<1x1x3x56x112xf32, #tpu.memory_space<hbm>>
    %dma_wait3A_1577 = tpu.memref_squeeze %dma_wait3A_1576 : memref<1x1x3x56x112xf32, #tpu.memory_space<hbm>> -> memref<3x56x112xf32, #tpu.memory_space<hbm>>
    %dma_wait3A_1578 = arith.constant 0 : i32
    %dma_wait3A_1579 = arith.constant 0 : i32
    %dma_wait3A_1580 = arith.constant 0 : i32
    %dma_wait3A_1581 = tpu.memref_slice %arg6[%dma_wait3A_1559, %dma_wait3A_1578, %dma_wait3A_1579, %dma_wait3A_1580] : memref<4x3x56x112xf32, #tpu.memory_space<vmem>> -> memref<1x3x56x112xf32, #tpu.memory_space<vmem>>
    %dma_wait3A_1582 = tpu.memref_squeeze %dma_wait3A_1581 : memref<1x3x56x112xf32, #tpu.memory_space<vmem>> -> memref<3x56x112xf32, #tpu.memory_space<vmem>>
    tpu.wait_dma2 semaphore(%dma_wait3A_1572 : memref<!tpu.dma_semaphore, #tpu.memory_space<semaphore_mem>>) src(%dma_wait3A_1582 : memref<3x56x112xf32, #tpu.memory_space<vmem>>) dst(%dma_wait3A_1577 : memref<3x56x112xf32, #tpu.memory_space<hbm>>)
    %dma_wait3A_1583 = arith.constant 1 : i32
    %dma_wait3A_1584 = arith.constant 1 : i32
    %dma_wait3A_1585 = arith.constant 0 : i32
    %dma_wait3A_1586 = arith.constant 0 : i32
    %dma_wait3A_1587 = arith.constant 0 : i32
    %dma_wait3A_1588 = tpu.memref_slice %arg6[%dma_wait3A_1583, %dma_wait3A_1585, %dma_wait3A_1586, %dma_wait3A_1587] : memref<4x3x56x112xf32, #tpu.memory_space<vmem>> -> memref<1x3x56x112xf32, #tpu.memory_space<vmem>>
    %dma_wait3A_1589 = tpu.memref_squeeze %dma_wait3A_1588 : memref<1x3x56x112xf32, #tpu.memory_space<vmem>> -> memref<3x56x112xf32, #tpu.memory_space<vmem>>
    %dma_wait3A_1590 = arith.constant 0 : i32
    %dma_wait3A_1591 = arith.constant 56 : i32
    %dma_wait3A_1592 = arith.constant 0 : i32
    %dma_wait3A_1593 = tpu.memref_slice %arg2[%select_n3A, %mul3A_120, %dma_wait3A_1590, %dma_wait3A_1591, %dma_wait3A_1592] : memref<4x128x3x112x112xf32, #tpu.memory_space<hbm>> -> memref<1x1x3x56x112xf32, #tpu.memory_space<hbm>>
    %dma_wait3A_1594 = tpu.memref_squeeze %dma_wait3A_1593 : memref<1x1x3x56x112xf32, #tpu.memory_space<hbm>> -> memref<3x56x112xf32, #tpu.memory_space<hbm>>
    %dma_wait3A_1595 = tpu.memref_slice %arg8[%dma_wait3A_1584] : memref<4x!tpu.dma_semaphore, #tpu.memory_space<semaphore_mem>> -> memref<1x!tpu.dma_semaphore, #tpu.memory_space<semaphore_mem>>
    %dma_wait3A_1596 = tpu.memref_squeeze %dma_wait3A_1595 : memref<1x!tpu.dma_semaphore, #tpu.memory_space<semaphore_mem>> -> memref<!tpu.dma_semaphore, #tpu.memory_space<semaphore_mem>>
    %dma_wait3A_1597 = arith.constant 0 : i32
    %dma_wait3A_1598 = arith.constant 0 : i32
    %dma_wait3A_1599 = arith.constant 0 : i32
    %dma_wait3A_1600 = tpu.memref_slice %arg6[%dma_wait3A_1583, %dma_wait3A_1597, %dma_wait3A_1598, %dma_wait3A_1599] : memref<4x3x56x112xf32, #tpu.memory_space<vmem>> -> memref<1x3x56x112xf32, #tpu.memory_space<vmem>>
    %dma_wait3A_1601 = tpu.memref_squeeze %dma_wait3A_1600 : memref<1x3x56x112xf32, #tpu.memory_space<vmem>> -> memref<3x56x112xf32, #tpu.memory_space<vmem>>
    %dma_wait3A_1602 = arith.constant 0 : i32
    %dma_wait3A_1603 = arith.constant 56 : i32
    %dma_wait3A_1604 = arith.constant 0 : i32
    %dma_wait3A_1605 = tpu.memref_slice %arg2[%select_n3A, %mul3A_120, %dma_wait3A_1602, %dma_wait3A_1603, %dma_wait3A_1604] : memref<4x128x3x112x112xf32, #tpu.memory_space<hbm>> -> memref<1x1x3x56x112xf32, #tpu.memory_space<hbm>>
    %dma_wait3A_1606 = tpu.memref_squeeze %dma_wait3A_1605 : memref<1x1x3x56x112xf32, #tpu.memory_space<hbm>> -> memref<3x56x112xf32, #tpu.memory_space<hbm>>
    tpu.wait_dma2 semaphore(%dma_wait3A_1596 : memref<!tpu.dma_semaphore, #tpu.memory_space<semaphore_mem>>) src(%dma_wait3A_1606 : memref<3x56x112xf32, #tpu.memory_space<hbm>>) dst(%dma_wait3A_1601 : memref<3x56x112xf32, #tpu.memory_space<vmem>>)
    %dma_start3A_1607 = arith.constant 1 : i32
    %dma_start3A_1608 = arith.constant 1 : i32
    %dma_start3A_1609 = arith.constant 0 : i32
    %dma_start3A_1610 = arith.constant 0 : i32
    %dma_start3A_1611 = arith.constant 0 : i32
    %dma_start3A_1612 = tpu.memref_slice %arg6[%dma_start3A_1607, %dma_start3A_1609, %dma_start3A_1610, %dma_start3A_1611] : memref<4x3x56x112xf32, #tpu.memory_space<vmem>> -> memref<1x3x56x112xf32, #tpu.memory_space<vmem>>
    %dma_start3A_1613 = tpu.memref_squeeze %dma_start3A_1612 : memref<1x3x56x112xf32, #tpu.memory_space<vmem>> -> memref<3x56x112xf32, #tpu.memory_space<vmem>>
    %dma_start3A_1614 = arith.constant 0 : i32
    %dma_start3A_1615 = arith.constant 56 : i32
    %dma_start3A_1616 = arith.constant 0 : i32
    %dma_start3A_1617 = tpu.memref_slice %arg4[%select_n3A, %add3A_156, %dma_start3A_1614, %dma_start3A_1615, %dma_start3A_1616] : memref<4x64x3x112x112xf32, #tpu.memory_space<hbm>> -> memref<1x1x3x56x112xf32, #tpu.memory_space<hbm>>
    %dma_start3A_1618 = tpu.memref_squeeze %dma_start3A_1617 : memref<1x1x3x56x112xf32, #tpu.memory_space<hbm>> -> memref<3x56x112xf32, #tpu.memory_space<hbm>>
    %dma_start3A_1619 = tpu.memref_slice %arg9[%dma_start3A_1608] : memref<4x!tpu.dma_semaphore, #tpu.memory_space<semaphore_mem>> -> memref<1x!tpu.dma_semaphore, #tpu.memory_space<semaphore_mem>>
    %dma_start3A_1620 = tpu.memref_squeeze %dma_start3A_1619 : memref<1x!tpu.dma_semaphore, #tpu.memory_space<semaphore_mem>> -> memref<!tpu.dma_semaphore, #tpu.memory_space<semaphore_mem>>
    %dma_start3A_1621 = arith.constant 0 : i32
    %dma_start3A_1622 = arith.constant 56 : i32
    %dma_start3A_1623 = arith.constant 0 : i32
    %dma_start3A_1624 = tpu.memref_slice %arg4[%select_n3A, %add3A_156, %dma_start3A_1621, %dma_start3A_1622, %dma_start3A_1623] : memref<4x64x3x112x112xf32, #tpu.memory_space<hbm>> -> memref<1x1x3x56x112xf32, #tpu.memory_space<hbm>>
    %dma_start3A_1625 = tpu.memref_squeeze %dma_start3A_1624 : memref<1x1x3x56x112xf32, #tpu.memory_space<hbm>> -> memref<3x56x112xf32, #tpu.memory_space<hbm>>
    %dma_start3A_1626 = arith.constant 0 : i32
    %dma_start3A_1627 = arith.constant 0 : i32
    %dma_start3A_1628 = arith.constant 0 : i32
    %dma_start3A_1629 = tpu.memref_slice %arg6[%dma_start3A_1607, %dma_start3A_1626, %dma_start3A_1627, %dma_start3A_1628] : memref<4x3x56x112xf32, #tpu.memory_space<vmem>> -> memref<1x3x56x112xf32, #tpu.memory_space<vmem>>
    %dma_start3A_1630 = tpu.memref_squeeze %dma_start3A_1629 : memref<1x3x56x112xf32, #tpu.memory_space<vmem>> -> memref<3x56x112xf32, #tpu.memory_space<vmem>>
    tpu.enqueue_dma source(%dma_start3A_1630 : memref<3x56x112xf32, #tpu.memory_space<vmem>>) target(%dma_start3A_1625 : memref<3x56x112xf32, #tpu.memory_space<hbm>>) target_semaphore(%dma_start3A_1620 : memref<!tpu.dma_semaphore, #tpu.memory_space<semaphore_mem>>)
    %dma_wait3A_1631 = arith.constant 1 : i32
    %dma_wait3A_1632 = arith.constant 1 : i32
    %dma_wait3A_1633 = arith.constant 0 : i32
    %dma_wait3A_1634 = arith.constant 0 : i32
    %dma_wait3A_1635 = arith.constant 0 : i32
    %dma_wait3A_1636 = tpu.memref_slice %arg6[%dma_wait3A_1631, %dma_wait3A_1633, %dma_wait3A_1634, %dma_wait3A_1635] : memref<4x3x56x112xf32, #tpu.memory_space<vmem>> -> memref<1x3x56x112xf32, #tpu.memory_space<vmem>>
    %dma_wait3A_1637 = tpu.memref_squeeze %dma_wait3A_1636 : memref<1x3x56x112xf32, #tpu.memory_space<vmem>> -> memref<3x56x112xf32, #tpu.memory_space<vmem>>
    %dma_wait3A_1638 = arith.constant 0 : i32
    %dma_wait3A_1639 = arith.constant 56 : i32
    %dma_wait3A_1640 = arith.constant 0 : i32
    %dma_wait3A_1641 = tpu.memref_slice %arg4[%select_n3A, %add3A_156, %dma_wait3A_1638, %dma_wait3A_1639, %dma_wait3A_1640] : memref<4x64x3x112x112xf32, #tpu.memory_space<hbm>> -> memref<1x1x3x56x112xf32, #tpu.memory_space<hbm>>
    %dma_wait3A_1642 = tpu.memref_squeeze %dma_wait3A_1641 : memref<1x1x3x56x112xf32, #tpu.memory_space<hbm>> -> memref<3x56x112xf32, #tpu.memory_space<hbm>>
    %dma_wait3A_1643 = tpu.memref_slice %arg9[%dma_wait3A_1632] : memref<4x!tpu.dma_semaphore, #tpu.memory_space<semaphore_mem>> -> memref<1x!tpu.dma_semaphore, #tpu.memory_space<semaphore_mem>>
    %dma_wait3A_1644 = tpu.memref_squeeze %dma_wait3A_1643 : memref<1x!tpu.dma_semaphore, #tpu.memory_space<semaphore_mem>> -> memref<!tpu.dma_semaphore, #tpu.memory_space<semaphore_mem>>
    %dma_wait3A_1645 = arith.constant 0 : i32
    %dma_wait3A_1646 = arith.constant 56 : i32
    %dma_wait3A_1647 = arith.constant 0 : i32
    %dma_wait3A_1648 = tpu.memref_slice %arg4[%select_n3A, %add3A_156, %dma_wait3A_1645, %dma_wait3A_1646, %dma_wait3A_1647] : memref<4x64x3x112x112xf32, #tpu.memory_space<hbm>> -> memref<1x1x3x56x112xf32, #tpu.memory_space<hbm>>
    %dma_wait3A_1649 = tpu.memref_squeeze %dma_wait3A_1648 : memref<1x1x3x56x112xf32, #tpu.memory_space<hbm>> -> memref<3x56x112xf32, #tpu.memory_space<hbm>>
    %dma_wait3A_1650 = arith.constant 0 : i32
    %dma_wait3A_1651 = arith.constant 0 : i32
    %dma_wait3A_1652 = arith.constant 0 : i32
    %dma_wait3A_1653 = tpu.memref_slice %arg6[%dma_wait3A_1631, %dma_wait3A_1650, %dma_wait3A_1651, %dma_wait3A_1652] : memref<4x3x56x112xf32, #tpu.memory_space<vmem>> -> memref<1x3x56x112xf32, #tpu.memory_space<vmem>>
    %dma_wait3A_1654 = tpu.memref_squeeze %dma_wait3A_1653 : memref<1x3x56x112xf32, #tpu.memory_space<vmem>> -> memref<3x56x112xf32, #tpu.memory_space<vmem>>
    tpu.wait_dma2 semaphore(%dma_wait3A_1644 : memref<!tpu.dma_semaphore, #tpu.memory_space<semaphore_mem>>) src(%dma_wait3A_1654 : memref<3x56x112xf32, #tpu.memory_space<vmem>>) dst(%dma_wait3A_1649 : memref<3x56x112xf32, #tpu.memory_space<hbm>>)
    %dma_wait3A_1655 = arith.constant 2 : i32
    %dma_wait3A_1656 = arith.constant 2 : i32
    %dma_wait3A_1657 = arith.constant 0 : i32
    %dma_wait3A_1658 = arith.constant 0 : i32
    %dma_wait3A_1659 = arith.constant 0 : i32
    %dma_wait3A_1660 = tpu.memref_slice %arg6[%dma_wait3A_1655, %dma_wait3A_1657, %dma_wait3A_1658, %dma_wait3A_1659] : memref<4x3x56x112xf32, #tpu.memory_space<vmem>> -> memref<1x3x56x112xf32, #tpu.memory_space<vmem>>
    %dma_wait3A_1661 = tpu.memref_squeeze %dma_wait3A_1660 : memref<1x3x56x112xf32, #tpu.memory_space<vmem>> -> memref<3x56x112xf32, #tpu.memory_space<vmem>>
    %dma_wait3A_1662 = arith.constant 0 : i32
    %dma_wait3A_1663 = arith.constant 0 : i32
    %dma_wait3A_1664 = arith.constant 0 : i32
    %dma_wait3A_1665 = tpu.memref_slice %arg2[%select_n3A, %mul3A_124, %dma_wait3A_1662, %dma_wait3A_1663, %dma_wait3A_1664] : memref<4x128x3x112x112xf32, #tpu.memory_space<hbm>> -> memref<1x1x3x56x112xf32, #tpu.memory_space<hbm>>
    %dma_wait3A_1666 = tpu.memref_squeeze %dma_wait3A_1665 : memref<1x1x3x56x112xf32, #tpu.memory_space<hbm>> -> memref<3x56x112xf32, #tpu.memory_space<hbm>>
    %dma_wait3A_1667 = tpu.memref_slice %arg8[%dma_wait3A_1656] : memref<4x!tpu.dma_semaphore, #tpu.memory_space<semaphore_mem>> -> memref<1x!tpu.dma_semaphore, #tpu.memory_space<semaphore_mem>>
    %dma_wait3A_1668 = tpu.memref_squeeze %dma_wait3A_1667 : memref<1x!tpu.dma_semaphore, #tpu.memory_space<semaphore_mem>> -> memref<!tpu.dma_semaphore, #tpu.memory_space<semaphore_mem>>
    %dma_wait3A_1669 = arith.constant 0 : i32
    %dma_wait3A_1670 = arith.constant 0 : i32
    %dma_wait3A_1671 = arith.constant 0 : i32
    %dma_wait3A_1672 = tpu.memref_slice %arg6[%dma_wait3A_1655, %dma_wait3A_1669, %dma_wait3A_1670, %dma_wait3A_1671] : memref<4x3x56x112xf32, #tpu.memory_space<vmem>> -> memref<1x3x56x112xf32, #tpu.memory_space<vmem>>
    %dma_wait3A_1673 = tpu.memref_squeeze %dma_wait3A_1672 : memref<1x3x56x112xf32, #tpu.memory_space<vmem>> -> memref<3x56x112xf32, #tpu.memory_space<vmem>>
    %dma_wait3A_1674 = arith.constant 0 : i32
    %dma_wait3A_1675 = arith.constant 0 : i32
    %dma_wait3A_1676 = arith.constant 0 : i32
    %dma_wait3A_1677 = tpu.memref_slice %arg2[%select_n3A, %mul3A_124, %dma_wait3A_1674, %dma_wait3A_1675, %dma_wait3A_1676] : memref<4x128x3x112x112xf32, #tpu.memory_space<hbm>> -> memref<1x1x3x56x112xf32, #tpu.memory_space<hbm>>
    %dma_wait3A_1678 = tpu.memref_squeeze %dma_wait3A_1677 : memref<1x1x3x56x112xf32, #tpu.memory_space<hbm>> -> memref<3x56x112xf32, #tpu.memory_space<hbm>>
    tpu.wait_dma2 semaphore(%dma_wait3A_1668 : memref<!tpu.dma_semaphore, #tpu.memory_space<semaphore_mem>>) src(%dma_wait3A_1678 : memref<3x56x112xf32, #tpu.memory_space<hbm>>) dst(%dma_wait3A_1673 : memref<3x56x112xf32, #tpu.memory_space<vmem>>)
    %dma_start3A_1679 = arith.constant 2 : i32
    %dma_start3A_1680 = arith.constant 2 : i32
    %dma_start3A_1681 = arith.constant 0 : i32
    %dma_start3A_1682 = arith.constant 0 : i32
    %dma_start3A_1683 = arith.constant 0 : i32
    %dma_start3A_1684 = tpu.memref_slice %arg6[%dma_start3A_1679, %dma_start3A_1681, %dma_start3A_1682, %dma_start3A_1683] : memref<4x3x56x112xf32, #tpu.memory_space<vmem>> -> memref<1x3x56x112xf32, #tpu.memory_space<vmem>>
    %dma_start3A_1685 = tpu.memref_squeeze %dma_start3A_1684 : memref<1x3x56x112xf32, #tpu.memory_space<vmem>> -> memref<3x56x112xf32, #tpu.memory_space<vmem>>
    %dma_start3A_1686 = arith.constant 0 : i32
    %dma_start3A_1687 = arith.constant 0 : i32
    %dma_start3A_1688 = arith.constant 0 : i32
    %dma_start3A_1689 = tpu.memref_slice %arg4[%select_n3A, %add3A_158, %dma_start3A_1686, %dma_start3A_1687, %dma_start3A_1688] : memref<4x64x3x112x112xf32, #tpu.memory_space<hbm>> -> memref<1x1x3x56x112xf32, #tpu.memory_space<hbm>>
    %dma_start3A_1690 = tpu.memref_squeeze %dma_start3A_1689 : memref<1x1x3x56x112xf32, #tpu.memory_space<hbm>> -> memref<3x56x112xf32, #tpu.memory_space<hbm>>
    %dma_start3A_1691 = tpu.memref_slice %arg9[%dma_start3A_1680] : memref<4x!tpu.dma_semaphore, #tpu.memory_space<semaphore_mem>> -> memref<1x!tpu.dma_semaphore, #tpu.memory_space<semaphore_mem>>
    %dma_start3A_1692 = tpu.memref_squeeze %dma_start3A_1691 : memref<1x!tpu.dma_semaphore, #tpu.memory_space<semaphore_mem>> -> memref<!tpu.dma_semaphore, #tpu.memory_space<semaphore_mem>>
    %dma_start3A_1693 = arith.constant 0 : i32
    %dma_start3A_1694 = arith.constant 0 : i32
    %dma_start3A_1695 = arith.constant 0 : i32
    %dma_start3A_1696 = tpu.memref_slice %arg4[%select_n3A, %add3A_158, %dma_start3A_1693, %dma_start3A_1694, %dma_start3A_1695] : memref<4x64x3x112x112xf32, #tpu.memory_space<hbm>> -> memref<1x1x3x56x112xf32, #tpu.memory_space<hbm>>
    %dma_start3A_1697 = tpu.memref_squeeze %dma_start3A_1696 : memref<1x1x3x56x112xf32, #tpu.memory_space<hbm>> -> memref<3x56x112xf32, #tpu.memory_space<hbm>>
    %dma_start3A_1698 = arith.constant 0 : i32
    %dma_start3A_1699 = arith.constant 0 : i32
    %dma_start3A_1700 = arith.constant 0 : i32
    %dma_start3A_1701 = tpu.memref_slice %arg6[%dma_start3A_1679, %dma_start3A_1698, %dma_start3A_1699, %dma_start3A_1700] : memref<4x3x56x112xf32, #tpu.memory_space<vmem>> -> memref<1x3x56x112xf32, #tpu.memory_space<vmem>>
    %dma_start3A_1702 = tpu.memref_squeeze %dma_start3A_1701 : memref<1x3x56x112xf32, #tpu.memory_space<vmem>> -> memref<3x56x112xf32, #tpu.memory_space<vmem>>
    tpu.enqueue_dma source(%dma_start3A_1702 : memref<3x56x112xf32, #tpu.memory_space<vmem>>) target(%dma_start3A_1697 : memref<3x56x112xf32, #tpu.memory_space<hbm>>) target_semaphore(%dma_start3A_1692 : memref<!tpu.dma_semaphore, #tpu.memory_space<semaphore_mem>>)
    %dma_wait3A_1703 = arith.constant 2 : i32
    %dma_wait3A_1704 = arith.constant 2 : i32
    %dma_wait3A_1705 = arith.constant 0 : i32
    %dma_wait3A_1706 = arith.constant 0 : i32
    %dma_wait3A_1707 = arith.constant 0 : i32
    %dma_wait3A_1708 = tpu.memref_slice %arg6[%dma_wait3A_1703, %dma_wait3A_1705, %dma_wait3A_1706, %dma_wait3A_1707] : memref<4x3x56x112xf32, #tpu.memory_space<vmem>> -> memref<1x3x56x112xf32, #tpu.memory_space<vmem>>
    %dma_wait3A_1709 = tpu.memref_squeeze %dma_wait3A_1708 : memref<1x3x56x112xf32, #tpu.memory_space<vmem>> -> memref<3x56x112xf32, #tpu.memory_space<vmem>>
    %dma_wait3A_1710 = arith.constant 0 : i32
    %dma_wait3A_1711 = arith.constant 0 : i32
    %dma_wait3A_1712 = arith.constant 0 : i32
    %dma_wait3A_1713 = tpu.memref_slice %arg4[%select_n3A, %add3A_158, %dma_wait3A_1710, %dma_wait3A_1711, %dma_wait3A_1712] : memref<4x64x3x112x112xf32, #tpu.memory_space<hbm>> -> memref<1x1x3x56x112xf32, #tpu.memory_space<hbm>>
    %dma_wait3A_1714 = tpu.memref_squeeze %dma_wait3A_1713 : memref<1x1x3x56x112xf32, #tpu.memory_space<hbm>> -> memref<3x56x112xf32, #tpu.memory_space<hbm>>
    %dma_wait3A_1715 = tpu.memref_slice %arg9[%dma_wait3A_1704] : memref<4x!tpu.dma_semaphore, #tpu.memory_space<semaphore_mem>> -> memref<1x!tpu.dma_semaphore, #tpu.memory_space<semaphore_mem>>
    %dma_wait3A_1716 = tpu.memref_squeeze %dma_wait3A_1715 : memref<1x!tpu.dma_semaphore, #tpu.memory_space<semaphore_mem>> -> memref<!tpu.dma_semaphore, #tpu.memory_space<semaphore_mem>>
    %dma_wait3A_1717 = arith.constant 0 : i32
    %dma_wait3A_1718 = arith.constant 0 : i32
    %dma_wait3A_1719 = arith.constant 0 : i32
    %dma_wait3A_1720 = tpu.memref_slice %arg4[%select_n3A, %add3A_158, %dma_wait3A_1717, %dma_wait3A_1718, %dma_wait3A_1719] : memref<4x64x3x112x112xf32, #tpu.memory_space<hbm>> -> memref<1x1x3x56x112xf32, #tpu.memory_space<hbm>>
    %dma_wait3A_1721 = tpu.memref_squeeze %dma_wait3A_1720 : memref<1x1x3x56x112xf32, #tpu.memory_space<hbm>> -> memref<3x56x112xf32, #tpu.memory_space<hbm>>
    %dma_wait3A_1722 = arith.constant 0 : i32
    %dma_wait3A_1723 = arith.constant 0 : i32
    %dma_wait3A_1724 = arith.constant 0 : i32
    %dma_wait3A_1725 = tpu.memref_slice %arg6[%dma_wait3A_1703, %dma_wait3A_1722, %dma_wait3A_1723, %dma_wait3A_1724] : memref<4x3x56x112xf32, #tpu.memory_space<vmem>> -> memref<1x3x56x112xf32, #tpu.memory_space<vmem>>
    %dma_wait3A_1726 = tpu.memref_squeeze %dma_wait3A_1725 : memref<1x3x56x112xf32, #tpu.memory_space<vmem>> -> memref<3x56x112xf32, #tpu.memory_space<vmem>>
    tpu.wait_dma2 semaphore(%dma_wait3A_1716 : memref<!tpu.dma_semaphore, #tpu.memory_space<semaphore_mem>>) src(%dma_wait3A_1726 : memref<3x56x112xf32, #tpu.memory_space<vmem>>) dst(%dma_wait3A_1721 : memref<3x56x112xf32, #tpu.memory_space<hbm>>)
    %dma_wait3A_1727 = arith.constant 3 : i32
    %dma_wait3A_1728 = arith.constant 3 : i32
    %dma_wait3A_1729 = arith.constant 0 : i32
    %dma_wait3A_1730 = arith.constant 0 : i32
    %dma_wait3A_1731 = arith.constant 0 : i32
    %dma_wait3A_1732 = tpu.memref_slice %arg6[%dma_wait3A_1727, %dma_wait3A_1729, %dma_wait3A_1730, %dma_wait3A_1731] : memref<4x3x56x112xf32, #tpu.memory_space<vmem>> -> memref<1x3x56x112xf32, #tpu.memory_space<vmem>>
    %dma_wait3A_1733 = tpu.memref_squeeze %dma_wait3A_1732 : memref<1x3x56x112xf32, #tpu.memory_space<vmem>> -> memref<3x56x112xf32, #tpu.memory_space<vmem>>
    %dma_wait3A_1734 = arith.constant 0 : i32
    %dma_wait3A_1735 = arith.constant 56 : i32
    %dma_wait3A_1736 = arith.constant 0 : i32
    %dma_wait3A_1737 = tpu.memref_slice %arg2[%select_n3A, %mul3A_128, %dma_wait3A_1734, %dma_wait3A_1735, %dma_wait3A_1736] : memref<4x128x3x112x112xf32, #tpu.memory_space<hbm>> -> memref<1x1x3x56x112xf32, #tpu.memory_space<hbm>>
    %dma_wait3A_1738 = tpu.memref_squeeze %dma_wait3A_1737 : memref<1x1x3x56x112xf32, #tpu.memory_space<hbm>> -> memref<3x56x112xf32, #tpu.memory_space<hbm>>
    %dma_wait3A_1739 = tpu.memref_slice %arg8[%dma_wait3A_1728] : memref<4x!tpu.dma_semaphore, #tpu.memory_space<semaphore_mem>> -> memref<1x!tpu.dma_semaphore, #tpu.memory_space<semaphore_mem>>
    %dma_wait3A_1740 = tpu.memref_squeeze %dma_wait3A_1739 : memref<1x!tpu.dma_semaphore, #tpu.memory_space<semaphore_mem>> -> memref<!tpu.dma_semaphore, #tpu.memory_space<semaphore_mem>>
    %dma_wait3A_1741 = arith.constant 0 : i32
    %dma_wait3A_1742 = arith.constant 0 : i32
    %dma_wait3A_1743 = arith.constant 0 : i32
    %dma_wait3A_1744 = tpu.memref_slice %arg6[%dma_wait3A_1727, %dma_wait3A_1741, %dma_wait3A_1742, %dma_wait3A_1743] : memref<4x3x56x112xf32, #tpu.memory_space<vmem>> -> memref<1x3x56x112xf32, #tpu.memory_space<vmem>>
    %dma_wait3A_1745 = tpu.memref_squeeze %dma_wait3A_1744 : memref<1x3x56x112xf32, #tpu.memory_space<vmem>> -> memref<3x56x112xf32, #tpu.memory_space<vmem>>
    %dma_wait3A_1746 = arith.constant 0 : i32
    %dma_wait3A_1747 = arith.constant 56 : i32
    %dma_wait3A_1748 = arith.constant 0 : i32
    %dma_wait3A_1749 = tpu.memref_slice %arg2[%select_n3A, %mul3A_128, %dma_wait3A_1746, %dma_wait3A_1747, %dma_wait3A_1748] : memref<4x128x3x112x112xf32, #tpu.memory_space<hbm>> -> memref<1x1x3x56x112xf32, #tpu.memory_space<hbm>>
    %dma_wait3A_1750 = tpu.memref_squeeze %dma_wait3A_1749 : memref<1x1x3x56x112xf32, #tpu.memory_space<hbm>> -> memref<3x56x112xf32, #tpu.memory_space<hbm>>
    tpu.wait_dma2 semaphore(%dma_wait3A_1740 : memref<!tpu.dma_semaphore, #tpu.memory_space<semaphore_mem>>) src(%dma_wait3A_1750 : memref<3x56x112xf32, #tpu.memory_space<hbm>>) dst(%dma_wait3A_1745 : memref<3x56x112xf32, #tpu.memory_space<vmem>>)
    %dma_start3A_1751 = arith.constant 3 : i32
    %dma_start3A_1752 = arith.constant 3 : i32
    %dma_start3A_1753 = arith.constant 0 : i32
    %dma_start3A_1754 = arith.constant 0 : i32
    %dma_start3A_1755 = arith.constant 0 : i32
    %dma_start3A_1756 = tpu.memref_slice %arg6[%dma_start3A_1751, %dma_start3A_1753, %dma_start3A_1754, %dma_start3A_1755] : memref<4x3x56x112xf32, #tpu.memory_space<vmem>> -> memref<1x3x56x112xf32, #tpu.memory_space<vmem>>
    %dma_start3A_1757 = tpu.memref_squeeze %dma_start3A_1756 : memref<1x3x56x112xf32, #tpu.memory_space<vmem>> -> memref<3x56x112xf32, #tpu.memory_space<vmem>>
    %dma_start3A_1758 = arith.constant 0 : i32
    %dma_start3A_1759 = arith.constant 56 : i32
    %dma_start3A_1760 = arith.constant 0 : i32
    %dma_start3A_1761 = tpu.memref_slice %arg4[%select_n3A, %add3A_160, %dma_start3A_1758, %dma_start3A_1759, %dma_start3A_1760] : memref<4x64x3x112x112xf32, #tpu.memory_space<hbm>> -> memref<1x1x3x56x112xf32, #tpu.memory_space<hbm>>
    %dma_start3A_1762 = tpu.memref_squeeze %dma_start3A_1761 : memref<1x1x3x56x112xf32, #tpu.memory_space<hbm>> -> memref<3x56x112xf32, #tpu.memory_space<hbm>>
    %dma_start3A_1763 = tpu.memref_slice %arg9[%dma_start3A_1752] : memref<4x!tpu.dma_semaphore, #tpu.memory_space<semaphore_mem>> -> memref<1x!tpu.dma_semaphore, #tpu.memory_space<semaphore_mem>>
    %dma_start3A_1764 = tpu.memref_squeeze %dma_start3A_1763 : memref<1x!tpu.dma_semaphore, #tpu.memory_space<semaphore_mem>> -> memref<!tpu.dma_semaphore, #tpu.memory_space<semaphore_mem>>
    %dma_start3A_1765 = arith.constant 0 : i32
    %dma_start3A_1766 = arith.constant 56 : i32
    %dma_start3A_1767 = arith.constant 0 : i32
    %dma_start3A_1768 = tpu.memref_slice %arg4[%select_n3A, %add3A_160, %dma_start3A_1765, %dma_start3A_1766, %dma_start3A_1767] : memref<4x64x3x112x112xf32, #tpu.memory_space<hbm>> -> memref<1x1x3x56x112xf32, #tpu.memory_space<hbm>>
    %dma_start3A_1769 = tpu.memref_squeeze %dma_start3A_1768 : memref<1x1x3x56x112xf32, #tpu.memory_space<hbm>> -> memref<3x56x112xf32, #tpu.memory_space<hbm>>
    %dma_start3A_1770 = arith.constant 0 : i32
    %dma_start3A_1771 = arith.constant 0 : i32
    %dma_start3A_1772 = arith.constant 0 : i32
    %dma_start3A_1773 = tpu.memref_slice %arg6[%dma_start3A_1751, %dma_start3A_1770, %dma_start3A_1771, %dma_start3A_1772] : memref<4x3x56x112xf32, #tpu.memory_space<vmem>> -> memref<1x3x56x112xf32, #tpu.memory_space<vmem>>
    %dma_start3A_1774 = tpu.memref_squeeze %dma_start3A_1773 : memref<1x3x56x112xf32, #tpu.memory_space<vmem>> -> memref<3x56x112xf32, #tpu.memory_space<vmem>>
    tpu.enqueue_dma source(%dma_start3A_1774 : memref<3x56x112xf32, #tpu.memory_space<vmem>>) target(%dma_start3A_1769 : memref<3x56x112xf32, #tpu.memory_space<hbm>>) target_semaphore(%dma_start3A_1764 : memref<!tpu.dma_semaphore, #tpu.memory_space<semaphore_mem>>)
    %dma_wait3A_1775 = arith.constant 3 : i32
    %dma_wait3A_1776 = arith.constant 3 : i32
    %dma_wait3A_1777 = arith.constant 0 : i32
    %dma_wait3A_1778 = arith.constant 0 : i32
    %dma_wait3A_1779 = arith.constant 0 : i32
    %dma_wait3A_1780 = tpu.memref_slice %arg6[%dma_wait3A_1775, %dma_wait3A_1777, %dma_wait3A_1778, %dma_wait3A_1779] : memref<4x3x56x112xf32, #tpu.memory_space<vmem>> -> memref<1x3x56x112xf32, #tpu.memory_space<vmem>>
    %dma_wait3A_1781 = tpu.memref_squeeze %dma_wait3A_1780 : memref<1x3x56x112xf32, #tpu.memory_space<vmem>> -> memref<3x56x112xf32, #tpu.memory_space<vmem>>
    %dma_wait3A_1782 = arith.constant 0 : i32
    %dma_wait3A_1783 = arith.constant 56 : i32
    %dma_wait3A_1784 = arith.constant 0 : i32
    %dma_wait3A_1785 = tpu.memref_slice %arg4[%select_n3A, %add3A_160, %dma_wait3A_1782, %dma_wait3A_1783, %dma_wait3A_1784] : memref<4x64x3x112x112xf32, #tpu.memory_space<hbm>> -> memref<1x1x3x56x112xf32, #tpu.memory_space<hbm>>
    %dma_wait3A_1786 = tpu.memref_squeeze %dma_wait3A_1785 : memref<1x1x3x56x112xf32, #tpu.memory_space<hbm>> -> memref<3x56x112xf32, #tpu.memory_space<hbm>>
    %dma_wait3A_1787 = tpu.memref_slice %arg9[%dma_wait3A_1776] : memref<4x!tpu.dma_semaphore, #tpu.memory_space<semaphore_mem>> -> memref<1x!tpu.dma_semaphore, #tpu.memory_space<semaphore_mem>>
    %dma_wait3A_1788 = tpu.memref_squeeze %dma_wait3A_1787 : memref<1x!tpu.dma_semaphore, #tpu.memory_space<semaphore_mem>> -> memref<!tpu.dma_semaphore, #tpu.memory_space<semaphore_mem>>
    %dma_wait3A_1789 = arith.constant 0 : i32
    %dma_wait3A_1790 = arith.constant 56 : i32
    %dma_wait3A_1791 = arith.constant 0 : i32
    %dma_wait3A_1792 = tpu.memref_slice %arg4[%select_n3A, %add3A_160, %dma_wait3A_1789, %dma_wait3A_1790, %dma_wait3A_1791] : memref<4x64x3x112x112xf32, #tpu.memory_space<hbm>> -> memref<1x1x3x56x112xf32, #tpu.memory_space<hbm>>
    %dma_wait3A_1793 = tpu.memref_squeeze %dma_wait3A_1792 : memref<1x1x3x56x112xf32, #tpu.memory_space<hbm>> -> memref<3x56x112xf32, #tpu.memory_space<hbm>>
    %dma_wait3A_1794 = arith.constant 0 : i32
    %dma_wait3A_1795 = arith.constant 0 : i32
    %dma_wait3A_1796 = arith.constant 0 : i32
    %dma_wait3A_1797 = tpu.memref_slice %arg6[%dma_wait3A_1775, %dma_wait3A_1794, %dma_wait3A_1795, %dma_wait3A_1796] : memref<4x3x56x112xf32, #tpu.memory_space<vmem>> -> memref<1x3x56x112xf32, #tpu.memory_space<vmem>>
    %dma_wait3A_1798 = tpu.memref_squeeze %dma_wait3A_1797 : memref<1x3x56x112xf32, #tpu.memory_space<vmem>> -> memref<3x56x112xf32, #tpu.memory_space<vmem>>
    tpu.wait_dma2 semaphore(%dma_wait3A_1788 : memref<!tpu.dma_semaphore, #tpu.memory_space<semaphore_mem>>) src(%dma_wait3A_1798 : memref<3x56x112xf32, #tpu.memory_space<vmem>>) dst(%dma_wait3A_1793 : memref<3x56x112xf32, #tpu.memory_space<hbm>>)
    %dma_wait3A_1799 = arith.constant 0 : i32
    %dma_wait3A_1800 = arith.constant 0 : i32
    %dma_wait3A_1801 = tpu.memref_slice %arg7[%dma_wait3A_1799, %dma_wait3A_1800] : memref<8x1024xf32, #tpu.memory_space<vmem>> -> memref<1x1024xf32, #tpu.memory_space<vmem>>
    %dma_wait3A_1802 = tpu.memref_squeeze %dma_wait3A_1801 : memref<1x1024xf32, #tpu.memory_space<vmem>> -> memref<1024xf32, #tpu.memory_space<vmem>>
    %dma_wait3A_1803 = arith.constant 0 : i32
    %dma_wait3A_1804 = tpu.memref_slice %arg3[%select_n3A, %mul3A_36, %dma_wait3A_1803] : memref<4x128x1024xf32, #tpu.memory_space<hbm>> -> memref<1x1x1024xf32, #tpu.memory_space<hbm>>
    %dma_wait3A_1805 = tpu.memref_squeeze %dma_wait3A_1804 : memref<1x1x1024xf32, #tpu.memory_space<hbm>> -> memref<1024xf32, #tpu.memory_space<hbm>>
    %dma_wait3A_1806 = arith.constant 0 : i32
    %dma_wait3A_1807 = tpu.memref_slice %arg7[%dma_wait3A_1799, %dma_wait3A_1806] : memref<8x1024xf32, #tpu.memory_space<vmem>> -> memref<1x1024xf32, #tpu.memory_space<vmem>>
    %dma_wait3A_1808 = tpu.memref_squeeze %dma_wait3A_1807 : memref<1x1024xf32, #tpu.memory_space<vmem>> -> memref<1024xf32, #tpu.memory_space<vmem>>
    %dma_wait3A_1809 = arith.constant 0 : i32
    %dma_wait3A_1810 = tpu.memref_slice %arg3[%select_n3A, %mul3A_36, %dma_wait3A_1809] : memref<4x128x1024xf32, #tpu.memory_space<hbm>> -> memref<1x1x1024xf32, #tpu.memory_space<hbm>>
    %dma_wait3A_1811 = tpu.memref_squeeze %dma_wait3A_1810 : memref<1x1x1024xf32, #tpu.memory_space<hbm>> -> memref<1024xf32, #tpu.memory_space<hbm>>
    tpu.wait_dma2 semaphore(%arg10 : memref<!tpu.dma_semaphore, #tpu.memory_space<semaphore_mem>>) src(%dma_wait3A_1811 : memref<1024xf32, #tpu.memory_space<hbm>>) dst(%dma_wait3A_1808 : memref<1024xf32, #tpu.memory_space<vmem>>)
    %dma_wait3A_1812 = arith.constant 1 : i32
    %dma_wait3A_1813 = arith.constant 0 : i32
    %dma_wait3A_1814 = tpu.memref_slice %arg7[%dma_wait3A_1812, %dma_wait3A_1813] : memref<8x1024xf32, #tpu.memory_space<vmem>> -> memref<1x1024xf32, #tpu.memory_space<vmem>>
    %dma_wait3A_1815 = tpu.memref_squeeze %dma_wait3A_1814 : memref<1x1024xf32, #tpu.memory_space<vmem>> -> memref<1024xf32, #tpu.memory_space<vmem>>
    %dma_wait3A_1816 = arith.constant 0 : i32
    %dma_wait3A_1817 = tpu.memref_slice %arg3[%select_n3A, %mul3A_40, %dma_wait3A_1816] : memref<4x128x1024xf32, #tpu.memory_space<hbm>> -> memref<1x1x1024xf32, #tpu.memory_space<hbm>>
    %dma_wait3A_1818 = tpu.memref_squeeze %dma_wait3A_1817 : memref<1x1x1024xf32, #tpu.memory_space<hbm>> -> memref<1024xf32, #tpu.memory_space<hbm>>
    %dma_wait3A_1819 = arith.constant 0 : i32
    %dma_wait3A_1820 = tpu.memref_slice %arg7[%dma_wait3A_1812, %dma_wait3A_1819] : memref<8x1024xf32, #tpu.memory_space<vmem>> -> memref<1x1024xf32, #tpu.memory_space<vmem>>
    %dma_wait3A_1821 = tpu.memref_squeeze %dma_wait3A_1820 : memref<1x1024xf32, #tpu.memory_space<vmem>> -> memref<1024xf32, #tpu.memory_space<vmem>>
    %dma_wait3A_1822 = arith.constant 0 : i32
    %dma_wait3A_1823 = tpu.memref_slice %arg3[%select_n3A, %mul3A_40, %dma_wait3A_1822] : memref<4x128x1024xf32, #tpu.memory_space<hbm>> -> memref<1x1x1024xf32, #tpu.memory_space<hbm>>
    %dma_wait3A_1824 = tpu.memref_squeeze %dma_wait3A_1823 : memref<1x1x1024xf32, #tpu.memory_space<hbm>> -> memref<1024xf32, #tpu.memory_space<hbm>>
    tpu.wait_dma2 semaphore(%arg10 : memref<!tpu.dma_semaphore, #tpu.memory_space<semaphore_mem>>) src(%dma_wait3A_1824 : memref<1024xf32, #tpu.memory_space<hbm>>) dst(%dma_wait3A_1821 : memref<1024xf32, #tpu.memory_space<vmem>>)
    %dma_wait3A_1825 = arith.constant 2 : i32
    %dma_wait3A_1826 = arith.constant 0 : i32
    %dma_wait3A_1827 = tpu.memref_slice %arg7[%dma_wait3A_1825, %dma_wait3A_1826] : memref<8x1024xf32, #tpu.memory_space<vmem>> -> memref<1x1024xf32, #tpu.memory_space<vmem>>
    %dma_wait3A_1828 = tpu.memref_squeeze %dma_wait3A_1827 : memref<1x1024xf32, #tpu.memory_space<vmem>> -> memref<1024xf32, #tpu.memory_space<vmem>>
    %dma_wait3A_1829 = arith.constant 0 : i32
    %dma_wait3A_1830 = tpu.memref_slice %arg3[%select_n3A, %mul3A_44, %dma_wait3A_1829] : memref<4x128x1024xf32, #tpu.memory_space<hbm>> -> memref<1x1x1024xf32, #tpu.memory_space<hbm>>
    %dma_wait3A_1831 = tpu.memref_squeeze %dma_wait3A_1830 : memref<1x1x1024xf32, #tpu.memory_space<hbm>> -> memref<1024xf32, #tpu.memory_space<hbm>>
    %dma_wait3A_1832 = arith.constant 0 : i32
    %dma_wait3A_1833 = tpu.memref_slice %arg7[%dma_wait3A_1825, %dma_wait3A_1832] : memref<8x1024xf32, #tpu.memory_space<vmem>> -> memref<1x1024xf32, #tpu.memory_space<vmem>>
    %dma_wait3A_1834 = tpu.memref_squeeze %dma_wait3A_1833 : memref<1x1024xf32, #tpu.memory_space<vmem>> -> memref<1024xf32, #tpu.memory_space<vmem>>
    %dma_wait3A_1835 = arith.constant 0 : i32
    %dma_wait3A_1836 = tpu.memref_slice %arg3[%select_n3A, %mul3A_44, %dma_wait3A_1835] : memref<4x128x1024xf32, #tpu.memory_space<hbm>> -> memref<1x1x1024xf32, #tpu.memory_space<hbm>>
    %dma_wait3A_1837 = tpu.memref_squeeze %dma_wait3A_1836 : memref<1x1x1024xf32, #tpu.memory_space<hbm>> -> memref<1024xf32, #tpu.memory_space<hbm>>
    tpu.wait_dma2 semaphore(%arg10 : memref<!tpu.dma_semaphore, #tpu.memory_space<semaphore_mem>>) src(%dma_wait3A_1837 : memref<1024xf32, #tpu.memory_space<hbm>>) dst(%dma_wait3A_1834 : memref<1024xf32, #tpu.memory_space<vmem>>)
    %dma_wait3A_1838 = arith.constant 3 : i32
    %dma_wait3A_1839 = arith.constant 0 : i32
    %dma_wait3A_1840 = tpu.memref_slice %arg7[%dma_wait3A_1838, %dma_wait3A_1839] : memref<8x1024xf32, #tpu.memory_space<vmem>> -> memref<1x1024xf32, #tpu.memory_space<vmem>>
    %dma_wait3A_1841 = tpu.memref_squeeze %dma_wait3A_1840 : memref<1x1024xf32, #tpu.memory_space<vmem>> -> memref<1024xf32, #tpu.memory_space<vmem>>
    %dma_wait3A_1842 = arith.constant 0 : i32
    %dma_wait3A_1843 = tpu.memref_slice %arg3[%select_n3A, %mul3A_48, %dma_wait3A_1842] : memref<4x128x1024xf32, #tpu.memory_space<hbm>> -> memref<1x1x1024xf32, #tpu.memory_space<hbm>>
    %dma_wait3A_1844 = tpu.memref_squeeze %dma_wait3A_1843 : memref<1x1x1024xf32, #tpu.memory_space<hbm>> -> memref<1024xf32, #tpu.memory_space<hbm>>
    %dma_wait3A_1845 = arith.constant 0 : i32
    %dma_wait3A_1846 = tpu.memref_slice %arg7[%dma_wait3A_1838, %dma_wait3A_1845] : memref<8x1024xf32, #tpu.memory_space<vmem>> -> memref<1x1024xf32, #tpu.memory_space<vmem>>
    %dma_wait3A_1847 = tpu.memref_squeeze %dma_wait3A_1846 : memref<1x1024xf32, #tpu.memory_space<vmem>> -> memref<1024xf32, #tpu.memory_space<vmem>>
    %dma_wait3A_1848 = arith.constant 0 : i32
    %dma_wait3A_1849 = tpu.memref_slice %arg3[%select_n3A, %mul3A_48, %dma_wait3A_1848] : memref<4x128x1024xf32, #tpu.memory_space<hbm>> -> memref<1x1x1024xf32, #tpu.memory_space<hbm>>
    %dma_wait3A_1850 = tpu.memref_squeeze %dma_wait3A_1849 : memref<1x1x1024xf32, #tpu.memory_space<hbm>> -> memref<1024xf32, #tpu.memory_space<hbm>>
    tpu.wait_dma2 semaphore(%arg10 : memref<!tpu.dma_semaphore, #tpu.memory_space<semaphore_mem>>) src(%dma_wait3A_1850 : memref<1024xf32, #tpu.memory_space<hbm>>) dst(%dma_wait3A_1847 : memref<1024xf32, #tpu.memory_space<vmem>>)
    %dma_wait3A_1851 = arith.constant 4 : i32
    %dma_wait3A_1852 = arith.constant 0 : i32
    %dma_wait3A_1853 = tpu.memref_slice %arg7[%dma_wait3A_1851, %dma_wait3A_1852] : memref<8x1024xf32, #tpu.memory_space<vmem>> -> memref<1x1024xf32, #tpu.memory_space<vmem>>
    %dma_wait3A_1854 = tpu.memref_squeeze %dma_wait3A_1853 : memref<1x1024xf32, #tpu.memory_space<vmem>> -> memref<1024xf32, #tpu.memory_space<vmem>>
    %dma_wait3A_1855 = arith.constant 0 : i32
    %dma_wait3A_1856 = tpu.memref_slice %arg3[%select_n3A, %mul3A_52, %dma_wait3A_1855] : memref<4x128x1024xf32, #tpu.memory_space<hbm>> -> memref<1x1x1024xf32, #tpu.memory_space<hbm>>
    %dma_wait3A_1857 = tpu.memref_squeeze %dma_wait3A_1856 : memref<1x1x1024xf32, #tpu.memory_space<hbm>> -> memref<1024xf32, #tpu.memory_space<hbm>>
    %dma_wait3A_1858 = arith.constant 0 : i32
    %dma_wait3A_1859 = tpu.memref_slice %arg7[%dma_wait3A_1851, %dma_wait3A_1858] : memref<8x1024xf32, #tpu.memory_space<vmem>> -> memref<1x1024xf32, #tpu.memory_space<vmem>>
    %dma_wait3A_1860 = tpu.memref_squeeze %dma_wait3A_1859 : memref<1x1024xf32, #tpu.memory_space<vmem>> -> memref<1024xf32, #tpu.memory_space<vmem>>
    %dma_wait3A_1861 = arith.constant 0 : i32
    %dma_wait3A_1862 = tpu.memref_slice %arg3[%select_n3A, %mul3A_52, %dma_wait3A_1861] : memref<4x128x1024xf32, #tpu.memory_space<hbm>> -> memref<1x1x1024xf32, #tpu.memory_space<hbm>>
    %dma_wait3A_1863 = tpu.memref_squeeze %dma_wait3A_1862 : memref<1x1x1024xf32, #tpu.memory_space<hbm>> -> memref<1024xf32, #tpu.memory_space<hbm>>
    tpu.wait_dma2 semaphore(%arg10 : memref<!tpu.dma_semaphore, #tpu.memory_space<semaphore_mem>>) src(%dma_wait3A_1863 : memref<1024xf32, #tpu.memory_space<hbm>>) dst(%dma_wait3A_1860 : memref<1024xf32, #tpu.memory_space<vmem>>)
    %dma_wait3A_1864 = arith.constant 5 : i32
    %dma_wait3A_1865 = arith.constant 0 : i32
    %dma_wait3A_1866 = tpu.memref_slice %arg7[%dma_wait3A_1864, %dma_wait3A_1865] : memref<8x1024xf32, #tpu.memory_space<vmem>> -> memref<1x1024xf32, #tpu.memory_space<vmem>>
    %dma_wait3A_1867 = tpu.memref_squeeze %dma_wait3A_1866 : memref<1x1024xf32, #tpu.memory_space<vmem>> -> memref<1024xf32, #tpu.memory_space<vmem>>
    %dma_wait3A_1868 = arith.constant 0 : i32
    %dma_wait3A_1869 = tpu.memref_slice %arg3[%select_n3A, %mul3A_56, %dma_wait3A_1868] : memref<4x128x1024xf32, #tpu.memory_space<hbm>> -> memref<1x1x1024xf32, #tpu.memory_space<hbm>>
    %dma_wait3A_1870 = tpu.memref_squeeze %dma_wait3A_1869 : memref<1x1x1024xf32, #tpu.memory_space<hbm>> -> memref<1024xf32, #tpu.memory_space<hbm>>
    %dma_wait3A_1871 = arith.constant 0 : i32
    %dma_wait3A_1872 = tpu.memref_slice %arg7[%dma_wait3A_1864, %dma_wait3A_1871] : memref<8x1024xf32, #tpu.memory_space<vmem>> -> memref<1x1024xf32, #tpu.memory_space<vmem>>
    %dma_wait3A_1873 = tpu.memref_squeeze %dma_wait3A_1872 : memref<1x1024xf32, #tpu.memory_space<vmem>> -> memref<1024xf32, #tpu.memory_space<vmem>>
    %dma_wait3A_1874 = arith.constant 0 : i32
    %dma_wait3A_1875 = tpu.memref_slice %arg3[%select_n3A, %mul3A_56, %dma_wait3A_1874] : memref<4x128x1024xf32, #tpu.memory_space<hbm>> -> memref<1x1x1024xf32, #tpu.memory_space<hbm>>
    %dma_wait3A_1876 = tpu.memref_squeeze %dma_wait3A_1875 : memref<1x1x1024xf32, #tpu.memory_space<hbm>> -> memref<1024xf32, #tpu.memory_space<hbm>>
    tpu.wait_dma2 semaphore(%arg10 : memref<!tpu.dma_semaphore, #tpu.memory_space<semaphore_mem>>) src(%dma_wait3A_1876 : memref<1024xf32, #tpu.memory_space<hbm>>) dst(%dma_wait3A_1873 : memref<1024xf32, #tpu.memory_space<vmem>>)
    %dma_wait3A_1877 = arith.constant 6 : i32
    %dma_wait3A_1878 = arith.constant 0 : i32
    %dma_wait3A_1879 = tpu.memref_slice %arg7[%dma_wait3A_1877, %dma_wait3A_1878] : memref<8x1024xf32, #tpu.memory_space<vmem>> -> memref<1x1024xf32, #tpu.memory_space<vmem>>
    %dma_wait3A_1880 = tpu.memref_squeeze %dma_wait3A_1879 : memref<1x1024xf32, #tpu.memory_space<vmem>> -> memref<1024xf32, #tpu.memory_space<vmem>>
    %dma_wait3A_1881 = arith.constant 0 : i32
    %dma_wait3A_1882 = tpu.memref_slice %arg3[%select_n3A, %mul3A_60, %dma_wait3A_1881] : memref<4x128x1024xf32, #tpu.memory_space<hbm>> -> memref<1x1x1024xf32, #tpu.memory_space<hbm>>
    %dma_wait3A_1883 = tpu.memref_squeeze %dma_wait3A_1882 : memref<1x1x1024xf32, #tpu.memory_space<hbm>> -> memref<1024xf32, #tpu.memory_space<hbm>>
    %dma_wait3A_1884 = arith.constant 0 : i32
    %dma_wait3A_1885 = tpu.memref_slice %arg7[%dma_wait3A_1877, %dma_wait3A_1884] : memref<8x1024xf32, #tpu.memory_space<vmem>> -> memref<1x1024xf32, #tpu.memory_space<vmem>>
    %dma_wait3A_1886 = tpu.memref_squeeze %dma_wait3A_1885 : memref<1x1024xf32, #tpu.memory_space<vmem>> -> memref<1024xf32, #tpu.memory_space<vmem>>
    %dma_wait3A_1887 = arith.constant 0 : i32
    %dma_wait3A_1888 = tpu.memref_slice %arg3[%select_n3A, %mul3A_60, %dma_wait3A_1887] : memref<4x128x1024xf32, #tpu.memory_space<hbm>> -> memref<1x1x1024xf32, #tpu.memory_space<hbm>>
    %dma_wait3A_1889 = tpu.memref_squeeze %dma_wait3A_1888 : memref<1x1x1024xf32, #tpu.memory_space<hbm>> -> memref<1024xf32, #tpu.memory_space<hbm>>
    tpu.wait_dma2 semaphore(%arg10 : memref<!tpu.dma_semaphore, #tpu.memory_space<semaphore_mem>>) src(%dma_wait3A_1889 : memref<1024xf32, #tpu.memory_space<hbm>>) dst(%dma_wait3A_1886 : memref<1024xf32, #tpu.memory_space<vmem>>)
    %dma_wait3A_1890 = arith.constant 7 : i32
    %dma_wait3A_1891 = arith.constant 0 : i32
    %dma_wait3A_1892 = tpu.memref_slice %arg7[%dma_wait3A_1890, %dma_wait3A_1891] : memref<8x1024xf32, #tpu.memory_space<vmem>> -> memref<1x1024xf32, #tpu.memory_space<vmem>>
    %dma_wait3A_1893 = tpu.memref_squeeze %dma_wait3A_1892 : memref<1x1024xf32, #tpu.memory_space<vmem>> -> memref<1024xf32, #tpu.memory_space<vmem>>
    %dma_wait3A_1894 = arith.constant 0 : i32
    %dma_wait3A_1895 = tpu.memref_slice %arg3[%select_n3A, %mul3A_64, %dma_wait3A_1894] : memref<4x128x1024xf32, #tpu.memory_space<hbm>> -> memref<1x1x1024xf32, #tpu.memory_space<hbm>>
    %dma_wait3A_1896 = tpu.memref_squeeze %dma_wait3A_1895 : memref<1x1x1024xf32, #tpu.memory_space<hbm>> -> memref<1024xf32, #tpu.memory_space<hbm>>
    %dma_wait3A_1897 = arith.constant 0 : i32
    %dma_wait3A_1898 = tpu.memref_slice %arg7[%dma_wait3A_1890, %dma_wait3A_1897] : memref<8x1024xf32, #tpu.memory_space<vmem>> -> memref<1x1024xf32, #tpu.memory_space<vmem>>
    %dma_wait3A_1899 = tpu.memref_squeeze %dma_wait3A_1898 : memref<1x1024xf32, #tpu.memory_space<vmem>> -> memref<1024xf32, #tpu.memory_space<vmem>>
    %dma_wait3A_1900 = arith.constant 0 : i32
    %dma_wait3A_1901 = tpu.memref_slice %arg3[%select_n3A, %mul3A_64, %dma_wait3A_1900] : memref<4x128x1024xf32, #tpu.memory_space<hbm>> -> memref<1x1x1024xf32, #tpu.memory_space<hbm>>
    %dma_wait3A_1902 = tpu.memref_squeeze %dma_wait3A_1901 : memref<1x1x1024xf32, #tpu.memory_space<hbm>> -> memref<1024xf32, #tpu.memory_space<hbm>>
    tpu.wait_dma2 semaphore(%arg10 : memref<!tpu.dma_semaphore, #tpu.memory_space<semaphore_mem>>) src(%dma_wait3A_1902 : memref<1024xf32, #tpu.memory_space<hbm>>) dst(%dma_wait3A_1899 : memref<1024xf32, #tpu.memory_space<vmem>>)
    %dma_start3A_1903 = arith.constant 0 : i32
    %dma_start3A_1904 = tpu.memref_slice %arg5[%select_n3A, %select_n3A_32, %dma_start3A_1903] : memref<4x64x1024xf32, #tpu.memory_space<hbm>> -> memref<1x8x1024xf32, #tpu.memory_space<hbm>>
    %dma_start3A_1905 = tpu.memref_squeeze %dma_start3A_1904 : memref<1x8x1024xf32, #tpu.memory_space<hbm>> -> memref<8x1024xf32, #tpu.memory_space<hbm>>
    %dma_start3A_1906 = arith.constant 0 : i32
    %dma_start3A_1907 = tpu.memref_slice %arg5[%select_n3A, %select_n3A_32, %dma_start3A_1906] : memref<4x64x1024xf32, #tpu.memory_space<hbm>> -> memref<1x8x1024xf32, #tpu.memory_space<hbm>>
    %dma_start3A_1908 = tpu.memref_squeeze %dma_start3A_1907 : memref<1x8x1024xf32, #tpu.memory_space<hbm>> -> memref<8x1024xf32, #tpu.memory_space<hbm>>
    tpu.enqueue_dma source(%arg7 : memref<8x1024xf32, #tpu.memory_space<vmem>>) target(%dma_start3A_1908 : memref<8x1024xf32, #tpu.memory_space<hbm>>) target_semaphore(%arg11 : memref<!tpu.dma_semaphore, #tpu.memory_space<semaphore_mem>>)
    %dma_wait3A_1909 = arith.constant 0 : i32
    %dma_wait3A_1910 = tpu.memref_slice %arg5[%select_n3A, %select_n3A_32, %dma_wait3A_1909] : memref<4x64x1024xf32, #tpu.memory_space<hbm>> -> memref<1x8x1024xf32, #tpu.memory_space<hbm>>
    %dma_wait3A_1911 = tpu.memref_squeeze %dma_wait3A_1910 : memref<1x8x1024xf32, #tpu.memory_space<hbm>> -> memref<8x1024xf32, #tpu.memory_space<hbm>>
    %dma_wait3A_1912 = arith.constant 0 : i32
    %dma_wait3A_1913 = tpu.memref_slice %arg5[%select_n3A, %select_n3A_32, %dma_wait3A_1912] : memref<4x64x1024xf32, #tpu.memory_space<hbm>> -> memref<1x8x1024xf32, #tpu.memory_space<hbm>>
    %dma_wait3A_1914 = tpu.memref_squeeze %dma_wait3A_1913 : memref<1x8x1024xf32, #tpu.memory_space<hbm>> -> memref<8x1024xf32, #tpu.memory_space<hbm>>
    tpu.wait_dma2 semaphore(%arg11 : memref<!tpu.dma_semaphore, #tpu.memory_space<semaphore_mem>>) src(%arg7 : memref<8x1024xf32, #tpu.memory_space<vmem>>) dst(%dma_wait3A_1914 : memref<8x1024xf32, #tpu.memory_space<hbm>>)
    return
  }
}

</mosaic_0001>

<sc_bundles>
// kernel: kernel.3.cloned.1.call-start
scs
__scs_entry_jumppad:
0x0: {  	(pc) =	sbr.rel $0x88, $3  }
0x1: {  	(tag) =	ssettag $0x0;
	lr =	simm.s32 $0x1  }
0x2: {  	[smem:$0x3F9F] =	sst lr;
	_ =	strace $0xD0000000  }
0x3: {  	_ = 	snop  }
0x4: {  	_ = 	snop  }
0x5: {  	_ = 	snop  }
0x6: {  	_ = 	snop  }
0x7: {  	_ = 	snop  }
__scs_overlays_trampoline_lowered:
0x8: {  	[smem:$0x3FAE] =	sst s0  }
0x9: {  	[smem:$0x3FAF] =	sst s1  }
0xa: {  	[smem:$0x3FB0] =	sst s2  }
0xb: {  	[smem:$0x3FB1] =	sst s3  }
0xc: {  	[smem:$0x3FB2] =	sst s4  }
0xd: {  	[smem:$0x3FB3] =	sst s5  }
0xe: {  	[smem:$0x3FB4] =	sst s6  }
0xf: {  	[smem:$0x3FB5] =	sst s7  }
0x10: {  	[smem:$0x3FB6] =	sst s8  }
0x11: {  	[smem:$0x3FB7] =	sst s9;
	s0 =	simm.s32 @!p0 $0x0  }
0x12: {  	s1 =	sld [smem:$0x3F9D];
	s0 =	simm.s32 @p0 $0x1  }
0x13: {  	[smem:$0x3FB8] =	sst s0;
	s0 =	simm.s32 @!p1 $0x0  }
0x14: {  	s2 =	sld [smem:$0x3F9C];
	s0 =	simm.s32 @p1 $0x1  }
0x15: {  	[smem:$0x3FB9] =	sst s0;
	s0 =	simm.s32 @!p2 $0x0  }
0x16: {  	s3 =	sld [smem:$0x3FDB];
	s0 =	simm.s32 @p2 $0x1  }
0x17: {  	s4 =	simm.s32 $0x1BF5;
	[smem:$0x3FBB] =	sst s0  }
0x18: {  	s0 =	sld [smem:$0x3F9E];
	_ =	swait.ge [sflag:s4], $0x0  }
0x19: {  	s7 =	sld [smem:$0x3F9F]  }
0x1a: {  	s8 =	sadd.s32 $0xFFFFE003, lr  }
0x1b: {  	s9 =	sadd.s32 $0xFFFFFEF7, lr;
	s5 =	simm.s32 $0xFFFFFFFF;
	p2 =	slt.u32 s8, $0xFFFFF086  }
0x1c: {  	p1 =	slt.u32 s9, $0xF7A;
	s5 =	simm.s32 @!p2 $0x0  }
0x1d: {  	s5 =	simm.s32 @p1 $0x1;
	p0 =	seq.s32 s7, s2  }
0x1e: {  	s7 =	smul.u32 @!p0 $0xF7A, s2;
	p2 =	seq.s32 @!p0 s5, $0x0  }
0x1f: {  	s9 =	smul.u32 $0xF7A, s1;
	s8 =	simm.s32 @!p0 $0x1BF5;
	p2 =	por !p2, p0  }
0x20: {  	[sflag:s8] =	ssyncset.s32 @!p0 $0xFFFFF086;
	s6 =	sadd.s32 @!p0 s3, s7;
	s7 =	simm.s32 @!p0 $0x108  }
0x21: {  	s3 =	sadd.s32 s3, s9;
	s6 =	sadd.s32 @!p0 $0x88, s6;
	s7 =	simm.s32 @p2 $0x1082  }
0x22: {  	[simem:s7], [sflag:s8] =	dma.local @!p0 [hbm:s6], $0xF7A  }
0x23: {  	s9 =	sor.u32 $0xD0000000, s2;
	s6 =	simm.s32 $0x108;
	_ =	swait.ge @!p0 [sflag:s8], $0x0  }
0x24: {  	s3 =	sadd.s32 $0x88, s3;
	s6 =	simm.s32 @!p1 $0x1082;
	[sflag:s4] =	ssyncset.s32 $0xFFFFF086  }
0x25: {  	[simem:s6], [sflag:s4] =	dma.local [hbm:s3], $0xF7A  }
0x26: {  	[smem:$0x3F9F] =	sst s1;
	(tag) =	ssettag s2;
	_ =	strace s9  }
0x27: {  	s1 =	sld [smem:$0x3FAF]  }
0x28: {  	s2 =	sld [smem:$0x3FB0]  }
0x29: {  	s4 =	sld [smem:$0x3FB2]  }
0x2a: {  	p0 =	seq.s32 s5, $0x0;
	s5 =	sld [smem:$0x3FB3]  }
0x2b: {  	s6 =	sld [smem:$0x3FB4]  }
0x2c: {  	s7 =	sld [smem:$0x3FB5]  }
0x2d: {  	s3 =	simm.s32 $0x108;
	s8 =	sld [smem:$0x3FB6]  }
0x2e: {  	s3 =	simm.s32 @!p0 $0x1082;
	s9 =	sld [smem:$0x3FB7]  }
0x2f: {  	lr =	sadd.s32 s0, s3;
	s0 =	sld [smem:$0x3FAE]  }
0x30: {  	s3 =	sld [smem:$0x3FB1]  }
0x31: {  	[smem:$0x3FBA] =	sst s10  }
0x32: {  	s10 =	sld [smem:$0x3FB8];
	_ =	sdelay $0x3  }
0x33: {  	p0 =	seq.s32 s10, $0x1;
	s10 =	sld [smem:$0x3FBA];
	_ =	sdelay $0x3  }
0x34: {  	[smem:$0x3FBA] =	sst s10  }
0x35: {  	s10 =	sld [smem:$0x3FB9];
	_ =	sdelay $0x3  }
0x36: {  	p1 =	seq.s32 s10, $0x1;
	s10 =	sld [smem:$0x3FBA];
	_ =	sdelay $0x3  }
0x37: {  	[smem:$0x3FBA] =	sst s10  }
0x38: {  	s10 =	sld [smem:$0x3FBB]  }
0x39: {  	_ = 	snop;
	(pc) =	sbr.ind lr, $3  }
0x3a: {  	_ = 	snop  }
0x3b: {  	_ = 	snop  }
0x3c: {  	p2 =	seq.s32 s10, $0x1;
	s10 =	sld [smem:$0x3FBA]  }
0x3d: {  	_ =	shalt  }
0x3e: {  	_ =	shalt  }
0x3f: {  	_ =	shalt  }
0x40: {  	_ =	shalt  }
0x41: {  	_ =	shalt  }
0x42: {  	_ =	shalt  }
0x43: {  	_ =	shalt  }
0x44: {  	_ =	shalt  }
0x45: {  	_ =	shalt  }
0x46: {  	_ =	shalt  }
0x47: {  	_ =	shalt  }
0x48: {  	_ =	shalt  }
0x49: {  	_ =	shalt  }
0x4a: {  	_ =	shalt  }
0x4b: {  	_ =	shalt  }
0x4c: {  	_ =	shalt  }
0x4d: {  	_ =	shalt  }
0x4e: {  	_ =	shalt  }
0x4f: {  	_ =	shalt  }
0x50: {  	_ =	shalt  }
0x51: {  	_ =	shalt  }
0x52: {  	_ =	shalt  }
0x53: {  	_ =	shalt  }
0x54: {  	_ =	shalt  }
0x55: {  	_ =	shalt  }
0x56: {  	_ =	shalt  }
0x57: {  	_ =	shalt  }
0x58: {  	_ =	shalt  }
0x59: {  	_ =	shalt  }
0x5a: {  	_ =	shalt  }
0x5b: {  	_ =	shalt  }
0x5c: {  	_ =	shalt  }
0x5d: {  	_ =	shalt  }
0x5e: {  	_ =	shalt  }
0x5f: {  	_ =	shalt  }
0x60: {  	_ =	shalt  }
0x61: {  	_ =	shalt  }
0x62: {  	_ =	shalt  }
0x63: {  	_ =	shalt  }
0x64: {  	_ =	shalt  }
0x65: {  	_ =	shalt  }
0x66: {  	_ =	shalt  }
0x67: {  	_ =	shalt  }
0x68: {  	_ =	shalt  }
0x69: {  	_ =	shalt  }
0x6a: {  	_ =	shalt  }
0x6b: {  	_ =	shalt  }
0x6c: {  	_ =	shalt  }
0x6d: {  	_ =	shalt  }
0x6e: {  	_ =	shalt  }
0x6f: {  	_ =	shalt  }
0x70: {  	_ =	shalt  }
0x71: {  	_ =	shalt  }
0x72: {  	_ =	shalt  }
0x73: {  	_ =	shalt  }
0x74: {  	_ =	shalt  }
0x75: {  	_ =	shalt  }
0x76: {  	_ =	shalt  }
0x77: {  	_ =	shalt  }
0x78: {  	_ =	shalt  }
0x79: {  	_ =	shalt  }
0x7a: {  	_ =	shalt  }
0x7b: {  	_ =	shalt  }
0x7c: {  	_ =	shalt  }
0x7d: {  	_ =	shalt  }
0x7e: {  	_ =	shalt  }
0x7f: {  	_ =	shalt  }
0x80: {  	_ =	shalt  }
0x81: {  	_ =	shalt  }
0x82: {  	_ =	shalt  }
0x83: {  	_ =	shalt  }
0x84: {  	_ =	shalt  }
0x85: {  	_ =	shalt  }
0x86: {  	_ =	shalt  }
0x87: {  	_ =	shalt  }
.Lfunc_end0:
.L_simem_size_0:
called_computation_lowered:
.L_overlay_start_0:
0x88: {  	s2 =	sld [smem:$0x3FD9]  }
0x89: {  	s3 =	sld [smem:$0x3FFE];
	_ =	sdelay $0x1  }
0x8a: {  	s1 =	srdreg.scid  }
0x8b: {  	s0 =	sand.u32 $0x1, s1  }
0x8c: {  	s14 =	sshll.u32 s0, $0xA;
	s2 =	sadd.s32 s3, s2  }
0x8d: {  	s2 =	sadd.s32 s2, s14  }
0x8e: {  	[smem:$0x3FC6] =	sst s2  }
0x8f: {  	_ = 	snop  }
0x90: {  	s2 =	sld [smem:$0x3FD0];
	_ =	sdelay $0x2  }
0x91: {  	s4 =	simm.s32 $0xA;
	s5 =	simm.s32 $0x10;
	s15 =	sld [smem:$0x3FC8]  }
0x92: {  	[smem:s5], [sflag:s4] =	dma.local [hbm:s2], $0x1  }
0x93: {  	_ =	swait.eq [sflag:s4], $0x1  }
0x94: {  	[sflag:s4] =	ssyncset.done $0x0  }
0x95: {  	s16 =	sld [smem:$0x10];
	[sflag:s4] =	ssyncadd.s32 $0xFFFFFFFF  }
0x96: {  	s17 =	sld [smem:$0x11];
	(tm) =	ssettm $0x1  }
0x97: {  	s18 =	sld [smem:$0x3FFB];
	_ =	sdelay $0x3  }
0x98: {  	_ =	strace s18  }
0x99: {  	s5 =	sld [smem:$0x3FFC];
	_ =	sdelay $0x3  }
0x9a: {  	_ =	strace s5  }
0x9b: {  	s5 =	sld [smem:$0x3FFD];
	_ =	sdelay $0x3  }
0x9c: {  	_ =	strace s5  }
0x9d: {  	_ =	strace $0x8FFFFFFF  }
0x9e: {  	s19 =	sld [smem:$0x3FDB];
	_ =	sdelay $0x1  }
0x9f: {  	s6 =	simm.s32 $_scs_section_size  }
0xa0: {  	s7 =	simm.s32 $_size__tile_overlayer_lowered;
	s8 =	simm.s32 $_tile_overlayer_lowered  }
0xa1: {  	s22 =	simm.s32 $0x1BFF;
	s21 =	sshll.u32 s8, $0x1;
	s5 =	sadd.s32 s6, s19  }
0xa2: {  	s9 =	simm.s32 $0x0;
	s20 =	sshll.u32 s7, $0x1;
	s7 =	sadd.s32 s21, s5  }
0xa3: {  	[timem:s9], [sflag:s22] =	dma.local [hbm:s7], s20  }
0xa4: {  	_ =	swait.ge [sflag:s22], s20  }
0xa5: {  	s6 =	ssub.s32 $0x0, s20;
	[sflag:s22] =	ssyncset.done $0x0  }
0xa6: {  	[sflag:s22] =	ssyncadd.s32 s6;
	_ =	sdelay $0x1  }
0xa7: {  	s23 =	simm.s32 $0x1B8B  }
0xa8: {  	_ =	swait.ge [sflag:s23], $0x1  }
0xa9: {  	[sflag:s23] =	ssyncset.done $0x0  }
0xaa: {  	s25 =	simm.s32 $0x1B8E;
	s24 =	sld [smem:$0x3FFE];
	[sflag:s23] =	ssyncadd.s32 $0xFFFFFFFF  }
0xab: {  	s26 =	simm.s32 $execute0_lowered;
	[smem:$0x3FD2] =	sst s25  }
0xac: {  	s7 =	sshll.u32 s26, $0x1;
	_ =	strace $0x80000046;
	[dreg:$0x1] =	wrdreg $0xFFFFFFFF  }
0xad: {  	s28 =	simm.s32 $_size_execute0_lowered;
	s5 =	sadd.s32 s5, s7;
	[dreg:$0x0] =	wrdreg $0x0  }
0xae: {  	s7 =	sshll.u32 s28, $0x1;
	[dreg:$0x2] =	wrdreg s5  }
0xaf: {  	[dreg:$0x3] =	wrdreg s7  }
0xb0: {  	[dreg:$0x4] =	wrdreg $0xC0  }
0xb1: {  	_ =	task [dreg:s9], $0x5FFFF  }
0xb2: {  	[dreg:$0x1] =	wrdreg $0xFFFFFFFF  }
0xb3: {  	[dreg:$0x0] =	wrdreg $0x60  }
0xb4: {  	[dreg:$0x2] =	wrdreg s24  }
0xb5: {  	[dreg:$0x3] =	wrdreg s15  }
0xb6: {  	[dreg:$0x4] =	wrdreg s16  }
0xb7: {  	[dreg:$0x5] =	wrdreg s17  }
0xb8: {  	[dreg:$0x6] =	wrdreg $0x9  }
0xb9: {  	_ =	task.clear_ibuf [dreg:s9], $0x7FFFF;
	_ =	strace $0x90000046  }
0xba: {  	s29 =	simm.s32 $0x9;
	_ =	strace $0x80000048  }
0xbb: {  	_ =	swait.ge [sflag:s29], $0x1  }
0xbc: {  	[sflag:s29] =	ssyncadd.s32 $0xFFFFFFFF  }
0xbd: {  	_ =	strace $0x90000048  }
0xbe: {  	_ =	sfence  }
0xbf: {  	s30 =	sld [smem:$0x0];
	_ =	sdelay $0x2  }
0xc0: {  	s31 =	sshll.u32 s1, $0xD;
	s1 =	sshrl.u32 s1, $0x2  }
0xc1: {  	s3 =	sand.u32 $0x4000, s31;
	s1 =	sadd.s32 s1, s30  }
0xc2: {  	s0 =	sor.u32 s3, s0;
	s1 =	sshll.u32 s1, $0x11  }
0xc3: {  	s0 =	sor.u32 s1, s0  }
0xc4: {  	s0 =	sadd.s32 $0x8F2B, s0  }
0xc5: {  	[sflag:s0] =	ssyncadd.remote.s32 $0x1  }
0xc6: {  	_ =	sfence.sel $0xFFFF  }
0xc7: {  	[dreg:$0x0] =	wrdreg $0xFFFFFFFF;
	(pc) =	sbr.abs _section_cstart, $3  }
0xc8: {  	[dreg:$0x1] =	wrdreg $0xFFFFFFFF  }
0xc9: {  	_ =	task.clear_ibuf [dreg:s9], $0x2FFFF;
	_ =	strace $0x9FFFFFFF  }
0xca: {  	(tm) =	ssettm $0x7FFFFFFF  }
0xcb: {  	_ =	shalt  }
tec
execute0_lowered:
.L_overlay_start_1:
0x0: {  	(tag) =	ssettag $0x1  }
0x1: {  	s0 =	srdreg.scid;
	s1 =	stileid.u32  }
0x2: {  	s26 =	sand.u32 $0x1, s0;
	s23 =	sshll.u32 s1, $0x4  }
0x3: {  	s2 =	sshll.u32 s26, $0x3;
	s0 =	sand.u32 $0x30, s23  }
0x4: {  	s5 =	rddreg [dreg:$0x0];
	s1 =	sshrl.u32 s1, $0x2;
	s0 =	sor.u32 s2, s0  }
0x5: {  	s6 =	rddreg [dreg:$0x1];
	s8 =	sshll.u32 s1, $0x11;
	s2 =	sshll.u32 s0, $0xB  }
0x6: {  	s3 =	rddreg [dreg:$0x2];
	s7 =	sor.u32 s8, s2  }
0x7: {  	s4 =	rddreg [dreg:$0x3];
	s2 =	simm.s32 $0x0;
	s7 =	sshrl.u32 s7, $0x3  }
0x8: {  	s11 =	sadd.s32 $0x20, s6;
	[smem:$0x7FF] =	sst s2;
	s14 =	sadd.s32 s6, s7  }
0x9: {  	_ =	strace $0x80000047;
	s15 =	sadd.s32 s7, s11;
	[smem:$0x77B] =	sst s14  }
0xa: {  	s9 =	sadd.s32 $0x80, s14;
	[smem:$0x785] =	sst s15  }
0xb: {  	s24 =	sadd.s32 $0x100, s14;
	[dreg:$0x19] =	wrdreg s9  }
0xc: {  	s25 =	sadd.s32 $0x180, s14;
	[dreg:$0x1a] =	wrdreg s24  }
0xd: {  	s28 =	sadd.s32 $0x200, s14;
	[dreg:$0x1b] =	wrdreg s25  }
0xe: {  	s29 =	sadd.s32 $0x280, s14;
	[dreg:$0x1c] =	wrdreg s28  }
0xf: {  	s30 =	sadd.s32 $0x300, s14;
	[dreg:$0x1d] =	wrdreg s29  }
0x10: {  	s31 =	sadd.s32 $0x380, s14;
	[dreg:$0x1e] =	wrdreg s30  }
0x11: {  	s10 =	sadd.s32 $0x80, s15;
	[dreg:$0x1f] =	wrdreg s31  }
0x12: {  	s12 =	sadd.s32 $0x100, s15;
	[smem:$0x784] =	sst s10  }
0x13: {  	s13 =	sadd.s32 $0x180, s15;
	[smem:$0x786] =	sst s12  }
0x14: {  	s16 =	sadd.s32 $0x200, s15;
	[smem:$0x788] =	sst s13  }
0x15: {  	s17 =	sadd.s32 $0x280, s15;
	[smem:$0x78A] =	sst s16  }
0x16: {  	s18 =	sadd.s32 $0x300, s15;
	[smem:$0x78C] =	sst s17  }
0x17: {  	s19 =	sadd.s32 $0x380, s15;
	s10 =	sadd.s32 $0x40, s6;
	[smem:$0x78E] =	sst s18  }
0x18: {  	[smem:$0x790] =	sst s19;
	s9 =	sadd.s32 $0x60, s6;
	s16 =	sadd.s32 s7, s10  }
0x19: {  	s17 =	sadd.s32 s7, s9;
	[smem:$0x795] =	sst s16  }
0x1a: {  	s20 =	sadd.s32 $0x80, s16;
	[smem:$0x7A5] =	sst s17  }
0x1b: {  	s21 =	sadd.s32 $0x100, s16;
	[smem:$0x794] =	sst s20  }
0x1c: {  	s22 =	sadd.s32 $0x180, s16;
	[smem:$0x796] =	sst s21  }
0x1d: {  	s23 =	sadd.s32 $0x200, s16;
	[smem:$0x798] =	sst s22  }
0x1e: {  	s12 =	sadd.s32 $0x280, s16;
	[smem:$0x79A] =	sst s23  }
0x1f: {  	s24 =	sadd.s32 $0x300, s16;
	[smem:$0x79C] =	sst s12  }
0x20: {  	s25 =	sadd.s32 $0x380, s16;
	[smem:$0x79E] =	sst s24  }
0x21: {  	s28 =	sadd.s32 $0x80, s17;
	[smem:$0x7A0] =	sst s25  }
0x22: {  	s29 =	sadd.s32 $0x100, s17;
	[smem:$0x7A4] =	sst s28  }
0x23: {  	s30 =	sadd.s32 $0x180, s17;
	[smem:$0x7A6] =	sst s29  }
0x24: {  	s7 =	sor.u32 $0x4, s0;
	s31 =	sadd.s32 $0x200, s17;
	[smem:$0x7A8] =	sst s30  }
0x25: {  	s13 =	sshll.u32 s7, $0xB;
	s18 =	sadd.s32 $0x280, s17;
	[smem:$0x7AA] =	sst s31  }
0x26: {  	s19 =	sadd.s32 $0x300, s17;
	s13 =	sor.u32 s8, s13;
	[smem:$0x7AC] =	sst s18  }
0x27: {  	[smem:$0x7AE] =	sst s19;
	s20 =	sadd.s32 $0x380, s17;
	s13 =	sshrl.u32 s13, $0x3  }
0x28: {  	[smem:$0x7B0] =	sst s20;
	s18 =	sadd.s32 s6, s13  }
0x29: {  	s21 =	sadd.s32 $0x80, s18;
	[smem:$0x7B5] =	sst s18  }
0x2a: {  	s22 =	sadd.s32 $0x100, s18;
	[smem:$0x7B4] =	sst s21  }
0x2b: {  	s6 =	sor.u32 $0x5, s0;
	s24 =	sadd.s32 $0x180, s18;
	[smem:$0x7B6] =	sst s22  }
0x2c: {  	s23 =	sshll.u32 s6, $0xB;
	s25 =	sadd.s32 $0x200, s18;
	[smem:$0x7B8] =	sst s24  }
0x2d: {  	s28 =	sadd.s32 $0x280, s18;
	s13 =	sand.u32 $0x1E000, s23;
	[smem:$0x7BA] =	sst s25  }
0x2e: {  	s29 =	sadd.s32 $0x300, s18;
	[smem:$0x7BC] =	sst s28;
	s13 =	sor.u32 s8, s13  }
0x2f: {  	s30 =	sadd.s32 $0x380, s18;
	[smem:$0x7BE] =	sst s29;
	s13 =	sshrl.u32 s13, $0x3  }
0x30: {  	[smem:$0x7C0] =	sst s30;
	s13 =	sadd.s32 s13, s11  }
0x31: {  	s31 =	sadd.s32 $0x80, s13;
	[smem:$0x7C5] =	sst s13  }
0x32: {  	s12 =	sadd.s32 $0x100, s13;
	[smem:$0x7C4] =	sst s31  }
0x33: {  	s21 =	sor.u32 $0x6, s0;
	s20 =	sadd.s32 $0x180, s13;
	[smem:$0x7C6] =	sst s12  }
0x34: {  	s19 =	sshll.u32 s21, $0xB;
	s22 =	sadd.s32 $0x200, s13;
	[smem:$0x7C8] =	sst s20  }
0x35: {  	s23 =	sadd.s32 $0x280, s13;
	s24 =	sadd.s32 $0x300, s13;
	[smem:$0x7CA] =	sst s22  }
0x36: {  	s25 =	sadd.s32 $0x380, s13;
	[smem:$0x7CC] =	sst s23;
	s23 =	sor.u32 $0x7, s0  }
0x37: {  	s12 =	sand.u32 $0x1E000, s19;
	[smem:$0x7CE] =	sst s24;
	s30 =	sshll.u32 s23, $0xB  }
0x38: {  	[smem:$0x7D0] =	sst s25;
	s12 =	sor.u32 s8, s12;
	s11 =	sand.u32 $0x1E000, s30  }
0x39: {  	s12 =	sshrl.u32 s12, $0x3;
	s8 =	sor.u32 s8, s11;
	s11 =	simm.s32 $0x15400  }
0x3a: {  	s12 =	sadd.s32 s12, s10;
	[smem:$0x77A] =	sst s11  }
0x3b: {  	s28 =	sadd.s32 $0x80, s12;
	[smem:$0x7D5] =	sst s12  }
0x3c: {  	s29 =	sadd.s32 $0x100, s12;
	[smem:$0x7D4] =	sst s28  }
0x3d: {  	s31 =	sadd.s32 $0x180, s12;
	[smem:$0x7D6] =	sst s29  }
0x3e: {  	s19 =	sadd.s32 $0x200, s12;
	[smem:$0x7D8] =	sst s31  }
0x3f: {  	s20 =	sadd.s32 $0x280, s12;
	[smem:$0x7DA] =	sst s19  }
0x40: {  	s22 =	sadd.s32 $0x300, s12;
	[smem:$0x7DC] =	sst s20  }
0x41: {  	s24 =	sadd.s32 $0x380, s12;
	[smem:$0x7DE] =	sst s22  }
0x42: {  	s11 =	simm.s32 $0x16080;
	[smem:$0x7E0] =	sst s24  }
0x43: {  	s20 =	simm.s32 $0x15800;
	[smem:$0x789] =	sst s11  }
0x44: {  	s22 =	simm.s32 $0x15C00;
	[smem:$0x779] =	sst s20  }
0x45: {  	s24 =	simm.s32 $0x16000;
	[smem:$0x77C] =	sst s22  }
0x46: {  	s8 =	sshrl.u32 s8, $0x3;
	s11 =	simm.s32 $0x16D00;
	[smem:$0x77D] =	sst s24  }
0x47: {  	s19 =	sadd.s32 s8, s9;
	[smem:$0x79F] =	sst s11  }
0x48: {  	s25 =	sadd.s32 $0x80, s19;
	[smem:$0x7E5] =	sst s19  }
0x49: {  	s28 =	sadd.s32 $0x100, s19;
	[smem:$0x7E4] =	sst s25  }
0x4a: {  	s29 =	sadd.s32 $0x180, s19;
	[smem:$0x7E6] =	sst s28  }
0x4b: {  	s30 =	sadd.s32 $0x200, s19;
	[smem:$0x7E8] =	sst s29  }
0x4c: {  	s31 =	sadd.s32 $0x280, s19;
	[smem:$0x7EA] =	sst s30  }
0x4d: {  	s9 =	sadd.s32 $0x300, s19;
	[smem:$0x7EC] =	sst s31  }
0x4e: {  	s10 =	sadd.s32 $0x380, s19;
	[smem:$0x7EE] =	sst s9  }
0x4f: {  	s20 =	simm.s32 $0x16480;
	[smem:$0x7F0] =	sst s10  }
0x50: {  	s22 =	simm.s32 $0x16880;
	[smem:$0x78B] =	sst s20  }
0x51: {  	s24 =	simm.s32 $0x16C80;
	[smem:$0x78D] =	sst s22  }
0x52: {  	s11 =	simm.s32 $0x15A00;
	[smem:$0x78F] =	sst s24  }
0x53: {  	s25 =	simm.s32 $0x16400;
	[smem:$0x7B1] =	sst s11  }
0x54: {  	s28 =	simm.s32 $0x16800;
	[smem:$0x77E] =	sst s25  }
0x55: {  	s29 =	simm.s32 $0x16C00;
	[smem:$0x77F] =	sst s28  }
0x56: {  	s30 =	simm.s32 $0x15080;
	[smem:$0x780] =	sst s29  }
0x57: {  	s31 =	simm.s32 $0x15480;
	[smem:$0x782] =	sst s30  }
0x58: {  	s9 =	simm.s32 $0x15880;
	[smem:$0x783] =	sst s31  }
0x59: {  	s10 =	simm.s32 $0x15C80;
	[smem:$0x781] =	sst s9  }
0x5a: {  	s20 =	simm.s32 $0x15180;
	[smem:$0x787] =	sst s10  }
0x5b: {  	s22 =	simm.s32 $0x15580;
	[smem:$0x7A2] =	sst s20  }
0x5c: {  	s24 =	simm.s32 $0x15980;
	[smem:$0x7A3] =	sst s22  }
0x5d: {  	s11 =	simm.s32 $0x16680;
	[smem:$0x7A1] =	sst s24  }
0x5e: {  	s25 =	simm.s32 $0x15100;
	[smem:$0x7CB] =	sst s11  }
0x5f: {  	s28 =	simm.s32 $0x15500;
	[smem:$0x792] =	sst s25  }
0x60: {  	s29 =	simm.s32 $0x15900;
	[smem:$0x793] =	sst s28  }
0x61: {  	s30 =	simm.s32 $0x15D00;
	[smem:$0x791] =	sst s29  }
0x62: {  	s31 =	simm.s32 $0x16100;
	[smem:$0x797] =	sst s30  }
0x63: {  	s9 =	simm.s32 $0x16500;
	[smem:$0x799] =	sst s31  }
0x64: {  	s10 =	simm.s32 $0x16900;
	[smem:$0x79B] =	sst s9  }
0x65: {  	s20 =	simm.s32 $0x15E00;
	[smem:$0x79D] =	sst s10  }
0x66: {  	s22 =	simm.s32 $0x16200;
	[smem:$0x7B7] =	sst s20  }
0x67: {  	s24 =	simm.s32 $0x16600;
	[smem:$0x7B9] =	sst s22  }
0x68: {  	s11 =	simm.s32 $0x15380;
	[smem:$0x7BB] =	sst s24  }
0x69: {  	[smem:$0x7E2] =	sst s11  }
0x6a: {  	s25 =	simm.s32 $0x15D80;
	s11 =	rddreg [dreg:$0x19]  }
0x6b: {  	s28 =	simm.s32 $0x16180;
	[smem:$0x7A7] =	sst s25  }
0x6c: {  	s29 =	simm.s32 $0x16580;
	[smem:$0x7A9] =	sst s28  }
0x6d: {  	s30 =	simm.s32 $0x16980;
	[smem:$0x7AB] =	sst s29  }
0x6e: {  	s31 =	simm.s32 $0x16D80;
	[smem:$0x7AD] =	sst s30  }
0x6f: {  	s9 =	simm.s32 $0x15200;
	[smem:$0x7AF] =	sst s31  }
0x70: {  	s10 =	simm.s32 $0x15600;
	[smem:$0x7B2] =	sst s9  }
0x71: {  	s20 =	simm.s32 $0x16A80;
	[smem:$0x7B3] =	sst s10  }
0x72: {  	s22 =	simm.s32 $0x16E80;
	[smem:$0x7CD] =	sst s20  }
0x73: {  	s24 =	simm.s32 $0x15300;
	[smem:$0x7CF] =	sst s22  }
0x74: {  	s25 =	simm.s32 $0x16A00;
	[smem:$0x7D2] =	sst s24  }
0x75: {  	s28 =	simm.s32 $0x16E00;
	[smem:$0x7BD] =	sst s25  }
0x76: {  	s29 =	simm.s32 $0x15280;
	[smem:$0x7BF] =	sst s28  }
0x77: {  	s30 =	simm.s32 $0x15680;
	[smem:$0x7C2] =	sst s29  }
0x78: {  	s31 =	simm.s32 $0x15A80;
	[smem:$0x7C3] =	sst s30  }
0x79: {  	s9 =	simm.s32 $0x15E80;
	[smem:$0x7C1] =	sst s31  }
0x7a: {  	s10 =	simm.s32 $0x16280;
	[smem:$0x7C7] =	sst s9  }
0x7b: {  	s20 =	simm.s32 $0x15780;
	[smem:$0x7C9] =	sst s10  }
0x7c: {  	s22 =	simm.s32 $0x15B80;
	[smem:$0x7E3] =	sst s20  }
0x7d: {  	s24 =	simm.s32 $0x15F80;
	[smem:$0x7E1] =	sst s22  }
0x7e: {  	[smem:$0x7E7] =	sst s24  }
0x7f: {  	s22 =	rddreg [dreg:$0x1a]  }
0x80: {  	s25 =	simm.s32 $0x15700;
	s24 =	sld [smem:$0x77C]  }
0x81: {  	s28 =	simm.s32 $0x15B00;
	[smem:$0x7D3] =	sst s25  }
0x82: {  	s29 =	simm.s32 $0x15F00;
	[smem:$0x7D1] =	sst s28  }
0x83: {  	s30 =	simm.s32 $0x16300;
	[smem:$0x7D7] =	sst s29  }
0x84: {  	s31 =	simm.s32 $0x16700;
	[smem:$0x7D9] =	sst s30  }
0x85: {  	s9 =	simm.s32 $0x16B00;
	[smem:$0x7DB] =	sst s31  }
0x86: {  	s10 =	simm.s32 $0x16F00;
	[smem:$0x7DD] =	sst s9  }
0x87: {  	[smem:$0x7DF] =	sst s10  }
0x88: {  	s31 =	sld [smem:$0x779]  }
0x89: {  	s20 =	simm.s32 $0x15000;
	s10 =	sld [smem:$0x77A]  }
0x8a: {  	[tilespmem:s20], [sflag:$0x9] =	stream.linear.gather [hbm4b:s14+s2], $0x80, $0x38;
	[tilespmem:$0x17000] =	vst v63  }
0x8b: {  	s25 =	simm.s32 $0x16380;
	s14 =	rddreg [dreg:$0x1e]  }
0x8c: {  	s28 =	simm.s32 $0x16780;
	[smem:$0x7E9] =	sst s25  }
0x8d: {  	s29 =	simm.s32 $0x16B80;
	[smem:$0x7EB] =	sst s28  }
0x8e: {  	s30 =	simm.s32 $0x16F80;
	[smem:$0x7ED] =	sst s29  }
0x8f: {  	[smem:$0x7EF] =	sst s30  }
0x90: {  	s25 =	rddreg [dreg:$0x1b]  }
0x91: {  	s28 =	sld [smem:$0x77D]  }
0x92: {  	s29 =	rddreg [dreg:$0x1c]  }
0x93: {  	s30 =	sld [smem:$0x77E]  }
0x94: {  	[tilespmem:s10], [sflag:$0x9] =	stream.linear.gather [hbm4b:s11+s2], $0x80, $0x38;
	[tilespmem:$0x17000] =	vst v63  }
0x95: {  	s11 =	sld [smem:$0x77F]  }
0x96: {  	s10 =	sld [smem:$0x787]  }
0x97: {  	[tilespmem:s31], [sflag:$0x9] =	stream.linear.gather [hbm4b:s22+s2], $0x80, $0x38;
	[tilespmem:$0x17000] =	vst v63  }
0x98: {  	s31 =	rddreg [dreg:$0x1d]  }
0x99: {  	s22 =	sld [smem:$0x780]  }
0x9a: {  	[tilespmem:s24], [sflag:$0x9] =	stream.linear.gather [hbm4b:s25+s2], $0x80, $0x38;
	[tilespmem:$0x17000] =	vst v63  }
0x9b: {  	s24 =	rddreg [dreg:$0x1f]  }
0x9c: {  	s25 =	sld [smem:$0x781]  }
0x9d: {  	[tilespmem:s28], [sflag:$0x9] =	stream.linear.gather [hbm4b:s29+s2], $0x80, $0x38;
	[tilespmem:$0x17000] =	vst v63  }
0x9e: {  	s28 =	sld [smem:$0x782]  }
0x9f: {  	s29 =	sld [smem:$0x783]  }
0xa0: {  	[tilespmem:s30], [sflag:$0x9] =	stream.linear.gather [hbm4b:s31+s2], $0x80, $0x38;
	[tilespmem:$0x17000] =	vst v63  }
0xa1: {  	s30 =	sld [smem:$0x784]  }
0xa2: {  	s31 =	sld [smem:$0x786]  }
0xa3: {  	[tilespmem:s11], [sflag:$0x9] =	stream.linear.gather [hbm4b:s14+s2], $0x80, $0x38;
	[tilespmem:$0x17000] =	vst v63  }
0xa4: {  	s14 =	sld [smem:$0x788]  }
0xa5: {  	[tilespmem:s22], [sflag:$0x9] =	stream.linear.gather [hbm4b:s24+s2], $0x80, $0x38;
	[tilespmem:$0x17000] =	vst v63  }
0xa6: {  	s22 =	sld [smem:$0x78A]  }
0xa7: {  	s24 =	sld [smem:$0x78B]  }
0xa8: {  	[tilespmem:s28], [sflag:$0x9] =	stream.linear.gather [hbm4b:s15+s2], $0x80, $0x38;
	[tilespmem:$0x17000] =	vst v63  }
0xa9: {  	s15 =	sld [smem:$0x789]  }
0xaa: {  	s28 =	sld [smem:$0x78D]  }
0xab: {  	[tilespmem:s29], [sflag:$0x9] =	stream.linear.gather [hbm4b:s30+s2], $0x80, $0x38;
	[tilespmem:$0x17000] =	vst v63  }
0xac: {  	s29 =	sld [smem:$0x78E]  }
0xad: {  	s30 =	sld [smem:$0x78F]  }
0xae: {  	[tilespmem:s25], [sflag:$0x9] =	stream.linear.gather [hbm4b:s31+s2], $0x80, $0x38;
	[tilespmem:$0x17000] =	vst v63  }
0xaf: {  	s25 =	sld [smem:$0x78C]  }
0xb0: {  	s31 =	sld [smem:$0x790]  }
0xb1: {  	[tilespmem:s10], [sflag:$0x9] =	stream.linear.gather [hbm4b:s14+s2], $0x80, $0x38;
	[tilespmem:$0x17000] =	vst v63  }
0xb2: {  	s14 =	sld [smem:$0x791]  }
0xb3: {  	s10 =	sld [smem:$0x79B]  }
0xb4: {  	[tilespmem:s15], [sflag:$0x9] =	stream.linear.gather [hbm4b:s22+s2], $0x80, $0x38;
	[tilespmem:$0x17000] =	vst v63  }
0xb5: {  	s15 =	sld [smem:$0x792]  }
0xb6: {  	s22 =	sld [smem:$0x793]  }
0xb7: {  	[tilespmem:s24], [sflag:$0x9] =	stream.linear.gather [hbm4b:s25+s2], $0x80, $0x38;
	[tilespmem:$0x17000] =	vst v63  }
0xb8: {  	s24 =	sld [smem:$0x794]  }
0xb9: {  	s25 =	sld [smem:$0x796]  }
0xba: {  	[tilespmem:s28], [sflag:$0x9] =	stream.linear.gather [hbm4b:s29+s2], $0x80, $0x38;
	[tilespmem:$0x17000] =	vst v63  }
0xbb: {  	s28 =	sld [smem:$0x797]  }
0xbc: {  	s29 =	sld [smem:$0x798]  }
0xbd: {  	[tilespmem:s30], [sflag:$0x9] =	stream.linear.gather [hbm4b:s31+s2], $0x80, $0x38;
	[tilespmem:$0x17000] =	vst v63  }
0xbe: {  	s30 =	sld [smem:$0x799]  }
0xbf: {  	s31 =	sld [smem:$0x79A]  }
0xc0: {  	[tilespmem:s15], [sflag:$0x9] =	stream.linear.gather [hbm4b:s16+s2], $0x80, $0x38;
	[tilespmem:$0x17000] =	vst v63  }
0xc1: {  	s15 =	sld [smem:$0x79D]  }
0xc2: {  	s16 =	sld [smem:$0x79E]  }
0xc3: {  	[tilespmem:s22], [sflag:$0x9] =	stream.linear.gather [hbm4b:s24+s2], $0x80, $0x38;
	[tilespmem:$0x17000] =	vst v63  }
0xc4: {  	s22 =	sld [smem:$0x79F]  }
0xc5: {  	s24 =	sld [smem:$0x7A0]  }
0xc6: {  	[tilespmem:s14], [sflag:$0x9] =	stream.linear.gather [hbm4b:s25+s2], $0x80, $0x38;
	[tilespmem:$0x17000] =	vst v63  }
0xc7: {  	s14 =	sld [smem:$0x79C]  }
0xc8: {  	s25 =	sld [smem:$0x7A1]  }
0xc9: {  	[tilespmem:s28], [sflag:$0x9] =	stream.linear.gather [hbm4b:s29+s2], $0x80, $0x38;
	[tilespmem:$0x17000] =	vst v63  }
0xca: {  	s28 =	sld [smem:$0x7A2]  }
0xcb: {  	s29 =	sld [smem:$0x7A3]  }
0xcc: {  	[tilespmem:s30], [sflag:$0x9] =	stream.linear.gather [hbm4b:s31+s2], $0x80, $0x38;
	[tilespmem:$0x17000] =	vst v63  }
0xcd: {  	s30 =	sld [smem:$0x7A4]  }
0xce: {  	s31 =	sld [smem:$0x7A6]  }
0xcf: {  	[tilespmem:s10], [sflag:$0x9] =	stream.linear.gather [hbm4b:s14+s2], $0x80, $0x38;
	[tilespmem:$0x17000] =	vst v63  }
0xd0: {  	s14 =	sld [smem:$0x7A7]  }
0xd1: {  	s10 =	sld [smem:$0x7BF]  }
0xd2: {  	[tilespmem:s15], [sflag:$0x9] =	stream.linear.gather [hbm4b:s16+s2], $0x80, $0x38;
	[tilespmem:$0x17000] =	vst v63  }
0xd3: {  	s15 =	sld [smem:$0x7A8]  }
0xd4: {  	s16 =	sld [smem:$0x7A9]  }
0xd5: {  	[tilespmem:s22], [sflag:$0x9] =	stream.linear.gather [hbm4b:s24+s2], $0x80, $0x38;
	[tilespmem:$0x17000] =	vst v63  }
0xd6: {  	s22 =	sld [smem:$0x7AB]  }
0xd7: {  	s24 =	sld [smem:$0x7AC]  }
0xd8: {  	[tilespmem:s28], [sflag:$0x9] =	stream.linear.gather [hbm4b:s17+s2], $0x80, $0x38;
	[tilespmem:$0x17000] =	vst v63  }
0xd9: {  	s17 =	sld [smem:$0x7AA]  }
0xda: {  	s28 =	sld [smem:$0x7AE]  }
0xdb: {  	[tilespmem:s29], [sflag:$0x9] =	stream.linear.gather [hbm4b:s30+s2], $0x80, $0x38;
	[tilespmem:$0x17000] =	vst v63  }
0xdc: {  	s29 =	sld [smem:$0x7AF]  }
0xdd: {  	s30 =	sld [smem:$0x7B0]  }
0xde: {  	[tilespmem:s25], [sflag:$0x9] =	stream.linear.gather [hbm4b:s31+s2], $0x80, $0x38;
	[tilespmem:$0x17000] =	vst v63  }
0xdf: {  	s25 =	sld [smem:$0x7AD]  }
0xe0: {  	s31 =	sld [smem:$0x7B1]  }
0xe1: {  	[tilespmem:s14], [sflag:$0x9] =	stream.linear.gather [hbm4b:s15+s2], $0x80, $0x38;
	[tilespmem:$0x17000] =	vst v63  }
0xe2: {  	s14 =	sld [smem:$0x7B2]  }
0xe3: {  	s15 =	sld [smem:$0x7B3]  }
0xe4: {  	[tilespmem:s16], [sflag:$0x9] =	stream.linear.gather [hbm4b:s17+s2], $0x80, $0x38;
	[tilespmem:$0x17000] =	vst v63  }
0xe5: {  	s16 =	sld [smem:$0x7B4]  }
0xe6: {  	s17 =	sld [smem:$0x7B6]  }
0xe7: {  	[tilespmem:s22], [sflag:$0x9] =	stream.linear.gather [hbm4b:s24+s2], $0x80, $0x38;
	[tilespmem:$0x17000] =	vst v63  }
0xe8: {  	s22 =	sld [smem:$0x7B8]  }
0xe9: {  	s24 =	sld [smem:$0x7B9]  }
0xea: {  	[tilespmem:s25], [sflag:$0x9] =	stream.linear.gather [hbm4b:s28+s2], $0x80, $0x38;
	[tilespmem:$0x17000] =	vst v63  }
0xeb: {  	s25 =	sld [smem:$0x7BA]  }
0xec: {  	s28 =	sld [smem:$0x7BB]  }
0xed: {  	[tilespmem:s29], [sflag:$0x9] =	stream.linear.gather [hbm4b:s30+s2], $0x80, $0x38;
	[tilespmem:$0x17000] =	vst v63  }
0xee: {  	s29 =	sld [smem:$0x7BC]  }
0xef: {  	s30 =	sld [smem:$0x7BD]  }
0xf0: {  	[tilespmem:s14], [sflag:$0x9] =	stream.linear.gather [hbm4b:s18+s2], $0x80, $0x38;
	[tilespmem:$0x17000] =	vst v63  }
0xf1: {  	s18 =	sld [smem:$0x7B7]  }
0xf2: {  	s14 =	sld [smem:$0x7C0]  }
0xf3: {  	[tilespmem:s15], [sflag:$0x9] =	stream.linear.gather [hbm4b:s16+s2], $0x80, $0x38;
	[tilespmem:$0x17000] =	vst v63  }
0xf4: {  	s15 =	sld [smem:$0x7C1]  }
0xf5: {  	s16 =	sld [smem:$0x7C2]  }
0xf6: {  	[tilespmem:s31], [sflag:$0x9] =	stream.linear.gather [hbm4b:s17+s2], $0x80, $0x38;
	[tilespmem:$0x17000] =	vst v63  }
0xf7: {  	s31 =	sld [smem:$0x7BE]  }
0xf8: {  	s17 =	sld [smem:$0x7C3]  }
0xf9: {  	[tilespmem:s18], [sflag:$0x9] =	stream.linear.gather [hbm4b:s22+s2], $0x80, $0x38;
	[tilespmem:$0x17000] =	vst v63  }
0xfa: {  	s18 =	sld [smem:$0x7C4]  }
0xfb: {  	s22 =	sld [smem:$0x7C6]  }
0xfc: {  	[tilespmem:s24], [sflag:$0x9] =	stream.linear.gather [hbm4b:s25+s2], $0x80, $0x38;
	[tilespmem:$0x17000] =	vst v63  }
0xfd: {  	s24 =	sld [smem:$0x7C7]  }
0xfe: {  	s25 =	sld [smem:$0x7C8]  }
0xff: {  	[tilespmem:s28], [sflag:$0x9] =	stream.linear.gather [hbm4b:s29+s2], $0x80, $0x38;
	[tilespmem:$0x17000] =	vst v63  }
0x100: {  	s28 =	sld [smem:$0x7C9]  }
0x101: {  	s29 =	sld [smem:$0x7CA]  }
0x102: {  	[tilespmem:s30], [sflag:$0x9] =	stream.linear.gather [hbm4b:s31+s2], $0x80, $0x38;
	[tilespmem:$0x17000] =	vst v63  }
0x103: {  	s30 =	sld [smem:$0x7CB]  }
0x104: {  	s31 =	sld [smem:$0x7CC]  }
0x105: {  	[tilespmem:s10], [sflag:$0x9] =	stream.linear.gather [hbm4b:s14+s2], $0x80, $0x38;
	[tilespmem:$0x17000] =	vst v63  }
0x106: {  	s14 =	sld [smem:$0x7CE]  }
0x107: {  	s10 =	sld [smem:$0x7DB]  }
0x108: {  	[tilespmem:s16], [sflag:$0x9] =	stream.linear.gather [hbm4b:s13+s2], $0x80, $0x38;
	[tilespmem:$0x17000] =	vst v63  }
0x109: {  	s13 =	sld [smem:$0x7CD]  }
0x10a: {  	s16 =	sld [smem:$0x7D0]  }
0x10b: {  	[tilespmem:s17], [sflag:$0x9] =	stream.linear.gather [hbm4b:s18+s2], $0x80, $0x38;
	[tilespmem:$0x17000] =	vst v63  }
0x10c: {  	s17 =	sld [smem:$0x7D1]  }
0x10d: {  	s18 =	sld [smem:$0x7D2]  }
0x10e: {  	[tilespmem:s15], [sflag:$0x9] =	stream.linear.gather [hbm4b:s22+s2], $0x80, $0x38;
	[tilespmem:$0x17000] =	vst v63  }
0x10f: {  	s15 =	sld [smem:$0x7CF]  }
0x110: {  	s22 =	sld [smem:$0x7D3]  }
0x111: {  	[tilespmem:s24], [sflag:$0x9] =	stream.linear.gather [hbm4b:s25+s2], $0x80, $0x38;
	[tilespmem:$0x17000] =	vst v63  }
0x112: {  	s24 =	sld [smem:$0x7D4]  }
0x113: {  	s25 =	sld [smem:$0x7D6]  }
0x114: {  	[tilespmem:s28], [sflag:$0x9] =	stream.linear.gather [hbm4b:s29+s2], $0x80, $0x38;
	[tilespmem:$0x17000] =	vst v63  }
0x115: {  	s28 =	sld [smem:$0x7D7]  }
0x116: {  	s29 =	sld [smem:$0x7D8]  }
0x117: {  	[tilespmem:s30], [sflag:$0x9] =	stream.linear.gather [hbm4b:s31+s2], $0x80, $0x38;
	[tilespmem:$0x17000] =	vst v63  }
0x118: {  	s30 =	sld [smem:$0x7D9]  }
0x119: {  	s31 =	sld [smem:$0x7DA]  }
0x11a: {  	[tilespmem:s13], [sflag:$0x9] =	stream.linear.gather [hbm4b:s14+s2], $0x80, $0x38;
	[tilespmem:$0x17000] =	vst v63  }
0x11b: {  	s13 =	sld [smem:$0x7DD]  }
0x11c: {  	s14 =	sld [smem:$0x7DE]  }
0x11d: {  	[tilespmem:s15], [sflag:$0x9] =	stream.linear.gather [hbm4b:s16+s2], $0x80, $0x38;
	[tilespmem:$0x17000] =	vst v63  }
0x11e: {  	s15 =	sld [smem:$0x7DF]  }
0x11f: {  	s16 =	sld [smem:$0x7E0]  }
0x120: {  	[tilespmem:s18], [sflag:$0x9] =	stream.linear.gather [hbm4b:s12+s2], $0x80, $0x38;
	[tilespmem:$0x17000] =	vst v63  }
0x121: {  	s12 =	sld [smem:$0x7DC]  }
0x122: {  	s18 =	sld [smem:$0x7E2]  }
0x123: {  	[tilespmem:s22], [sflag:$0x9] =	stream.linear.gather [hbm4b:s24+s2], $0x80, $0x38;
	[tilespmem:$0x17000] =	vst v63  }
0x124: {  	s22 =	sld [smem:$0x7E3]  }
0x125: {  	[tilespmem:s17], [sflag:$0x9] =	stream.linear.gather [hbm4b:s25+s2], $0x80, $0x38;
	[tilespmem:$0x17000] =	vst v63  }
0x126: {  	s24 =	sld [smem:$0x7E4]  }
0x127: {  	[tilespmem:s28], [sflag:$0x9] =	stream.linear.gather [hbm4b:s29+s2], $0x80, $0x38;
	[tilespmem:$0x17000] =	vst v63  }
0x128: {  	s17 =	sld [smem:$0x7E1]  }
0x129: {  	[tilespmem:s30], [sflag:$0x9] =	stream.linear.gather [hbm4b:s31+s2], $0x80, $0x38;
	[tilespmem:$0x17000] =	vst v63  }
0x12a: {  	s25 =	sld [smem:$0x7E6]  }
0x12b: {  	[tilespmem:s10], [sflag:$0x9] =	stream.linear.gather [hbm4b:s12+s2], $0x80, $0x38;
	[tilespmem:$0x17000] =	vst v63  }
0x12c: {  	s28 =	sld [smem:$0x7E7]  }
0x12d: {  	[tilespmem:s13], [sflag:$0x9] =	stream.linear.gather [hbm4b:s14+s2], $0x80, $0x38;
	[tilespmem:$0x17000] =	vst v63  }
0x12e: {  	s29 =	sld [smem:$0x7E8]  }
0x12f: {  	[tilespmem:s15], [sflag:$0x9] =	stream.linear.gather [hbm4b:s16+s2], $0x80, $0x38;
	[tilespmem:$0x17000] =	vst v63  }
0x130: {  	s30 =	sld [smem:$0x7E9]  }
0x131: {  	[tilespmem:s18], [sflag:$0x9] =	stream.linear.gather [hbm4b:s19+s2], $0x80, $0x38;
	[tilespmem:$0x17000] =	vst v63  }
0x132: {  	s31 =	sld [smem:$0x7EA]  }
0x133: {  	[tilespmem:s22], [sflag:$0x9] =	stream.linear.gather [hbm4b:s24+s2], $0x80, $0x38;
	[tilespmem:$0x17000] =	vst v63  }
0x134: {  	s10 =	sld [smem:$0x7EB]  }
0x135: {  	[tilespmem:s17], [sflag:$0x9] =	stream.linear.gather [hbm4b:s25+s2], $0x80, $0x38;
	[tilespmem:$0x17000] =	vst v63  }
0x136: {  	s8 =	smul.u32 $0x540000, s1;
	s12 =	sld [smem:$0x7EC]  }
0x137: {  	[tilespmem:s28], [sflag:$0x9] =	stream.linear.gather [hbm4b:s29+s2], $0x80, $0x38;
	[tilespmem:$0x17000] =	vst v63  }
0x138: {  	s11 =	sor.u32 $0x1, s0;
	s13 =	sld [smem:$0x7ED];
	s16 =	smul.u32 $0x15000, s0  }
0x139: {  	[tilespmem:s30], [sflag:$0x9] =	stream.linear.gather [hbm4b:s31+s2], $0x80, $0x38;
	[tilespmem:$0x17000] =	vst v63  }
0x13a: {  	s9 =	sadd.s32 $0x600, s5;
	s14 =	sld [smem:$0x7EE];
	s19 =	smul.u32 $0x15000, s11  }
0x13b: {  	[tilespmem:s10], [sflag:$0x9] =	stream.linear.gather [hbm4b:s12+s2], $0x80, $0x38;
	[tilespmem:$0x17000] =	vst v63  }
0x13c: {  	s15 =	sld [smem:$0x7EF];
	s11 =	smul.u32 $0xA800, s11;
	s10 =	sadd.s32 s8, s16  }
0x13d: {  	s22 =	smul.u32 $0xA800, s0;
	s17 =	sld [smem:$0x7F0];
	s18 =	sshrl.u32 s10, $0x3  }
0x13e: {  	[tilespmem:s13], [sflag:$0x9] =	stream.linear.gather [hbm4b:s14+s2], $0x80, $0x38;
	[tilespmem:$0x17000] =	vst v63  }
0x13f: {  	s10 =	sadd.s32 s9, s18;
	s13 =	sadd.s32 s8, s19;
	s14 =	sor.u32 $0x2, s0  }
0x140: {  	[smem:$0x7F1] =	sst s10;
	s10 =	sadd.s32 $0x980, s5;
	s5 =	smul.u32 $0x2A0000, s1  }
0x141: {  	s16 =	sadd.s32 $0x380, s3;
	s13 =	sshrl.u32 s13, $0x3;
	s24 =	smul.u32 $0x15000, s14  }
0x142: {  	[tilespmem:s15], [sflag:$0x9] =	stream.linear.gather [hbm4b:s17+s2], $0x80, $0x38;
	[tilespmem:$0x17000] =	vst v63  }
0x143: {  	s1 =	sshll.u32 s1, $0xD;
	s12 =	sadd.s32 s18, s10;
	s17 =	sadd.s32 s9, s13  }
0x144: {  	s18 =	sor.u32 $0x3, s0;
	s1 =	sadd.s32 s4, s1;
	s0 =	sshll.u32 s0, $0x7  }
0x145: {  	[smem:$0x7F2] =	sst s12;
	s25 =	sadd.s32 s5, s22;
	s28 =	sadd.s32 s8, s24  }
0x146: {  	s29 =	sadd.s32 $0x380, s17;
	s11 =	sadd.s32 s5, s11;
	s19 =	smul.u32 $0x15000, s18  }
0x147: {  	s18 =	smul.u32 $0xA800, s18;
	[smem:$0x7F3] =	sst s17;
	s0 =	sadd.s32 s0, s1  }
0x148: {  	s12 =	sshrl.u32 s25, $0x3;
	[smem:$0x7F4] =	sst s29;
	s13 =	sshrl.u32 s28, $0x3  }
0x149: {  	s11 =	sshrl.u32 s11, $0x3;
	[dreg:$0x18] =	wrdreg s0;
	s30 =	sadd.s32 s3, s12  }
0x14a: {  	s25 =	smul.u32 $0xA800, s14;
	s31 =	sadd.s32 s9, s13;
	[dreg:$0x5] =	wrdreg s30  }
0x14b: {  	s29 =	smul.u32 $0x15000, s7;
	s12 =	sadd.s32 s12, s16;
	[dreg:$0x6] =	wrdreg s31  }
0x14c: {  	s7 =	smul.u32 $0xA800, s7;
	s13 =	sadd.s32 s13, s10;
	[dreg:$0x7] =	wrdreg s12  }
0x14d: {  	s22 =	sadd.s32 s3, s11;
	s24 =	sadd.s32 s8, s19;
	[dreg:$0x8] =	wrdreg s13  }
0x14e: {  	s11 =	sshrl.u32 s24, $0x3;
	s28 =	sadd.s32 $0x380, s22;
	s30 =	sadd.s32 s5, s25  }
0x14f: {  	s31 =	sadd.s32 s8, s29;
	s7 =	sadd.s32 s5, s7;
	[dreg:$0x9] =	wrdreg s28  }
0x150: {  	s24 =	sadd.s32 s9, s11;
	s11 =	sshrl.u32 s30, $0x3;
	s28 =	smul.u32 $0x15000, s6  }
0x151: {  	s13 =	sshrl.u32 s31, $0x3;
	s6 =	smul.u32 $0xA800, s6;
	s15 =	sadd.s32 $0x380, s24  }
0x152: {  	s19 =	sadd.s32 s9, s13;
	s29 =	sadd.s32 s13, s10;
	s13 =	smul.u32 $0x15000, s21  }
0x153: {  	s7 =	sshrl.u32 s7, $0x3;
	s21 =	smul.u32 $0xA800, s21;
	[dreg:$0xa] =	wrdreg s15  }
0x154: {  	s15 =	sadd.s32 s3, s11;
	[dreg:$0xb] =	wrdreg s19;
	s11 =	sadd.s32 s5, s18  }
0x155: {  	[dreg:$0xd] =	wrdreg s29;
	s30 =	sadd.s32 s8, s28;
	s28 =	sadd.s32 s3, s7  }
0x156: {  	s29 =	sld [smem:$0x7F1];
	s7 =	sadd.s32 s7, s16;
	s16 =	smul.u32 $0x15000, s23  }
0x157: {  	s6 =	sadd.s32 s5, s6;
	s25 =	sadd.s32 $0x380, s15;
	[dreg:$0x10] =	wrdreg s28  }
0x158: {  	s11 =	sshrl.u32 s11, $0x3;
	s31 =	sshrl.u32 s30, $0x3;
	[dreg:$0x12] =	wrdreg s7  }
0x159: {  	s19 =	sadd.s32 s8, s13;
	s6 =	sshrl.u32 s6, $0x3;
	[dreg:$0xc] =	wrdreg s25  }
0x15a: {  	s14 =	sadd.s32 s3, s11;
	s25 =	sadd.s32 s9, s31;
	s31 =	sld [smem:$0x7F2]  }
0x15b: {  	s8 =	sadd.s32 s8, s16;
	s16 =	sld [smem:$0x7F4];
	s12 =	sadd.s32 $0x380, s14  }
0x15c: {  	s11 =	sshrl.u32 s19, $0x3;
	s18 =	sadd.s32 $0x380, s25;
	[dreg:$0xe] =	wrdreg s12  }
0x15d: {  	s19 =	simm.s32 $0x3800;
	s30 =	sadd.s32 s9, s11;
	[dreg:$0xf] =	wrdreg s18  }
0x15e: {  	s13 =	sadd.s32 s11, s10;
	s11 =	simm.s32 $0x5400;
	[dreg:$0x11] =	wrdreg s30  }
0x15f: {  	s28 =	sshrl.u32 s8, $0x3;
	s18 =	simm.s32 $0x1C00;
	[dreg:$0x13] =	wrdreg s13  }
0x160: {  	[tilespmem:s2], [sflag:$0x1] =	stream.strided.gather [hbm4b:s29+s18], $0x5400, s19, s18, $0x38;
	[tilespmem:$0x17000] =	vst v63  }
0x161: {  	s9 =	sadd.s32 s9, s28;
	s12 =	sadd.s32 s3, s6;
	s29 =	sadd.s32 s5, s21  }
0x162: {  	s30 =	smul.u32 $0xA800, s23;
	s10 =	sadd.s32 $0x380, s9;
	s6 =	sshrl.u32 s29, $0x3  }
0x163: {  	[tilespmem:s11], [sflag:$0x2] =	stream.strided.gather [hbm4b:s31+s18], $0x5400, s19, s18, $0x38;
	[tilespmem:$0x17000] =	vst v63  }
0x164: {  	[dreg:$0x15] =	wrdreg s10;
	s5 =	sadd.s32 s5, s30;
	s31 =	sadd.s32 $0x380, s12  }
0x165: {  	s8 =	sadd.s32 s3, s6;
	s5 =	sshrl.u32 s5, $0x3;
	s6 =	simm.s32 $0xA800  }
0x166: {  	[dreg:$0x14] =	wrdreg s31;
	s13 =	sadd.s32 $0x380, s8;
	s5 =	sadd.s32 s3, s5  }
0x167: {  	[tilespmem:s6], [sflag:$0x3] =	stream.strided.gather [hbm4b:s17+s18], $0x5400, s19, s18, $0x38;
	[tilespmem:$0x17000] =	vst v63  }
0x168: {  	[dreg:$0x16] =	wrdreg s13;
	s17 =	sadd.s32 $0x380, s5  }
0x169: {  	s1 =	simm.s32 $0xFC00;
	s3 =	simm.s32 $0x1;
	[dreg:$0x17] =	wrdreg s17  }
0x16a: {  	[tilespmem:s1], [sflag:$0x4] =	stream.strided.gather [hbm4b:s16+s18], $0x5400, s19, s18, $0x38;
	[tilespmem:$0x17000] =	vst v63  }
0x16b: {  	_ =	swait.ge [sflag:s3], $0x5400  }
0x16c: {  	[sflag:s3] =	ssyncset.done $0x0  }
0x16d: {  	s4 =	simm.s32 $0x5;
	s21 =	rddreg [dreg:$0x5];
	[sflag:s3] =	ssyncadd.s32 $0xFFFFAC00  }
0x16e: {  	[hbm4b:s21+s18] =	stream.strided.scatter [tilespmem:s2], [sflag:$0x5], $0x5400, s19, s18, $0x38;
	[tilespmem:$0x17000] =	vst v63  }
0x16f: {  	_ =	swait.ge [sflag:s4], $0x5400  }
0x170: {  	[sflag:s4] =	ssyncset.done $0x0  }
0x171: {  	s7 =	simm.s32 $0x2;
	s23 =	rddreg [dreg:$0x6];
	[sflag:s4] =	ssyncadd.s32 $0xFFFFAC00  }
0x172: {  	[tilespmem:s2], [sflag:$0x1] =	stream.strided.gather [hbm4b:s23+s18], $0x5400, s19, s18, $0x38;
	[tilespmem:$0x17000] =	vst v63  }
0x173: {  	_ =	swait.ge [sflag:s7], $0x5400  }
0x174: {  	[sflag:s7] =	ssyncset.done $0x0  }
0x175: {  	s10 =	simm.s32 $0x6;
	s28 =	rddreg [dreg:$0x7];
	[sflag:s7] =	ssyncadd.s32 $0xFFFFAC00  }
0x176: {  	[hbm4b:s28+s18] =	stream.strided.scatter [tilespmem:s11], [sflag:$0x6], $0x5400, s19, s18, $0x38;
	[tilespmem:$0x17000] =	vst v63  }
0x177: {  	_ =	swait.ge [sflag:s10], $0x5400  }
0x178: {  	[sflag:s10] =	ssyncset.done $0x0  }
0x179: {  	s13 =	simm.s32 $0x3;
	s29 =	rddreg [dreg:$0x8];
	[sflag:s10] =	ssyncadd.s32 $0xFFFFAC00  }
0x17a: {  	[tilespmem:s11], [sflag:$0x2] =	stream.strided.gather [hbm4b:s29+s18], $0x5400, s19, s18, $0x38;
	[tilespmem:$0x17000] =	vst v63  }
0x17b: {  	_ =	swait.ge [sflag:s13], $0x5400  }
0x17c: {  	[sflag:s13] =	ssyncset.done $0x0  }
0x17d: {  	s16 =	simm.s32 $0x7;
	[smem:$0x7F5] =	sst s22;
	[sflag:s13] =	ssyncadd.s32 $0xFFFFAC00  }
0x17e: {  	[hbm4b:s22+s18] =	stream.strided.scatter [tilespmem:s6], [sflag:$0x7], $0x5400, s19, s18, $0x38;
	[tilespmem:$0x17000] =	vst v63  }
0x17f: {  	_ =	swait.ge [sflag:s16], $0x5400  }
0x180: {  	[sflag:s16] =	ssyncset.done $0x0  }
0x181: {  	s17 =	simm.s32 $0x4;
	[smem:$0x7F6] =	sst s24;
	[sflag:s16] =	ssyncadd.s32 $0xFFFFAC00  }
0x182: {  	[tilespmem:s6], [sflag:$0x3] =	stream.strided.gather [hbm4b:s24+s18], $0x5400, s19, s18, $0x38;
	[tilespmem:$0x17000] =	vst v63  }
0x183: {  	_ =	swait.ge [sflag:s17], $0x5400  }
0x184: {  	[sflag:s17] =	ssyncset.done $0x0  }
0x185: {  	s21 =	simm.s32 $0x8;
	s30 =	rddreg [dreg:$0x9];
	[sflag:s17] =	ssyncadd.s32 $0xFFFFAC00  }
0x186: {  	[hbm4b:s30+s18] =	stream.strided.scatter [tilespmem:s1], [sflag:$0x8], $0x5400, s19, s18, $0x38;
	[tilespmem:$0x17000] =	vst v63  }
0x187: {  	_ =	swait.ge [sflag:s21], $0x5400  }
0x188: {  	[sflag:s21] =	ssyncset.done $0x0  }
0x189: {  	s31 =	rddreg [dreg:$0xa];
	[sflag:s21] =	ssyncadd.s32 $0xFFFFAC00  }
0x18a: {  	[tilespmem:s1], [sflag:$0x4] =	stream.strided.gather [hbm4b:s31+s18], $0x5400, s19, s18, $0x38;
	[tilespmem:$0x17000] =	vst v63  }
0x18b: {  	_ =	swait.ge [sflag:s3], $0x5400  }
0x18c: {  	[sflag:s3] =	ssyncset.done $0x0  }
0x18d: {  	[smem:$0x7F7] =	sst s15;
	[sflag:s3] =	ssyncadd.s32 $0xFFFFAC00  }
0x18e: {  	[hbm4b:s15+s18] =	stream.strided.scatter [tilespmem:s2], [sflag:$0x5], $0x5400, s19, s18, $0x38;
	[tilespmem:$0x17000] =	vst v63  }
0x18f: {  	_ =	swait.ge [sflag:s4], $0x5400  }
0x190: {  	[sflag:s4] =	ssyncset.done $0x0  }
0x191: {  	s22 =	rddreg [dreg:$0xb];
	[sflag:s4] =	ssyncadd.s32 $0xFFFFAC00  }
0x192: {  	[tilespmem:s2], [sflag:$0x1] =	stream.strided.gather [hbm4b:s22+s18], $0x5400, s19, s18, $0x38;
	[tilespmem:$0x17000] =	vst v63  }
0x193: {  	_ =	swait.ge [sflag:s7], $0x5400  }
0x194: {  	[sflag:s7] =	ssyncset.done $0x0  }
0x195: {  	s23 =	rddreg [dreg:$0xc];
	[sflag:s7] =	ssyncadd.s32 $0xFFFFAC00  }
0x196: {  	[hbm4b:s23+s18] =	stream.strided.scatter [tilespmem:s11], [sflag:$0x6], $0x5400, s19, s18, $0x38;
	[tilespmem:$0x17000] =	vst v63  }
0x197: {  	_ =	swait.ge [sflag:s10], $0x5400  }
0x198: {  	[sflag:s10] =	ssyncset.done $0x0  }
0x199: {  	s24 =	rddreg [dreg:$0xd];
	[sflag:s10] =	ssyncadd.s32 $0xFFFFAC00  }
0x19a: {  	[tilespmem:s11], [sflag:$0x2] =	stream.strided.gather [hbm4b:s24+s18], $0x5400, s19, s18, $0x38;
	[tilespmem:$0x17000] =	vst v63  }
0x19b: {  	_ =	swait.ge [sflag:s13], $0x5400  }
0x19c: {  	[sflag:s13] =	ssyncset.done $0x0  }
0x19d: {  	[smem:$0x7F8] =	sst s14;
	[sflag:s13] =	ssyncadd.s32 $0xFFFFAC00  }
0x19e: {  	[hbm4b:s14+s18] =	stream.strided.scatter [tilespmem:s6], [sflag:$0x7], $0x5400, s19, s18, $0x38;
	[tilespmem:$0x17000] =	vst v63  }
0x19f: {  	_ =	swait.ge [sflag:s16], $0x5400  }
0x1a0: {  	[sflag:s16] =	ssyncset.done $0x0  }
0x1a1: {  	[smem:$0x7F9] =	sst s25;
	[sflag:s16] =	ssyncadd.s32 $0xFFFFAC00  }
0x1a2: {  	[tilespmem:s6], [sflag:$0x3] =	stream.strided.gather [hbm4b:s25+s18], $0x5400, s19, s18, $0x38;
	[tilespmem:$0x17000] =	vst v63  }
0x1a3: {  	_ =	swait.ge [sflag:s17], $0x5400  }
0x1a4: {  	[sflag:s17] =	ssyncset.done $0x0  }
0x1a5: {  	s28 =	rddreg [dreg:$0xe];
	[sflag:s17] =	ssyncadd.s32 $0xFFFFAC00  }
0x1a6: {  	[hbm4b:s28+s18] =	stream.strided.scatter [tilespmem:s1], [sflag:$0x8], $0x5400, s19, s18, $0x38;
	[tilespmem:$0x17000] =	vst v63  }
0x1a7: {  	_ =	swait.ge [sflag:s21], $0x5400  }
0x1a8: {  	[sflag:s21] =	ssyncset.done $0x0  }
0x1a9: {  	s29 =	rddreg [dreg:$0xf];
	[sflag:s21] =	ssyncadd.s32 $0xFFFFAC00  }
0x1aa: {  	[tilespmem:s1], [sflag:$0x4] =	stream.strided.gather [hbm4b:s29+s18], $0x5400, s19, s18, $0x38;
	[tilespmem:$0x17000] =	vst v63  }
0x1ab: {  	_ =	swait.ge [sflag:s3], $0x5400  }
0x1ac: {  	[sflag:s3] =	ssyncset.done $0x0  }
0x1ad: {  	s30 =	rddreg [dreg:$0x10];
	[sflag:s3] =	ssyncadd.s32 $0xFFFFAC00  }
0x1ae: {  	[hbm4b:s30+s18] =	stream.strided.scatter [tilespmem:s2], [sflag:$0x5], $0x5400, s19, s18, $0x38;
	[tilespmem:$0x17000] =	vst v63  }
0x1af: {  	_ =	swait.ge [sflag:s4], $0x5400  }
0x1b0: {  	[sflag:s4] =	ssyncset.done $0x0  }
0x1b1: {  	s31 =	rddreg [dreg:$0x11];
	[sflag:s4] =	ssyncadd.s32 $0xFFFFAC00  }
0x1b2: {  	[tilespmem:s2], [sflag:$0x1] =	stream.strided.gather [hbm4b:s31+s18], $0x5400, s19, s18, $0x38;
	[tilespmem:$0x17000] =	vst v63  }
0x1b3: {  	_ =	swait.ge [sflag:s7], $0x5400  }
0x1b4: {  	[sflag:s7] =	ssyncset.done $0x0  }
0x1b5: {  	s14 =	rddreg [dreg:$0x12];
	[sflag:s7] =	ssyncadd.s32 $0xFFFFAC00  }
0x1b6: {  	[hbm4b:s14+s18] =	stream.strided.scatter [tilespmem:s11], [sflag:$0x6], $0x5400, s19, s18, $0x38;
	[tilespmem:$0x17000] =	vst v63  }
0x1b7: {  	_ =	swait.ge [sflag:s10], $0x5400  }
0x1b8: {  	[sflag:s10] =	ssyncset.done $0x0  }
0x1b9: {  	s15 =	rddreg [dreg:$0x13];
	[sflag:s10] =	ssyncadd.s32 $0xFFFFAC00  }
0x1ba: {  	[tilespmem:s11], [sflag:$0x2] =	stream.strided.gather [hbm4b:s15+s18], $0x5400, s19, s18, $0x38;
	[tilespmem:$0x17000] =	vst v63  }
0x1bb: {  	_ =	swait.ge [sflag:s13], $0x5400  }
0x1bc: {  	[sflag:s13] =	ssyncset.done $0x0  }
0x1bd: {  	[smem:$0x7FA] =	sst s12;
	[sflag:s13] =	ssyncadd.s32 $0xFFFFAC00  }
0x1be: {  	[hbm4b:s12+s18] =	stream.strided.scatter [tilespmem:s6], [sflag:$0x7], $0x5400, s19, s18, $0x38;
	[tilespmem:$0x17000] =	vst v63  }
0x1bf: {  	_ =	swait.ge [sflag:s16], $0x5400  }
0x1c0: {  	[sflag:s16] =	ssyncset.done $0x0  }
0x1c1: {  	[smem:$0x7FB] =	sst s9;
	[sflag:s16] =	ssyncadd.s32 $0xFFFFAC00  }
0x1c2: {  	[tilespmem:s6], [sflag:$0x3] =	stream.strided.gather [hbm4b:s9+s18], $0x5400, s19, s18, $0x38;
	[tilespmem:$0x17000] =	vst v63  }
0x1c3: {  	_ =	swait.ge [sflag:s17], $0x5400  }
0x1c4: {  	[sflag:s17] =	ssyncset.done $0x0  }
0x1c5: {  	s22 =	rddreg [dreg:$0x14];
	[sflag:s17] =	ssyncadd.s32 $0xFFFFAC00  }
0x1c6: {  	[hbm4b:s22+s18] =	stream.strided.scatter [tilespmem:s1], [sflag:$0x8], $0x5400, s19, s18, $0x38;
	[tilespmem:$0x17000] =	vst v63  }
0x1c7: {  	_ =	swait.ge [sflag:s21], $0x5400  }
0x1c8: {  	[sflag:s21] =	ssyncset.done $0x0  }
0x1c9: {  	s23 =	rddreg [dreg:$0x15];
	[sflag:s21] =	ssyncadd.s32 $0xFFFFAC00  }
0x1ca: {  	[tilespmem:s1], [sflag:$0x4] =	stream.strided.gather [hbm4b:s23+s18], $0x5400, s19, s18, $0x38;
	[tilespmem:$0x17000] =	vst v63  }
0x1cb: {  	_ =	swait.ge [sflag:s3], $0x5400  }
0x1cc: {  	[sflag:s3] =	ssyncset.done $0x0  }
0x1cd: {  	[smem:$0x7FC] =	sst s8;
	[sflag:s3] =	ssyncadd.s32 $0xFFFFAC00  }
0x1ce: {  	[hbm4b:s8+s18] =	stream.strided.scatter [tilespmem:s2], [sflag:$0x5], $0x5400, s19, s18, $0x38;
	[tilespmem:$0x17000] =	vst v63  }
0x1cf: {  	_ =	swait.ge [sflag:s4], $0x5400  }
0x1d0: {  	[sflag:s4] =	ssyncset.done $0x0  }
0x1d1: {  	[sflag:s4] =	ssyncadd.s32 $0xFFFFAC00  }
0x1d2: {  	_ =	swait.ge [sflag:s7], $0x5400  }
0x1d3: {  	[sflag:s7] =	ssyncset.done $0x0  }
0x1d4: {  	s24 =	rddreg [dreg:$0x16];
	[sflag:s7] =	ssyncadd.s32 $0xFFFFAC00  }
0x1d5: {  	[hbm4b:s24+s18] =	stream.strided.scatter [tilespmem:s11], [sflag:$0x6], $0x5400, s19, s18, $0x38;
	[tilespmem:$0x17000] =	vst v63  }
0x1d6: {  	_ =	swait.ge [sflag:s10], $0x5400  }
0x1d7: {  	[sflag:s10] =	ssyncset.done $0x0  }
0x1d8: {  	[sflag:s10] =	ssyncadd.s32 $0xFFFFAC00  }
0x1d9: {  	_ =	swait.ge [sflag:s13], $0x5400  }
0x1da: {  	[sflag:s13] =	ssyncset.done $0x0  }
0x1db: {  	[smem:$0x7FD] =	sst s5;
	[sflag:s13] =	ssyncadd.s32 $0xFFFFAC00  }
0x1dc: {  	[hbm4b:s5+s18] =	stream.strided.scatter [tilespmem:s6], [sflag:$0x7], $0x5400, s19, s18, $0x38;
	[tilespmem:$0x17000] =	vst v63  }
0x1dd: {  	_ =	swait.ge [sflag:s16], $0x5400  }
0x1de: {  	[sflag:s16] =	ssyncset.done $0x0  }
0x1df: {  	[sflag:s16] =	ssyncadd.s32 $0xFFFFAC00  }
0x1e0: {  	_ =	swait.ge [sflag:s17], $0x5400  }
0x1e1: {  	[sflag:s17] =	ssyncset.done $0x0  }
0x1e2: {  	s25 =	rddreg [dreg:$0x17];
	[sflag:s17] =	ssyncadd.s32 $0xFFFFAC00  }
0x1e3: {  	[hbm4b:s25+s18] =	stream.strided.scatter [tilespmem:s1], [sflag:$0x8], $0x5400, s19, s18, $0x38;
	[tilespmem:$0x17000] =	vst v63  }
0x1e4: {  	_ =	swait.ge [sflag:s21], $0x5400  }
0x1e5: {  	[sflag:s21] =	ssyncset.done $0x0  }
0x1e6: {  	s22 =	simm.s32 $0x9;
	[sflag:s21] =	ssyncadd.s32 $0xFFFFAC00  }
0x1e7: {  	_ =	swait.ge [sflag:s22], $0x400  }
0x1e8: {  	[sflag:s22] =	ssyncset.done $0x0  }
0x1e9: {  	[sflag:s22] =	ssyncadd.s32 $0xFFFFFC00  }
0x1ea: {  	_ =	swait.ge [sflag:s22], $0x400  }
0x1eb: {  	[sflag:s22] =	ssyncset.done $0x0  }
0x1ec: {  	[sflag:s22] =	ssyncadd.s32 $0xFFFFFC00  }
0x1ed: {  	_ =	swait.ge [sflag:s22], $0x400  }
0x1ee: {  	[sflag:s22] =	ssyncset.done $0x0  }
0x1ef: {  	[sflag:s22] =	ssyncadd.s32 $0xFFFFFC00  }
0x1f0: {  	_ =	swait.ge [sflag:s22], $0x400  }
0x1f1: {  	[sflag:s22] =	ssyncset.done $0x0  }
0x1f2: {  	[sflag:s22] =	ssyncadd.s32 $0xFFFFFC00  }
0x1f3: {  	_ =	swait.ge [sflag:s22], $0x400  }
0x1f4: {  	[sflag:s22] =	ssyncset.done $0x0  }
0x1f5: {  	[sflag:s22] =	ssyncadd.s32 $0xFFFFFC00  }
0x1f6: {  	_ =	swait.ge [sflag:s22], $0x400  }
0x1f7: {  	[sflag:s22] =	ssyncset.done $0x0  }
0x1f8: {  	s28 =	ssub.s32 $0x2, s26;
	[sflag:s22] =	ssyncadd.s32 $0xFFFFFC00  }
0x1f9: {  	s30 =	sshrl.u32 s28, $0x1;
	_ =	swait.ge [sflag:s22], $0x400  }
0x1fa: {  	s0 =	ssub.s32 s28, s30;
	[sflag:s22] =	ssyncset.done $0x0  }
0x1fb: {  	s0 =	smax.u32 s0, $0x1;
	[sflag:s22] =	ssyncadd.s32 $0xFFFFFC00  }
0x1fc: {  	p0 =	sne.s32 s0, $0x1;
	_ =	swait.ge [sflag:s22], $0x400  }
.Ltmp0:
0x1fd: {  	[sflag:s22] =	ssyncset.done $0x0;
	(pc) =	sbr.rel @!p0 .LBB2_2-.Ltmp0, $4  }
0x1fe: {  	s31 =	simm.s32 $0xA;
	s29 =	rddreg [dreg:$0x18];
	[sflag:s22] =	ssyncadd.s32 $0xFFFFFC00  }
0x1ff: {  	[hbm4b:s29+s2] =	stream.linear.scatter [tilespmem:s20], [sflag:$0xA], $0x2000, $0x38;
	[tilespmem:$0x17000] =	vst v63  }
0x200: {  	_ =	swait.ge [sflag:s31], $0x2000  }
0x201: {  	s3 =	sadd.s32 $0xFFFFFFFF, s0;
	s0 =	simm.s32 $0xA;
	[sflag:s31] =	ssyncset.done $0x0  }
.LBB2_1:
0x202: {  	s0 =	sld [smem:$0x7EF]  }
0x203: {  	s29 =	sld [smem:$0x7ED]  }
0x204: {  	s31 =	sld [smem:$0x7EB]  }
0x205: {  	s1 =	sld [smem:$0x7E9]  }
0x206: {  	p0 =	sne.s32 s3, $0x1;
	s30 =	sadd.s32 $0xFFFFFFFF, s3;
	s3 =	sld [smem:$0x7E7]  }
0x207: {  	s4 =	sld [smem:$0x7E1]  }
0x208: {  	s5 =	sld [smem:$0x7E3]  }
0x209: {  	s6 =	sld [smem:$0x7DF]  }
0x20a: {  	s7 =	sld [smem:$0x7DD]  }
0x20b: {  	s8 =	sld [smem:$0x7DB]  }
0x20c: {  	s9 =	sld [smem:$0x7D9]  }
0x20d: {  	s10 =	sld [smem:$0x7D7]  }
0x20e: {  	s11 =	sld [smem:$0x7D1]  }
0x20f: {  	s12 =	sld [smem:$0x7D3]  }
0x210: {  	s13 =	sld [smem:$0x7CF]  }
0x211: {  	s14 =	sld [smem:$0x7CD]  }
0x212: {  	s15 =	sld [smem:$0x7CB]  }
0x213: {  	s16 =	sld [smem:$0x7C9]  }
0x214: {  	s17 =	sld [smem:$0x7C7]  }
0x215: {  	s20 =	sld [smem:$0x7C1]  }
0x216: {  	s21 =	sld [smem:$0x7C3]  }
0x217: {  	s23 =	sld [smem:$0x7BF]  }
0x218: {  	s24 =	sld [smem:$0x7BD]  }
0x219: {  	s25 =	sld [smem:$0x7BB]  }
0x21a: {  	s26 =	sld [smem:$0x7B9]  }
0x21b: {  	s28 =	simm.s32 $0xA;
	[smem:$0x778] =	sst s30  }
0x21c: {  	[sflag:s28] =	ssyncadd.s32 $0xFFFFE000;
	s28 =	sld [smem:$0x7B7]  }
0x21d: {  	s30 =	sld [smem:$0x7B3]  }
0x21e: {  	[smem:$0x777] =	sst s0  }
0x21f: {  	[smem:$0x776] =	sst s29  }
0x220: {  	[smem:$0x775] =	sst s31  }
0x221: {  	[smem:$0x774] =	sst s1  }
0x222: {  	[smem:$0x773] =	sst s3  }
0x223: {  	[smem:$0x772] =	sst s4  }
0x224: {  	[smem:$0x771] =	sst s5  }
0x225: {  	[smem:$0x770] =	sst s6  }
0x226: {  	[smem:$0x76F] =	sst s7  }
0x227: {  	[smem:$0x76E] =	sst s8  }
0x228: {  	[smem:$0x76D] =	sst s9  }
0x229: {  	[smem:$0x76C] =	sst s10  }
0x22a: {  	[smem:$0x76B] =	sst s11  }
0x22b: {  	[smem:$0x76A] =	sst s12  }
0x22c: {  	[smem:$0x769] =	sst s13  }
0x22d: {  	[smem:$0x768] =	sst s14  }
0x22e: {  	[smem:$0x767] =	sst s15  }
0x22f: {  	[smem:$0x766] =	sst s16  }
0x230: {  	[smem:$0x765] =	sst s17  }
0x231: {  	[smem:$0x764] =	sst s20  }
0x232: {  	[smem:$0x763] =	sst s21  }
0x233: {  	[smem:$0x762] =	sst s23  }
0x234: {  	[smem:$0x761] =	sst s24  }
0x235: {  	[smem:$0x760] =	sst s25  }
0x236: {  	[smem:$0x75F] =	sst s26  }
0x237: {  	s29 =	sld [smem:$0x7B1]  }
0x238: {  	s31 =	sld [smem:$0x7AF]  }
0x239: {  	s1 =	sld [smem:$0x7AD]  }
0x23a: {  	s3 =	sld [smem:$0x7AB]  }
0x23b: {  	s4 =	sld [smem:$0x7A9]  }
0x23c: {  	s25 =	sld [smem:$0x79F]  }
0x23d: {  	s17 =	sld [smem:$0x79D]  }
0x23e: {  	s7 =	sld [smem:$0x791]  }
0x23f: {  	s6 =	sld [smem:$0x793]  }
0x240: {  	s20 =	sld [smem:$0x78F]  }
0x241: {  	s24 =	sld [smem:$0x78D]  }
0x242: {  	s26 =	sld [smem:$0x78B]  }
0x243: {  	s8 =	sld [smem:$0x787]  }
0x244: {  	s9 =	sld [smem:$0x781]  }
0x245: {  	s10 =	sld [smem:$0x783]  }
0x246: {  	s11 =	sld [smem:$0x780]  }
0x247: {  	s12 =	sld [smem:$0x77F]  }
0x248: {  	s13 =	sld [smem:$0x77E]  }
0x249: {  	s14 =	sld [smem:$0x77D]  }
0x24a: {  	s15 =	sld [smem:$0x77C]  }
0x24b: {  	s16 =	sld [smem:$0x779]  }
0x24c: {  	s0 =	sld [smem:$0x77A]  }
0x24d: {  	s5 =	rddreg [dreg:$0x19]  }
0x24e: {  	s21 =	sld [smem:$0x77B]  }
0x24f: {  	[smem:$0x75E] =	sst s28  }
0x250: {  	[smem:$0x75C] =	sst s30  }
0x251: {  	s30 =	sld [smem:$0x7A1]  }
0x252: {  	s28 =	sld [smem:$0x789]  }
0x253: {  	[smem:$0x75D] =	sst s29  }
0x254: {  	[smem:$0x75B] =	sst s31  }
0x255: {  	[smem:$0x75A] =	sst s1  }
0x256: {  	[smem:$0x759] =	sst s3  }
0x257: {  	[smem:$0x758] =	sst s4  }
0x258: {  	s29 =	sld [smem:$0x7A7]  }
0x259: {  	s31 =	sld [smem:$0x7A3]  }
0x25a: {  	s1 =	sld [smem:$0x79B]  }
0x25b: {  	s3 =	sld [smem:$0x799]  }
0x25c: {  	s23 =	simm.s32 $0x15000;
	s4 =	sld [smem:$0x797]  }
0x25d: {  	[tilespmem:s23], [sflag:$0x9] =	stream.linear.gather [hbm4b:s21+s2], $0x80, $0x38;
	[tilespmem:$0x17000] =	vst v63  }
0x25e: {  	s21 =	rddreg [dreg:$0x1a]  }
0x25f: {  	[tilespmem:s0], [sflag:$0x9] =	stream.linear.gather [hbm4b:s5+s2], $0x80, $0x38;
	[tilespmem:$0x17000] =	vst v63  }
0x260: {  	s5 =	rddreg [dreg:$0x1b]  }
0x261: {  	[tilespmem:s16], [sflag:$0x9] =	stream.linear.gather [hbm4b:s21+s2], $0x80, $0x38;
	[tilespmem:$0x17000] =	vst v63  }
0x262: {  	s16 =	rddreg [dreg:$0x1c]  }
0x263: {  	s21 =	rddreg [dreg:$0x1d]  }
0x264: {  	[tilespmem:s15], [sflag:$0x9] =	stream.linear.gather [hbm4b:s5+s2], $0x80, $0x38;
	[tilespmem:$0x17000] =	vst v63  }
0x265: {  	s15 =	rddreg [dreg:$0x1e]  }
0x266: {  	s5 =	sld [smem:$0x7AC]  }
0x267: {  	[tilespmem:s14], [sflag:$0x9] =	stream.linear.gather [hbm4b:s16+s2], $0x80, $0x38;
	[tilespmem:$0x17000] =	vst v63  }
0x268: {  	s16 =	rddreg [dreg:$0x1f]  }
0x269: {  	s14 =	sld [smem:$0x786]  }
0x26a: {  	[tilespmem:s13], [sflag:$0x9] =	stream.linear.gather [hbm4b:s21+s2], $0x80, $0x38;
	[tilespmem:$0x17000] =	vst v63  }
0x26b: {  	s21 =	sld [smem:$0x782]  }
0x26c: {  	s13 =	sld [smem:$0x785]  }
0x26d: {  	[tilespmem:s12], [sflag:$0x9] =	stream.linear.gather [hbm4b:s15+s2], $0x80, $0x38;
	[tilespmem:$0x17000] =	vst v63  }
0x26e: {  	s12 =	sld [smem:$0x784]  }
0x26f: {  	s15 =	sld [smem:$0x788]  }
0x270: {  	[tilespmem:s11], [sflag:$0x9] =	stream.linear.gather [hbm4b:s16+s2], $0x80, $0x38;
	[tilespmem:$0x17000] =	vst v63  }
0x271: {  	s16 =	sld [smem:$0x78A]  }
0x272: {  	s11 =	sld [smem:$0x794]  }
0x273: {  	[tilespmem:s21], [sflag:$0x9] =	stream.linear.gather [hbm4b:s13+s2], $0x80, $0x38;
	[tilespmem:$0x17000] =	vst v63  }
0x274: {  	s21 =	sld [smem:$0x78C]  }
0x275: {  	s13 =	sld [smem:$0x796]  }
0x276: {  	[tilespmem:s10], [sflag:$0x9] =	stream.linear.gather [hbm4b:s12+s2], $0x80, $0x38;
	[tilespmem:$0x17000] =	vst v63  }
0x277: {  	s10 =	sld [smem:$0x792]  }
0x278: {  	s12 =	sld [smem:$0x795]  }
0x279: {  	[tilespmem:s9], [sflag:$0x9] =	stream.linear.gather [hbm4b:s14+s2], $0x80, $0x38;
	[tilespmem:$0x17000] =	vst v63  }
0x27a: {  	s9 =	sld [smem:$0x790]  }
0x27b: {  	s14 =	sld [smem:$0x798]  }
0x27c: {  	[tilespmem:s8], [sflag:$0x9] =	stream.linear.gather [hbm4b:s15+s2], $0x80, $0x38;
	[tilespmem:$0x17000] =	vst v63  }
0x27d: {  	s8 =	sld [smem:$0x78E]  }
0x27e: {  	s15 =	sld [smem:$0x79A]  }
0x27f: {  	[tilespmem:s28], [sflag:$0x9] =	stream.linear.gather [hbm4b:s16+s2], $0x80, $0x38;
	[tilespmem:$0x17000] =	vst v63  }
0x280: {  	s16 =	sld [smem:$0x79C]  }
0x281: {  	s28 =	sld [smem:$0x7A6]  }
0x282: {  	[tilespmem:s26], [sflag:$0x9] =	stream.linear.gather [hbm4b:s21+s2], $0x80, $0x38;
	[tilespmem:$0x17000] =	vst v63  }
0x283: {  	s21 =	sld [smem:$0x7A0]  }
0x284: {  	s26 =	sld [smem:$0x7A5]  }
0x285: {  	[tilespmem:s24], [sflag:$0x9] =	stream.linear.gather [hbm4b:s8+s2], $0x80, $0x38;
	[tilespmem:$0x17000] =	vst v63  }
0x286: {  	s24 =	sld [smem:$0x7A2]  }
0x287: {  	s8 =	sld [smem:$0x759]  }
0x288: {  	[tilespmem:s20], [sflag:$0x9] =	stream.linear.gather [hbm4b:s9+s2], $0x80, $0x38;
	[tilespmem:$0x17000] =	vst v63  }
0x289: {  	s20 =	sld [smem:$0x79E]  }
0x28a: {  	s9 =	sld [smem:$0x7B0]  }
0x28b: {  	[tilespmem:s10], [sflag:$0x9] =	stream.linear.gather [hbm4b:s12+s2], $0x80, $0x38;
	[tilespmem:$0x17000] =	vst v63  }
0x28c: {  	s10 =	sld [smem:$0x75A]  }
0x28d: {  	s12 =	sld [smem:$0x75B]  }
0x28e: {  	[tilespmem:s6], [sflag:$0x9] =	stream.linear.gather [hbm4b:s11+s2], $0x80, $0x38;
	[tilespmem:$0x17000] =	vst v63  }
0x28f: {  	s6 =	sld [smem:$0x758]  }
0x290: {  	s11 =	sld [smem:$0x7B2]  }
0x291: {  	[tilespmem:s7], [sflag:$0x9] =	stream.linear.gather [hbm4b:s13+s2], $0x80, $0x38;
	[tilespmem:$0x17000] =	vst v63  }
0x292: {  	s7 =	sld [smem:$0x7AE]  }
0x293: {  	s13 =	sld [smem:$0x7B4]  }
0x294: {  	[tilespmem:s4], [sflag:$0x9] =	stream.linear.gather [hbm4b:s14+s2], $0x80, $0x38;
	[tilespmem:$0x17000] =	vst v63  }
0x295: {  	s4 =	sld [smem:$0x7AA]  }
0x296: {  	s14 =	sld [smem:$0x7B5]  }
0x297: {  	[tilespmem:s3], [sflag:$0x9] =	stream.linear.gather [hbm4b:s15+s2], $0x80, $0x38;
	[tilespmem:$0x17000] =	vst v63  }
0x298: {  	s3 =	sld [smem:$0x7A8]  }
0x299: {  	s15 =	sld [smem:$0x7B6]  }
0x29a: {  	[tilespmem:s1], [sflag:$0x9] =	stream.linear.gather [hbm4b:s16+s2], $0x80, $0x38;
	[tilespmem:$0x17000] =	vst v63  }
0x29b: {  	s16 =	sld [smem:$0x75C]  }
0x29c: {  	[tilespmem:s17], [sflag:$0x9] =	stream.linear.gather [hbm4b:s20+s2], $0x80, $0x38;
	[tilespmem:$0x17000] =	vst v63  }
0x29d: {  	s17 =	sld [smem:$0x7B8]  }
0x29e: {  	s20 =	sld [smem:$0x75D]  }
0x29f: {  	[tilespmem:s25], [sflag:$0x9] =	stream.linear.gather [hbm4b:s21+s2], $0x80, $0x38;
	[tilespmem:$0x17000] =	vst v63  }
0x2a0: {  	s25 =	sld [smem:$0x7A4]  }
0x2a1: {  	s21 =	sld [smem:$0x7BA]  }
0x2a2: {  	[tilespmem:s24], [sflag:$0x9] =	stream.linear.gather [hbm4b:s26+s2], $0x80, $0x38;
	[tilespmem:$0x17000] =	vst v63  }
0x2a3: {  	s24 =	sld [smem:$0x75E]  }
0x2a4: {  	s26 =	sld [smem:$0x75F]  }
0x2a5: {  	[tilespmem:s31], [sflag:$0x9] =	stream.linear.gather [hbm4b:s25+s2], $0x80, $0x38;
	[tilespmem:$0x17000] =	vst v63  }
0x2a6: {  	s25 =	sld [smem:$0x7BC]  }
0x2a7: {  	s31 =	sld [smem:$0x761]  }
0x2a8: {  	[tilespmem:s30], [sflag:$0x9] =	stream.linear.gather [hbm4b:s28+s2], $0x80, $0x38;
	[tilespmem:$0x17000] =	vst v63  }
0x2a9: {  	s28 =	sld [smem:$0x7BE]  }
0x2aa: {  	s30 =	sld [smem:$0x7C0]  }
0x2ab: {  	[tilespmem:s29], [sflag:$0x9] =	stream.linear.gather [hbm4b:s3+s2], $0x80, $0x38;
	[tilespmem:$0x17000] =	vst v63  }
0x2ac: {  	s29 =	sld [smem:$0x760]  }
0x2ad: {  	[tilespmem:s6], [sflag:$0x9] =	stream.linear.gather [hbm4b:s4+s2], $0x80, $0x38;
	[tilespmem:$0x17000] =	vst v63  }
0x2ae: {  	s4 =	sld [smem:$0x7C2]  }
0x2af: {  	s6 =	sld [smem:$0x7C4]  }
0x2b0: {  	[tilespmem:s8], [sflag:$0x9] =	stream.linear.gather [hbm4b:s5+s2], $0x80, $0x38;
	[tilespmem:$0x17000] =	vst v63  }
0x2b1: {  	s5 =	sld [smem:$0x762]  }
0x2b2: {  	s8 =	sld [smem:$0x7C6]  }
0x2b3: {  	[tilespmem:s10], [sflag:$0x9] =	stream.linear.gather [hbm4b:s7+s2], $0x80, $0x38;
	[tilespmem:$0x17000] =	vst v63  }
0x2b4: {  	s7 =	sld [smem:$0x7C5]  }
0x2b5: {  	s10 =	sld [smem:$0x7C8]  }
0x2b6: {  	[tilespmem:s12], [sflag:$0x9] =	stream.linear.gather [hbm4b:s9+s2], $0x80, $0x38;
	[tilespmem:$0x17000] =	vst v63  }
0x2b7: {  	s9 =	sld [smem:$0x763]  }
0x2b8: {  	s12 =	sld [smem:$0x7CA]  }
0x2b9: {  	[tilespmem:s11], [sflag:$0x9] =	stream.linear.gather [hbm4b:s14+s2], $0x80, $0x38;
	[tilespmem:$0x17000] =	vst v63  }
0x2ba: {  	s11 =	sld [smem:$0x764]  }
0x2bb: {  	s14 =	sld [smem:$0x7CC]  }
0x2bc: {  	[tilespmem:s16], [sflag:$0x9] =	stream.linear.gather [hbm4b:s13+s2], $0x80, $0x38;
	[tilespmem:$0x17000] =	vst v63  }
0x2bd: {  	s13 =	sld [smem:$0x765]  }
0x2be: {  	s16 =	sld [smem:$0x7CE]  }
0x2bf: {  	[tilespmem:s20], [sflag:$0x9] =	stream.linear.gather [hbm4b:s15+s2], $0x80, $0x38;
	[tilespmem:$0x17000] =	vst v63  }
0x2c0: {  	s15 =	sld [smem:$0x766]  }
0x2c1: {  	s20 =	sld [smem:$0x7D0]  }
0x2c2: {  	[tilespmem:s24], [sflag:$0x9] =	stream.linear.gather [hbm4b:s17+s2], $0x80, $0x38;
	[tilespmem:$0x17000] =	vst v63  }
0x2c3: {  	s17 =	sld [smem:$0x767]  }
0x2c4: {  	s24 =	sld [smem:$0x7D2]  }
0x2c5: {  	[tilespmem:s26], [sflag:$0x9] =	stream.linear.gather [hbm4b:s21+s2], $0x80, $0x38;
	[tilespmem:$0x17000] =	vst v63  }
0x2c6: {  	s21 =	sld [smem:$0x768]  }
0x2c7: {  	s26 =	sld [smem:$0x7D4]  }
0x2c8: {  	[tilespmem:s29], [sflag:$0x9] =	stream.linear.gather [hbm4b:s25+s2], $0x80, $0x38;
	[tilespmem:$0x17000] =	vst v63  }
0x2c9: {  	s25 =	sld [smem:$0x769]  }
0x2ca: {  	s29 =	sld [smem:$0x7D6]  }
0x2cb: {  	[tilespmem:s31], [sflag:$0x9] =	stream.linear.gather [hbm4b:s28+s2], $0x80, $0x38;
	[tilespmem:$0x17000] =	vst v63  }
0x2cc: {  	s28 =	sld [smem:$0x7D5]  }
0x2cd: {  	s31 =	sld [smem:$0x7D8]  }
0x2ce: {  	[tilespmem:s5], [sflag:$0x9] =	stream.linear.gather [hbm4b:s30+s2], $0x80, $0x38;
	[tilespmem:$0x17000] =	vst v63  }
0x2cf: {  	s30 =	sld [smem:$0x76A]  }
0x2d0: {  	s5 =	sld [smem:$0x7DA]  }
0x2d1: {  	[tilespmem:s4], [sflag:$0x9] =	stream.linear.gather [hbm4b:s7+s2], $0x80, $0x38;
	[tilespmem:$0x17000] =	vst v63  }
0x2d2: {  	s4 =	sld [smem:$0x76B]  }
0x2d3: {  	s7 =	sld [smem:$0x7DC]  }
0x2d4: {  	[tilespmem:s9], [sflag:$0x9] =	stream.linear.gather [hbm4b:s6+s2], $0x80, $0x38;
	[tilespmem:$0x17000] =	vst v63  }
0x2d5: {  	s6 =	sld [smem:$0x76C]  }
0x2d6: {  	s9 =	sld [smem:$0x7DE]  }
0x2d7: {  	[tilespmem:s11], [sflag:$0x9] =	stream.linear.gather [hbm4b:s8+s2], $0x80, $0x38;
	[tilespmem:$0x17000] =	vst v63  }
0x2d8: {  	s8 =	sld [smem:$0x76D]  }
0x2d9: {  	s11 =	sld [smem:$0x7E0]  }
0x2da: {  	[tilespmem:s13], [sflag:$0x9] =	stream.linear.gather [hbm4b:s10+s2], $0x80, $0x38;
	[tilespmem:$0x17000] =	vst v63  }
0x2db: {  	s10 =	sld [smem:$0x76E]  }
0x2dc: {  	[tilespmem:s15], [sflag:$0x9] =	stream.linear.gather [hbm4b:s12+s2], $0x80, $0x38;
	[tilespmem:$0x17000] =	vst v63  }
0x2dd: {  	s13 =	sld [smem:$0x7E2]  }
0x2de: {  	[tilespmem:s17], [sflag:$0x9] =	stream.linear.gather [hbm4b:s14+s2], $0x80, $0x38;
	[tilespmem:$0x17000] =	vst v63  }
0x2df: {  	s12 =	sld [smem:$0x76F]  }
0x2e0: {  	[tilespmem:s21], [sflag:$0x9] =	stream.linear.gather [hbm4b:s16+s2], $0x80, $0x38;
	[tilespmem:$0x17000] =	vst v63  }
0x2e1: {  	s15 =	sld [smem:$0x7E4]  }
0x2e2: {  	[tilespmem:s25], [sflag:$0x9] =	stream.linear.gather [hbm4b:s20+s2], $0x80, $0x38;
	[tilespmem:$0x17000] =	vst v63  }
0x2e3: {  	s14 =	sld [smem:$0x770]  }
0x2e4: {  	[tilespmem:s24], [sflag:$0x9] =	stream.linear.gather [hbm4b:s28+s2], $0x80, $0x38;
	[tilespmem:$0x17000] =	vst v63  }
0x2e5: {  	s17 =	sld [smem:$0x7E6]  }
0x2e6: {  	[tilespmem:s30], [sflag:$0x9] =	stream.linear.gather [hbm4b:s26+s2], $0x80, $0x38;
	[tilespmem:$0x17000] =	vst v63  }
0x2e7: {  	s16 =	sld [smem:$0x7E5]  }
0x2e8: {  	[tilespmem:s4], [sflag:$0x9] =	stream.linear.gather [hbm4b:s29+s2], $0x80, $0x38;
	[tilespmem:$0x17000] =	vst v63  }
0x2e9: {  	s21 =	sld [smem:$0x7E8]  }
0x2ea: {  	[tilespmem:s6], [sflag:$0x9] =	stream.linear.gather [hbm4b:s31+s2], $0x80, $0x38;
	[tilespmem:$0x17000] =	vst v63  }
0x2eb: {  	s20 =	sld [smem:$0x771]  }
0x2ec: {  	[tilespmem:s8], [sflag:$0x9] =	stream.linear.gather [hbm4b:s5+s2], $0x80, $0x38;
	[tilespmem:$0x17000] =	vst v63  }
0x2ed: {  	s25 =	sld [smem:$0x7EA]  }
0x2ee: {  	[tilespmem:s10], [sflag:$0x9] =	stream.linear.gather [hbm4b:s7+s2], $0x80, $0x38;
	[tilespmem:$0x17000] =	vst v63  }
0x2ef: {  	s24 =	sld [smem:$0x772]  }
0x2f0: {  	[tilespmem:s12], [sflag:$0x9] =	stream.linear.gather [hbm4b:s9+s2], $0x80, $0x38;
	[tilespmem:$0x17000] =	vst v63  }
0x2f1: {  	s28 =	sld [smem:$0x7EC]  }
0x2f2: {  	[tilespmem:s14], [sflag:$0x9] =	stream.linear.gather [hbm4b:s11+s2], $0x80, $0x38;
	[tilespmem:$0x17000] =	vst v63  }
0x2f3: {  	s26 =	sld [smem:$0x773]  }
0x2f4: {  	[tilespmem:s13], [sflag:$0x9] =	stream.linear.gather [hbm4b:s16+s2], $0x80, $0x38;
	[tilespmem:$0x17000] =	vst v63  }
0x2f5: {  	s30 =	sld [smem:$0x7EE]  }
0x2f6: {  	[tilespmem:s20], [sflag:$0x9] =	stream.linear.gather [hbm4b:s15+s2], $0x80, $0x38;
	[tilespmem:$0x17000] =	vst v63  }
0x2f7: {  	s29 =	sld [smem:$0x774]  }
0x2f8: {  	[tilespmem:s24], [sflag:$0x9] =	stream.linear.gather [hbm4b:s17+s2], $0x80, $0x38;
	[tilespmem:$0x17000] =	vst v63  }
0x2f9: {  	s4 =	sld [smem:$0x7F0]  }
0x2fa: {  	[tilespmem:s26], [sflag:$0x9] =	stream.linear.gather [hbm4b:s21+s2], $0x80, $0x38;
	[tilespmem:$0x17000] =	vst v63  }
0x2fb: {  	s31 =	sld [smem:$0x775]  }
0x2fc: {  	[tilespmem:s29], [sflag:$0x9] =	stream.linear.gather [hbm4b:s25+s2], $0x80, $0x38;
	[tilespmem:$0x17000] =	vst v63  }
0x2fd: {  	s5 =	sld [smem:$0x776]  }
0x2fe: {  	[tilespmem:s31], [sflag:$0x9] =	stream.linear.gather [hbm4b:s28+s2], $0x80, $0x38;
	[tilespmem:$0x17000] =	vst v63  }
0x2ff: {  	s7 =	sld [smem:$0x777]  }
0x300: {  	[tilespmem:s5], [sflag:$0x9] =	stream.linear.gather [hbm4b:s30+s2], $0x80, $0x38;
	[tilespmem:$0x17000] =	vst v63  }
0x301: {  	s6 =	sld [smem:$0x7F1]  }
0x302: {  	[tilespmem:s7], [sflag:$0x9] =	stream.linear.gather [hbm4b:s4+s2], $0x80, $0x38;
	[tilespmem:$0x17000] =	vst v63  }
0x303: {  	s8 =	sld [smem:$0x7F2]  }
0x304: {  	[tilespmem:s2], [sflag:$0x1] =	stream.strided.gather [hbm4b:s6+s18], $0x5400, s19, s18, $0x38;
	[tilespmem:$0x17000] =	vst v63  }
0x305: {  	s3 =	simm.s32 $0x5400;
	s10 =	sld [smem:$0x7F3]  }
0x306: {  	[tilespmem:s3], [sflag:$0x2] =	stream.strided.gather [hbm4b:s8+s18], $0x5400, s19, s18, $0x38;
	[tilespmem:$0x17000] =	vst v63  }
0x307: {  	s9 =	sld [smem:$0x7F4];
	s4 =	simm.s32 $0xA800  }
0x308: {  	[tilespmem:s4], [sflag:$0x3] =	stream.strided.gather [hbm4b:s10+s18], $0x5400, s19, s18, $0x38;
	[tilespmem:$0x17000] =	vst v63  }
0x309: {  	s1 =	simm.s32 $0xFC00;
	s5 =	simm.s32 $0x1  }
0x30a: {  	[tilespmem:s1], [sflag:$0x4] =	stream.strided.gather [hbm4b:s9+s18], $0x5400, s19, s18, $0x38;
	[tilespmem:$0x17000] =	vst v63  }
0x30b: {  	_ =	swait.ge [sflag:s5], $0x5400  }
0x30c: {  	[sflag:s5] =	ssyncset.done $0x0  }
0x30d: {  	s6 =	simm.s32 $0x5;
	s11 =	rddreg [dreg:$0x5];
	[sflag:s5] =	ssyncadd.s32 $0xFFFFAC00  }
0x30e: {  	[hbm4b:s11+s18] =	stream.strided.scatter [tilespmem:s2], [sflag:$0x5], $0x5400, s19, s18, $0x38;
	[tilespmem:$0x17000] =	vst v63  }
0x30f: {  	_ =	swait.ge [sflag:s6], $0x5400  }
0x310: {  	[sflag:s6] =	ssyncset.done $0x0  }
0x311: {  	s7 =	simm.s32 $0x2;
	s12 =	rddreg [dreg:$0x6];
	[sflag:s6] =	ssyncadd.s32 $0xFFFFAC00  }
0x312: {  	[tilespmem:s2], [sflag:$0x1] =	stream.strided.gather [hbm4b:s12+s18], $0x5400, s19, s18, $0x38;
	[tilespmem:$0x17000] =	vst v63  }
0x313: {  	_ =	swait.ge [sflag:s7], $0x5400  }
0x314: {  	[sflag:s7] =	ssyncset.done $0x0  }
0x315: {  	s8 =	simm.s32 $0x6;
	s13 =	rddreg [dreg:$0x7];
	[sflag:s7] =	ssyncadd.s32 $0xFFFFAC00  }
0x316: {  	[hbm4b:s13+s18] =	stream.strided.scatter [tilespmem:s3], [sflag:$0x6], $0x5400, s19, s18, $0x38;
	[tilespmem:$0x17000] =	vst v63  }
0x317: {  	_ =	swait.ge [sflag:s8], $0x5400  }
0x318: {  	[sflag:s8] =	ssyncset.done $0x0  }
0x319: {  	s9 =	simm.s32 $0x3;
	s14 =	rddreg [dreg:$0x8];
	[sflag:s8] =	ssyncadd.s32 $0xFFFFAC00  }
0x31a: {  	[tilespmem:s3], [sflag:$0x2] =	stream.strided.gather [hbm4b:s14+s18], $0x5400, s19, s18, $0x38;
	[tilespmem:$0x17000] =	vst v63  }
0x31b: {  	_ =	swait.ge [sflag:s9], $0x5400  }
0x31c: {  	s15 =	sld [smem:$0x7F5]  }
0x31d: {  	[sflag:s9] =	ssyncset.done $0x0  }
0x31e: {  	s10 =	simm.s32 $0x7;
	[sflag:s9] =	ssyncadd.s32 $0xFFFFAC00  }
0x31f: {  	[hbm4b:s15+s18] =	stream.strided.scatter [tilespmem:s4], [sflag:$0x7], $0x5400, s19, s18, $0x38;
	[tilespmem:$0x17000] =	vst v63  }
0x320: {  	_ =	swait.ge [sflag:s10], $0x5400  }
0x321: {  	s16 =	sld [smem:$0x7F6]  }
0x322: {  	[sflag:s10] =	ssyncset.done $0x0  }
0x323: {  	s11 =	simm.s32 $0x4;
	[sflag:s10] =	ssyncadd.s32 $0xFFFFAC00  }
0x324: {  	[tilespmem:s4], [sflag:$0x3] =	stream.strided.gather [hbm4b:s16+s18], $0x5400, s19, s18, $0x38;
	[tilespmem:$0x17000] =	vst v63  }
0x325: {  	_ =	swait.ge [sflag:s11], $0x5400  }
0x326: {  	[sflag:s11] =	ssyncset.done $0x0  }
0x327: {  	s12 =	simm.s32 $0x8;
	s17 =	rddreg [dreg:$0x9];
	[sflag:s11] =	ssyncadd.s32 $0xFFFFAC00  }
0x328: {  	[hbm4b:s17+s18] =	stream.strided.scatter [tilespmem:s1], [sflag:$0x8], $0x5400, s19, s18, $0x38;
	[tilespmem:$0x17000] =	vst v63  }
0x329: {  	_ =	swait.ge [sflag:s12], $0x5400  }
0x32a: {  	[sflag:s12] =	ssyncset.done $0x0  }
0x32b: {  	s20 =	rddreg [dreg:$0xa];
	[sflag:s12] =	ssyncadd.s32 $0xFFFFAC00  }
0x32c: {  	[tilespmem:s1], [sflag:$0x4] =	stream.strided.gather [hbm4b:s20+s18], $0x5400, s19, s18, $0x38;
	[tilespmem:$0x17000] =	vst v63  }
0x32d: {  	_ =	swait.ge [sflag:s5], $0x5400  }
0x32e: {  	s21 =	sld [smem:$0x7F7]  }
0x32f: {  	[sflag:s5] =	ssyncset.done $0x0  }
0x330: {  	[sflag:s5] =	ssyncadd.s32 $0xFFFFAC00  }
0x331: {  	[hbm4b:s21+s18] =	stream.strided.scatter [tilespmem:s2], [sflag:$0x5], $0x5400, s19, s18, $0x38;
	[tilespmem:$0x17000] =	vst v63  }
0x332: {  	_ =	swait.ge [sflag:s6], $0x5400  }
0x333: {  	[sflag:s6] =	ssyncset.done $0x0  }
0x334: {  	s24 =	rddreg [dreg:$0xb];
	[sflag:s6] =	ssyncadd.s32 $0xFFFFAC00  }
0x335: {  	[tilespmem:s2], [sflag:$0x1] =	stream.strided.gather [hbm4b:s24+s18], $0x5400, s19, s18, $0x38;
	[tilespmem:$0x17000] =	vst v63  }
0x336: {  	_ =	swait.ge [sflag:s7], $0x5400  }
0x337: {  	[sflag:s7] =	ssyncset.done $0x0  }
0x338: {  	s25 =	rddreg [dreg:$0xc];
	[sflag:s7] =	ssyncadd.s32 $0xFFFFAC00  }
0x339: {  	[hbm4b:s25+s18] =	stream.strided.scatter [tilespmem:s3], [sflag:$0x6], $0x5400, s19, s18, $0x38;
	[tilespmem:$0x17000] =	vst v63  }
0x33a: {  	_ =	swait.ge [sflag:s8], $0x5400  }
0x33b: {  	[sflag:s8] =	ssyncset.done $0x0  }
0x33c: {  	s26 =	rddreg [dreg:$0xd];
	[sflag:s8] =	ssyncadd.s32 $0xFFFFAC00  }
0x33d: {  	[tilespmem:s3], [sflag:$0x2] =	stream.strided.gather [hbm4b:s26+s18], $0x5400, s19, s18, $0x38;
	[tilespmem:$0x17000] =	vst v63  }
0x33e: {  	_ =	swait.ge [sflag:s9], $0x5400  }
0x33f: {  	s28 =	sld [smem:$0x7F8]  }
0x340: {  	[sflag:s9] =	ssyncset.done $0x0  }
0x341: {  	[sflag:s9] =	ssyncadd.s32 $0xFFFFAC00  }
0x342: {  	[hbm4b:s28+s18] =	stream.strided.scatter [tilespmem:s4], [sflag:$0x7], $0x5400, s19, s18, $0x38;
	[tilespmem:$0x17000] =	vst v63  }
0x343: {  	_ =	swait.ge [sflag:s10], $0x5400  }
0x344: {  	s29 =	sld [smem:$0x7F9]  }
0x345: {  	[sflag:s10] =	ssyncset.done $0x0  }
0x346: {  	[sflag:s10] =	ssyncadd.s32 $0xFFFFAC00  }
0x347: {  	[tilespmem:s4], [sflag:$0x3] =	stream.strided.gather [hbm4b:s29+s18], $0x5400, s19, s18, $0x38;
	[tilespmem:$0x17000] =	vst v63  }
0x348: {  	_ =	swait.ge [sflag:s11], $0x5400  }
0x349: {  	[sflag:s11] =	ssyncset.done $0x0  }
0x34a: {  	s30 =	rddreg [dreg:$0xe];
	[sflag:s11] =	ssyncadd.s32 $0xFFFFAC00  }
0x34b: {  	[hbm4b:s30+s18] =	stream.strided.scatter [tilespmem:s1], [sflag:$0x8], $0x5400, s19, s18, $0x38;
	[tilespmem:$0x17000] =	vst v63  }
0x34c: {  	_ =	swait.ge [sflag:s12], $0x5400  }
0x34d: {  	[sflag:s12] =	ssyncset.done $0x0  }
0x34e: {  	s31 =	rddreg [dreg:$0xf];
	[sflag:s12] =	ssyncadd.s32 $0xFFFFAC00  }
0x34f: {  	[tilespmem:s1], [sflag:$0x4] =	stream.strided.gather [hbm4b:s31+s18], $0x5400, s19, s18, $0x38;
	[tilespmem:$0x17000] =	vst v63  }
0x350: {  	_ =	swait.ge [sflag:s5], $0x5400  }
0x351: {  	[sflag:s5] =	ssyncset.done $0x0  }
0x352: {  	s13 =	rddreg [dreg:$0x10];
	[sflag:s5] =	ssyncadd.s32 $0xFFFFAC00  }
0x353: {  	[hbm4b:s13+s18] =	stream.strided.scatter [tilespmem:s2], [sflag:$0x5], $0x5400, s19, s18, $0x38;
	[tilespmem:$0x17000] =	vst v63  }
0x354: {  	_ =	swait.ge [sflag:s6], $0x5400  }
0x355: {  	[sflag:s6] =	ssyncset.done $0x0  }
0x356: {  	s14 =	rddreg [dreg:$0x11];
	[sflag:s6] =	ssyncadd.s32 $0xFFFFAC00  }
0x357: {  	[tilespmem:s2], [sflag:$0x1] =	stream.strided.gather [hbm4b:s14+s18], $0x5400, s19, s18, $0x38;
	[tilespmem:$0x17000] =	vst v63  }
0x358: {  	_ =	swait.ge [sflag:s7], $0x5400  }
0x359: {  	[sflag:s7] =	ssyncset.done $0x0  }
0x35a: {  	s15 =	rddreg [dreg:$0x12];
	[sflag:s7] =	ssyncadd.s32 $0xFFFFAC00  }
0x35b: {  	[hbm4b:s15+s18] =	stream.strided.scatter [tilespmem:s3], [sflag:$0x6], $0x5400, s19, s18, $0x38;
	[tilespmem:$0x17000] =	vst v63  }
0x35c: {  	_ =	swait.ge [sflag:s8], $0x5400  }
0x35d: {  	[sflag:s8] =	ssyncset.done $0x0  }
0x35e: {  	s16 =	rddreg [dreg:$0x13];
	[sflag:s8] =	ssyncadd.s32 $0xFFFFAC00  }
0x35f: {  	[tilespmem:s3], [sflag:$0x2] =	stream.strided.gather [hbm4b:s16+s18], $0x5400, s19, s18, $0x38;
	[tilespmem:$0x17000] =	vst v63  }
0x360: {  	_ =	swait.ge [sflag:s9], $0x5400  }
0x361: {  	s17 =	sld [smem:$0x7FA]  }
0x362: {  	[sflag:s9] =	ssyncset.done $0x0  }
0x363: {  	[sflag:s9] =	ssyncadd.s32 $0xFFFFAC00  }
0x364: {  	[hbm4b:s17+s18] =	stream.strided.scatter [tilespmem:s4], [sflag:$0x7], $0x5400, s19, s18, $0x38;
	[tilespmem:$0x17000] =	vst v63  }
0x365: {  	_ =	swait.ge [sflag:s10], $0x5400  }
0x366: {  	s20 =	sld [smem:$0x7FB]  }
0x367: {  	[sflag:s10] =	ssyncset.done $0x0  }
0x368: {  	[sflag:s10] =	ssyncadd.s32 $0xFFFFAC00  }
0x369: {  	[tilespmem:s4], [sflag:$0x3] =	stream.strided.gather [hbm4b:s20+s18], $0x5400, s19, s18, $0x38;
	[tilespmem:$0x17000] =	vst v63  }
0x36a: {  	_ =	swait.ge [sflag:s11], $0x5400  }
0x36b: {  	[sflag:s11] =	ssyncset.done $0x0  }
0x36c: {  	s21 =	rddreg [dreg:$0x14];
	[sflag:s11] =	ssyncadd.s32 $0xFFFFAC00  }
0x36d: {  	[hbm4b:s21+s18] =	stream.strided.scatter [tilespmem:s1], [sflag:$0x8], $0x5400, s19, s18, $0x38;
	[tilespmem:$0x17000] =	vst v63  }
0x36e: {  	_ =	swait.ge [sflag:s12], $0x5400  }
0x36f: {  	[sflag:s12] =	ssyncset.done $0x0  }
0x370: {  	s24 =	rddreg [dreg:$0x15];
	[sflag:s12] =	ssyncadd.s32 $0xFFFFAC00  }
0x371: {  	[tilespmem:s1], [sflag:$0x4] =	stream.strided.gather [hbm4b:s24+s18], $0x5400, s19, s18, $0x38;
	[tilespmem:$0x17000] =	vst v63  }
0x372: {  	_ =	swait.ge [sflag:s5], $0x5400  }
0x373: {  	s25 =	sld [smem:$0x7FC]  }
0x374: {  	[sflag:s5] =	ssyncset.done $0x0  }
0x375: {  	[sflag:s5] =	ssyncadd.s32 $0xFFFFAC00  }
0x376: {  	[hbm4b:s25+s18] =	stream.strided.scatter [tilespmem:s2], [sflag:$0x5], $0x5400, s19, s18, $0x38;
	[tilespmem:$0x17000] =	vst v63  }
0x377: {  	_ =	swait.ge [sflag:s6], $0x5400  }
0x378: {  	[sflag:s6] =	ssyncset.done $0x0  }
0x379: {  	[sflag:s6] =	ssyncadd.s32 $0xFFFFAC00  }
0x37a: {  	_ =	swait.ge [sflag:s7], $0x5400  }
0x37b: {  	[sflag:s7] =	ssyncset.done $0x0  }
0x37c: {  	s26 =	rddreg [dreg:$0x16];
	[sflag:s7] =	ssyncadd.s32 $0xFFFFAC00  }
0x37d: {  	[hbm4b:s26+s18] =	stream.strided.scatter [tilespmem:s3], [sflag:$0x6], $0x5400, s19, s18, $0x38;
	[tilespmem:$0x17000] =	vst v63  }
0x37e: {  	s3 =	sld [smem:$0x778];
	_ =	swait.ge [sflag:s8], $0x5400  }
0x37f: {  	[sflag:s8] =	ssyncset.done $0x0  }
0x380: {  	[sflag:s8] =	ssyncadd.s32 $0xFFFFAC00  }
0x381: {  	_ =	swait.ge [sflag:s9], $0x5400  }
0x382: {  	s28 =	sld [smem:$0x7FD]  }
0x383: {  	[sflag:s9] =	ssyncset.done $0x0  }
0x384: {  	[sflag:s9] =	ssyncadd.s32 $0xFFFFAC00  }
0x385: {  	[hbm4b:s28+s18] =	stream.strided.scatter [tilespmem:s4], [sflag:$0x7], $0x5400, s19, s18, $0x38;
	[tilespmem:$0x17000] =	vst v63  }
0x386: {  	_ =	swait.ge [sflag:s10], $0x5400  }
0x387: {  	[sflag:s10] =	ssyncset.done $0x0  }
0x388: {  	[sflag:s10] =	ssyncadd.s32 $0xFFFFAC00  }
0x389: {  	_ =	swait.ge [sflag:s11], $0x5400  }
0x38a: {  	[sflag:s11] =	ssyncset.done $0x0  }
0x38b: {  	s29 =	rddreg [dreg:$0x17];
	[sflag:s11] =	ssyncadd.s32 $0xFFFFAC00  }
0x38c: {  	[hbm4b:s29+s18] =	stream.strided.scatter [tilespmem:s1], [sflag:$0x8], $0x5400, s19, s18, $0x38;
	[tilespmem:$0x17000] =	vst v63  }
0x38d: {  	_ =	swait.ge [sflag:s12], $0x5400  }
0x38e: {  	[sflag:s12] =	ssyncset.done $0x0  }
0x38f: {  	[sflag:s12] =	ssyncadd.s32 $0xFFFFAC00  }
0x390: {  	_ =	swait.ge [sflag:s22], $0x400  }
0x391: {  	[sflag:s22] =	ssyncset.done $0x0  }
0x392: {  	[sflag:s22] =	ssyncadd.s32 $0xFFFFFC00  }
0x393: {  	_ =	swait.ge [sflag:s22], $0x400  }
0x394: {  	[sflag:s22] =	ssyncset.done $0x0  }
0x395: {  	[sflag:s22] =	ssyncadd.s32 $0xFFFFFC00  }
0x396: {  	_ =	swait.ge [sflag:s22], $0x400  }
0x397: {  	[sflag:s22] =	ssyncset.done $0x0  }
0x398: {  	[sflag:s22] =	ssyncadd.s32 $0xFFFFFC00  }
0x399: {  	_ =	swait.ge [sflag:s22], $0x400  }
0x39a: {  	[sflag:s22] =	ssyncset.done $0x0  }
0x39b: {  	[sflag:s22] =	ssyncadd.s32 $0xFFFFFC00  }
0x39c: {  	_ =	swait.ge [sflag:s22], $0x400  }
0x39d: {  	[sflag:s22] =	ssyncset.done $0x0  }
0x39e: {  	[sflag:s22] =	ssyncadd.s32 $0xFFFFFC00  }
0x39f: {  	_ =	swait.ge [sflag:s22], $0x400  }
0x3a0: {  	[sflag:s22] =	ssyncset.done $0x0  }
0x3a1: {  	[sflag:s22] =	ssyncadd.s32 $0xFFFFFC00  }
0x3a2: {  	_ =	swait.ge [sflag:s22], $0x400  }
0x3a3: {  	[sflag:s22] =	ssyncset.done $0x0  }
0x3a4: {  	[sflag:s22] =	ssyncadd.s32 $0xFFFFFC00  }
0x3a5: {  	_ =	swait.ge [sflag:s22], $0x400  }
.Ltmp1:
0x3a6: {  	s23 =	simm.s32 $0x15000;
	[sflag:s22] =	ssyncset.done $0x0;
	(pc) =	sbr.rel @p0 .LBB2_1-.Ltmp1, $4  }
0x3a7: {  	s31 =	simm.s32 $0xA;
	s30 =	rddreg [dreg:$0x18];
	[sflag:s22] =	ssyncadd.s32 $0xFFFFFC00  }
0x3a8: {  	[hbm4b:s30+s2] =	stream.linear.scatter [tilespmem:s23], [sflag:$0xA], $0x2000, $0x38;
	[tilespmem:$0x17000] =	vst v63  }
0x3a9: {  	_ =	swait.ge [sflag:s31], $0x2000  }
0x3aa: {  	s0 =	simm.s32 $0xA;
	[sflag:s31] =	ssyncset.done $0x0  }
.LBB2_2:
0x3ab: {  	[sflag:s0] =	ssyncadd.s32 $0xFFFFE000  }
0x3ac: {  	_ =	sfence.sel $0x180000  }
0x3ad: {  	[bflag:$0x0] =	sbarrier.arrive $0xFFFF  }
0x3ae: {  	_ =	strace $0x90000047  }
0x3af: {  	s31 =	stileid.u32;
	[bflag:$0x2] =	sbarrier.arrive $0xFFFF  }
0x3b0: {  	p0 =	sne.s32 s31, $0x0;
	s0 =	rddreg [dreg:$0x4]  }
0x3b1: {  	s0 =	sadd.s32 @!p0 $0x100000, s0  }
0x3b2: {  	[sflag:s0] =	ssyncadd.tile.s32 @!p0 $0x1;
	_ =	shalt  }
.Lfunc_end2:
_tile_overlayer_lowered:
.L_overlay_start_2:
0x3b3: {  	(tag) =	ssettag $0x2  }
0x3b4: {  	s0 =	rddreg [dreg:$0x0];
	s2 =	stileid.u32  }
0x3b5: {  	s1 =	rddreg [dreg:$0x1];
	p0 =	sne.s32 s2, $0x0  }
0x3b6: {  	s3 =	rddreg [dreg:$0x2];
	[bflag:$0x3] =	sbarrier.arrive $0xFFFF;
	s2 =	simm.s32 @!p0 $0x1C0B  }
0x3b7: {  	[timem:s3], [sflag:s2] =	dma.local @!p0 [hbm:s0], s1  }
0x3b8: {  	s0 =	simm.s32 @!p0 $0xB  }
0x3b9: {  	_ =	swait.ge @!p0 [sflag:s0], s1  }
0x3ba: {  	s1 =	ssub.s32 @!p0 $0x0, s1;
	[sflag:s0] =	ssyncset.done @!p0 $0x0  }
0x3bb: {  	[sflag:s0] =	ssyncadd.s32 @!p0 s1  }
0x3bc: {  	[bflag:$0x3] =	sbarrier.arrive $0xFFFF  }
0x3bd: {  	_ =	shalt  }

</sc_bundles>
